<compile_context>
chip_gen: v7x
topology: tpu7x:2x2x1
jax: 0.10.2.dev20260603
libtpu: 0.0.44.dev20260713+nightly
codegen_flags: <defaults>
</compile_context>

<pallas_src>
import functools

import jax
import jax.numpy as jnp
from jax import lax
from jax.experimental import pallas as pl
from jax.experimental.pallas import tpu as pltpu
from jax.experimental.pallas import tpu_sc as plsc

K = 8
PAD_COORD = 1.0e18
BIG = 3.0e38

QB = 512
VPAD = 5120

NW = 32
CPG = 8
QT = 4
SPLIT = 37120


def _round_bf16_f32(x):
    u = lax.bitcast_convert_type(x, jnp.uint32)
    r = (u + jnp.uint32(0x7FFF) + ((u >> 16) & jnp.uint32(1))) & jnp.uint32(
        0xFFFF0000
    )
    return lax.bitcast_convert_type(r, jnp.float32)


def _knn_block(mb_ref, m2_ref, vb_ref, v2_ref, out_ref):
    mb = mb_ref[:, :].astype(jnp.float32)
    mx = mb[:, 0:1]
    my = mb[:, 1:2]
    mz = mb[:, 2:3]
    m2 = m2_ref[:, :]
    vb = vb_ref[:, :].astype(jnp.float32)
    vx = vb[0:1, :]
    vy = vb[1:2, :]
    vz = vb[2:3, :]
    v2 = v2_ref[:, :]
    mv = (mx * vx + my * vy) + mz * vz
    d2 = (m2 - 2.0 * mv) + v2
    iot = jax.lax.broadcasted_iota(jnp.int32, (QB, VPAD), 1)
    cols = []
    for _ in range(K):
        mn = jnp.min(d2, axis=1, keepdims=True)
        am = jnp.min(
            jnp.where(d2 == mn, iot, jnp.int32(2**30)), axis=1, keepdims=True
        )
        cols.append(am)
        d2 = jnp.where(iot == am, jnp.float32(jnp.inf), d2)
    out_ref[:, :] = jnp.concatenate(cols, axis=1)


def _tc_call(means, vertices):
    q = means.shape[0]
    v = vertices.shape[0]
    qp = pl.cdiv(q, QB) * QB
    m2 = jnp.sum(means * means, axis=1, keepdims=True)
    mb = jnp.pad(means.astype(jnp.bfloat16), ((0, qp - q), (0, 0)))
    m2p = jnp.pad(m2, ((0, qp - q), (0, 0)))
    vp = jnp.pad(
        vertices, ((0, VPAD - v), (0, 0)), constant_values=PAD_COORD
    )
    v2 = jnp.sum(vp * vp, axis=1)[None, :]
    vb = vp.astype(jnp.bfloat16).T
    grid = qp // QB
    out = pl.pallas_call(
        _knn_block,
        grid=(grid,),
        in_specs=[
            pl.BlockSpec((QB, 3), lambda i: (i, 0)),
            pl.BlockSpec((QB, 1), lambda i: (i, 0)),
            pl.BlockSpec((3, VPAD), lambda i: (0, 0)),
            pl.BlockSpec((1, VPAD), lambda i: (0, 0)),
        ],
        out_specs=pl.BlockSpec((QB, K), lambda i: (i, 0)),
        out_shape=jax.ShapeDtypeStruct((qp, K), jnp.int32),
    )(mb, m2p, vb, v2)
    return out[:q, :]


def _sc_call(means, vertices):
    q = means.shape[0]
    v = vertices.shape[0]
    qw = pl.cdiv(q, NW * 8) * 8
    qpad = qw * NW
    groups = VPAD // (16 * CPG)

    m2 = jnp.sum(means * means, axis=1, keepdims=True)
    mrb = _round_bf16_f32(means)
    mdat = jnp.pad(
        jnp.concatenate([mrb, m2], axis=1), ((0, qpad - q), (0, 12))
    )
    vp = jnp.pad(
        vertices, ((0, VPAD - v), (0, 0)), constant_values=PAD_COORD
    )
    v2 = jnp.sum(vp * vp, axis=1, keepdims=True)
    vdat = jnp.concatenate([_round_bf16_f32(vp), v2], axis=1).T

    mesh = plsc.VectorSubcoreMesh(core_axis_name="c", subcore_axis_name="s")

    @functools.partial(
        pl.kernel,
        mesh=mesh,
        compiler_params=pltpu.CompilerParams(needs_layout_passes=False, use_tc_tiling_on_sc=False),
        out_type=jax.ShapeDtypeStruct((qpad, 16), jnp.int32),
        scratch_types=[
            pltpu.VMEM((VPAD,), jnp.float32),
            pltpu.VMEM((VPAD,), jnp.float32),
            pltpu.VMEM((VPAD,), jnp.float32),
            pltpu.VMEM((VPAD,), jnp.float32),
            pltpu.VMEM((qw, 16), jnp.float32),
            pltpu.VMEM((qw, 16), jnp.int32),
            pltpu.VMEM((QT, VPAD), jnp.float32),
            pltpu.VMEM((QT, VPAD // CPG), jnp.float32),
            pltpu.VMEM((QT, 16), jnp.float32),
            pltpu.VMEM((QT, 16), jnp.int32),
        ],
    )
    def sc_knn(mdat_h, vdat_h, out_h, vx_v, vy_v, vz_v, v2_v, md_v, out_v,
               sc_ref, gmc_ref, bd_ref, bi_ref):
        cid = lax.axis_index("c")
        sid = lax.axis_index("s")
        wid = sid * 2 + cid
        base = wid * qw
        pltpu.sync_copy(vdat_h.at[0], vx_v)
        pltpu.sync_copy(vdat_h.at[1], vy_v)
        pltpu.sync_copy(vdat_h.at[2], vz_v)
        pltpu.sync_copy(vdat_h.at[3], v2_v)
        pltpu.sync_copy(mdat_h.at[pl.ds(base, qw)], md_v)

        lane = lax.iota(jnp.int32, 16)
        bigv = jnp.full((16,), jnp.float32(BIG))

        gdn = lax.GatherDimensionNumbers(
            offset_dims=(), collapsed_slice_dims=(0,), start_index_map=(0,)
        )

        def shuffle(y, perm):
            return lax.gather(
                y, perm[:, None], gdn, (1,),
                mode=lax.GatherScatterMode.PROMISE_IN_BOUNDS,
            )

        def any_neg(x):
            return plsc.all_reduce_population_count(
                x < jnp.float32(0.0)
            )[0] > 0

        def merge(j, dc, ic):
            bd = bd_ref[j]
            bi = bi_ref[j]
            sd, si = plsc.sort_key_val(dc, ic)
            rd = jnp.flip(sd)
            ri = jnp.flip(si)
            keep = bd <= rd
            lod = jnp.where(keep, bd, rd)
            loi = jnp.where(keep, bi, ri)
            nd, ni = plsc.sort_key_val(lod, loi)
            bd_ref[j] = nd
            bi_ref[j] = ni

        def per_quad(qt, _):
            q0 = qt * QT
            mcoef = []
            for j in range(QT):
                mrow = md_v[q0 + j]
                mcoef.append((mrow[0], mrow[1], mrow[2], mrow[3]))

            def pre_body(g, gms):
                goff = g * (16 * CPG)
                ggm = [None] * QT
                for cc in range(CPG):
                    off = goff + cc * 16
                    vx = vx_v[pl.ds(off, 16)]
                    vy = vy_v[pl.ds(off, 16)]
                    vz = vz_v[pl.ds(off, 16)]
                    v2c = v2_v[pl.ds(off, 16)]
                    for j in range(QT):
                        mxq, myq, mzq, m2q = mcoef[j]
                        mv = (mxq * vx + myq * vy) + mzq * vz
                        dq = (m2q - 2.0 * mv) + v2c
                        sc_ref[j, pl.ds(off, 16)] = dq
                        ggm[j] = (
                            dq if ggm[j] is None
                            else jnp.minimum(ggm[j], dq)
                        )
                out = []
                for j in range(QT):
                    gmc_ref[j, pl.ds(g * 16, 16)] = ggm[j]
                    out.append(jnp.minimum(gms[j], ggm[j]))
                return tuple(out)

            gms = lax.fori_loop(0, groups, pre_body, (bigv,) * QT)

            tau0v = []
            for j in range(QT):
                sk, _ = plsc.sort_key_val(gms[j], lane)
                tau0v.append(jnp.full((16,), sk[8]))
                bd_ref[j] = bigv
                bi_ref[j] = jnp.zeros((16,), jnp.int32)

            def group_body(g, carry):
                goff = g * (16 * CPG)
                gmv = [
                    gmc_ref[j, pl.ds(g * 16, 16)] for j in range(QT)
                ]
                e = gmv[0] - tau0v[0]
                for j in range(1, QT):
                    e = jnp.minimum(e, gmv[j] - tau0v[j])

                @pl.when(any_neg(e))
                def _slow():
                    for j in range(QT):

                        @pl.when(any_neg(gmv[j] - tau0v[j]))
                        def _q(j=j):

                            def tree(excl):
                                m = None
                                mi = None
                                for cc in range(CPG):
                                    ic = lane + (goff + cc * 16)
                                    dc = sc_ref[j, pl.ds(goff + cc * 16, 16)]
                                    if excl is not None:
                                        dc = jnp.where(
                                            dc <= excl, jnp.float32(BIG), dc
                                        )
                                    if m is None:
                                        m, mi = dc, ic
                                    else:
                                        cnd = dc < m
                                        m = jnp.where(cnd, dc, m)
                                        mi = jnp.where(cnd, ic, mi)
                                return m, mi

                            def rounds(r, excl):
                                m, mi = tree(excl)
                                if excl is None:
                                    merge(j, m, mi)
                                    rounds(r - 1, m)
                                else:

                                    @pl.when(
                                        any_neg(m - tau0v[j])
                                    )
                                    def _more():
                                        merge(j, m, mi)
                                        if r > 0:
                                            rounds(r - 1, m)

                            rounds(3, None)

                return carry

            lax.fori_loop(0, groups, group_body, 0)
            for j in range(QT):
                out_v[q0 + j] = bi_ref[j]
            return 0

        lax.fori_loop(0, qw // QT, per_quad, 0)
        pltpu.sync_copy(out_v, out_h.at[pl.ds(base, qw)])

    out = sc_knn(mdat, vdat)
    return out[:q, :K]


def kernel(means, vertices):
    q = means.shape[0]
    if SPLIT <= 0:
        out = _sc_call(means, vertices)
    elif SPLIT >= q:
        out = _tc_call(means, vertices)
    else:
        out_tc = _tc_call(means[:SPLIT], vertices)
        out_sc = _sc_call(means[SPLIT:], vertices)
        out = jnp.concatenate([out_tc, out_sc], axis=0)
    return out, jnp.float32(0.0)

# --- scband reference (transcript-rebuilt; emitter-appended) ---
"""Pipeline reference for scband-flame-knn-11295763988791 (READ-ONLY COPY).

The authoritative reference and input builder live on the scoring server;
editing this copy changes nothing except your own understanding.
"""

import jax, jax.numpy as jnp
import numpy as np

K = 8

def setup_inputs(seed: int = 0) -> dict:
    key = jax.random.key(seed)
    k1, k2 = jax.random.split(key)
    means = jax.random.normal(k1, (50000, 3), dtype=jnp.float32)
    # stands in for canonical FLAME vertices produced by FlameHead (buffer, not learned)
    vertices = jax.random.normal(k2, (5023, 3), dtype=jnp.float32)
    return {"means": means, "vertices": vertices}

def reference(means, vertices):
    # Cold-cache path of FlameKNN.forward: brute-force L2 KNN search (k+1),
    # sort by distance, drop the (k+1)-th neighbor, hit_rate = 0.0.
    m2 = jnp.sum(means * means, axis=1, keepdims=True)          # [Q, 1]
    v2 = jnp.sum(vertices * vertices, axis=1)                    # [V]
    d2 = m2 - 2.0 * (means @ vertices.T) + v2[None, :]           # squared L2, [Q, V]
    neg_d, idx = jax.lax.top_k(-d2, K + 1)                       # ascending distances
    dists = -neg_d                                               # already sorted ascending
    index_cache = idx[:, :-1]                                    # [Q, K]
    recompute_distance_cache = dists[:, -1] - dists[:, -2]       # cached internally in torch module
    hit_rate = jnp.array(0.0, dtype=jnp.float32)
    return index_cache, hit_rate

if __name__ == "__main__":
    import jax
    _d = setup_inputs()
    print(jax.jit(kernel)(*tuple(_d.values())))

</pallas_src>

<mosaic_0001>
#map = affine_map<(d0, d1) -> (0, 0)>
module attributes {stable_mosaic.version = 14 : i64} {
  func.func @sc_knn(%arg0: i32, %arg1: i32, %arg2: memref<13056x16xf32, #tpu.memory_space<hbm>>, %arg3: memref<4x5120xf32, #tpu.memory_space<hbm>>, %arg4: memref<13056x16xi32, #tpu.memory_space<hbm>>, %arg5: memref<5120xf32, #tpu.memory_space<vmem>>, %arg6: memref<5120xf32, #tpu.memory_space<vmem>>, %arg7: memref<5120xf32, #tpu.memory_space<vmem>>, %arg8: memref<5120xf32, #tpu.memory_space<vmem>>, %arg9: memref<408x16xf32, #tpu.memory_space<vmem>>, %arg10: memref<408x16xi32, #tpu.memory_space<vmem>>, %arg11: memref<4x5120xf32, #tpu.memory_space<vmem>>, %arg12: memref<4x640xf32, #tpu.memory_space<vmem>>, %arg13: memref<4x16xf32, #tpu.memory_space<vmem>>, %arg14: memref<4x16xi32, #tpu.memory_space<vmem>>) attributes {dimension_semantics = [#tpu.dimension_semantics<core_parallel>, #tpu.dimension_semantics<subcore_parallel>], iteration_bounds = array<i64: 2, 16>, scalar_prefetch = 0 : i64, scratch_operands = 10 : i64, tpu.core_type = #tpu.core_type<sc_vector_subcore>, window_params = [{transform_indices = #map}, {transform_indices = #map}, {transform_indices = #map}]} {
    %mul3A = arith.constant 2 : i32
    %mul3A_0 = arith.muli %arg1, %mul3A : i32
    %add3A = arith.addi %mul3A_0, %arg0 : i32
    %mul3A_1 = arith.constant 408 : i32
    %mul3A_2 = arith.muli %add3A, %mul3A_1 : i32
    %run_scoped3A = arith.constant 0 : i32
    "tpu.region"() ({
      %run_scoped3A_13 = tpu.sem_alloc : memref<!tpu.dma_semaphore, #tpu.memory_space<semaphore_mem>>
      %dma_start3A = arith.constant 0 : i32
      %dma_start3A_14 = tpu.memref_slice %arg3[%run_scoped3A, %dma_start3A] : memref<4x5120xf32, #tpu.memory_space<hbm>> -> memref<1x5120xf32, #tpu.memory_space<hbm>>
      %dma_start3A_15 = tpu.memref_squeeze %dma_start3A_14 : memref<1x5120xf32, #tpu.memory_space<hbm>> -> memref<5120xf32, #tpu.memory_space<hbm>>
      %dma_start3A_16 = arith.constant 0 : i32
      %dma_start3A_17 = tpu.memref_slice %arg3[%run_scoped3A, %dma_start3A_16] : memref<4x5120xf32, #tpu.memory_space<hbm>> -> memref<1x5120xf32, #tpu.memory_space<hbm>>
      %dma_start3A_18 = tpu.memref_squeeze %dma_start3A_17 : memref<1x5120xf32, #tpu.memory_space<hbm>> -> memref<5120xf32, #tpu.memory_space<hbm>>
      tpu.enqueue_dma source(%dma_start3A_18 : memref<5120xf32, #tpu.memory_space<hbm>>) target(%arg5 : memref<5120xf32, #tpu.memory_space<vmem>>) target_semaphore(%run_scoped3A_13 : memref<!tpu.dma_semaphore, #tpu.memory_space<semaphore_mem>>)
      %dma_wait3A = arith.constant 0 : i32
      %dma_wait3A_19 = tpu.memref_slice %arg3[%run_scoped3A, %dma_wait3A] : memref<4x5120xf32, #tpu.memory_space<hbm>> -> memref<1x5120xf32, #tpu.memory_space<hbm>>
      %dma_wait3A_20 = tpu.memref_squeeze %dma_wait3A_19 : memref<1x5120xf32, #tpu.memory_space<hbm>> -> memref<5120xf32, #tpu.memory_space<hbm>>
      %dma_wait3A_21 = arith.constant 0 : i32
      %dma_wait3A_22 = tpu.memref_slice %arg3[%run_scoped3A, %dma_wait3A_21] : memref<4x5120xf32, #tpu.memory_space<hbm>> -> memref<1x5120xf32, #tpu.memory_space<hbm>>
      %dma_wait3A_23 = tpu.memref_squeeze %dma_wait3A_22 : memref<1x5120xf32, #tpu.memory_space<hbm>> -> memref<5120xf32, #tpu.memory_space<hbm>>
      tpu.wait_dma2 semaphore(%run_scoped3A_13 : memref<!tpu.dma_semaphore, #tpu.memory_space<semaphore_mem>>) src(%dma_wait3A_23 : memref<5120xf32, #tpu.memory_space<hbm>>) dst(%arg5 : memref<5120xf32, #tpu.memory_space<vmem>>)
      tpu.yield
    }) : () -> ()
    %run_scoped3A_3 = arith.constant 1 : i32
    "tpu.region"() ({
      %run_scoped3A_13 = tpu.sem_alloc : memref<!tpu.dma_semaphore, #tpu.memory_space<semaphore_mem>>
      %dma_start3A = arith.constant 0 : i32
      %dma_start3A_14 = tpu.memref_slice %arg3[%run_scoped3A_3, %dma_start3A] : memref<4x5120xf32, #tpu.memory_space<hbm>> -> memref<1x5120xf32, #tpu.memory_space<hbm>>
      %dma_start3A_15 = tpu.memref_squeeze %dma_start3A_14 : memref<1x5120xf32, #tpu.memory_space<hbm>> -> memref<5120xf32, #tpu.memory_space<hbm>>
      %dma_start3A_16 = arith.constant 0 : i32
      %dma_start3A_17 = tpu.memref_slice %arg3[%run_scoped3A_3, %dma_start3A_16] : memref<4x5120xf32, #tpu.memory_space<hbm>> -> memref<1x5120xf32, #tpu.memory_space<hbm>>
      %dma_start3A_18 = tpu.memref_squeeze %dma_start3A_17 : memref<1x5120xf32, #tpu.memory_space<hbm>> -> memref<5120xf32, #tpu.memory_space<hbm>>
      tpu.enqueue_dma source(%dma_start3A_18 : memref<5120xf32, #tpu.memory_space<hbm>>) target(%arg6 : memref<5120xf32, #tpu.memory_space<vmem>>) target_semaphore(%run_scoped3A_13 : memref<!tpu.dma_semaphore, #tpu.memory_space<semaphore_mem>>)
      %dma_wait3A = arith.constant 0 : i32
      %dma_wait3A_19 = tpu.memref_slice %arg3[%run_scoped3A_3, %dma_wait3A] : memref<4x5120xf32, #tpu.memory_space<hbm>> -> memref<1x5120xf32, #tpu.memory_space<hbm>>
      %dma_wait3A_20 = tpu.memref_squeeze %dma_wait3A_19 : memref<1x5120xf32, #tpu.memory_space<hbm>> -> memref<5120xf32, #tpu.memory_space<hbm>>
      %dma_wait3A_21 = arith.constant 0 : i32
      %dma_wait3A_22 = tpu.memref_slice %arg3[%run_scoped3A_3, %dma_wait3A_21] : memref<4x5120xf32, #tpu.memory_space<hbm>> -> memref<1x5120xf32, #tpu.memory_space<hbm>>
      %dma_wait3A_23 = tpu.memref_squeeze %dma_wait3A_22 : memref<1x5120xf32, #tpu.memory_space<hbm>> -> memref<5120xf32, #tpu.memory_space<hbm>>
      tpu.wait_dma2 semaphore(%run_scoped3A_13 : memref<!tpu.dma_semaphore, #tpu.memory_space<semaphore_mem>>) src(%dma_wait3A_23 : memref<5120xf32, #tpu.memory_space<hbm>>) dst(%arg6 : memref<5120xf32, #tpu.memory_space<vmem>>)
      tpu.yield
    }) : () -> ()
    %run_scoped3A_4 = arith.constant 2 : i32
    "tpu.region"() ({
      %run_scoped3A_13 = tpu.sem_alloc : memref<!tpu.dma_semaphore, #tpu.memory_space<semaphore_mem>>
      %dma_start3A = arith.constant 0 : i32
      %dma_start3A_14 = tpu.memref_slice %arg3[%run_scoped3A_4, %dma_start3A] : memref<4x5120xf32, #tpu.memory_space<hbm>> -> memref<1x5120xf32, #tpu.memory_space<hbm>>
      %dma_start3A_15 = tpu.memref_squeeze %dma_start3A_14 : memref<1x5120xf32, #tpu.memory_space<hbm>> -> memref<5120xf32, #tpu.memory_space<hbm>>
      %dma_start3A_16 = arith.constant 0 : i32
      %dma_start3A_17 = tpu.memref_slice %arg3[%run_scoped3A_4, %dma_start3A_16] : memref<4x5120xf32, #tpu.memory_space<hbm>> -> memref<1x5120xf32, #tpu.memory_space<hbm>>
      %dma_start3A_18 = tpu.memref_squeeze %dma_start3A_17 : memref<1x5120xf32, #tpu.memory_space<hbm>> -> memref<5120xf32, #tpu.memory_space<hbm>>
      tpu.enqueue_dma source(%dma_start3A_18 : memref<5120xf32, #tpu.memory_space<hbm>>) target(%arg7 : memref<5120xf32, #tpu.memory_space<vmem>>) target_semaphore(%run_scoped3A_13 : memref<!tpu.dma_semaphore, #tpu.memory_space<semaphore_mem>>)
      %dma_wait3A = arith.constant 0 : i32
      %dma_wait3A_19 = tpu.memref_slice %arg3[%run_scoped3A_4, %dma_wait3A] : memref<4x5120xf32, #tpu.memory_space<hbm>> -> memref<1x5120xf32, #tpu.memory_space<hbm>>
      %dma_wait3A_20 = tpu.memref_squeeze %dma_wait3A_19 : memref<1x5120xf32, #tpu.memory_space<hbm>> -> memref<5120xf32, #tpu.memory_space<hbm>>
      %dma_wait3A_21 = arith.constant 0 : i32
      %dma_wait3A_22 = tpu.memref_slice %arg3[%run_scoped3A_4, %dma_wait3A_21] : memref<4x5120xf32, #tpu.memory_space<hbm>> -> memref<1x5120xf32, #tpu.memory_space<hbm>>
      %dma_wait3A_23 = tpu.memref_squeeze %dma_wait3A_22 : memref<1x5120xf32, #tpu.memory_space<hbm>> -> memref<5120xf32, #tpu.memory_space<hbm>>
      tpu.wait_dma2 semaphore(%run_scoped3A_13 : memref<!tpu.dma_semaphore, #tpu.memory_space<semaphore_mem>>) src(%dma_wait3A_23 : memref<5120xf32, #tpu.memory_space<hbm>>) dst(%arg7 : memref<5120xf32, #tpu.memory_space<vmem>>)
      tpu.yield
    }) : () -> ()
    %run_scoped3A_5 = arith.constant 3 : i32
    "tpu.region"() ({
      %run_scoped3A_13 = tpu.sem_alloc : memref<!tpu.dma_semaphore, #tpu.memory_space<semaphore_mem>>
      %dma_start3A = arith.constant 0 : i32
      %dma_start3A_14 = tpu.memref_slice %arg3[%run_scoped3A_5, %dma_start3A] : memref<4x5120xf32, #tpu.memory_space<hbm>> -> memref<1x5120xf32, #tpu.memory_space<hbm>>
      %dma_start3A_15 = tpu.memref_squeeze %dma_start3A_14 : memref<1x5120xf32, #tpu.memory_space<hbm>> -> memref<5120xf32, #tpu.memory_space<hbm>>
      %dma_start3A_16 = arith.constant 0 : i32
      %dma_start3A_17 = tpu.memref_slice %arg3[%run_scoped3A_5, %dma_start3A_16] : memref<4x5120xf32, #tpu.memory_space<hbm>> -> memref<1x5120xf32, #tpu.memory_space<hbm>>
      %dma_start3A_18 = tpu.memref_squeeze %dma_start3A_17 : memref<1x5120xf32, #tpu.memory_space<hbm>> -> memref<5120xf32, #tpu.memory_space<hbm>>
      tpu.enqueue_dma source(%dma_start3A_18 : memref<5120xf32, #tpu.memory_space<hbm>>) target(%arg8 : memref<5120xf32, #tpu.memory_space<vmem>>) target_semaphore(%run_scoped3A_13 : memref<!tpu.dma_semaphore, #tpu.memory_space<semaphore_mem>>)
      %dma_wait3A = arith.constant 0 : i32
      %dma_wait3A_19 = tpu.memref_slice %arg3[%run_scoped3A_5, %dma_wait3A] : memref<4x5120xf32, #tpu.memory_space<hbm>> -> memref<1x5120xf32, #tpu.memory_space<hbm>>
      %dma_wait3A_20 = tpu.memref_squeeze %dma_wait3A_19 : memref<1x5120xf32, #tpu.memory_space<hbm>> -> memref<5120xf32, #tpu.memory_space<hbm>>
      %dma_wait3A_21 = arith.constant 0 : i32
      %dma_wait3A_22 = tpu.memref_slice %arg3[%run_scoped3A_5, %dma_wait3A_21] : memref<4x5120xf32, #tpu.memory_space<hbm>> -> memref<1x5120xf32, #tpu.memory_space<hbm>>
      %dma_wait3A_23 = tpu.memref_squeeze %dma_wait3A_22 : memref<1x5120xf32, #tpu.memory_space<hbm>> -> memref<5120xf32, #tpu.memory_space<hbm>>
      tpu.wait_dma2 semaphore(%run_scoped3A_13 : memref<!tpu.dma_semaphore, #tpu.memory_space<semaphore_mem>>) src(%dma_wait3A_23 : memref<5120xf32, #tpu.memory_space<hbm>>) dst(%arg8 : memref<5120xf32, #tpu.memory_space<vmem>>)
      tpu.yield
    }) : () -> ()
    "tpu.region"() ({
      %run_scoped3A_13 = tpu.sem_alloc : memref<!tpu.dma_semaphore, #tpu.memory_space<semaphore_mem>>
      %dma_start3A = arith.constant 0 : i32
      %dma_start3A_14 = tpu.memref_slice %arg2[%mul3A_2, %dma_start3A] : memref<13056x16xf32, #tpu.memory_space<hbm>> -> memref<408x16xf32, #tpu.memory_space<hbm>>
      %dma_start3A_15 = arith.constant 0 : i32
      %dma_start3A_16 = tpu.memref_slice %arg2[%mul3A_2, %dma_start3A_15] : memref<13056x16xf32, #tpu.memory_space<hbm>> -> memref<408x16xf32, #tpu.memory_space<hbm>>
      tpu.enqueue_dma source(%dma_start3A_16 : memref<408x16xf32, #tpu.memory_space<hbm>>) target(%arg9 : memref<408x16xf32, #tpu.memory_space<vmem>>) target_semaphore(%run_scoped3A_13 : memref<!tpu.dma_semaphore, #tpu.memory_space<semaphore_mem>>)
      %dma_wait3A = arith.constant 0 : i32
      %dma_wait3A_17 = tpu.memref_slice %arg2[%mul3A_2, %dma_wait3A] : memref<13056x16xf32, #tpu.memory_space<hbm>> -> memref<408x16xf32, #tpu.memory_space<hbm>>
      %dma_wait3A_18 = arith.constant 0 : i32
      %dma_wait3A_19 = tpu.memref_slice %arg2[%mul3A_2, %dma_wait3A_18] : memref<13056x16xf32, #tpu.memory_space<hbm>> -> memref<408x16xf32, #tpu.memory_space<hbm>>
      tpu.wait_dma2 semaphore(%run_scoped3A_13 : memref<!tpu.dma_semaphore, #tpu.memory_space<semaphore_mem>>) src(%dma_wait3A_19 : memref<408x16xf32, #tpu.memory_space<hbm>>) dst(%arg9 : memref<408x16xf32, #tpu.memory_space<vmem>>)
      tpu.yield
    }) : () -> ()
    %iota3A = tpu.iota {dimensions = array<i32: 0>} : vector<16xi32>
    %broadcast_in_dim3A = arith.constant 3.000000e+38 : f32
    %broadcast_in_dim3A_6 = vector.broadcast %broadcast_in_dim3A : f32 to vector<16xf32>
    %scan3A = arith.constant 0 : i32
    %scan3A_7 = arith.constant 0 : i32
    %scan3A_8 = arith.constant 102 : i32
    %scan3A_9 = arith.addi %scan3A_7, %scan3A_8 : i32
    %scan3A_10 = arith.constant 1 : i32
    %scan3A_11 = scf.for %scan3A_13 = %scan3A_7 to %scan3A_9 step %scan3A_10 iter_args(%scan3A_14 = %scan3A) -> (i32)  : i32 {
      %mul3A_15 = arith.constant 4 : i32
      %mul3A_16 = arith.muli %scan3A_13, %mul3A_15 : i32
      %add3A_17 = arith.constant 0 : i32
      %add3A_18 = arith.addi %mul3A_16, %add3A_17 : i32
      %get3A = arith.index_cast %add3A_18 : i32 to index
      %get3A_19 = arith.constant 0 : index
      %get3A_20 = tpu.vector_load %arg9[%get3A, %get3A_19] {strides = array<i32>} : memref<408x16xf32, #tpu.memory_space<vmem>>, vector<16xf32>,
      %slice3A = vector.extract_strided_slice %get3A_20 {offsets = [0], sizes = [1], strides = [1]} : vector<16xf32> to vector<1xf32>
      %squeeze3A = vector.extract %slice3A[0] : f32 from vector<1xf32>
      %slice3A_21 = vector.extract_strided_slice %get3A_20 {offsets = [1], sizes = [1], strides = [1]} : vector<16xf32> to vector<1xf32>
      %squeeze3A_22 = vector.extract %slice3A_21[0] : f32 from vector<1xf32>
      %slice3A_23 = vector.extract_strided_slice %get3A_20 {offsets = [2], sizes = [1], strides = [1]} : vector<16xf32> to vector<1xf32>
      %squeeze3A_24 = vector.extract %slice3A_23[0] : f32 from vector<1xf32>
      %slice3A_25 = vector.extract_strided_slice %get3A_20 {offsets = [3], sizes = [1], strides = [1]} : vector<16xf32> to vector<1xf32>
      %squeeze3A_26 = vector.extract %slice3A_25[0] : f32 from vector<1xf32>
      %add3A_27 = arith.constant 1 : i32
      %add3A_28 = arith.addi %mul3A_16, %add3A_27 : i32
      %get3A_29 = arith.index_cast %add3A_28 : i32 to index
      %get3A_30 = arith.constant 0 : index
      %get3A_31 = tpu.vector_load %arg9[%get3A_29, %get3A_30] {strides = array<i32>} : memref<408x16xf32, #tpu.memory_space<vmem>>, vector<16xf32>,
      %slice3A_32 = vector.extract_strided_slice %get3A_31 {offsets = [0], sizes = [1], strides = [1]} : vector<16xf32> to vector<1xf32>
      %squeeze3A_33 = vector.extract %slice3A_32[0] : f32 from vector<1xf32>
      %slice3A_34 = vector.extract_strided_slice %get3A_31 {offsets = [1], sizes = [1], strides = [1]} : vector<16xf32> to vector<1xf32>
      %squeeze3A_35 = vector.extract %slice3A_34[0] : f32 from vector<1xf32>
      %slice3A_36 = vector.extract_strided_slice %get3A_31 {offsets = [2], sizes = [1], strides = [1]} : vector<16xf32> to vector<1xf32>
      %squeeze3A_37 = vector.extract %slice3A_36[0] : f32 from vector<1xf32>
      %slice3A_38 = vector.extract_strided_slice %get3A_31 {offsets = [3], sizes = [1], strides = [1]} : vector<16xf32> to vector<1xf32>
      %squeeze3A_39 = vector.extract %slice3A_38[0] : f32 from vector<1xf32>
      %add3A_40 = arith.constant 2 : i32
      %add3A_41 = arith.addi %mul3A_16, %add3A_40 : i32
      %get3A_42 = arith.index_cast %add3A_41 : i32 to index
      %get3A_43 = arith.constant 0 : index
      %get3A_44 = tpu.vector_load %arg9[%get3A_42, %get3A_43] {strides = array<i32>} : memref<408x16xf32, #tpu.memory_space<vmem>>, vector<16xf32>,
      %slice3A_45 = vector.extract_strided_slice %get3A_44 {offsets = [0], sizes = [1], strides = [1]} : vector<16xf32> to vector<1xf32>
      %squeeze3A_46 = vector.extract %slice3A_45[0] : f32 from vector<1xf32>
      %slice3A_47 = vector.extract_strided_slice %get3A_44 {offsets = [1], sizes = [1], strides = [1]} : vector<16xf32> to vector<1xf32>
      %squeeze3A_48 = vector.extract %slice3A_47[0] : f32 from vector<1xf32>
      %slice3A_49 = vector.extract_strided_slice %get3A_44 {offsets = [2], sizes = [1], strides = [1]} : vector<16xf32> to vector<1xf32>
      %squeeze3A_50 = vector.extract %slice3A_49[0] : f32 from vector<1xf32>
      %slice3A_51 = vector.extract_strided_slice %get3A_44 {offsets = [3], sizes = [1], strides = [1]} : vector<16xf32> to vector<1xf32>
      %squeeze3A_52 = vector.extract %slice3A_51[0] : f32 from vector<1xf32>
      %add3A_53 = arith.constant 3 : i32
      %add3A_54 = arith.addi %mul3A_16, %add3A_53 : i32
      %get3A_55 = arith.index_cast %add3A_54 : i32 to index
      %get3A_56 = arith.constant 0 : index
      %get3A_57 = tpu.vector_load %arg9[%get3A_55, %get3A_56] {strides = array<i32>} : memref<408x16xf32, #tpu.memory_space<vmem>>, vector<16xf32>,
      %slice3A_58 = vector.extract_strided_slice %get3A_57 {offsets = [0], sizes = [1], strides = [1]} : vector<16xf32> to vector<1xf32>
      %squeeze3A_59 = vector.extract %slice3A_58[0] : f32 from vector<1xf32>
      %slice3A_60 = vector.extract_strided_slice %get3A_57 {offsets = [1], sizes = [1], strides = [1]} : vector<16xf32> to vector<1xf32>
      %squeeze3A_61 = vector.extract %slice3A_60[0] : f32 from vector<1xf32>
      %slice3A_62 = vector.extract_strided_slice %get3A_57 {offsets = [2], sizes = [1], strides = [1]} : vector<16xf32> to vector<1xf32>
      %squeeze3A_63 = vector.extract %slice3A_62[0] : f32 from vector<1xf32>
      %slice3A_64 = vector.extract_strided_slice %get3A_57 {offsets = [3], sizes = [1], strides = [1]} : vector<16xf32> to vector<1xf32>
      %squeeze3A_65 = vector.extract %slice3A_64[0] : f32 from vector<1xf32>
      %scan3A_66 = arith.constant 0 : i32
      %scan3A_67 = arith.constant 40 : i32
      %scan3A_68 = arith.addi %scan3A_66, %scan3A_67 : i32
      %scan3A_69 = arith.constant 1 : i32
      %scan3A_70:4 = scf.for %scan3A_181 = %scan3A_66 to %scan3A_68 step %scan3A_69 iter_args(%scan3A_182 = %broadcast_in_dim3A_6, %scan3A_183 = %broadcast_in_dim3A_6, %scan3A_184 = %broadcast_in_dim3A_6, %scan3A_185 = %broadcast_in_dim3A_6) -> (vector<16xf32>, vector<16xf32>, vector<16xf32>, vector<16xf32>)  : i32 {
        %mul3A_186 = arith.constant 128 : i32
        %mul3A_187 = arith.muli %scan3A_181, %mul3A_186 : i32
        %add3A_188 = arith.constant 0 : i32
        %add3A_189 = arith.addi %mul3A_187, %add3A_188 : i32
        %get3A_190 = arith.index_cast %add3A_189 : i32 to index
        %get3A_191 = tpu.vector_load %arg5[%get3A_190] {strides = array<i32>} : memref<5120xf32, #tpu.memory_space<vmem>>, vector<16xf32>,
        %get3A_192 = arith.index_cast %add3A_189 : i32 to index
        %get3A_193 = tpu.vector_load %arg6[%get3A_192] {strides = array<i32>} : memref<5120xf32, #tpu.memory_space<vmem>>, vector<16xf32>,
        %get3A_194 = arith.index_cast %add3A_189 : i32 to index
        %get3A_195 = tpu.vector_load %arg7[%get3A_194] {strides = array<i32>} : memref<5120xf32, #tpu.memory_space<vmem>>, vector<16xf32>,
        %get3A_196 = arith.index_cast %add3A_189 : i32 to index
        %get3A_197 = tpu.vector_load %arg8[%get3A_196] {strides = array<i32>} : memref<5120xf32, #tpu.memory_space<vmem>>, vector<16xf32>,
        %mul3A_198 = vector.broadcast %squeeze3A : f32 to vector<16xf32>
        %mul3A_199 = arith.mulf %mul3A_198, %get3A_191 : vector<16xf32>
        %mul3A_200 = vector.broadcast %squeeze3A_22 : f32 to vector<16xf32>
        %mul3A_201 = arith.mulf %mul3A_200, %get3A_193 : vector<16xf32>
        %add3A_202 = arith.addf %mul3A_199, %mul3A_201 : vector<16xf32>
        %mul3A_203 = vector.broadcast %squeeze3A_24 : f32 to vector<16xf32>
        %mul3A_204 = arith.mulf %mul3A_203, %get3A_195 : vector<16xf32>
        %add3A_205 = arith.addf %add3A_202, %mul3A_204 : vector<16xf32>
        %mul3A_206 = arith.constant 2.000000e+00 : f32
        %mul3A_207 = vector.broadcast %mul3A_206 : f32 to vector<16xf32>
        %mul3A_208 = arith.mulf %mul3A_207, %add3A_205 : vector<16xf32>
        %sub3A = vector.broadcast %squeeze3A_26 : f32 to vector<16xf32>
        %sub3A_209 = arith.subf %sub3A, %mul3A_208 : vector<16xf32>
        %add3A_210 = arith.addf %sub3A_209, %get3A_197 : vector<16xf32>
        %swap3A_211 = arith.constant 0 : i32
        %swap3A_212 = arith.index_cast %swap3A_211 : i32 to index
        %swap3A_213 = arith.index_cast %add3A_189 : i32 to index
        %swap3A_214 = tpu.vector_load %arg11[%swap3A_212, %swap3A_213] {strides = array<i32>} : memref<4x5120xf32, #tpu.memory_space<vmem>>, vector<16xf32>,
        tpu.vector_store %arg11[%swap3A_212, %swap3A_213], %add3A_210 {strides = array<i32>} : memref<4x5120xf32, #tpu.memory_space<vmem>>, vector<16xf32>,
        %mul3A_215 = vector.broadcast %squeeze3A_33 : f32 to vector<16xf32>
        %mul3A_216 = arith.mulf %mul3A_215, %get3A_191 : vector<16xf32>
        %mul3A_217 = vector.broadcast %squeeze3A_35 : f32 to vector<16xf32>
        %mul3A_218 = arith.mulf %mul3A_217, %get3A_193 : vector<16xf32>
        %add3A_219 = arith.addf %mul3A_216, %mul3A_218 : vector<16xf32>
        %mul3A_220 = vector.broadcast %squeeze3A_37 : f32 to vector<16xf32>
        %mul3A_221 = arith.mulf %mul3A_220, %get3A_195 : vector<16xf32>
        %add3A_222 = arith.addf %add3A_219, %mul3A_221 : vector<16xf32>
        %mul3A_223 = arith.constant 2.000000e+00 : f32
        %mul3A_224 = vector.broadcast %mul3A_223 : f32 to vector<16xf32>
        %mul3A_225 = arith.mulf %mul3A_224, %add3A_222 : vector<16xf32>
        %sub3A_226 = vector.broadcast %squeeze3A_39 : f32 to vector<16xf32>
        %sub3A_227 = arith.subf %sub3A_226, %mul3A_225 : vector<16xf32>
        %add3A_228 = arith.addf %sub3A_227, %get3A_197 : vector<16xf32>
        %swap3A_229 = arith.constant 1 : i32
        %swap3A_230 = arith.index_cast %swap3A_229 : i32 to index
        %swap3A_231 = arith.index_cast %add3A_189 : i32 to index
        %swap3A_232 = tpu.vector_load %arg11[%swap3A_230, %swap3A_231] {strides = array<i32>} : memref<4x5120xf32, #tpu.memory_space<vmem>>, vector<16xf32>,
        tpu.vector_store %arg11[%swap3A_230, %swap3A_231], %add3A_228 {strides = array<i32>} : memref<4x5120xf32, #tpu.memory_space<vmem>>, vector<16xf32>,
        %mul3A_233 = vector.broadcast %squeeze3A_46 : f32 to vector<16xf32>
        %mul3A_234 = arith.mulf %mul3A_233, %get3A_191 : vector<16xf32>
        %mul3A_235 = vector.broadcast %squeeze3A_48 : f32 to vector<16xf32>
        %mul3A_236 = arith.mulf %mul3A_235, %get3A_193 : vector<16xf32>
        %add3A_237 = arith.addf %mul3A_234, %mul3A_236 : vector<16xf32>
        %mul3A_238 = vector.broadcast %squeeze3A_50 : f32 to vector<16xf32>
        %mul3A_239 = arith.mulf %mul3A_238, %get3A_195 : vector<16xf32>
        %add3A_240 = arith.addf %add3A_237, %mul3A_239 : vector<16xf32>
        %mul3A_241 = arith.constant 2.000000e+00 : f32
        %mul3A_242 = vector.broadcast %mul3A_241 : f32 to vector<16xf32>
        %mul3A_243 = arith.mulf %mul3A_242, %add3A_240 : vector<16xf32>
        %sub3A_244 = vector.broadcast %squeeze3A_52 : f32 to vector<16xf32>
        %sub3A_245 = arith.subf %sub3A_244, %mul3A_243 : vector<16xf32>
        %add3A_246 = arith.addf %sub3A_245, %get3A_197 : vector<16xf32>
        %swap3A_247 = arith.constant 2 : i32
        %swap3A_248 = arith.index_cast %swap3A_247 : i32 to index
        %swap3A_249 = arith.index_cast %add3A_189 : i32 to index
        %swap3A_250 = tpu.vector_load %arg11[%swap3A_248, %swap3A_249] {strides = array<i32>} : memref<4x5120xf32, #tpu.memory_space<vmem>>, vector<16xf32>,
        tpu.vector_store %arg11[%swap3A_248, %swap3A_249], %add3A_246 {strides = array<i32>} : memref<4x5120xf32, #tpu.memory_space<vmem>>, vector<16xf32>,
        %mul3A_251 = vector.broadcast %squeeze3A_59 : f32 to vector<16xf32>
        %mul3A_252 = arith.mulf %mul3A_251, %get3A_191 : vector<16xf32>
        %mul3A_253 = vector.broadcast %squeeze3A_61 : f32 to vector<16xf32>
        %mul3A_254 = arith.mulf %mul3A_253, %get3A_193 : vector<16xf32>
        %add3A_255 = arith.addf %mul3A_252, %mul3A_254 : vector<16xf32>
        %mul3A_256 = vector.broadcast %squeeze3A_63 : f32 to vector<16xf32>
        %mul3A_257 = arith.mulf %mul3A_256, %get3A_195 : vector<16xf32>
        %add3A_258 = arith.addf %add3A_255, %mul3A_257 : vector<16xf32>
        %mul3A_259 = arith.constant 2.000000e+00 : f32
        %mul3A_260 = vector.broadcast %mul3A_259 : f32 to vector<16xf32>
        %mul3A_261 = arith.mulf %mul3A_260, %add3A_258 : vector<16xf32>
        %sub3A_262 = vector.broadcast %squeeze3A_65 : f32 to vector<16xf32>
        %sub3A_263 = arith.subf %sub3A_262, %mul3A_261 : vector<16xf32>
        %add3A_264 = arith.addf %sub3A_263, %get3A_197 : vector<16xf32>
        %swap3A_265 = arith.constant 3 : i32
        %swap3A_266 = arith.index_cast %swap3A_265 : i32 to index
        %swap3A_267 = arith.index_cast %add3A_189 : i32 to index
        %swap3A_268 = tpu.vector_load %arg11[%swap3A_266, %swap3A_267] {strides = array<i32>} : memref<4x5120xf32, #tpu.memory_space<vmem>>, vector<16xf32>,
        tpu.vector_store %arg11[%swap3A_266, %swap3A_267], %add3A_264 {strides = array<i32>} : memref<4x5120xf32, #tpu.memory_space<vmem>>, vector<16xf32>,
        %add3A_269 = arith.constant 16 : i32
        %add3A_270 = arith.addi %mul3A_187, %add3A_269 : i32
        %get3A_271 = arith.index_cast %add3A_270 : i32 to index
        %get3A_272 = tpu.vector_load %arg5[%get3A_271] {strides = array<i32>} : memref<5120xf32, #tpu.memory_space<vmem>>, vector<16xf32>,
        %get3A_273 = arith.index_cast %add3A_270 : i32 to index
        %get3A_274 = tpu.vector_load %arg6[%get3A_273] {strides = array<i32>} : memref<5120xf32, #tpu.memory_space<vmem>>, vector<16xf32>,
        %get3A_275 = arith.index_cast %add3A_270 : i32 to index
        %get3A_276 = tpu.vector_load %arg7[%get3A_275] {strides = array<i32>} : memref<5120xf32, #tpu.memory_space<vmem>>, vector<16xf32>,
        %get3A_277 = arith.index_cast %add3A_270 : i32 to index
        %get3A_278 = tpu.vector_load %arg8[%get3A_277] {strides = array<i32>} : memref<5120xf32, #tpu.memory_space<vmem>>, vector<16xf32>,
        %mul3A_279 = vector.broadcast %squeeze3A : f32 to vector<16xf32>
        %mul3A_280 = arith.mulf %mul3A_279, %get3A_272 : vector<16xf32>
        %mul3A_281 = vector.broadcast %squeeze3A_22 : f32 to vector<16xf32>
        %mul3A_282 = arith.mulf %mul3A_281, %get3A_274 : vector<16xf32>
        %add3A_283 = arith.addf %mul3A_280, %mul3A_282 : vector<16xf32>
        %mul3A_284 = vector.broadcast %squeeze3A_24 : f32 to vector<16xf32>
        %mul3A_285 = arith.mulf %mul3A_284, %get3A_276 : vector<16xf32>
        %add3A_286 = arith.addf %add3A_283, %mul3A_285 : vector<16xf32>
        %mul3A_287 = arith.constant 2.000000e+00 : f32
        %mul3A_288 = vector.broadcast %mul3A_287 : f32 to vector<16xf32>
        %mul3A_289 = arith.mulf %mul3A_288, %add3A_286 : vector<16xf32>
        %sub3A_290 = vector.broadcast %squeeze3A_26 : f32 to vector<16xf32>
        %sub3A_291 = arith.subf %sub3A_290, %mul3A_289 : vector<16xf32>
        %add3A_292 = arith.addf %sub3A_291, %get3A_278 : vector<16xf32>
        %swap3A_293 = arith.constant 0 : i32
        %swap3A_294 = arith.index_cast %swap3A_293 : i32 to index
        %swap3A_295 = arith.index_cast %add3A_270 : i32 to index
        %swap3A_296 = tpu.vector_load %arg11[%swap3A_294, %swap3A_295] {strides = array<i32>} : memref<4x5120xf32, #tpu.memory_space<vmem>>, vector<16xf32>,
        tpu.vector_store %arg11[%swap3A_294, %swap3A_295], %add3A_292 {strides = array<i32>} : memref<4x5120xf32, #tpu.memory_space<vmem>>, vector<16xf32>,
        %min3A = arith.minimumf %add3A_210, %add3A_292 : vector<16xf32>
        %mul3A_297 = vector.broadcast %squeeze3A_33 : f32 to vector<16xf32>
        %mul3A_298 = arith.mulf %mul3A_297, %get3A_272 : vector<16xf32>
        %mul3A_299 = vector.broadcast %squeeze3A_35 : f32 to vector<16xf32>
        %mul3A_300 = arith.mulf %mul3A_299, %get3A_274 : vector<16xf32>
        %add3A_301 = arith.addf %mul3A_298, %mul3A_300 : vector<16xf32>
        %mul3A_302 = vector.broadcast %squeeze3A_37 : f32 to vector<16xf32>
        %mul3A_303 = arith.mulf %mul3A_302, %get3A_276 : vector<16xf32>
        %add3A_304 = arith.addf %add3A_301, %mul3A_303 : vector<16xf32>
        %mul3A_305 = arith.constant 2.000000e+00 : f32
        %mul3A_306 = vector.broadcast %mul3A_305 : f32 to vector<16xf32>
        %mul3A_307 = arith.mulf %mul3A_306, %add3A_304 : vector<16xf32>
        %sub3A_308 = vector.broadcast %squeeze3A_39 : f32 to vector<16xf32>
        %sub3A_309 = arith.subf %sub3A_308, %mul3A_307 : vector<16xf32>
        %add3A_310 = arith.addf %sub3A_309, %get3A_278 : vector<16xf32>
        %swap3A_311 = arith.constant 1 : i32
        %swap3A_312 = arith.index_cast %swap3A_311 : i32 to index
        %swap3A_313 = arith.index_cast %add3A_270 : i32 to index
        %swap3A_314 = tpu.vector_load %arg11[%swap3A_312, %swap3A_313] {strides = array<i32>} : memref<4x5120xf32, #tpu.memory_space<vmem>>, vector<16xf32>,
        tpu.vector_store %arg11[%swap3A_312, %swap3A_313], %add3A_310 {strides = array<i32>} : memref<4x5120xf32, #tpu.memory_space<vmem>>, vector<16xf32>,
        %min3A_315 = arith.minimumf %add3A_228, %add3A_310 : vector<16xf32>
        %mul3A_316 = vector.broadcast %squeeze3A_46 : f32 to vector<16xf32>
        %mul3A_317 = arith.mulf %mul3A_316, %get3A_272 : vector<16xf32>
        %mul3A_318 = vector.broadcast %squeeze3A_48 : f32 to vector<16xf32>
        %mul3A_319 = arith.mulf %mul3A_318, %get3A_274 : vector<16xf32>
        %add3A_320 = arith.addf %mul3A_317, %mul3A_319 : vector<16xf32>
        %mul3A_321 = vector.broadcast %squeeze3A_50 : f32 to vector<16xf32>
        %mul3A_322 = arith.mulf %mul3A_321, %get3A_276 : vector<16xf32>
        %add3A_323 = arith.addf %add3A_320, %mul3A_322 : vector<16xf32>
        %mul3A_324 = arith.constant 2.000000e+00 : f32
        %mul3A_325 = vector.broadcast %mul3A_324 : f32 to vector<16xf32>
        %mul3A_326 = arith.mulf %mul3A_325, %add3A_323 : vector<16xf32>
        %sub3A_327 = vector.broadcast %squeeze3A_52 : f32 to vector<16xf32>
        %sub3A_328 = arith.subf %sub3A_327, %mul3A_326 : vector<16xf32>
        %add3A_329 = arith.addf %sub3A_328, %get3A_278 : vector<16xf32>
        %swap3A_330 = arith.constant 2 : i32
        %swap3A_331 = arith.index_cast %swap3A_330 : i32 to index
        %swap3A_332 = arith.index_cast %add3A_270 : i32 to index
        %swap3A_333 = tpu.vector_load %arg11[%swap3A_331, %swap3A_332] {strides = array<i32>} : memref<4x5120xf32, #tpu.memory_space<vmem>>, vector<16xf32>,
        tpu.vector_store %arg11[%swap3A_331, %swap3A_332], %add3A_329 {strides = array<i32>} : memref<4x5120xf32, #tpu.memory_space<vmem>>, vector<16xf32>,
        %min3A_334 = arith.minimumf %add3A_246, %add3A_329 : vector<16xf32>
        %mul3A_335 = vector.broadcast %squeeze3A_59 : f32 to vector<16xf32>
        %mul3A_336 = arith.mulf %mul3A_335, %get3A_272 : vector<16xf32>
        %mul3A_337 = vector.broadcast %squeeze3A_61 : f32 to vector<16xf32>
        %mul3A_338 = arith.mulf %mul3A_337, %get3A_274 : vector<16xf32>
        %add3A_339 = arith.addf %mul3A_336, %mul3A_338 : vector<16xf32>
        %mul3A_340 = vector.broadcast %squeeze3A_63 : f32 to vector<16xf32>
        %mul3A_341 = arith.mulf %mul3A_340, %get3A_276 : vector<16xf32>
        %add3A_342 = arith.addf %add3A_339, %mul3A_341 : vector<16xf32>
        %mul3A_343 = arith.constant 2.000000e+00 : f32
        %mul3A_344 = vector.broadcast %mul3A_343 : f32 to vector<16xf32>
        %mul3A_345 = arith.mulf %mul3A_344, %add3A_342 : vector<16xf32>
        %sub3A_346 = vector.broadcast %squeeze3A_65 : f32 to vector<16xf32>
        %sub3A_347 = arith.subf %sub3A_346, %mul3A_345 : vector<16xf32>
        %add3A_348 = arith.addf %sub3A_347, %get3A_278 : vector<16xf32>
        %swap3A_349 = arith.constant 3 : i32
        %swap3A_350 = arith.index_cast %swap3A_349 : i32 to index
        %swap3A_351 = arith.index_cast %add3A_270 : i32 to index
        %swap3A_352 = tpu.vector_load %arg11[%swap3A_350, %swap3A_351] {strides = array<i32>} : memref<4x5120xf32, #tpu.memory_space<vmem>>, vector<16xf32>,
        tpu.vector_store %arg11[%swap3A_350, %swap3A_351], %add3A_348 {strides = array<i32>} : memref<4x5120xf32, #tpu.memory_space<vmem>>, vector<16xf32>,
        %min3A_353 = arith.minimumf %add3A_264, %add3A_348 : vector<16xf32>
        %add3A_354 = arith.constant 32 : i32
        %add3A_355 = arith.addi %mul3A_187, %add3A_354 : i32
        %get3A_356 = arith.index_cast %add3A_355 : i32 to index
        %get3A_357 = tpu.vector_load %arg5[%get3A_356] {strides = array<i32>} : memref<5120xf32, #tpu.memory_space<vmem>>, vector<16xf32>,
        %get3A_358 = arith.index_cast %add3A_355 : i32 to index
        %get3A_359 = tpu.vector_load %arg6[%get3A_358] {strides = array<i32>} : memref<5120xf32, #tpu.memory_space<vmem>>, vector<16xf32>,
        %get3A_360 = arith.index_cast %add3A_355 : i32 to index
        %get3A_361 = tpu.vector_load %arg7[%get3A_360] {strides = array<i32>} : memref<5120xf32, #tpu.memory_space<vmem>>, vector<16xf32>,
        %get3A_362 = arith.index_cast %add3A_355 : i32 to index
        %get3A_363 = tpu.vector_load %arg8[%get3A_362] {strides = array<i32>} : memref<5120xf32, #tpu.memory_space<vmem>>, vector<16xf32>,
        %mul3A_364 = vector.broadcast %squeeze3A : f32 to vector<16xf32>
        %mul3A_365 = arith.mulf %mul3A_364, %get3A_357 : vector<16xf32>
        %mul3A_366 = vector.broadcast %squeeze3A_22 : f32 to vector<16xf32>
        %mul3A_367 = arith.mulf %mul3A_366, %get3A_359 : vector<16xf32>
        %add3A_368 = arith.addf %mul3A_365, %mul3A_367 : vector<16xf32>
        %mul3A_369 = vector.broadcast %squeeze3A_24 : f32 to vector<16xf32>
        %mul3A_370 = arith.mulf %mul3A_369, %get3A_361 : vector<16xf32>
        %add3A_371 = arith.addf %add3A_368, %mul3A_370 : vector<16xf32>
        %mul3A_372 = arith.constant 2.000000e+00 : f32
        %mul3A_373 = vector.broadcast %mul3A_372 : f32 to vector<16xf32>
        %mul3A_374 = arith.mulf %mul3A_373, %add3A_371 : vector<16xf32>
        %sub3A_375 = vector.broadcast %squeeze3A_26 : f32 to vector<16xf32>
        %sub3A_376 = arith.subf %sub3A_375, %mul3A_374 : vector<16xf32>
        %add3A_377 = arith.addf %sub3A_376, %get3A_363 : vector<16xf32>
        %swap3A_378 = arith.constant 0 : i32
        %swap3A_379 = arith.index_cast %swap3A_378 : i32 to index
        %swap3A_380 = arith.index_cast %add3A_355 : i32 to index
        %swap3A_381 = tpu.vector_load %arg11[%swap3A_379, %swap3A_380] {strides = array<i32>} : memref<4x5120xf32, #tpu.memory_space<vmem>>, vector<16xf32>,
        tpu.vector_store %arg11[%swap3A_379, %swap3A_380], %add3A_377 {strides = array<i32>} : memref<4x5120xf32, #tpu.memory_space<vmem>>, vector<16xf32>,
        %min3A_382 = arith.minimumf %min3A, %add3A_377 : vector<16xf32>
        %mul3A_383 = vector.broadcast %squeeze3A_33 : f32 to vector<16xf32>
        %mul3A_384 = arith.mulf %mul3A_383, %get3A_357 : vector<16xf32>
        %mul3A_385 = vector.broadcast %squeeze3A_35 : f32 to vector<16xf32>
        %mul3A_386 = arith.mulf %mul3A_385, %get3A_359 : vector<16xf32>
        %add3A_387 = arith.addf %mul3A_384, %mul3A_386 : vector<16xf32>
        %mul3A_388 = vector.broadcast %squeeze3A_37 : f32 to vector<16xf32>
        %mul3A_389 = arith.mulf %mul3A_388, %get3A_361 : vector<16xf32>
        %add3A_390 = arith.addf %add3A_387, %mul3A_389 : vector<16xf32>
        %mul3A_391 = arith.constant 2.000000e+00 : f32
        %mul3A_392 = vector.broadcast %mul3A_391 : f32 to vector<16xf32>
        %mul3A_393 = arith.mulf %mul3A_392, %add3A_390 : vector<16xf32>
        %sub3A_394 = vector.broadcast %squeeze3A_39 : f32 to vector<16xf32>
        %sub3A_395 = arith.subf %sub3A_394, %mul3A_393 : vector<16xf32>
        %add3A_396 = arith.addf %sub3A_395, %get3A_363 : vector<16xf32>
        %swap3A_397 = arith.constant 1 : i32
        %swap3A_398 = arith.index_cast %swap3A_397 : i32 to index
        %swap3A_399 = arith.index_cast %add3A_355 : i32 to index
        %swap3A_400 = tpu.vector_load %arg11[%swap3A_398, %swap3A_399] {strides = array<i32>} : memref<4x5120xf32, #tpu.memory_space<vmem>>, vector<16xf32>,
        tpu.vector_store %arg11[%swap3A_398, %swap3A_399], %add3A_396 {strides = array<i32>} : memref<4x5120xf32, #tpu.memory_space<vmem>>, vector<16xf32>,
        %min3A_401 = arith.minimumf %min3A_315, %add3A_396 : vector<16xf32>
        %mul3A_402 = vector.broadcast %squeeze3A_46 : f32 to vector<16xf32>
        %mul3A_403 = arith.mulf %mul3A_402, %get3A_357 : vector<16xf32>
        %mul3A_404 = vector.broadcast %squeeze3A_48 : f32 to vector<16xf32>
        %mul3A_405 = arith.mulf %mul3A_404, %get3A_359 : vector<16xf32>
        %add3A_406 = arith.addf %mul3A_403, %mul3A_405 : vector<16xf32>
        %mul3A_407 = vector.broadcast %squeeze3A_50 : f32 to vector<16xf32>
        %mul3A_408 = arith.mulf %mul3A_407, %get3A_361 : vector<16xf32>
        %add3A_409 = arith.addf %add3A_406, %mul3A_408 : vector<16xf32>
        %mul3A_410 = arith.constant 2.000000e+00 : f32
        %mul3A_411 = vector.broadcast %mul3A_410 : f32 to vector<16xf32>
        %mul3A_412 = arith.mulf %mul3A_411, %add3A_409 : vector<16xf32>
        %sub3A_413 = vector.broadcast %squeeze3A_52 : f32 to vector<16xf32>
        %sub3A_414 = arith.subf %sub3A_413, %mul3A_412 : vector<16xf32>
        %add3A_415 = arith.addf %sub3A_414, %get3A_363 : vector<16xf32>
        %swap3A_416 = arith.constant 2 : i32
        %swap3A_417 = arith.index_cast %swap3A_416 : i32 to index
        %swap3A_418 = arith.index_cast %add3A_355 : i32 to index
        %swap3A_419 = tpu.vector_load %arg11[%swap3A_417, %swap3A_418] {strides = array<i32>} : memref<4x5120xf32, #tpu.memory_space<vmem>>, vector<16xf32>,
        tpu.vector_store %arg11[%swap3A_417, %swap3A_418], %add3A_415 {strides = array<i32>} : memref<4x5120xf32, #tpu.memory_space<vmem>>, vector<16xf32>,
        %min3A_420 = arith.minimumf %min3A_334, %add3A_415 : vector<16xf32>
        %mul3A_421 = vector.broadcast %squeeze3A_59 : f32 to vector<16xf32>
        %mul3A_422 = arith.mulf %mul3A_421, %get3A_357 : vector<16xf32>
        %mul3A_423 = vector.broadcast %squeeze3A_61 : f32 to vector<16xf32>
        %mul3A_424 = arith.mulf %mul3A_423, %get3A_359 : vector<16xf32>
        %add3A_425 = arith.addf %mul3A_422, %mul3A_424 : vector<16xf32>
        %mul3A_426 = vector.broadcast %squeeze3A_63 : f32 to vector<16xf32>
        %mul3A_427 = arith.mulf %mul3A_426, %get3A_361 : vector<16xf32>
        %add3A_428 = arith.addf %add3A_425, %mul3A_427 : vector<16xf32>
        %mul3A_429 = arith.constant 2.000000e+00 : f32
        %mul3A_430 = vector.broadcast %mul3A_429 : f32 to vector<16xf32>
        %mul3A_431 = arith.mulf %mul3A_430, %add3A_428 : vector<16xf32>
        %sub3A_432 = vector.broadcast %squeeze3A_65 : f32 to vector<16xf32>
        %sub3A_433 = arith.subf %sub3A_432, %mul3A_431 : vector<16xf32>
        %add3A_434 = arith.addf %sub3A_433, %get3A_363 : vector<16xf32>
        %swap3A_435 = arith.constant 3 : i32
        %swap3A_436 = arith.index_cast %swap3A_435 : i32 to index
        %swap3A_437 = arith.index_cast %add3A_355 : i32 to index
        %swap3A_438 = tpu.vector_load %arg11[%swap3A_436, %swap3A_437] {strides = array<i32>} : memref<4x5120xf32, #tpu.memory_space<vmem>>, vector<16xf32>,
        tpu.vector_store %arg11[%swap3A_436, %swap3A_437], %add3A_434 {strides = array<i32>} : memref<4x5120xf32, #tpu.memory_space<vmem>>, vector<16xf32>,
        %min3A_439 = arith.minimumf %min3A_353, %add3A_434 : vector<16xf32>
        %add3A_440 = arith.constant 48 : i32
        %add3A_441 = arith.addi %mul3A_187, %add3A_440 : i32
        %get3A_442 = arith.index_cast %add3A_441 : i32 to index
        %get3A_443 = tpu.vector_load %arg5[%get3A_442] {strides = array<i32>} : memref<5120xf32, #tpu.memory_space<vmem>>, vector<16xf32>,
        %get3A_444 = arith.index_cast %add3A_441 : i32 to index
        %get3A_445 = tpu.vector_load %arg6[%get3A_444] {strides = array<i32>} : memref<5120xf32, #tpu.memory_space<vmem>>, vector<16xf32>,
        %get3A_446 = arith.index_cast %add3A_441 : i32 to index
        %get3A_447 = tpu.vector_load %arg7[%get3A_446] {strides = array<i32>} : memref<5120xf32, #tpu.memory_space<vmem>>, vector<16xf32>,
        %get3A_448 = arith.index_cast %add3A_441 : i32 to index
        %get3A_449 = tpu.vector_load %arg8[%get3A_448] {strides = array<i32>} : memref<5120xf32, #tpu.memory_space<vmem>>, vector<16xf32>,
        %mul3A_450 = vector.broadcast %squeeze3A : f32 to vector<16xf32>
        %mul3A_451 = arith.mulf %mul3A_450, %get3A_443 : vector<16xf32>
        %mul3A_452 = vector.broadcast %squeeze3A_22 : f32 to vector<16xf32>
        %mul3A_453 = arith.mulf %mul3A_452, %get3A_445 : vector<16xf32>
        %add3A_454 = arith.addf %mul3A_451, %mul3A_453 : vector<16xf32>
        %mul3A_455 = vector.broadcast %squeeze3A_24 : f32 to vector<16xf32>
        %mul3A_456 = arith.mulf %mul3A_455, %get3A_447 : vector<16xf32>
        %add3A_457 = arith.addf %add3A_454, %mul3A_456 : vector<16xf32>
        %mul3A_458 = arith.constant 2.000000e+00 : f32
        %mul3A_459 = vector.broadcast %mul3A_458 : f32 to vector<16xf32>
        %mul3A_460 = arith.mulf %mul3A_459, %add3A_457 : vector<16xf32>
        %sub3A_461 = vector.broadcast %squeeze3A_26 : f32 to vector<16xf32>
        %sub3A_462 = arith.subf %sub3A_461, %mul3A_460 : vector<16xf32>
        %add3A_463 = arith.addf %sub3A_462, %get3A_449 : vector<16xf32>
        %swap3A_464 = arith.constant 0 : i32
        %swap3A_465 = arith.index_cast %swap3A_464 : i32 to index
        %swap3A_466 = arith.index_cast %add3A_441 : i32 to index
        %swap3A_467 = tpu.vector_load %arg11[%swap3A_465, %swap3A_466] {strides = array<i32>} : memref<4x5120xf32, #tpu.memory_space<vmem>>, vector<16xf32>,
        tpu.vector_store %arg11[%swap3A_465, %swap3A_466], %add3A_463 {strides = array<i32>} : memref<4x5120xf32, #tpu.memory_space<vmem>>, vector<16xf32>,
        %min3A_468 = arith.minimumf %min3A_382, %add3A_463 : vector<16xf32>
        %mul3A_469 = vector.broadcast %squeeze3A_33 : f32 to vector<16xf32>
        %mul3A_470 = arith.mulf %mul3A_469, %get3A_443 : vector<16xf32>
        %mul3A_471 = vector.broadcast %squeeze3A_35 : f32 to vector<16xf32>
        %mul3A_472 = arith.mulf %mul3A_471, %get3A_445 : vector<16xf32>
        %add3A_473 = arith.addf %mul3A_470, %mul3A_472 : vector<16xf32>
        %mul3A_474 = vector.broadcast %squeeze3A_37 : f32 to vector<16xf32>
        %mul3A_475 = arith.mulf %mul3A_474, %get3A_447 : vector<16xf32>
        %add3A_476 = arith.addf %add3A_473, %mul3A_475 : vector<16xf32>
        %mul3A_477 = arith.constant 2.000000e+00 : f32
        %mul3A_478 = vector.broadcast %mul3A_477 : f32 to vector<16xf32>
        %mul3A_479 = arith.mulf %mul3A_478, %add3A_476 : vector<16xf32>
        %sub3A_480 = vector.broadcast %squeeze3A_39 : f32 to vector<16xf32>
        %sub3A_481 = arith.subf %sub3A_480, %mul3A_479 : vector<16xf32>
        %add3A_482 = arith.addf %sub3A_481, %get3A_449 : vector<16xf32>
        %swap3A_483 = arith.constant 1 : i32
        %swap3A_484 = arith.index_cast %swap3A_483 : i32 to index
        %swap3A_485 = arith.index_cast %add3A_441 : i32 to index
        %swap3A_486 = tpu.vector_load %arg11[%swap3A_484, %swap3A_485] {strides = array<i32>} : memref<4x5120xf32, #tpu.memory_space<vmem>>, vector<16xf32>,
        tpu.vector_store %arg11[%swap3A_484, %swap3A_485], %add3A_482 {strides = array<i32>} : memref<4x5120xf32, #tpu.memory_space<vmem>>, vector<16xf32>,
        %min3A_487 = arith.minimumf %min3A_401, %add3A_482 : vector<16xf32>
        %mul3A_488 = vector.broadcast %squeeze3A_46 : f32 to vector<16xf32>
        %mul3A_489 = arith.mulf %mul3A_488, %get3A_443 : vector<16xf32>
        %mul3A_490 = vector.broadcast %squeeze3A_48 : f32 to vector<16xf32>
        %mul3A_491 = arith.mulf %mul3A_490, %get3A_445 : vector<16xf32>
        %add3A_492 = arith.addf %mul3A_489, %mul3A_491 : vector<16xf32>
        %mul3A_493 = vector.broadcast %squeeze3A_50 : f32 to vector<16xf32>
        %mul3A_494 = arith.mulf %mul3A_493, %get3A_447 : vector<16xf32>
        %add3A_495 = arith.addf %add3A_492, %mul3A_494 : vector<16xf32>
        %mul3A_496 = arith.constant 2.000000e+00 : f32
        %mul3A_497 = vector.broadcast %mul3A_496 : f32 to vector<16xf32>
        %mul3A_498 = arith.mulf %mul3A_497, %add3A_495 : vector<16xf32>
        %sub3A_499 = vector.broadcast %squeeze3A_52 : f32 to vector<16xf32>
        %sub3A_500 = arith.subf %sub3A_499, %mul3A_498 : vector<16xf32>
        %add3A_501 = arith.addf %sub3A_500, %get3A_449 : vector<16xf32>
        %swap3A_502 = arith.constant 2 : i32
        %swap3A_503 = arith.index_cast %swap3A_502 : i32 to index
        %swap3A_504 = arith.index_cast %add3A_441 : i32 to index
        %swap3A_505 = tpu.vector_load %arg11[%swap3A_503, %swap3A_504] {strides = array<i32>} : memref<4x5120xf32, #tpu.memory_space<vmem>>, vector<16xf32>,
        tpu.vector_store %arg11[%swap3A_503, %swap3A_504], %add3A_501 {strides = array<i32>} : memref<4x5120xf32, #tpu.memory_space<vmem>>, vector<16xf32>,
        %min3A_506 = arith.minimumf %min3A_420, %add3A_501 : vector<16xf32>
        %mul3A_507 = vector.broadcast %squeeze3A_59 : f32 to vector<16xf32>
        %mul3A_508 = arith.mulf %mul3A_507, %get3A_443 : vector<16xf32>
        %mul3A_509 = vector.broadcast %squeeze3A_61 : f32 to vector<16xf32>
        %mul3A_510 = arith.mulf %mul3A_509, %get3A_445 : vector<16xf32>
        %add3A_511 = arith.addf %mul3A_508, %mul3A_510 : vector<16xf32>
        %mul3A_512 = vector.broadcast %squeeze3A_63 : f32 to vector<16xf32>
        %mul3A_513 = arith.mulf %mul3A_512, %get3A_447 : vector<16xf32>
        %add3A_514 = arith.addf %add3A_511, %mul3A_513 : vector<16xf32>
        %mul3A_515 = arith.constant 2.000000e+00 : f32
        %mul3A_516 = vector.broadcast %mul3A_515 : f32 to vector<16xf32>
        %mul3A_517 = arith.mulf %mul3A_516, %add3A_514 : vector<16xf32>
        %sub3A_518 = vector.broadcast %squeeze3A_65 : f32 to vector<16xf32>
        %sub3A_519 = arith.subf %sub3A_518, %mul3A_517 : vector<16xf32>
        %add3A_520 = arith.addf %sub3A_519, %get3A_449 : vector<16xf32>
        %swap3A_521 = arith.constant 3 : i32
        %swap3A_522 = arith.index_cast %swap3A_521 : i32 to index
        %swap3A_523 = arith.index_cast %add3A_441 : i32 to index
        %swap3A_524 = tpu.vector_load %arg11[%swap3A_522, %swap3A_523] {strides = array<i32>} : memref<4x5120xf32, #tpu.memory_space<vmem>>, vector<16xf32>,
        tpu.vector_store %arg11[%swap3A_522, %swap3A_523], %add3A_520 {strides = array<i32>} : memref<4x5120xf32, #tpu.memory_space<vmem>>, vector<16xf32>,
        %min3A_525 = arith.minimumf %min3A_439, %add3A_520 : vector<16xf32>
        %add3A_526 = arith.constant 64 : i32
        %add3A_527 = arith.addi %mul3A_187, %add3A_526 : i32
        %get3A_528 = arith.index_cast %add3A_527 : i32 to index
        %get3A_529 = tpu.vector_load %arg5[%get3A_528] {strides = array<i32>} : memref<5120xf32, #tpu.memory_space<vmem>>, vector<16xf32>,
        %get3A_530 = arith.index_cast %add3A_527 : i32 to index
        %get3A_531 = tpu.vector_load %arg6[%get3A_530] {strides = array<i32>} : memref<5120xf32, #tpu.memory_space<vmem>>, vector<16xf32>,
        %get3A_532 = arith.index_cast %add3A_527 : i32 to index
        %get3A_533 = tpu.vector_load %arg7[%get3A_532] {strides = array<i32>} : memref<5120xf32, #tpu.memory_space<vmem>>, vector<16xf32>,
        %get3A_534 = arith.index_cast %add3A_527 : i32 to index
        %get3A_535 = tpu.vector_load %arg8[%get3A_534] {strides = array<i32>} : memref<5120xf32, #tpu.memory_space<vmem>>, vector<16xf32>,
        %mul3A_536 = vector.broadcast %squeeze3A : f32 to vector<16xf32>
        %mul3A_537 = arith.mulf %mul3A_536, %get3A_529 : vector<16xf32>
        %mul3A_538 = vector.broadcast %squeeze3A_22 : f32 to vector<16xf32>
        %mul3A_539 = arith.mulf %mul3A_538, %get3A_531 : vector<16xf32>
        %add3A_540 = arith.addf %mul3A_537, %mul3A_539 : vector<16xf32>
        %mul3A_541 = vector.broadcast %squeeze3A_24 : f32 to vector<16xf32>
        %mul3A_542 = arith.mulf %mul3A_541, %get3A_533 : vector<16xf32>
        %add3A_543 = arith.addf %add3A_540, %mul3A_542 : vector<16xf32>
        %mul3A_544 = arith.constant 2.000000e+00 : f32
        %mul3A_545 = vector.broadcast %mul3A_544 : f32 to vector<16xf32>
        %mul3A_546 = arith.mulf %mul3A_545, %add3A_543 : vector<16xf32>
        %sub3A_547 = vector.broadcast %squeeze3A_26 : f32 to vector<16xf32>
        %sub3A_548 = arith.subf %sub3A_547, %mul3A_546 : vector<16xf32>
        %add3A_549 = arith.addf %sub3A_548, %get3A_535 : vector<16xf32>
        %swap3A_550 = arith.constant 0 : i32
        %swap3A_551 = arith.index_cast %swap3A_550 : i32 to index
        %swap3A_552 = arith.index_cast %add3A_527 : i32 to index
        %swap3A_553 = tpu.vector_load %arg11[%swap3A_551, %swap3A_552] {strides = array<i32>} : memref<4x5120xf32, #tpu.memory_space<vmem>>, vector<16xf32>,
        tpu.vector_store %arg11[%swap3A_551, %swap3A_552], %add3A_549 {strides = array<i32>} : memref<4x5120xf32, #tpu.memory_space<vmem>>, vector<16xf32>,
        %min3A_554 = arith.minimumf %min3A_468, %add3A_549 : vector<16xf32>
        %mul3A_555 = vector.broadcast %squeeze3A_33 : f32 to vector<16xf32>
        %mul3A_556 = arith.mulf %mul3A_555, %get3A_529 : vector<16xf32>
        %mul3A_557 = vector.broadcast %squeeze3A_35 : f32 to vector<16xf32>
        %mul3A_558 = arith.mulf %mul3A_557, %get3A_531 : vector<16xf32>
        %add3A_559 = arith.addf %mul3A_556, %mul3A_558 : vector<16xf32>
        %mul3A_560 = vector.broadcast %squeeze3A_37 : f32 to vector<16xf32>
        %mul3A_561 = arith.mulf %mul3A_560, %get3A_533 : vector<16xf32>
        %add3A_562 = arith.addf %add3A_559, %mul3A_561 : vector<16xf32>
        %mul3A_563 = arith.constant 2.000000e+00 : f32
        %mul3A_564 = vector.broadcast %mul3A_563 : f32 to vector<16xf32>
        %mul3A_565 = arith.mulf %mul3A_564, %add3A_562 : vector<16xf32>
        %sub3A_566 = vector.broadcast %squeeze3A_39 : f32 to vector<16xf32>
        %sub3A_567 = arith.subf %sub3A_566, %mul3A_565 : vector<16xf32>
        %add3A_568 = arith.addf %sub3A_567, %get3A_535 : vector<16xf32>
        %swap3A_569 = arith.constant 1 : i32
        %swap3A_570 = arith.index_cast %swap3A_569 : i32 to index
        %swap3A_571 = arith.index_cast %add3A_527 : i32 to index
        %swap3A_572 = tpu.vector_load %arg11[%swap3A_570, %swap3A_571] {strides = array<i32>} : memref<4x5120xf32, #tpu.memory_space<vmem>>, vector<16xf32>,
        tpu.vector_store %arg11[%swap3A_570, %swap3A_571], %add3A_568 {strides = array<i32>} : memref<4x5120xf32, #tpu.memory_space<vmem>>, vector<16xf32>,
        %min3A_573 = arith.minimumf %min3A_487, %add3A_568 : vector<16xf32>
        %mul3A_574 = vector.broadcast %squeeze3A_46 : f32 to vector<16xf32>
        %mul3A_575 = arith.mulf %mul3A_574, %get3A_529 : vector<16xf32>
        %mul3A_576 = vector.broadcast %squeeze3A_48 : f32 to vector<16xf32>
        %mul3A_577 = arith.mulf %mul3A_576, %get3A_531 : vector<16xf32>
        %add3A_578 = arith.addf %mul3A_575, %mul3A_577 : vector<16xf32>
        %mul3A_579 = vector.broadcast %squeeze3A_50 : f32 to vector<16xf32>
        %mul3A_580 = arith.mulf %mul3A_579, %get3A_533 : vector<16xf32>
        %add3A_581 = arith.addf %add3A_578, %mul3A_580 : vector<16xf32>
        %mul3A_582 = arith.constant 2.000000e+00 : f32
        %mul3A_583 = vector.broadcast %mul3A_582 : f32 to vector<16xf32>
        %mul3A_584 = arith.mulf %mul3A_583, %add3A_581 : vector<16xf32>
        %sub3A_585 = vector.broadcast %squeeze3A_52 : f32 to vector<16xf32>
        %sub3A_586 = arith.subf %sub3A_585, %mul3A_584 : vector<16xf32>
        %add3A_587 = arith.addf %sub3A_586, %get3A_535 : vector<16xf32>
        %swap3A_588 = arith.constant 2 : i32
        %swap3A_589 = arith.index_cast %swap3A_588 : i32 to index
        %swap3A_590 = arith.index_cast %add3A_527 : i32 to index
        %swap3A_591 = tpu.vector_load %arg11[%swap3A_589, %swap3A_590] {strides = array<i32>} : memref<4x5120xf32, #tpu.memory_space<vmem>>, vector<16xf32>,
        tpu.vector_store %arg11[%swap3A_589, %swap3A_590], %add3A_587 {strides = array<i32>} : memref<4x5120xf32, #tpu.memory_space<vmem>>, vector<16xf32>,
        %min3A_592 = arith.minimumf %min3A_506, %add3A_587 : vector<16xf32>
        %mul3A_593 = vector.broadcast %squeeze3A_59 : f32 to vector<16xf32>
        %mul3A_594 = arith.mulf %mul3A_593, %get3A_529 : vector<16xf32>
        %mul3A_595 = vector.broadcast %squeeze3A_61 : f32 to vector<16xf32>
        %mul3A_596 = arith.mulf %mul3A_595, %get3A_531 : vector<16xf32>
        %add3A_597 = arith.addf %mul3A_594, %mul3A_596 : vector<16xf32>
        %mul3A_598 = vector.broadcast %squeeze3A_63 : f32 to vector<16xf32>
        %mul3A_599 = arith.mulf %mul3A_598, %get3A_533 : vector<16xf32>
        %add3A_600 = arith.addf %add3A_597, %mul3A_599 : vector<16xf32>
        %mul3A_601 = arith.constant 2.000000e+00 : f32
        %mul3A_602 = vector.broadcast %mul3A_601 : f32 to vector<16xf32>
        %mul3A_603 = arith.mulf %mul3A_602, %add3A_600 : vector<16xf32>
        %sub3A_604 = vector.broadcast %squeeze3A_65 : f32 to vector<16xf32>
        %sub3A_605 = arith.subf %sub3A_604, %mul3A_603 : vector<16xf32>
        %add3A_606 = arith.addf %sub3A_605, %get3A_535 : vector<16xf32>
        %swap3A_607 = arith.constant 3 : i32
        %swap3A_608 = arith.index_cast %swap3A_607 : i32 to index
        %swap3A_609 = arith.index_cast %add3A_527 : i32 to index
        %swap3A_610 = tpu.vector_load %arg11[%swap3A_608, %swap3A_609] {strides = array<i32>} : memref<4x5120xf32, #tpu.memory_space<vmem>>, vector<16xf32>,
        tpu.vector_store %arg11[%swap3A_608, %swap3A_609], %add3A_606 {strides = array<i32>} : memref<4x5120xf32, #tpu.memory_space<vmem>>, vector<16xf32>,
        %min3A_611 = arith.minimumf %min3A_525, %add3A_606 : vector<16xf32>
        %add3A_612 = arith.constant 80 : i32
        %add3A_613 = arith.addi %mul3A_187, %add3A_612 : i32
        %get3A_614 = arith.index_cast %add3A_613 : i32 to index
        %get3A_615 = tpu.vector_load %arg5[%get3A_614] {strides = array<i32>} : memref<5120xf32, #tpu.memory_space<vmem>>, vector<16xf32>,
        %get3A_616 = arith.index_cast %add3A_613 : i32 to index
        %get3A_617 = tpu.vector_load %arg6[%get3A_616] {strides = array<i32>} : memref<5120xf32, #tpu.memory_space<vmem>>, vector<16xf32>,
        %get3A_618 = arith.index_cast %add3A_613 : i32 to index
        %get3A_619 = tpu.vector_load %arg7[%get3A_618] {strides = array<i32>} : memref<5120xf32, #tpu.memory_space<vmem>>, vector<16xf32>,
        %get3A_620 = arith.index_cast %add3A_613 : i32 to index
        %get3A_621 = tpu.vector_load %arg8[%get3A_620] {strides = array<i32>} : memref<5120xf32, #tpu.memory_space<vmem>>, vector<16xf32>,
        %mul3A_622 = vector.broadcast %squeeze3A : f32 to vector<16xf32>
        %mul3A_623 = arith.mulf %mul3A_622, %get3A_615 : vector<16xf32>
        %mul3A_624 = vector.broadcast %squeeze3A_22 : f32 to vector<16xf32>
        %mul3A_625 = arith.mulf %mul3A_624, %get3A_617 : vector<16xf32>
        %add3A_626 = arith.addf %mul3A_623, %mul3A_625 : vector<16xf32>
        %mul3A_627 = vector.broadcast %squeeze3A_24 : f32 to vector<16xf32>
        %mul3A_628 = arith.mulf %mul3A_627, %get3A_619 : vector<16xf32>
        %add3A_629 = arith.addf %add3A_626, %mul3A_628 : vector<16xf32>
        %mul3A_630 = arith.constant 2.000000e+00 : f32
        %mul3A_631 = vector.broadcast %mul3A_630 : f32 to vector<16xf32>
        %mul3A_632 = arith.mulf %mul3A_631, %add3A_629 : vector<16xf32>
        %sub3A_633 = vector.broadcast %squeeze3A_26 : f32 to vector<16xf32>
        %sub3A_634 = arith.subf %sub3A_633, %mul3A_632 : vector<16xf32>
        %add3A_635 = arith.addf %sub3A_634, %get3A_621 : vector<16xf32>
        %swap3A_636 = arith.constant 0 : i32
        %swap3A_637 = arith.index_cast %swap3A_636 : i32 to index
        %swap3A_638 = arith.index_cast %add3A_613 : i32 to index
        %swap3A_639 = tpu.vector_load %arg11[%swap3A_637, %swap3A_638] {strides = array<i32>} : memref<4x5120xf32, #tpu.memory_space<vmem>>, vector<16xf32>,
        tpu.vector_store %arg11[%swap3A_637, %swap3A_638], %add3A_635 {strides = array<i32>} : memref<4x5120xf32, #tpu.memory_space<vmem>>, vector<16xf32>,
        %min3A_640 = arith.minimumf %min3A_554, %add3A_635 : vector<16xf32>
        %mul3A_641 = vector.broadcast %squeeze3A_33 : f32 to vector<16xf32>
        %mul3A_642 = arith.mulf %mul3A_641, %get3A_615 : vector<16xf32>
        %mul3A_643 = vector.broadcast %squeeze3A_35 : f32 to vector<16xf32>
        %mul3A_644 = arith.mulf %mul3A_643, %get3A_617 : vector<16xf32>
        %add3A_645 = arith.addf %mul3A_642, %mul3A_644 : vector<16xf32>
        %mul3A_646 = vector.broadcast %squeeze3A_37 : f32 to vector<16xf32>
        %mul3A_647 = arith.mulf %mul3A_646, %get3A_619 : vector<16xf32>
        %add3A_648 = arith.addf %add3A_645, %mul3A_647 : vector<16xf32>
        %mul3A_649 = arith.constant 2.000000e+00 : f32
        %mul3A_650 = vector.broadcast %mul3A_649 : f32 to vector<16xf32>
        %mul3A_651 = arith.mulf %mul3A_650, %add3A_648 : vector<16xf32>
        %sub3A_652 = vector.broadcast %squeeze3A_39 : f32 to vector<16xf32>
        %sub3A_653 = arith.subf %sub3A_652, %mul3A_651 : vector<16xf32>
        %add3A_654 = arith.addf %sub3A_653, %get3A_621 : vector<16xf32>
        %swap3A_655 = arith.constant 1 : i32
        %swap3A_656 = arith.index_cast %swap3A_655 : i32 to index
        %swap3A_657 = arith.index_cast %add3A_613 : i32 to index
        %swap3A_658 = tpu.vector_load %arg11[%swap3A_656, %swap3A_657] {strides = array<i32>} : memref<4x5120xf32, #tpu.memory_space<vmem>>, vector<16xf32>,
        tpu.vector_store %arg11[%swap3A_656, %swap3A_657], %add3A_654 {strides = array<i32>} : memref<4x5120xf32, #tpu.memory_space<vmem>>, vector<16xf32>,
        %min3A_659 = arith.minimumf %min3A_573, %add3A_654 : vector<16xf32>
        %mul3A_660 = vector.broadcast %squeeze3A_46 : f32 to vector<16xf32>
        %mul3A_661 = arith.mulf %mul3A_660, %get3A_615 : vector<16xf32>
        %mul3A_662 = vector.broadcast %squeeze3A_48 : f32 to vector<16xf32>
        %mul3A_663 = arith.mulf %mul3A_662, %get3A_617 : vector<16xf32>
        %add3A_664 = arith.addf %mul3A_661, %mul3A_663 : vector<16xf32>
        %mul3A_665 = vector.broadcast %squeeze3A_50 : f32 to vector<16xf32>
        %mul3A_666 = arith.mulf %mul3A_665, %get3A_619 : vector<16xf32>
        %add3A_667 = arith.addf %add3A_664, %mul3A_666 : vector<16xf32>
        %mul3A_668 = arith.constant 2.000000e+00 : f32
        %mul3A_669 = vector.broadcast %mul3A_668 : f32 to vector<16xf32>
        %mul3A_670 = arith.mulf %mul3A_669, %add3A_667 : vector<16xf32>
        %sub3A_671 = vector.broadcast %squeeze3A_52 : f32 to vector<16xf32>
        %sub3A_672 = arith.subf %sub3A_671, %mul3A_670 : vector<16xf32>
        %add3A_673 = arith.addf %sub3A_672, %get3A_621 : vector<16xf32>
        %swap3A_674 = arith.constant 2 : i32
        %swap3A_675 = arith.index_cast %swap3A_674 : i32 to index
        %swap3A_676 = arith.index_cast %add3A_613 : i32 to index
        %swap3A_677 = tpu.vector_load %arg11[%swap3A_675, %swap3A_676] {strides = array<i32>} : memref<4x5120xf32, #tpu.memory_space<vmem>>, vector<16xf32>,
        tpu.vector_store %arg11[%swap3A_675, %swap3A_676], %add3A_673 {strides = array<i32>} : memref<4x5120xf32, #tpu.memory_space<vmem>>, vector<16xf32>,
        %min3A_678 = arith.minimumf %min3A_592, %add3A_673 : vector<16xf32>
        %mul3A_679 = vector.broadcast %squeeze3A_59 : f32 to vector<16xf32>
        %mul3A_680 = arith.mulf %mul3A_679, %get3A_615 : vector<16xf32>
        %mul3A_681 = vector.broadcast %squeeze3A_61 : f32 to vector<16xf32>
        %mul3A_682 = arith.mulf %mul3A_681, %get3A_617 : vector<16xf32>
        %add3A_683 = arith.addf %mul3A_680, %mul3A_682 : vector<16xf32>
        %mul3A_684 = vector.broadcast %squeeze3A_63 : f32 to vector<16xf32>
        %mul3A_685 = arith.mulf %mul3A_684, %get3A_619 : vector<16xf32>
        %add3A_686 = arith.addf %add3A_683, %mul3A_685 : vector<16xf32>
        %mul3A_687 = arith.constant 2.000000e+00 : f32
        %mul3A_688 = vector.broadcast %mul3A_687 : f32 to vector<16xf32>
        %mul3A_689 = arith.mulf %mul3A_688, %add3A_686 : vector<16xf32>
        %sub3A_690 = vector.broadcast %squeeze3A_65 : f32 to vector<16xf32>
        %sub3A_691 = arith.subf %sub3A_690, %mul3A_689 : vector<16xf32>
        %add3A_692 = arith.addf %sub3A_691, %get3A_621 : vector<16xf32>
        %swap3A_693 = arith.constant 3 : i32
        %swap3A_694 = arith.index_cast %swap3A_693 : i32 to index
        %swap3A_695 = arith.index_cast %add3A_613 : i32 to index
        %swap3A_696 = tpu.vector_load %arg11[%swap3A_694, %swap3A_695] {strides = array<i32>} : memref<4x5120xf32, #tpu.memory_space<vmem>>, vector<16xf32>,
        tpu.vector_store %arg11[%swap3A_694, %swap3A_695], %add3A_692 {strides = array<i32>} : memref<4x5120xf32, #tpu.memory_space<vmem>>, vector<16xf32>,
        %min3A_697 = arith.minimumf %min3A_611, %add3A_692 : vector<16xf32>
        %add3A_698 = arith.constant 96 : i32
        %add3A_699 = arith.addi %mul3A_187, %add3A_698 : i32
        %get3A_700 = arith.index_cast %add3A_699 : i32 to index
        %get3A_701 = tpu.vector_load %arg5[%get3A_700] {strides = array<i32>} : memref<5120xf32, #tpu.memory_space<vmem>>, vector<16xf32>,
        %get3A_702 = arith.index_cast %add3A_699 : i32 to index
        %get3A_703 = tpu.vector_load %arg6[%get3A_702] {strides = array<i32>} : memref<5120xf32, #tpu.memory_space<vmem>>, vector<16xf32>,
        %get3A_704 = arith.index_cast %add3A_699 : i32 to index
        %get3A_705 = tpu.vector_load %arg7[%get3A_704] {strides = array<i32>} : memref<5120xf32, #tpu.memory_space<vmem>>, vector<16xf32>,
        %get3A_706 = arith.index_cast %add3A_699 : i32 to index
        %get3A_707 = tpu.vector_load %arg8[%get3A_706] {strides = array<i32>} : memref<5120xf32, #tpu.memory_space<vmem>>, vector<16xf32>,
        %mul3A_708 = vector.broadcast %squeeze3A : f32 to vector<16xf32>
        %mul3A_709 = arith.mulf %mul3A_708, %get3A_701 : vector<16xf32>
        %mul3A_710 = vector.broadcast %squeeze3A_22 : f32 to vector<16xf32>
        %mul3A_711 = arith.mulf %mul3A_710, %get3A_703 : vector<16xf32>
        %add3A_712 = arith.addf %mul3A_709, %mul3A_711 : vector<16xf32>
        %mul3A_713 = vector.broadcast %squeeze3A_24 : f32 to vector<16xf32>
        %mul3A_714 = arith.mulf %mul3A_713, %get3A_705 : vector<16xf32>
        %add3A_715 = arith.addf %add3A_712, %mul3A_714 : vector<16xf32>
        %mul3A_716 = arith.constant 2.000000e+00 : f32
        %mul3A_717 = vector.broadcast %mul3A_716 : f32 to vector<16xf32>
        %mul3A_718 = arith.mulf %mul3A_717, %add3A_715 : vector<16xf32>
        %sub3A_719 = vector.broadcast %squeeze3A_26 : f32 to vector<16xf32>
        %sub3A_720 = arith.subf %sub3A_719, %mul3A_718 : vector<16xf32>
        %add3A_721 = arith.addf %sub3A_720, %get3A_707 : vector<16xf32>
        %swap3A_722 = arith.constant 0 : i32
        %swap3A_723 = arith.index_cast %swap3A_722 : i32 to index
        %swap3A_724 = arith.index_cast %add3A_699 : i32 to index
        %swap3A_725 = tpu.vector_load %arg11[%swap3A_723, %swap3A_724] {strides = array<i32>} : memref<4x5120xf32, #tpu.memory_space<vmem>>, vector<16xf32>,
        tpu.vector_store %arg11[%swap3A_723, %swap3A_724], %add3A_721 {strides = array<i32>} : memref<4x5120xf32, #tpu.memory_space<vmem>>, vector<16xf32>,
        %min3A_726 = arith.minimumf %min3A_640, %add3A_721 : vector<16xf32>
        %mul3A_727 = vector.broadcast %squeeze3A_33 : f32 to vector<16xf32>
        %mul3A_728 = arith.mulf %mul3A_727, %get3A_701 : vector<16xf32>
        %mul3A_729 = vector.broadcast %squeeze3A_35 : f32 to vector<16xf32>
        %mul3A_730 = arith.mulf %mul3A_729, %get3A_703 : vector<16xf32>
        %add3A_731 = arith.addf %mul3A_728, %mul3A_730 : vector<16xf32>
        %mul3A_732 = vector.broadcast %squeeze3A_37 : f32 to vector<16xf32>
        %mul3A_733 = arith.mulf %mul3A_732, %get3A_705 : vector<16xf32>
        %add3A_734 = arith.addf %add3A_731, %mul3A_733 : vector<16xf32>
        %mul3A_735 = arith.constant 2.000000e+00 : f32
        %mul3A_736 = vector.broadcast %mul3A_735 : f32 to vector<16xf32>
        %mul3A_737 = arith.mulf %mul3A_736, %add3A_734 : vector<16xf32>
        %sub3A_738 = vector.broadcast %squeeze3A_39 : f32 to vector<16xf32>
        %sub3A_739 = arith.subf %sub3A_738, %mul3A_737 : vector<16xf32>
        %add3A_740 = arith.addf %sub3A_739, %get3A_707 : vector<16xf32>
        %swap3A_741 = arith.constant 1 : i32
        %swap3A_742 = arith.index_cast %swap3A_741 : i32 to index
        %swap3A_743 = arith.index_cast %add3A_699 : i32 to index
        %swap3A_744 = tpu.vector_load %arg11[%swap3A_742, %swap3A_743] {strides = array<i32>} : memref<4x5120xf32, #tpu.memory_space<vmem>>, vector<16xf32>,
        tpu.vector_store %arg11[%swap3A_742, %swap3A_743], %add3A_740 {strides = array<i32>} : memref<4x5120xf32, #tpu.memory_space<vmem>>, vector<16xf32>,
        %min3A_745 = arith.minimumf %min3A_659, %add3A_740 : vector<16xf32>
        %mul3A_746 = vector.broadcast %squeeze3A_46 : f32 to vector<16xf32>
        %mul3A_747 = arith.mulf %mul3A_746, %get3A_701 : vector<16xf32>
        %mul3A_748 = vector.broadcast %squeeze3A_48 : f32 to vector<16xf32>
        %mul3A_749 = arith.mulf %mul3A_748, %get3A_703 : vector<16xf32>
        %add3A_750 = arith.addf %mul3A_747, %mul3A_749 : vector<16xf32>
        %mul3A_751 = vector.broadcast %squeeze3A_50 : f32 to vector<16xf32>
        %mul3A_752 = arith.mulf %mul3A_751, %get3A_705 : vector<16xf32>
        %add3A_753 = arith.addf %add3A_750, %mul3A_752 : vector<16xf32>
        %mul3A_754 = arith.constant 2.000000e+00 : f32
        %mul3A_755 = vector.broadcast %mul3A_754 : f32 to vector<16xf32>
        %mul3A_756 = arith.mulf %mul3A_755, %add3A_753 : vector<16xf32>
        %sub3A_757 = vector.broadcast %squeeze3A_52 : f32 to vector<16xf32>
        %sub3A_758 = arith.subf %sub3A_757, %mul3A_756 : vector<16xf32>
        %add3A_759 = arith.addf %sub3A_758, %get3A_707 : vector<16xf32>
        %swap3A_760 = arith.constant 2 : i32
        %swap3A_761 = arith.index_cast %swap3A_760 : i32 to index
        %swap3A_762 = arith.index_cast %add3A_699 : i32 to index
        %swap3A_763 = tpu.vector_load %arg11[%swap3A_761, %swap3A_762] {strides = array<i32>} : memref<4x5120xf32, #tpu.memory_space<vmem>>, vector<16xf32>,
        tpu.vector_store %arg11[%swap3A_761, %swap3A_762], %add3A_759 {strides = array<i32>} : memref<4x5120xf32, #tpu.memory_space<vmem>>, vector<16xf32>,
        %min3A_764 = arith.minimumf %min3A_678, %add3A_759 : vector<16xf32>
        %mul3A_765 = vector.broadcast %squeeze3A_59 : f32 to vector<16xf32>
        %mul3A_766 = arith.mulf %mul3A_765, %get3A_701 : vector<16xf32>
        %mul3A_767 = vector.broadcast %squeeze3A_61 : f32 to vector<16xf32>
        %mul3A_768 = arith.mulf %mul3A_767, %get3A_703 : vector<16xf32>
        %add3A_769 = arith.addf %mul3A_766, %mul3A_768 : vector<16xf32>
        %mul3A_770 = vector.broadcast %squeeze3A_63 : f32 to vector<16xf32>
        %mul3A_771 = arith.mulf %mul3A_770, %get3A_705 : vector<16xf32>
        %add3A_772 = arith.addf %add3A_769, %mul3A_771 : vector<16xf32>
        %mul3A_773 = arith.constant 2.000000e+00 : f32
        %mul3A_774 = vector.broadcast %mul3A_773 : f32 to vector<16xf32>
        %mul3A_775 = arith.mulf %mul3A_774, %add3A_772 : vector<16xf32>
        %sub3A_776 = vector.broadcast %squeeze3A_65 : f32 to vector<16xf32>
        %sub3A_777 = arith.subf %sub3A_776, %mul3A_775 : vector<16xf32>
        %add3A_778 = arith.addf %sub3A_777, %get3A_707 : vector<16xf32>
        %swap3A_779 = arith.constant 3 : i32
        %swap3A_780 = arith.index_cast %swap3A_779 : i32 to index
        %swap3A_781 = arith.index_cast %add3A_699 : i32 to index
        %swap3A_782 = tpu.vector_load %arg11[%swap3A_780, %swap3A_781] {strides = array<i32>} : memref<4x5120xf32, #tpu.memory_space<vmem>>, vector<16xf32>,
        tpu.vector_store %arg11[%swap3A_780, %swap3A_781], %add3A_778 {strides = array<i32>} : memref<4x5120xf32, #tpu.memory_space<vmem>>, vector<16xf32>,
        %min3A_783 = arith.minimumf %min3A_697, %add3A_778 : vector<16xf32>
        %add3A_784 = arith.constant 112 : i32
        %add3A_785 = arith.addi %mul3A_187, %add3A_784 : i32
        %get3A_786 = arith.index_cast %add3A_785 : i32 to index
        %get3A_787 = tpu.vector_load %arg5[%get3A_786] {strides = array<i32>} : memref<5120xf32, #tpu.memory_space<vmem>>, vector<16xf32>,
        %get3A_788 = arith.index_cast %add3A_785 : i32 to index
        %get3A_789 = tpu.vector_load %arg6[%get3A_788] {strides = array<i32>} : memref<5120xf32, #tpu.memory_space<vmem>>, vector<16xf32>,
        %get3A_790 = arith.index_cast %add3A_785 : i32 to index
        %get3A_791 = tpu.vector_load %arg7[%get3A_790] {strides = array<i32>} : memref<5120xf32, #tpu.memory_space<vmem>>, vector<16xf32>,
        %get3A_792 = arith.index_cast %add3A_785 : i32 to index
        %get3A_793 = tpu.vector_load %arg8[%get3A_792] {strides = array<i32>} : memref<5120xf32, #tpu.memory_space<vmem>>, vector<16xf32>,
        %mul3A_794 = vector.broadcast %squeeze3A : f32 to vector<16xf32>
        %mul3A_795 = arith.mulf %mul3A_794, %get3A_787 : vector<16xf32>
        %mul3A_796 = vector.broadcast %squeeze3A_22 : f32 to vector<16xf32>
        %mul3A_797 = arith.mulf %mul3A_796, %get3A_789 : vector<16xf32>
        %add3A_798 = arith.addf %mul3A_795, %mul3A_797 : vector<16xf32>
        %mul3A_799 = vector.broadcast %squeeze3A_24 : f32 to vector<16xf32>
        %mul3A_800 = arith.mulf %mul3A_799, %get3A_791 : vector<16xf32>
        %add3A_801 = arith.addf %add3A_798, %mul3A_800 : vector<16xf32>
        %mul3A_802 = arith.constant 2.000000e+00 : f32
        %mul3A_803 = vector.broadcast %mul3A_802 : f32 to vector<16xf32>
        %mul3A_804 = arith.mulf %mul3A_803, %add3A_801 : vector<16xf32>
        %sub3A_805 = vector.broadcast %squeeze3A_26 : f32 to vector<16xf32>
        %sub3A_806 = arith.subf %sub3A_805, %mul3A_804 : vector<16xf32>
        %add3A_807 = arith.addf %sub3A_806, %get3A_793 : vector<16xf32>
        %swap3A_808 = arith.constant 0 : i32
        %swap3A_809 = arith.index_cast %swap3A_808 : i32 to index
        %swap3A_810 = arith.index_cast %add3A_785 : i32 to index
        %swap3A_811 = tpu.vector_load %arg11[%swap3A_809, %swap3A_810] {strides = array<i32>} : memref<4x5120xf32, #tpu.memory_space<vmem>>, vector<16xf32>,
        tpu.vector_store %arg11[%swap3A_809, %swap3A_810], %add3A_807 {strides = array<i32>} : memref<4x5120xf32, #tpu.memory_space<vmem>>, vector<16xf32>,
        %min3A_812 = arith.minimumf %min3A_726, %add3A_807 : vector<16xf32>
        %mul3A_813 = vector.broadcast %squeeze3A_33 : f32 to vector<16xf32>
        %mul3A_814 = arith.mulf %mul3A_813, %get3A_787 : vector<16xf32>
        %mul3A_815 = vector.broadcast %squeeze3A_35 : f32 to vector<16xf32>
        %mul3A_816 = arith.mulf %mul3A_815, %get3A_789 : vector<16xf32>
        %add3A_817 = arith.addf %mul3A_814, %mul3A_816 : vector<16xf32>
        %mul3A_818 = vector.broadcast %squeeze3A_37 : f32 to vector<16xf32>
        %mul3A_819 = arith.mulf %mul3A_818, %get3A_791 : vector<16xf32>
        %add3A_820 = arith.addf %add3A_817, %mul3A_819 : vector<16xf32>
        %mul3A_821 = arith.constant 2.000000e+00 : f32
        %mul3A_822 = vector.broadcast %mul3A_821 : f32 to vector<16xf32>
        %mul3A_823 = arith.mulf %mul3A_822, %add3A_820 : vector<16xf32>
        %sub3A_824 = vector.broadcast %squeeze3A_39 : f32 to vector<16xf32>
        %sub3A_825 = arith.subf %sub3A_824, %mul3A_823 : vector<16xf32>
        %add3A_826 = arith.addf %sub3A_825, %get3A_793 : vector<16xf32>
        %swap3A_827 = arith.constant 1 : i32
        %swap3A_828 = arith.index_cast %swap3A_827 : i32 to index
        %swap3A_829 = arith.index_cast %add3A_785 : i32 to index
        %swap3A_830 = tpu.vector_load %arg11[%swap3A_828, %swap3A_829] {strides = array<i32>} : memref<4x5120xf32, #tpu.memory_space<vmem>>, vector<16xf32>,
        tpu.vector_store %arg11[%swap3A_828, %swap3A_829], %add3A_826 {strides = array<i32>} : memref<4x5120xf32, #tpu.memory_space<vmem>>, vector<16xf32>,
        %min3A_831 = arith.minimumf %min3A_745, %add3A_826 : vector<16xf32>
        %mul3A_832 = vector.broadcast %squeeze3A_46 : f32 to vector<16xf32>
        %mul3A_833 = arith.mulf %mul3A_832, %get3A_787 : vector<16xf32>
        %mul3A_834 = vector.broadcast %squeeze3A_48 : f32 to vector<16xf32>
        %mul3A_835 = arith.mulf %mul3A_834, %get3A_789 : vector<16xf32>
        %add3A_836 = arith.addf %mul3A_833, %mul3A_835 : vector<16xf32>
        %mul3A_837 = vector.broadcast %squeeze3A_50 : f32 to vector<16xf32>
        %mul3A_838 = arith.mulf %mul3A_837, %get3A_791 : vector<16xf32>
        %add3A_839 = arith.addf %add3A_836, %mul3A_838 : vector<16xf32>
        %mul3A_840 = arith.constant 2.000000e+00 : f32
        %mul3A_841 = vector.broadcast %mul3A_840 : f32 to vector<16xf32>
        %mul3A_842 = arith.mulf %mul3A_841, %add3A_839 : vector<16xf32>
        %sub3A_843 = vector.broadcast %squeeze3A_52 : f32 to vector<16xf32>
        %sub3A_844 = arith.subf %sub3A_843, %mul3A_842 : vector<16xf32>
        %add3A_845 = arith.addf %sub3A_844, %get3A_793 : vector<16xf32>
        %swap3A_846 = arith.constant 2 : i32
        %swap3A_847 = arith.index_cast %swap3A_846 : i32 to index
        %swap3A_848 = arith.index_cast %add3A_785 : i32 to index
        %swap3A_849 = tpu.vector_load %arg11[%swap3A_847, %swap3A_848] {strides = array<i32>} : memref<4x5120xf32, #tpu.memory_space<vmem>>, vector<16xf32>,
        tpu.vector_store %arg11[%swap3A_847, %swap3A_848], %add3A_845 {strides = array<i32>} : memref<4x5120xf32, #tpu.memory_space<vmem>>, vector<16xf32>,
        %min3A_850 = arith.minimumf %min3A_764, %add3A_845 : vector<16xf32>
        %mul3A_851 = vector.broadcast %squeeze3A_59 : f32 to vector<16xf32>
        %mul3A_852 = arith.mulf %mul3A_851, %get3A_787 : vector<16xf32>
        %mul3A_853 = vector.broadcast %squeeze3A_61 : f32 to vector<16xf32>
        %mul3A_854 = arith.mulf %mul3A_853, %get3A_789 : vector<16xf32>
        %add3A_855 = arith.addf %mul3A_852, %mul3A_854 : vector<16xf32>
        %mul3A_856 = vector.broadcast %squeeze3A_63 : f32 to vector<16xf32>
        %mul3A_857 = arith.mulf %mul3A_856, %get3A_791 : vector<16xf32>
        %add3A_858 = arith.addf %add3A_855, %mul3A_857 : vector<16xf32>
        %mul3A_859 = arith.constant 2.000000e+00 : f32
        %mul3A_860 = vector.broadcast %mul3A_859 : f32 to vector<16xf32>
        %mul3A_861 = arith.mulf %mul3A_860, %add3A_858 : vector<16xf32>
        %sub3A_862 = vector.broadcast %squeeze3A_65 : f32 to vector<16xf32>
        %sub3A_863 = arith.subf %sub3A_862, %mul3A_861 : vector<16xf32>
        %add3A_864 = arith.addf %sub3A_863, %get3A_793 : vector<16xf32>
        %swap3A_865 = arith.constant 3 : i32
        %swap3A_866 = arith.index_cast %swap3A_865 : i32 to index
        %swap3A_867 = arith.index_cast %add3A_785 : i32 to index
        %swap3A_868 = tpu.vector_load %arg11[%swap3A_866, %swap3A_867] {strides = array<i32>} : memref<4x5120xf32, #tpu.memory_space<vmem>>, vector<16xf32>,
        tpu.vector_store %arg11[%swap3A_866, %swap3A_867], %add3A_864 {strides = array<i32>} : memref<4x5120xf32, #tpu.memory_space<vmem>>, vector<16xf32>,
        %min3A_869 = arith.minimumf %min3A_783, %add3A_864 : vector<16xf32>
        %mul3A_870 = arith.constant 16 : i32
        %mul3A_871 = arith.muli %scan3A_181, %mul3A_870 : i32
        %swap3A_872 = arith.constant 0 : i32
        %swap3A_873 = arith.index_cast %swap3A_872 : i32 to index
        %swap3A_874 = arith.index_cast %mul3A_871 : i32 to index
        %swap3A_875 = tpu.vector_load %arg12[%swap3A_873, %swap3A_874] {strides = array<i32>} : memref<4x640xf32, #tpu.memory_space<vmem>>, vector<16xf32>,
        tpu.vector_store %arg12[%swap3A_873, %swap3A_874], %min3A_812 {strides = array<i32>} : memref<4x640xf32, #tpu.memory_space<vmem>>, vector<16xf32>,
        %min3A_876 = arith.minimumf %scan3A_182, %min3A_812 : vector<16xf32>
        %mul3A_877 = arith.constant 16 : i32
        %mul3A_878 = arith.muli %scan3A_181, %mul3A_877 : i32
        %swap3A_879 = arith.constant 1 : i32
        %swap3A_880 = arith.index_cast %swap3A_879 : i32 to index
        %swap3A_881 = arith.index_cast %mul3A_878 : i32 to index
        %swap3A_882 = tpu.vector_load %arg12[%swap3A_880, %swap3A_881] {strides = array<i32>} : memref<4x640xf32, #tpu.memory_space<vmem>>, vector<16xf32>,
        tpu.vector_store %arg12[%swap3A_880, %swap3A_881], %min3A_831 {strides = array<i32>} : memref<4x640xf32, #tpu.memory_space<vmem>>, vector<16xf32>,
        %min3A_883 = arith.minimumf %scan3A_183, %min3A_831 : vector<16xf32>
        %mul3A_884 = arith.constant 16 : i32
        %mul3A_885 = arith.muli %scan3A_181, %mul3A_884 : i32
        %swap3A_886 = arith.constant 2 : i32
        %swap3A_887 = arith.index_cast %swap3A_886 : i32 to index
        %swap3A_888 = arith.index_cast %mul3A_885 : i32 to index
        %swap3A_889 = tpu.vector_load %arg12[%swap3A_887, %swap3A_888] {strides = array<i32>} : memref<4x640xf32, #tpu.memory_space<vmem>>, vector<16xf32>,
        tpu.vector_store %arg12[%swap3A_887, %swap3A_888], %min3A_850 {strides = array<i32>} : memref<4x640xf32, #tpu.memory_space<vmem>>, vector<16xf32>,
        %min3A_890 = arith.minimumf %scan3A_184, %min3A_850 : vector<16xf32>
        %mul3A_891 = arith.constant 16 : i32
        %mul3A_892 = arith.muli %scan3A_181, %mul3A_891 : i32
        %swap3A_893 = arith.constant 3 : i32
        %swap3A_894 = arith.index_cast %swap3A_893 : i32 to index
        %swap3A_895 = arith.index_cast %mul3A_892 : i32 to index
        %swap3A_896 = tpu.vector_load %arg12[%swap3A_894, %swap3A_895] {strides = array<i32>} : memref<4x640xf32, #tpu.memory_space<vmem>>, vector<16xf32>,
        tpu.vector_store %arg12[%swap3A_894, %swap3A_895], %min3A_869 {strides = array<i32>} : memref<4x640xf32, #tpu.memory_space<vmem>>, vector<16xf32>,
        %min3A_897 = arith.minimumf %scan3A_185, %min3A_869 : vector<16xf32>
        scf.yield %min3A_876, %min3A_883, %min3A_890, %min3A_897 : vector<16xf32>, vector<16xf32>, vector<16xf32>, vector<16xf32>
      }
      %scan3A_71 = arith.constant 40 : i32
      %masked_sort3A = arith.constant dense<true> : vector<16xi1>
      %masked_sort3A_72, %masked_sort3A_73, %masked_sort3A_74 = tpu.sort %scan3A_70#0, %iota3A masked %masked_sort3A : (vector<16xf32>, vector<16xi32>, vector<16xi1>) -> (vector<16xi1>, vector<16xf32>, vector<16xi32>)
      %slice3A_75 = vector.extract_strided_slice %masked_sort3A_73 {offsets = [8], sizes = [1], strides = [1]} : vector<16xf32> to vector<1xf32>
      %squeeze3A_76 = vector.extract %slice3A_75[0] : f32 from vector<1xf32>
      %broadcast_in_dim3A_77 = vector.broadcast %squeeze3A_76 : f32 to vector<16xf32>
      %swap3A = arith.constant 0 : i32
      %swap3A_78 = arith.index_cast %swap3A : i32 to index
      %swap3A_79 = arith.constant 0 : index
      %swap3A_80 = tpu.vector_load %arg13[%swap3A_78, %swap3A_79] {strides = array<i32>} : memref<4x16xf32, #tpu.memory_space<vmem>>, vector<16xf32>,
      tpu.vector_store %arg13[%swap3A_78, %swap3A_79], %broadcast_in_dim3A_6 {strides = array<i32>} : memref<4x16xf32, #tpu.memory_space<vmem>>, vector<16xf32>,
      %broadcast_in_dim3A_81 = arith.constant 0 : i32
      %broadcast_in_dim3A_82 = vector.broadcast %broadcast_in_dim3A_81 : i32 to vector<16xi32>
      %swap3A_83 = arith.constant 0 : i32
      %swap3A_84 = arith.index_cast %swap3A_83 : i32 to index
      %swap3A_85 = arith.constant 0 : index
      %swap3A_86 = tpu.vector_load %arg14[%swap3A_84, %swap3A_85] {strides = array<i32>} : memref<4x16xi32, #tpu.memory_space<vmem>>, vector<16xi32>,
      tpu.vector_store %arg14[%swap3A_84, %swap3A_85], %broadcast_in_dim3A_82 {strides = array<i32>} : memref<4x16xi32, #tpu.memory_space<vmem>>, vector<16xi32>,
      %masked_sort3A_87 = arith.constant dense<true> : vector<16xi1>
      %masked_sort3A_88, %masked_sort3A_89, %masked_sort3A_90 = tpu.sort %scan3A_70#1, %iota3A masked %masked_sort3A_87 : (vector<16xf32>, vector<16xi32>, vector<16xi1>) -> (vector<16xi1>, vector<16xf32>, vector<16xi32>)
      %slice3A_91 = vector.extract_strided_slice %masked_sort3A_89 {offsets = [8], sizes = [1], strides = [1]} : vector<16xf32> to vector<1xf32>
      %squeeze3A_92 = vector.extract %slice3A_91[0] : f32 from vector<1xf32>
      %broadcast_in_dim3A_93 = vector.broadcast %squeeze3A_92 : f32 to vector<16xf32>
      %swap3A_94 = arith.constant 1 : i32
      %swap3A_95 = arith.index_cast %swap3A_94 : i32 to index
      %swap3A_96 = arith.constant 0 : index
      %swap3A_97 = tpu.vector_load %arg13[%swap3A_95, %swap3A_96] {strides = array<i32>} : memref<4x16xf32, #tpu.memory_space<vmem>>, vector<16xf32>,
      tpu.vector_store %arg13[%swap3A_95, %swap3A_96], %broadcast_in_dim3A_6 {strides = array<i32>} : memref<4x16xf32, #tpu.memory_space<vmem>>, vector<16xf32>,
      %broadcast_in_dim3A_98 = arith.constant 0 : i32
      %broadcast_in_dim3A_99 = vector.broadcast %broadcast_in_dim3A_98 : i32 to vector<16xi32>
      %swap3A_100 = arith.constant 1 : i32
      %swap3A_101 = arith.index_cast %swap3A_100 : i32 to index
      %swap3A_102 = arith.constant 0 : index
      %swap3A_103 = tpu.vector_load %arg14[%swap3A_101, %swap3A_102] {strides = array<i32>} : memref<4x16xi32, #tpu.memory_space<vmem>>, vector<16xi32>,
      tpu.vector_store %arg14[%swap3A_101, %swap3A_102], %broadcast_in_dim3A_99 {strides = array<i32>} : memref<4x16xi32, #tpu.memory_space<vmem>>, vector<16xi32>,
      %masked_sort3A_104 = arith.constant dense<true> : vector<16xi1>
      %masked_sort3A_105, %masked_sort3A_106, %masked_sort3A_107 = tpu.sort %scan3A_70#2, %iota3A masked %masked_sort3A_104 : (vector<16xf32>, vector<16xi32>, vector<16xi1>) -> (vector<16xi1>, vector<16xf32>, vector<16xi32>)
      %slice3A_108 = vector.extract_strided_slice %masked_sort3A_106 {offsets = [8], sizes = [1], strides = [1]} : vector<16xf32> to vector<1xf32>
      %squeeze3A_109 = vector.extract %slice3A_108[0] : f32 from vector<1xf32>
      %broadcast_in_dim3A_110 = vector.broadcast %squeeze3A_109 : f32 to vector<16xf32>
      %swap3A_111 = arith.constant 2 : i32
      %swap3A_112 = arith.index_cast %swap3A_111 : i32 to index
      %swap3A_113 = arith.constant 0 : index
      %swap3A_114 = tpu.vector_load %arg13[%swap3A_112, %swap3A_113] {strides = array<i32>} : memref<4x16xf32, #tpu.memory_space<vmem>>, vector<16xf32>,
      tpu.vector_store %arg13[%swap3A_112, %swap3A_113], %broadcast_in_dim3A_6 {strides = array<i32>} : memref<4x16xf32, #tpu.memory_space<vmem>>, vector<16xf32>,
      %broadcast_in_dim3A_115 = arith.constant 0 : i32
      %broadcast_in_dim3A_116 = vector.broadcast %broadcast_in_dim3A_115 : i32 to vector<16xi32>
      %swap3A_117 = arith.constant 2 : i32
      %swap3A_118 = arith.index_cast %swap3A_117 : i32 to index
      %swap3A_119 = arith.constant 0 : index
      %swap3A_120 = tpu.vector_load %arg14[%swap3A_118, %swap3A_119] {strides = array<i32>} : memref<4x16xi32, #tpu.memory_space<vmem>>, vector<16xi32>,
      tpu.vector_store %arg14[%swap3A_118, %swap3A_119], %broadcast_in_dim3A_116 {strides = array<i32>} : memref<4x16xi32, #tpu.memory_space<vmem>>, vector<16xi32>,
      %masked_sort3A_121 = arith.constant dense<true> : vector<16xi1>
      %masked_sort3A_122, %masked_sort3A_123, %masked_sort3A_124 = tpu.sort %scan3A_70#3, %iota3A masked %masked_sort3A_121 : (vector<16xf32>, vector<16xi32>, vector<16xi1>) -> (vector<16xi1>, vector<16xf32>, vector<16xi32>)
      %slice3A_125 = vector.extract_strided_slice %masked_sort3A_123 {offsets = [8], sizes = [1], strides = [1]} : vector<16xf32> to vector<1xf32>
      %squeeze3A_126 = vector.extract %slice3A_125[0] : f32 from vector<1xf32>
      %broadcast_in_dim3A_127 = vector.broadcast %squeeze3A_126 : f32 to vector<16xf32>
      %swap3A_128 = arith.constant 3 : i32
      %swap3A_129 = arith.index_cast %swap3A_128 : i32 to index
      %swap3A_130 = arith.constant 0 : index
      %swap3A_131 = tpu.vector_load %arg13[%swap3A_129, %swap3A_130] {strides = array<i32>} : memref<4x16xf32, #tpu.memory_space<vmem>>, vector<16xf32>,
      tpu.vector_store %arg13[%swap3A_129, %swap3A_130], %broadcast_in_dim3A_6 {strides = array<i32>} : memref<4x16xf32, #tpu.memory_space<vmem>>, vector<16xf32>,
      %broadcast_in_dim3A_132 = arith.constant 0 : i32
      %broadcast_in_dim3A_133 = vector.broadcast %broadcast_in_dim3A_132 : i32 to vector<16xi32>
      %swap3A_134 = arith.constant 3 : i32
      %swap3A_135 = arith.index_cast %swap3A_134 : i32 to index
      %swap3A_136 = arith.constant 0 : index
      %swap3A_137 = tpu.vector_load %arg14[%swap3A_135, %swap3A_136] {strides = array<i32>} : memref<4x16xi32, #tpu.memory_space<vmem>>, vector<16xi32>,
      tpu.vector_store %arg14[%swap3A_135, %swap3A_136], %broadcast_in_dim3A_133 {strides = array<i32>} : memref<4x16xi32, #tpu.memory_space<vmem>>, vector<16xi32>,
      %scan3A_138 = arith.constant 0 : i32
      %scan3A_139 = arith.constant 0 : i32
      %scan3A_140 = arith.constant 40 : i32
      %scan3A_141 = arith.addi %scan3A_139, %scan3A_140 : i32
      %scan3A_142 = arith.constant 1 : i32
      scf.for %scan3A_181 = %scan3A_139 to %scan3A_141 step %scan3A_142  : i32 {
        %mul3A_182 = arith.constant 128 : i32
        %mul3A_183 = arith.muli %scan3A_181, %mul3A_182 : i32
        %mul3A_184 = arith.constant 16 : i32
        %mul3A_185 = arith.muli %scan3A_181, %mul3A_184 : i32
        %get3A_186 = arith.constant 0 : i32
        %get3A_187 = arith.index_cast %get3A_186 : i32 to index
        %get3A_188 = arith.index_cast %mul3A_185 : i32 to index
        %get3A_189 = tpu.vector_load %arg12[%get3A_187, %get3A_188] {strides = array<i32>} : memref<4x640xf32, #tpu.memory_space<vmem>>, vector<16xf32>,
        %mul3A_190 = arith.constant 16 : i32
        %mul3A_191 = arith.muli %scan3A_181, %mul3A_190 : i32
        %get3A_192 = arith.constant 1 : i32
        %get3A_193 = arith.index_cast %get3A_192 : i32 to index
        %get3A_194 = arith.index_cast %mul3A_191 : i32 to index
        %get3A_195 = tpu.vector_load %arg12[%get3A_193, %get3A_194] {strides = array<i32>} : memref<4x640xf32, #tpu.memory_space<vmem>>, vector<16xf32>,
        %mul3A_196 = arith.constant 16 : i32
        %mul3A_197 = arith.muli %scan3A_181, %mul3A_196 : i32
        %get3A_198 = arith.constant 2 : i32
        %get3A_199 = arith.index_cast %get3A_198 : i32 to index
        %get3A_200 = arith.index_cast %mul3A_197 : i32 to index
        %get3A_201 = tpu.vector_load %arg12[%get3A_199, %get3A_200] {strides = array<i32>} : memref<4x640xf32, #tpu.memory_space<vmem>>, vector<16xf32>,
        %mul3A_202 = arith.constant 16 : i32
        %mul3A_203 = arith.muli %scan3A_181, %mul3A_202 : i32
        %get3A_204 = arith.constant 3 : i32
        %get3A_205 = arith.index_cast %get3A_204 : i32 to index
        %get3A_206 = arith.index_cast %mul3A_203 : i32 to index
        %get3A_207 = tpu.vector_load %arg12[%get3A_205, %get3A_206] {strides = array<i32>} : memref<4x640xf32, #tpu.memory_space<vmem>>, vector<16xf32>,
        %sub3A = arith.subf %get3A_189, %broadcast_in_dim3A_77 : vector<16xf32>
        %sub3A_208 = arith.subf %get3A_195, %broadcast_in_dim3A_93 : vector<16xf32>
        %min3A = arith.minimumf %sub3A, %sub3A_208 : vector<16xf32>
        %sub3A_209 = arith.subf %get3A_201, %broadcast_in_dim3A_110 : vector<16xf32>
        %min3A_210 = arith.minimumf %min3A, %sub3A_209 : vector<16xf32>
        %sub3A_211 = arith.subf %get3A_207, %broadcast_in_dim3A_127 : vector<16xf32>
        %min3A_212 = arith.minimumf %min3A_210, %sub3A_211 : vector<16xf32>
        %lt3A = arith.constant 0.000000e+00 : f32
        %lt3A_213 = vector.broadcast %lt3A : f32 to vector<16xf32>
        %lt3A_214 = arith.cmpf olt, %min3A_212, %lt3A_213 : vector<16xf32>
        %all_reduce_population_count3A = tpu.all_reduce %lt3A_214 {dim = 0 : i64, kind = #tpu.reduction_kind<sum>} : vector<16xi1> -> vector<16xi32>
        %slice3A_215 = vector.extract_strided_slice %all_reduce_population_count3A {offsets = [0], sizes = [1], strides = [1]} : vector<16xi32> to vector<1xi32>
        %squeeze3A_216 = vector.extract %slice3A_215[0] : i32 from vector<1xi32>
        %gt3A = arith.constant 0 : i32
        %gt3A_217 = arith.cmpi sgt, %squeeze3A_216, %gt3A : i32
        %convert_element_type3A = arith.extui %gt3A_217 : i1 to i32
        %cond3A = arith.constant 0 : i32
        %cond3A_218 = arith.cmpi ne, %convert_element_type3A, %cond3A : i32
        scf.if %cond3A_218 {
          %sub3A_219 = arith.subf %get3A_189, %broadcast_in_dim3A_77 : vector<16xf32>
          %lt3A_220 = arith.constant 0.000000e+00 : f32
          %lt3A_221 = vector.broadcast %lt3A_220 : f32 to vector<16xf32>
          %lt3A_222 = arith.cmpf olt, %sub3A_219, %lt3A_221 : vector<16xf32>
          %all_reduce_population_count3A_223 = tpu.all_reduce %lt3A_222 {dim = 0 : i64, kind = #tpu.reduction_kind<sum>} : vector<16xi1> -> vector<16xi32>
          %slice3A_224 = vector.extract_strided_slice %all_reduce_population_count3A_223 {offsets = [0], sizes = [1], strides = [1]} : vector<16xi32> to vector<1xi32>
          %squeeze3A_225 = vector.extract %slice3A_224[0] : i32 from vector<1xi32>
          %gt3A_226 = arith.constant 0 : i32
          %gt3A_227 = arith.cmpi sgt, %squeeze3A_225, %gt3A_226 : i32
          %convert_element_type3A_228 = arith.extui %gt3A_227 : i1 to i32
          %cond3A_229 = arith.constant 0 : i32
          %cond3A_230 = arith.cmpi ne, %convert_element_type3A_228, %cond3A_229 : i32
          scf.if %cond3A_230 {
            %add3A_267 = arith.constant 0 : i32
            %add3A_268 = arith.addi %mul3A_183, %add3A_267 : i32
            %add3A_269 = vector.broadcast %add3A_268 : i32 to vector<16xi32>
            %add3A_270 = arith.addi %iota3A, %add3A_269 : vector<16xi32>
            %add3A_271 = arith.constant 0 : i32
            %add3A_272 = arith.addi %mul3A_183, %add3A_271 : i32
            %get3A_273 = arith.constant 0 : i32
            %get3A_274 = arith.index_cast %get3A_273 : i32 to index
            %get3A_275 = arith.index_cast %add3A_272 : i32 to index
            %get3A_276 = tpu.vector_load %arg11[%get3A_274, %get3A_275] {strides = array<i32>} : memref<4x5120xf32, #tpu.memory_space<vmem>>, vector<16xf32>,
            %add3A_277 = arith.constant 16 : i32
            %add3A_278 = arith.addi %mul3A_183, %add3A_277 : i32
            %add3A_279 = vector.broadcast %add3A_278 : i32 to vector<16xi32>
            %add3A_280 = arith.addi %iota3A, %add3A_279 : vector<16xi32>
            %add3A_281 = arith.constant 16 : i32
            %add3A_282 = arith.addi %mul3A_183, %add3A_281 : i32
            %get3A_283 = arith.constant 0 : i32
            %get3A_284 = arith.index_cast %get3A_283 : i32 to index
            %get3A_285 = arith.index_cast %add3A_282 : i32 to index
            %get3A_286 = tpu.vector_load %arg11[%get3A_284, %get3A_285] {strides = array<i32>} : memref<4x5120xf32, #tpu.memory_space<vmem>>, vector<16xf32>,
            %lt3A_287 = arith.cmpf olt, %get3A_286, %get3A_276 : vector<16xf32>
            %select_n3A = arith.select %lt3A_287, %get3A_286, %get3A_276 : vector<16xi1>, vector<16xf32>
            %select_n3A_288 = arith.select %lt3A_287, %add3A_280, %add3A_270 : vector<16xi1>, vector<16xi32>
            %add3A_289 = arith.constant 32 : i32
            %add3A_290 = arith.addi %mul3A_183, %add3A_289 : i32
            %add3A_291 = vector.broadcast %add3A_290 : i32 to vector<16xi32>
            %add3A_292 = arith.addi %iota3A, %add3A_291 : vector<16xi32>
            %add3A_293 = arith.constant 32 : i32
            %add3A_294 = arith.addi %mul3A_183, %add3A_293 : i32
            %get3A_295 = arith.constant 0 : i32
            %get3A_296 = arith.index_cast %get3A_295 : i32 to index
            %get3A_297 = arith.index_cast %add3A_294 : i32 to index
            %get3A_298 = tpu.vector_load %arg11[%get3A_296, %get3A_297] {strides = array<i32>} : memref<4x5120xf32, #tpu.memory_space<vmem>>, vector<16xf32>,
            %lt3A_299 = arith.cmpf olt, %get3A_298, %select_n3A : vector<16xf32>
            %select_n3A_300 = arith.select %lt3A_299, %get3A_298, %select_n3A : vector<16xi1>, vector<16xf32>
            %select_n3A_301 = arith.select %lt3A_299, %add3A_292, %select_n3A_288 : vector<16xi1>, vector<16xi32>
            %add3A_302 = arith.constant 48 : i32
            %add3A_303 = arith.addi %mul3A_183, %add3A_302 : i32
            %add3A_304 = vector.broadcast %add3A_303 : i32 to vector<16xi32>
            %add3A_305 = arith.addi %iota3A, %add3A_304 : vector<16xi32>
            %add3A_306 = arith.constant 48 : i32
            %add3A_307 = arith.addi %mul3A_183, %add3A_306 : i32
            %get3A_308 = arith.constant 0 : i32
            %get3A_309 = arith.index_cast %get3A_308 : i32 to index
            %get3A_310 = arith.index_cast %add3A_307 : i32 to index
            %get3A_311 = tpu.vector_load %arg11[%get3A_309, %get3A_310] {strides = array<i32>} : memref<4x5120xf32, #tpu.memory_space<vmem>>, vector<16xf32>,
            %lt3A_312 = arith.cmpf olt, %get3A_311, %select_n3A_300 : vector<16xf32>
            %select_n3A_313 = arith.select %lt3A_312, %get3A_311, %select_n3A_300 : vector<16xi1>, vector<16xf32>
            %select_n3A_314 = arith.select %lt3A_312, %add3A_305, %select_n3A_301 : vector<16xi1>, vector<16xi32>
            %add3A_315 = arith.constant 64 : i32
            %add3A_316 = arith.addi %mul3A_183, %add3A_315 : i32
            %add3A_317 = vector.broadcast %add3A_316 : i32 to vector<16xi32>
            %add3A_318 = arith.addi %iota3A, %add3A_317 : vector<16xi32>
            %add3A_319 = arith.constant 64 : i32
            %add3A_320 = arith.addi %mul3A_183, %add3A_319 : i32
            %get3A_321 = arith.constant 0 : i32
            %get3A_322 = arith.index_cast %get3A_321 : i32 to index
            %get3A_323 = arith.index_cast %add3A_320 : i32 to index
            %get3A_324 = tpu.vector_load %arg11[%get3A_322, %get3A_323] {strides = array<i32>} : memref<4x5120xf32, #tpu.memory_space<vmem>>, vector<16xf32>,
            %lt3A_325 = arith.cmpf olt, %get3A_324, %select_n3A_313 : vector<16xf32>
            %select_n3A_326 = arith.select %lt3A_325, %get3A_324, %select_n3A_313 : vector<16xi1>, vector<16xf32>
            %select_n3A_327 = arith.select %lt3A_325, %add3A_318, %select_n3A_314 : vector<16xi1>, vector<16xi32>
            %add3A_328 = arith.constant 80 : i32
            %add3A_329 = arith.addi %mul3A_183, %add3A_328 : i32
            %add3A_330 = vector.broadcast %add3A_329 : i32 to vector<16xi32>
            %add3A_331 = arith.addi %iota3A, %add3A_330 : vector<16xi32>
            %add3A_332 = arith.constant 80 : i32
            %add3A_333 = arith.addi %mul3A_183, %add3A_332 : i32
            %get3A_334 = arith.constant 0 : i32
            %get3A_335 = arith.index_cast %get3A_334 : i32 to index
            %get3A_336 = arith.index_cast %add3A_333 : i32 to index
            %get3A_337 = tpu.vector_load %arg11[%get3A_335, %get3A_336] {strides = array<i32>} : memref<4x5120xf32, #tpu.memory_space<vmem>>, vector<16xf32>,
            %lt3A_338 = arith.cmpf olt, %get3A_337, %select_n3A_326 : vector<16xf32>
            %select_n3A_339 = arith.select %lt3A_338, %get3A_337, %select_n3A_326 : vector<16xi1>, vector<16xf32>
            %select_n3A_340 = arith.select %lt3A_338, %add3A_331, %select_n3A_327 : vector<16xi1>, vector<16xi32>
            %add3A_341 = arith.constant 96 : i32
            %add3A_342 = arith.addi %mul3A_183, %add3A_341 : i32
            %add3A_343 = vector.broadcast %add3A_342 : i32 to vector<16xi32>
            %add3A_344 = arith.addi %iota3A, %add3A_343 : vector<16xi32>
            %add3A_345 = arith.constant 96 : i32
            %add3A_346 = arith.addi %mul3A_183, %add3A_345 : i32
            %get3A_347 = arith.constant 0 : i32
            %get3A_348 = arith.index_cast %get3A_347 : i32 to index
            %get3A_349 = arith.index_cast %add3A_346 : i32 to index
            %get3A_350 = tpu.vector_load %arg11[%get3A_348, %get3A_349] {strides = array<i32>} : memref<4x5120xf32, #tpu.memory_space<vmem>>, vector<16xf32>,
            %lt3A_351 = arith.cmpf olt, %get3A_350, %select_n3A_339 : vector<16xf32>
            %select_n3A_352 = arith.select %lt3A_351, %get3A_350, %select_n3A_339 : vector<16xi1>, vector<16xf32>
            %select_n3A_353 = arith.select %lt3A_351, %add3A_344, %select_n3A_340 : vector<16xi1>, vector<16xi32>
            %add3A_354 = arith.constant 112 : i32
            %add3A_355 = arith.addi %mul3A_183, %add3A_354 : i32
            %add3A_356 = vector.broadcast %add3A_355 : i32 to vector<16xi32>
            %add3A_357 = arith.addi %iota3A, %add3A_356 : vector<16xi32>
            %add3A_358 = arith.constant 112 : i32
            %add3A_359 = arith.addi %mul3A_183, %add3A_358 : i32
            %get3A_360 = arith.constant 0 : i32
            %get3A_361 = arith.index_cast %get3A_360 : i32 to index
            %get3A_362 = arith.index_cast %add3A_359 : i32 to index
            %get3A_363 = tpu.vector_load %arg11[%get3A_361, %get3A_362] {strides = array<i32>} : memref<4x5120xf32, #tpu.memory_space<vmem>>, vector<16xf32>,
            %lt3A_364 = arith.cmpf olt, %get3A_363, %select_n3A_352 : vector<16xf32>
            %select_n3A_365 = arith.select %lt3A_364, %get3A_363, %select_n3A_352 : vector<16xi1>, vector<16xf32>
            %select_n3A_366 = arith.select %lt3A_364, %add3A_357, %select_n3A_353 : vector<16xi1>, vector<16xi32>
            %get3A_367 = arith.constant 0 : i32
            %get3A_368 = arith.index_cast %get3A_367 : i32 to index
            %get3A_369 = arith.constant 0 : index
            %get3A_370 = tpu.vector_load %arg13[%get3A_368, %get3A_369] {strides = array<i32>} : memref<4x16xf32, #tpu.memory_space<vmem>>, vector<16xf32>,
            %get3A_371 = arith.constant 0 : i32
            %get3A_372 = arith.index_cast %get3A_371 : i32 to index
            %get3A_373 = arith.constant 0 : index
            %get3A_374 = tpu.vector_load %arg14[%get3A_372, %get3A_373] {strides = array<i32>} : memref<4x16xi32, #tpu.memory_space<vmem>>, vector<16xi32>,
            %masked_sort3A_375 = arith.constant dense<true> : vector<16xi1>
            %masked_sort3A_376, %masked_sort3A_377, %masked_sort3A_378 = tpu.sort %select_n3A_365, %select_n3A_366 masked %masked_sort3A_375 : (vector<16xf32>, vector<16xi32>, vector<16xi1>) -> (vector<16xi1>, vector<16xf32>, vector<16xi32>)
            %rev3A = arith.constant 15 : i32
            %rev3A_379 = vector.broadcast %rev3A : i32 to vector<16xi32>
            %rev3A_380 = tpu.iota {dimensions = array<i32: 0>} : vector<16xi32>
            %rev3A_381 = arith.subi %rev3A_379, %rev3A_380 : vector<16xi32>
            %rev3A_382 = tpu.dynamic_gather %masked_sort3A_377[%rev3A_381] in [0] : vector<16xf32>, vector<16xi32> -> vector<16xf32>
            %rev3A_383 = arith.constant 15 : i32
            %rev3A_384 = vector.broadcast %rev3A_383 : i32 to vector<16xi32>
            %rev3A_385 = tpu.iota {dimensions = array<i32: 0>} : vector<16xi32>
            %rev3A_386 = arith.subi %rev3A_384, %rev3A_385 : vector<16xi32>
            %rev3A_387 = tpu.dynamic_gather %masked_sort3A_378[%rev3A_386] in [0] : vector<16xi32>, vector<16xi32> -> vector<16xi32>
            %le3A = arith.cmpf ole, %get3A_370, %rev3A_382 : vector<16xf32>
            %select_n3A_388 = arith.select %le3A, %get3A_370, %rev3A_382 : vector<16xi1>, vector<16xf32>
            %select_n3A_389 = arith.select %le3A, %get3A_374, %rev3A_387 : vector<16xi1>, vector<16xi32>
            %masked_sort3A_390 = arith.constant dense<true> : vector<16xi1>
            %masked_sort3A_391, %masked_sort3A_392, %masked_sort3A_393 = tpu.sort %select_n3A_388, %select_n3A_389 masked %masked_sort3A_390 : (vector<16xf32>, vector<16xi32>, vector<16xi1>) -> (vector<16xi1>, vector<16xf32>, vector<16xi32>)
            %swap3A_394 = arith.constant 0 : i32
            %swap3A_395 = arith.index_cast %swap3A_394 : i32 to index
            %swap3A_396 = arith.constant 0 : index
            %swap3A_397 = tpu.vector_load %arg13[%swap3A_395, %swap3A_396] {strides = array<i32>} : memref<4x16xf32, #tpu.memory_space<vmem>>, vector<16xf32>,
            tpu.vector_store %arg13[%swap3A_395, %swap3A_396], %masked_sort3A_392 {strides = array<i32>} : memref<4x16xf32, #tpu.memory_space<vmem>>, vector<16xf32>,
            %swap3A_398 = arith.constant 0 : i32
            %swap3A_399 = arith.index_cast %swap3A_398 : i32 to index
            %swap3A_400 = arith.constant 0 : index
            %swap3A_401 = tpu.vector_load %arg14[%swap3A_399, %swap3A_400] {strides = array<i32>} : memref<4x16xi32, #tpu.memory_space<vmem>>, vector<16xi32>,
            tpu.vector_store %arg14[%swap3A_399, %swap3A_400], %masked_sort3A_393 {strides = array<i32>} : memref<4x16xi32, #tpu.memory_space<vmem>>, vector<16xi32>,
            %add3A_402 = arith.constant 0 : i32
            %add3A_403 = arith.addi %mul3A_183, %add3A_402 : i32
            %add3A_404 = vector.broadcast %add3A_403 : i32 to vector<16xi32>
            %add3A_405 = arith.addi %iota3A, %add3A_404 : vector<16xi32>
            %add3A_406 = arith.constant 0 : i32
            %add3A_407 = arith.addi %mul3A_183, %add3A_406 : i32
            %get3A_408 = arith.constant 0 : i32
            %get3A_409 = arith.index_cast %get3A_408 : i32 to index
            %get3A_410 = arith.index_cast %add3A_407 : i32 to index
            %get3A_411 = tpu.vector_load %arg11[%get3A_409, %get3A_410] {strides = array<i32>} : memref<4x5120xf32, #tpu.memory_space<vmem>>, vector<16xf32>,
            %le3A_412 = arith.cmpf ole, %get3A_411, %select_n3A_365 : vector<16xf32>
            %jit3A = arith.constant 3.000000e+38 : f32
            %broadcast_in_dim3A_413 = vector.broadcast %jit3A : f32 to vector<16xf32>
            %select_n3A_414 = arith.select %le3A_412, %broadcast_in_dim3A_413, %get3A_411 : vector<16xi1>, vector<16xf32>
            %add3A_415 = arith.constant 16 : i32
            %add3A_416 = arith.addi %mul3A_183, %add3A_415 : i32
            %add3A_417 = vector.broadcast %add3A_416 : i32 to vector<16xi32>
            %add3A_418 = arith.addi %iota3A, %add3A_417 : vector<16xi32>
            %add3A_419 = arith.constant 16 : i32
            %add3A_420 = arith.addi %mul3A_183, %add3A_419 : i32
            %get3A_421 = arith.constant 0 : i32
            %get3A_422 = arith.index_cast %get3A_421 : i32 to index
            %get3A_423 = arith.index_cast %add3A_420 : i32 to index
            %get3A_424 = tpu.vector_load %arg11[%get3A_422, %get3A_423] {strides = array<i32>} : memref<4x5120xf32, #tpu.memory_space<vmem>>, vector<16xf32>,
            %le3A_425 = arith.cmpf ole, %get3A_424, %select_n3A_365 : vector<16xf32>
            %jit3A_426 = arith.constant 3.000000e+38 : f32
            %broadcast_in_dim3A_427 = vector.broadcast %jit3A_426 : f32 to vector<16xf32>
            %select_n3A_428 = arith.select %le3A_425, %broadcast_in_dim3A_427, %get3A_424 : vector<16xi1>, vector<16xf32>
            %lt3A_429 = arith.cmpf olt, %select_n3A_428, %select_n3A_414 : vector<16xf32>
            %select_n3A_430 = arith.select %lt3A_429, %select_n3A_428, %select_n3A_414 : vector<16xi1>, vector<16xf32>
            %select_n3A_431 = arith.select %lt3A_429, %add3A_418, %add3A_405 : vector<16xi1>, vector<16xi32>
            %add3A_432 = arith.constant 32 : i32
            %add3A_433 = arith.addi %mul3A_183, %add3A_432 : i32
            %add3A_434 = vector.broadcast %add3A_433 : i32 to vector<16xi32>
            %add3A_435 = arith.addi %iota3A, %add3A_434 : vector<16xi32>
            %add3A_436 = arith.constant 32 : i32
            %add3A_437 = arith.addi %mul3A_183, %add3A_436 : i32
            %get3A_438 = arith.constant 0 : i32
            %get3A_439 = arith.index_cast %get3A_438 : i32 to index
            %get3A_440 = arith.index_cast %add3A_437 : i32 to index
            %get3A_441 = tpu.vector_load %arg11[%get3A_439, %get3A_440] {strides = array<i32>} : memref<4x5120xf32, #tpu.memory_space<vmem>>, vector<16xf32>,
            %le3A_442 = arith.cmpf ole, %get3A_441, %select_n3A_365 : vector<16xf32>
            %jit3A_443 = arith.constant 3.000000e+38 : f32
            %broadcast_in_dim3A_444 = vector.broadcast %jit3A_443 : f32 to vector<16xf32>
            %select_n3A_445 = arith.select %le3A_442, %broadcast_in_dim3A_444, %get3A_441 : vector<16xi1>, vector<16xf32>
            %lt3A_446 = arith.cmpf olt, %select_n3A_445, %select_n3A_430 : vector<16xf32>
            %select_n3A_447 = arith.select %lt3A_446, %select_n3A_445, %select_n3A_430 : vector<16xi1>, vector<16xf32>
            %select_n3A_448 = arith.select %lt3A_446, %add3A_435, %select_n3A_431 : vector<16xi1>, vector<16xi32>
            %add3A_449 = arith.constant 48 : i32
            %add3A_450 = arith.addi %mul3A_183, %add3A_449 : i32
            %add3A_451 = vector.broadcast %add3A_450 : i32 to vector<16xi32>
            %add3A_452 = arith.addi %iota3A, %add3A_451 : vector<16xi32>
            %add3A_453 = arith.constant 48 : i32
            %add3A_454 = arith.addi %mul3A_183, %add3A_453 : i32
            %get3A_455 = arith.constant 0 : i32
            %get3A_456 = arith.index_cast %get3A_455 : i32 to index
            %get3A_457 = arith.index_cast %add3A_454 : i32 to index
            %get3A_458 = tpu.vector_load %arg11[%get3A_456, %get3A_457] {strides = array<i32>} : memref<4x5120xf32, #tpu.memory_space<vmem>>, vector<16xf32>,
            %le3A_459 = arith.cmpf ole, %get3A_458, %select_n3A_365 : vector<16xf32>
            %jit3A_460 = arith.constant 3.000000e+38 : f32
            %broadcast_in_dim3A_461 = vector.broadcast %jit3A_460 : f32 to vector<16xf32>
            %select_n3A_462 = arith.select %le3A_459, %broadcast_in_dim3A_461, %get3A_458 : vector<16xi1>, vector<16xf32>
            %lt3A_463 = arith.cmpf olt, %select_n3A_462, %select_n3A_447 : vector<16xf32>
            %select_n3A_464 = arith.select %lt3A_463, %select_n3A_462, %select_n3A_447 : vector<16xi1>, vector<16xf32>
            %select_n3A_465 = arith.select %lt3A_463, %add3A_452, %select_n3A_448 : vector<16xi1>, vector<16xi32>
            %add3A_466 = arith.constant 64 : i32
            %add3A_467 = arith.addi %mul3A_183, %add3A_466 : i32
            %add3A_468 = vector.broadcast %add3A_467 : i32 to vector<16xi32>
            %add3A_469 = arith.addi %iota3A, %add3A_468 : vector<16xi32>
            %add3A_470 = arith.constant 64 : i32
            %add3A_471 = arith.addi %mul3A_183, %add3A_470 : i32
            %get3A_472 = arith.constant 0 : i32
            %get3A_473 = arith.index_cast %get3A_472 : i32 to index
            %get3A_474 = arith.index_cast %add3A_471 : i32 to index
            %get3A_475 = tpu.vector_load %arg11[%get3A_473, %get3A_474] {strides = array<i32>} : memref<4x5120xf32, #tpu.memory_space<vmem>>, vector<16xf32>,
            %le3A_476 = arith.cmpf ole, %get3A_475, %select_n3A_365 : vector<16xf32>
            %jit3A_477 = arith.constant 3.000000e+38 : f32
            %broadcast_in_dim3A_478 = vector.broadcast %jit3A_477 : f32 to vector<16xf32>
            %select_n3A_479 = arith.select %le3A_476, %broadcast_in_dim3A_478, %get3A_475 : vector<16xi1>, vector<16xf32>
            %lt3A_480 = arith.cmpf olt, %select_n3A_479, %select_n3A_464 : vector<16xf32>
            %select_n3A_481 = arith.select %lt3A_480, %select_n3A_479, %select_n3A_464 : vector<16xi1>, vector<16xf32>
            %select_n3A_482 = arith.select %lt3A_480, %add3A_469, %select_n3A_465 : vector<16xi1>, vector<16xi32>
            %add3A_483 = arith.constant 80 : i32
            %add3A_484 = arith.addi %mul3A_183, %add3A_483 : i32
            %add3A_485 = vector.broadcast %add3A_484 : i32 to vector<16xi32>
            %add3A_486 = arith.addi %iota3A, %add3A_485 : vector<16xi32>
            %add3A_487 = arith.constant 80 : i32
            %add3A_488 = arith.addi %mul3A_183, %add3A_487 : i32
            %get3A_489 = arith.constant 0 : i32
            %get3A_490 = arith.index_cast %get3A_489 : i32 to index
            %get3A_491 = arith.index_cast %add3A_488 : i32 to index
            %get3A_492 = tpu.vector_load %arg11[%get3A_490, %get3A_491] {strides = array<i32>} : memref<4x5120xf32, #tpu.memory_space<vmem>>, vector<16xf32>,
            %le3A_493 = arith.cmpf ole, %get3A_492, %select_n3A_365 : vector<16xf32>
            %jit3A_494 = arith.constant 3.000000e+38 : f32
            %broadcast_in_dim3A_495 = vector.broadcast %jit3A_494 : f32 to vector<16xf32>
            %select_n3A_496 = arith.select %le3A_493, %broadcast_in_dim3A_495, %get3A_492 : vector<16xi1>, vector<16xf32>
            %lt3A_497 = arith.cmpf olt, %select_n3A_496, %select_n3A_481 : vector<16xf32>
            %select_n3A_498 = arith.select %lt3A_497, %select_n3A_496, %select_n3A_481 : vector<16xi1>, vector<16xf32>
            %select_n3A_499 = arith.select %lt3A_497, %add3A_486, %select_n3A_482 : vector<16xi1>, vector<16xi32>
            %add3A_500 = arith.constant 96 : i32
            %add3A_501 = arith.addi %mul3A_183, %add3A_500 : i32
            %add3A_502 = vector.broadcast %add3A_501 : i32 to vector<16xi32>
            %add3A_503 = arith.addi %iota3A, %add3A_502 : vector<16xi32>
            %add3A_504 = arith.constant 96 : i32
            %add3A_505 = arith.addi %mul3A_183, %add3A_504 : i32
            %get3A_506 = arith.constant 0 : i32
            %get3A_507 = arith.index_cast %get3A_506 : i32 to index
            %get3A_508 = arith.index_cast %add3A_505 : i32 to index
            %get3A_509 = tpu.vector_load %arg11[%get3A_507, %get3A_508] {strides = array<i32>} : memref<4x5120xf32, #tpu.memory_space<vmem>>, vector<16xf32>,
            %le3A_510 = arith.cmpf ole, %get3A_509, %select_n3A_365 : vector<16xf32>
            %jit3A_511 = arith.constant 3.000000e+38 : f32
            %broadcast_in_dim3A_512 = vector.broadcast %jit3A_511 : f32 to vector<16xf32>
            %select_n3A_513 = arith.select %le3A_510, %broadcast_in_dim3A_512, %get3A_509 : vector<16xi1>, vector<16xf32>
            %lt3A_514 = arith.cmpf olt, %select_n3A_513, %select_n3A_498 : vector<16xf32>
            %select_n3A_515 = arith.select %lt3A_514, %select_n3A_513, %select_n3A_498 : vector<16xi1>, vector<16xf32>
            %select_n3A_516 = arith.select %lt3A_514, %add3A_503, %select_n3A_499 : vector<16xi1>, vector<16xi32>
            %add3A_517 = arith.constant 112 : i32
            %add3A_518 = arith.addi %mul3A_183, %add3A_517 : i32
            %add3A_519 = vector.broadcast %add3A_518 : i32 to vector<16xi32>
            %add3A_520 = arith.addi %iota3A, %add3A_519 : vector<16xi32>
            %add3A_521 = arith.constant 112 : i32
            %add3A_522 = arith.addi %mul3A_183, %add3A_521 : i32
            %get3A_523 = arith.constant 0 : i32
            %get3A_524 = arith.index_cast %get3A_523 : i32 to index
            %get3A_525 = arith.index_cast %add3A_522 : i32 to index
            %get3A_526 = tpu.vector_load %arg11[%get3A_524, %get3A_525] {strides = array<i32>} : memref<4x5120xf32, #tpu.memory_space<vmem>>, vector<16xf32>,
            %le3A_527 = arith.cmpf ole, %get3A_526, %select_n3A_365 : vector<16xf32>
            %jit3A_528 = arith.constant 3.000000e+38 : f32
            %broadcast_in_dim3A_529 = vector.broadcast %jit3A_528 : f32 to vector<16xf32>
            %select_n3A_530 = arith.select %le3A_527, %broadcast_in_dim3A_529, %get3A_526 : vector<16xi1>, vector<16xf32>
            %lt3A_531 = arith.cmpf olt, %select_n3A_530, %select_n3A_515 : vector<16xf32>
            %select_n3A_532 = arith.select %lt3A_531, %select_n3A_530, %select_n3A_515 : vector<16xi1>, vector<16xf32>
            %select_n3A_533 = arith.select %lt3A_531, %add3A_520, %select_n3A_516 : vector<16xi1>, vector<16xi32>
            %sub3A_534 = arith.subf %select_n3A_532, %broadcast_in_dim3A_77 : vector<16xf32>
            %lt3A_535 = arith.constant 0.000000e+00 : f32
            %lt3A_536 = vector.broadcast %lt3A_535 : f32 to vector<16xf32>
            %lt3A_537 = arith.cmpf olt, %sub3A_534, %lt3A_536 : vector<16xf32>
            %all_reduce_population_count3A_538 = tpu.all_reduce %lt3A_537 {dim = 0 : i64, kind = #tpu.reduction_kind<sum>} : vector<16xi1> -> vector<16xi32>
            %slice3A_539 = vector.extract_strided_slice %all_reduce_population_count3A_538 {offsets = [0], sizes = [1], strides = [1]} : vector<16xi32> to vector<1xi32>
            %squeeze3A_540 = vector.extract %slice3A_539[0] : i32 from vector<1xi32>
            %gt3A_541 = arith.constant 0 : i32
            %gt3A_542 = arith.cmpi sgt, %squeeze3A_540, %gt3A_541 : i32
            %convert_element_type3A_543 = arith.extui %gt3A_542 : i1 to i32
            %cond3A_544 = arith.constant 0 : i32
            %cond3A_545 = arith.cmpi ne, %convert_element_type3A_543, %cond3A_544 : i32
            scf.if %cond3A_545 {
              %get3A_546 = arith.constant 0 : i32
              %get3A_547 = arith.index_cast %get3A_546 : i32 to index
              %get3A_548 = arith.constant 0 : index
              %get3A_549 = tpu.vector_load %arg13[%get3A_547, %get3A_548] {strides = array<i32>} : memref<4x16xf32, #tpu.memory_space<vmem>>, vector<16xf32>,
              %get3A_550 = arith.constant 0 : i32
              %get3A_551 = arith.index_cast %get3A_550 : i32 to index
              %get3A_552 = arith.constant 0 : index
              %get3A_553 = tpu.vector_load %arg14[%get3A_551, %get3A_552] {strides = array<i32>} : memref<4x16xi32, #tpu.memory_space<vmem>>, vector<16xi32>,
              %masked_sort3A_554 = arith.constant dense<true> : vector<16xi1>
              %masked_sort3A_555, %masked_sort3A_556, %masked_sort3A_557 = tpu.sort %select_n3A_532, %select_n3A_533 masked %masked_sort3A_554 : (vector<16xf32>, vector<16xi32>, vector<16xi1>) -> (vector<16xi1>, vector<16xf32>, vector<16xi32>)
              %rev3A_558 = arith.constant 15 : i32
              %rev3A_559 = vector.broadcast %rev3A_558 : i32 to vector<16xi32>
              %rev3A_560 = tpu.iota {dimensions = array<i32: 0>} : vector<16xi32>
              %rev3A_561 = arith.subi %rev3A_559, %rev3A_560 : vector<16xi32>
              %rev3A_562 = tpu.dynamic_gather %masked_sort3A_556[%rev3A_561] in [0] : vector<16xf32>, vector<16xi32> -> vector<16xf32>
              %rev3A_563 = arith.constant 15 : i32
              %rev3A_564 = vector.broadcast %rev3A_563 : i32 to vector<16xi32>
              %rev3A_565 = tpu.iota {dimensions = array<i32: 0>} : vector<16xi32>
              %rev3A_566 = arith.subi %rev3A_564, %rev3A_565 : vector<16xi32>
              %rev3A_567 = tpu.dynamic_gather %masked_sort3A_557[%rev3A_566] in [0] : vector<16xi32>, vector<16xi32> -> vector<16xi32>
              %le3A_568 = arith.cmpf ole, %get3A_549, %rev3A_562 : vector<16xf32>
              %select_n3A_569 = arith.select %le3A_568, %get3A_549, %rev3A_562 : vector<16xi1>, vector<16xf32>
              %select_n3A_570 = arith.select %le3A_568, %get3A_553, %rev3A_567 : vector<16xi1>, vector<16xi32>
              %masked_sort3A_571 = arith.constant dense<true> : vector<16xi1>
              %masked_sort3A_572, %masked_sort3A_573, %masked_sort3A_574 = tpu.sort %select_n3A_569, %select_n3A_570 masked %masked_sort3A_571 : (vector<16xf32>, vector<16xi32>, vector<16xi1>) -> (vector<16xi1>, vector<16xf32>, vector<16xi32>)
              %swap3A_575 = arith.constant 0 : i32
              %swap3A_576 = arith.index_cast %swap3A_575 : i32 to index
              %swap3A_577 = arith.constant 0 : index
              %swap3A_578 = tpu.vector_load %arg13[%swap3A_576, %swap3A_577] {strides = array<i32>} : memref<4x16xf32, #tpu.memory_space<vmem>>, vector<16xf32>,
              tpu.vector_store %arg13[%swap3A_576, %swap3A_577], %masked_sort3A_573 {strides = array<i32>} : memref<4x16xf32, #tpu.memory_space<vmem>>, vector<16xf32>,
              %swap3A_579 = arith.constant 0 : i32
              %swap3A_580 = arith.index_cast %swap3A_579 : i32 to index
              %swap3A_581 = arith.constant 0 : index
              %swap3A_582 = tpu.vector_load %arg14[%swap3A_580, %swap3A_581] {strides = array<i32>} : memref<4x16xi32, #tpu.memory_space<vmem>>, vector<16xi32>,
              tpu.vector_store %arg14[%swap3A_580, %swap3A_581], %masked_sort3A_574 {strides = array<i32>} : memref<4x16xi32, #tpu.memory_space<vmem>>, vector<16xi32>,
              %add3A_583 = arith.constant 0 : i32
              %add3A_584 = arith.addi %mul3A_183, %add3A_583 : i32
              %add3A_585 = vector.broadcast %add3A_584 : i32 to vector<16xi32>
              %add3A_586 = arith.addi %iota3A, %add3A_585 : vector<16xi32>
              %add3A_587 = arith.constant 0 : i32
              %add3A_588 = arith.addi %mul3A_183, %add3A_587 : i32
              %get3A_589 = arith.constant 0 : i32
              %get3A_590 = arith.index_cast %get3A_589 : i32 to index
              %get3A_591 = arith.index_cast %add3A_588 : i32 to index
              %get3A_592 = tpu.vector_load %arg11[%get3A_590, %get3A_591] {strides = array<i32>} : memref<4x5120xf32, #tpu.memory_space<vmem>>, vector<16xf32>,
              %le3A_593 = arith.cmpf ole, %get3A_592, %select_n3A_532 : vector<16xf32>
              %jit3A_594 = arith.constant 3.000000e+38 : f32
              %broadcast_in_dim3A_595 = vector.broadcast %jit3A_594 : f32 to vector<16xf32>
              %select_n3A_596 = arith.select %le3A_593, %broadcast_in_dim3A_595, %get3A_592 : vector<16xi1>, vector<16xf32>
              %add3A_597 = arith.constant 16 : i32
              %add3A_598 = arith.addi %mul3A_183, %add3A_597 : i32
              %add3A_599 = vector.broadcast %add3A_598 : i32 to vector<16xi32>
              %add3A_600 = arith.addi %iota3A, %add3A_599 : vector<16xi32>
              %add3A_601 = arith.constant 16 : i32
              %add3A_602 = arith.addi %mul3A_183, %add3A_601 : i32
              %get3A_603 = arith.constant 0 : i32
              %get3A_604 = arith.index_cast %get3A_603 : i32 to index
              %get3A_605 = arith.index_cast %add3A_602 : i32 to index
              %get3A_606 = tpu.vector_load %arg11[%get3A_604, %get3A_605] {strides = array<i32>} : memref<4x5120xf32, #tpu.memory_space<vmem>>, vector<16xf32>,
              %le3A_607 = arith.cmpf ole, %get3A_606, %select_n3A_532 : vector<16xf32>
              %jit3A_608 = arith.constant 3.000000e+38 : f32
              %broadcast_in_dim3A_609 = vector.broadcast %jit3A_608 : f32 to vector<16xf32>
              %select_n3A_610 = arith.select %le3A_607, %broadcast_in_dim3A_609, %get3A_606 : vector<16xi1>, vector<16xf32>
              %lt3A_611 = arith.cmpf olt, %select_n3A_610, %select_n3A_596 : vector<16xf32>
              %select_n3A_612 = arith.select %lt3A_611, %select_n3A_610, %select_n3A_596 : vector<16xi1>, vector<16xf32>
              %select_n3A_613 = arith.select %lt3A_611, %add3A_600, %add3A_586 : vector<16xi1>, vector<16xi32>
              %add3A_614 = arith.constant 32 : i32
              %add3A_615 = arith.addi %mul3A_183, %add3A_614 : i32
              %add3A_616 = vector.broadcast %add3A_615 : i32 to vector<16xi32>
              %add3A_617 = arith.addi %iota3A, %add3A_616 : vector<16xi32>
              %add3A_618 = arith.constant 32 : i32
              %add3A_619 = arith.addi %mul3A_183, %add3A_618 : i32
              %get3A_620 = arith.constant 0 : i32
              %get3A_621 = arith.index_cast %get3A_620 : i32 to index
              %get3A_622 = arith.index_cast %add3A_619 : i32 to index
              %get3A_623 = tpu.vector_load %arg11[%get3A_621, %get3A_622] {strides = array<i32>} : memref<4x5120xf32, #tpu.memory_space<vmem>>, vector<16xf32>,
              %le3A_624 = arith.cmpf ole, %get3A_623, %select_n3A_532 : vector<16xf32>
              %jit3A_625 = arith.constant 3.000000e+38 : f32
              %broadcast_in_dim3A_626 = vector.broadcast %jit3A_625 : f32 to vector<16xf32>
              %select_n3A_627 = arith.select %le3A_624, %broadcast_in_dim3A_626, %get3A_623 : vector<16xi1>, vector<16xf32>
              %lt3A_628 = arith.cmpf olt, %select_n3A_627, %select_n3A_612 : vector<16xf32>
              %select_n3A_629 = arith.select %lt3A_628, %select_n3A_627, %select_n3A_612 : vector<16xi1>, vector<16xf32>
              %select_n3A_630 = arith.select %lt3A_628, %add3A_617, %select_n3A_613 : vector<16xi1>, vector<16xi32>
              %add3A_631 = arith.constant 48 : i32
              %add3A_632 = arith.addi %mul3A_183, %add3A_631 : i32
              %add3A_633 = vector.broadcast %add3A_632 : i32 to vector<16xi32>
              %add3A_634 = arith.addi %iota3A, %add3A_633 : vector<16xi32>
              %add3A_635 = arith.constant 48 : i32
              %add3A_636 = arith.addi %mul3A_183, %add3A_635 : i32
              %get3A_637 = arith.constant 0 : i32
              %get3A_638 = arith.index_cast %get3A_637 : i32 to index
              %get3A_639 = arith.index_cast %add3A_636 : i32 to index
              %get3A_640 = tpu.vector_load %arg11[%get3A_638, %get3A_639] {strides = array<i32>} : memref<4x5120xf32, #tpu.memory_space<vmem>>, vector<16xf32>,
              %le3A_641 = arith.cmpf ole, %get3A_640, %select_n3A_532 : vector<16xf32>
              %jit3A_642 = arith.constant 3.000000e+38 : f32
              %broadcast_in_dim3A_643 = vector.broadcast %jit3A_642 : f32 to vector<16xf32>
              %select_n3A_644 = arith.select %le3A_641, %broadcast_in_dim3A_643, %get3A_640 : vector<16xi1>, vector<16xf32>
              %lt3A_645 = arith.cmpf olt, %select_n3A_644, %select_n3A_629 : vector<16xf32>
              %select_n3A_646 = arith.select %lt3A_645, %select_n3A_644, %select_n3A_629 : vector<16xi1>, vector<16xf32>
              %select_n3A_647 = arith.select %lt3A_645, %add3A_634, %select_n3A_630 : vector<16xi1>, vector<16xi32>
              %add3A_648 = arith.constant 64 : i32
              %add3A_649 = arith.addi %mul3A_183, %add3A_648 : i32
              %add3A_650 = vector.broadcast %add3A_649 : i32 to vector<16xi32>
              %add3A_651 = arith.addi %iota3A, %add3A_650 : vector<16xi32>
              %add3A_652 = arith.constant 64 : i32
              %add3A_653 = arith.addi %mul3A_183, %add3A_652 : i32
              %get3A_654 = arith.constant 0 : i32
              %get3A_655 = arith.index_cast %get3A_654 : i32 to index
              %get3A_656 = arith.index_cast %add3A_653 : i32 to index
              %get3A_657 = tpu.vector_load %arg11[%get3A_655, %get3A_656] {strides = array<i32>} : memref<4x5120xf32, #tpu.memory_space<vmem>>, vector<16xf32>,
              %le3A_658 = arith.cmpf ole, %get3A_657, %select_n3A_532 : vector<16xf32>
              %jit3A_659 = arith.constant 3.000000e+38 : f32
              %broadcast_in_dim3A_660 = vector.broadcast %jit3A_659 : f32 to vector<16xf32>
              %select_n3A_661 = arith.select %le3A_658, %broadcast_in_dim3A_660, %get3A_657 : vector<16xi1>, vector<16xf32>
              %lt3A_662 = arith.cmpf olt, %select_n3A_661, %select_n3A_646 : vector<16xf32>
              %select_n3A_663 = arith.select %lt3A_662, %select_n3A_661, %select_n3A_646 : vector<16xi1>, vector<16xf32>
              %select_n3A_664 = arith.select %lt3A_662, %add3A_651, %select_n3A_647 : vector<16xi1>, vector<16xi32>
              %add3A_665 = arith.constant 80 : i32
              %add3A_666 = arith.addi %mul3A_183, %add3A_665 : i32
              %add3A_667 = vector.broadcast %add3A_666 : i32 to vector<16xi32>
              %add3A_668 = arith.addi %iota3A, %add3A_667 : vector<16xi32>
              %add3A_669 = arith.constant 80 : i32
              %add3A_670 = arith.addi %mul3A_183, %add3A_669 : i32
              %get3A_671 = arith.constant 0 : i32
              %get3A_672 = arith.index_cast %get3A_671 : i32 to index
              %get3A_673 = arith.index_cast %add3A_670 : i32 to index
              %get3A_674 = tpu.vector_load %arg11[%get3A_672, %get3A_673] {strides = array<i32>} : memref<4x5120xf32, #tpu.memory_space<vmem>>, vector<16xf32>,
              %le3A_675 = arith.cmpf ole, %get3A_674, %select_n3A_532 : vector<16xf32>
              %jit3A_676 = arith.constant 3.000000e+38 : f32
              %broadcast_in_dim3A_677 = vector.broadcast %jit3A_676 : f32 to vector<16xf32>
              %select_n3A_678 = arith.select %le3A_675, %broadcast_in_dim3A_677, %get3A_674 : vector<16xi1>, vector<16xf32>
              %lt3A_679 = arith.cmpf olt, %select_n3A_678, %select_n3A_663 : vector<16xf32>
              %select_n3A_680 = arith.select %lt3A_679, %select_n3A_678, %select_n3A_663 : vector<16xi1>, vector<16xf32>
              %select_n3A_681 = arith.select %lt3A_679, %add3A_668, %select_n3A_664 : vector<16xi1>, vector<16xi32>
              %add3A_682 = arith.constant 96 : i32
              %add3A_683 = arith.addi %mul3A_183, %add3A_682 : i32
              %add3A_684 = vector.broadcast %add3A_683 : i32 to vector<16xi32>
              %add3A_685 = arith.addi %iota3A, %add3A_684 : vector<16xi32>
              %add3A_686 = arith.constant 96 : i32
              %add3A_687 = arith.addi %mul3A_183, %add3A_686 : i32
              %get3A_688 = arith.constant 0 : i32
              %get3A_689 = arith.index_cast %get3A_688 : i32 to index
              %get3A_690 = arith.index_cast %add3A_687 : i32 to index
              %get3A_691 = tpu.vector_load %arg11[%get3A_689, %get3A_690] {strides = array<i32>} : memref<4x5120xf32, #tpu.memory_space<vmem>>, vector<16xf32>,
              %le3A_692 = arith.cmpf ole, %get3A_691, %select_n3A_532 : vector<16xf32>
              %jit3A_693 = arith.constant 3.000000e+38 : f32
              %broadcast_in_dim3A_694 = vector.broadcast %jit3A_693 : f32 to vector<16xf32>
              %select_n3A_695 = arith.select %le3A_692, %broadcast_in_dim3A_694, %get3A_691 : vector<16xi1>, vector<16xf32>
              %lt3A_696 = arith.cmpf olt, %select_n3A_695, %select_n3A_680 : vector<16xf32>
              %select_n3A_697 = arith.select %lt3A_696, %select_n3A_695, %select_n3A_680 : vector<16xi1>, vector<16xf32>
              %select_n3A_698 = arith.select %lt3A_696, %add3A_685, %select_n3A_681 : vector<16xi1>, vector<16xi32>
              %add3A_699 = arith.constant 112 : i32
              %add3A_700 = arith.addi %mul3A_183, %add3A_699 : i32
              %add3A_701 = vector.broadcast %add3A_700 : i32 to vector<16xi32>
              %add3A_702 = arith.addi %iota3A, %add3A_701 : vector<16xi32>
              %add3A_703 = arith.constant 112 : i32
              %add3A_704 = arith.addi %mul3A_183, %add3A_703 : i32
              %get3A_705 = arith.constant 0 : i32
              %get3A_706 = arith.index_cast %get3A_705 : i32 to index
              %get3A_707 = arith.index_cast %add3A_704 : i32 to index
              %get3A_708 = tpu.vector_load %arg11[%get3A_706, %get3A_707] {strides = array<i32>} : memref<4x5120xf32, #tpu.memory_space<vmem>>, vector<16xf32>,
              %le3A_709 = arith.cmpf ole, %get3A_708, %select_n3A_532 : vector<16xf32>
              %jit3A_710 = arith.constant 3.000000e+38 : f32
              %broadcast_in_dim3A_711 = vector.broadcast %jit3A_710 : f32 to vector<16xf32>
              %select_n3A_712 = arith.select %le3A_709, %broadcast_in_dim3A_711, %get3A_708 : vector<16xi1>, vector<16xf32>
              %lt3A_713 = arith.cmpf olt, %select_n3A_712, %select_n3A_697 : vector<16xf32>
              %select_n3A_714 = arith.select %lt3A_713, %select_n3A_712, %select_n3A_697 : vector<16xi1>, vector<16xf32>
              %select_n3A_715 = arith.select %lt3A_713, %add3A_702, %select_n3A_698 : vector<16xi1>, vector<16xi32>
              %sub3A_716 = arith.subf %select_n3A_714, %broadcast_in_dim3A_77 : vector<16xf32>
              %lt3A_717 = arith.constant 0.000000e+00 : f32
              %lt3A_718 = vector.broadcast %lt3A_717 : f32 to vector<16xf32>
              %lt3A_719 = arith.cmpf olt, %sub3A_716, %lt3A_718 : vector<16xf32>
              %all_reduce_population_count3A_720 = tpu.all_reduce %lt3A_719 {dim = 0 : i64, kind = #tpu.reduction_kind<sum>} : vector<16xi1> -> vector<16xi32>
              %slice3A_721 = vector.extract_strided_slice %all_reduce_population_count3A_720 {offsets = [0], sizes = [1], strides = [1]} : vector<16xi32> to vector<1xi32>
              %squeeze3A_722 = vector.extract %slice3A_721[0] : i32 from vector<1xi32>
              %gt3A_723 = arith.constant 0 : i32
              %gt3A_724 = arith.cmpi sgt, %squeeze3A_722, %gt3A_723 : i32
              %convert_element_type3A_725 = arith.extui %gt3A_724 : i1 to i32
              %cond3A_726 = arith.constant 0 : i32
              %cond3A_727 = arith.cmpi ne, %convert_element_type3A_725, %cond3A_726 : i32
              scf.if %cond3A_727 {
                %get3A_728 = arith.constant 0 : i32
                %get3A_729 = arith.index_cast %get3A_728 : i32 to index
                %get3A_730 = arith.constant 0 : index
                %get3A_731 = tpu.vector_load %arg13[%get3A_729, %get3A_730] {strides = array<i32>} : memref<4x16xf32, #tpu.memory_space<vmem>>, vector<16xf32>,
                %get3A_732 = arith.constant 0 : i32
                %get3A_733 = arith.index_cast %get3A_732 : i32 to index
                %get3A_734 = arith.constant 0 : index
                %get3A_735 = tpu.vector_load %arg14[%get3A_733, %get3A_734] {strides = array<i32>} : memref<4x16xi32, #tpu.memory_space<vmem>>, vector<16xi32>,
                %masked_sort3A_736 = arith.constant dense<true> : vector<16xi1>
                %masked_sort3A_737, %masked_sort3A_738, %masked_sort3A_739 = tpu.sort %select_n3A_714, %select_n3A_715 masked %masked_sort3A_736 : (vector<16xf32>, vector<16xi32>, vector<16xi1>) -> (vector<16xi1>, vector<16xf32>, vector<16xi32>)
                %rev3A_740 = arith.constant 15 : i32
                %rev3A_741 = vector.broadcast %rev3A_740 : i32 to vector<16xi32>
                %rev3A_742 = tpu.iota {dimensions = array<i32: 0>} : vector<16xi32>
                %rev3A_743 = arith.subi %rev3A_741, %rev3A_742 : vector<16xi32>
                %rev3A_744 = tpu.dynamic_gather %masked_sort3A_738[%rev3A_743] in [0] : vector<16xf32>, vector<16xi32> -> vector<16xf32>
                %rev3A_745 = arith.constant 15 : i32
                %rev3A_746 = vector.broadcast %rev3A_745 : i32 to vector<16xi32>
                %rev3A_747 = tpu.iota {dimensions = array<i32: 0>} : vector<16xi32>
                %rev3A_748 = arith.subi %rev3A_746, %rev3A_747 : vector<16xi32>
                %rev3A_749 = tpu.dynamic_gather %masked_sort3A_739[%rev3A_748] in [0] : vector<16xi32>, vector<16xi32> -> vector<16xi32>
                %le3A_750 = arith.cmpf ole, %get3A_731, %rev3A_744 : vector<16xf32>
                %select_n3A_751 = arith.select %le3A_750, %get3A_731, %rev3A_744 : vector<16xi1>, vector<16xf32>
                %select_n3A_752 = arith.select %le3A_750, %get3A_735, %rev3A_749 : vector<16xi1>, vector<16xi32>
                %masked_sort3A_753 = arith.constant dense<true> : vector<16xi1>
                %masked_sort3A_754, %masked_sort3A_755, %masked_sort3A_756 = tpu.sort %select_n3A_751, %select_n3A_752 masked %masked_sort3A_753 : (vector<16xf32>, vector<16xi32>, vector<16xi1>) -> (vector<16xi1>, vector<16xf32>, vector<16xi32>)
                %swap3A_757 = arith.constant 0 : i32
                %swap3A_758 = arith.index_cast %swap3A_757 : i32 to index
                %swap3A_759 = arith.constant 0 : index
                %swap3A_760 = tpu.vector_load %arg13[%swap3A_758, %swap3A_759] {strides = array<i32>} : memref<4x16xf32, #tpu.memory_space<vmem>>, vector<16xf32>,
                tpu.vector_store %arg13[%swap3A_758, %swap3A_759], %masked_sort3A_755 {strides = array<i32>} : memref<4x16xf32, #tpu.memory_space<vmem>>, vector<16xf32>,
                %swap3A_761 = arith.constant 0 : i32
                %swap3A_762 = arith.index_cast %swap3A_761 : i32 to index
                %swap3A_763 = arith.constant 0 : index
                %swap3A_764 = tpu.vector_load %arg14[%swap3A_762, %swap3A_763] {strides = array<i32>} : memref<4x16xi32, #tpu.memory_space<vmem>>, vector<16xi32>,
                tpu.vector_store %arg14[%swap3A_762, %swap3A_763], %masked_sort3A_756 {strides = array<i32>} : memref<4x16xi32, #tpu.memory_space<vmem>>, vector<16xi32>,
                %add3A_765 = arith.constant 0 : i32
                %add3A_766 = arith.addi %mul3A_183, %add3A_765 : i32
                %add3A_767 = vector.broadcast %add3A_766 : i32 to vector<16xi32>
                %add3A_768 = arith.addi %iota3A, %add3A_767 : vector<16xi32>
                %add3A_769 = arith.constant 0 : i32
                %add3A_770 = arith.addi %mul3A_183, %add3A_769 : i32
                %get3A_771 = arith.constant 0 : i32
                %get3A_772 = arith.index_cast %get3A_771 : i32 to index
                %get3A_773 = arith.index_cast %add3A_770 : i32 to index
                %get3A_774 = tpu.vector_load %arg11[%get3A_772, %get3A_773] {strides = array<i32>} : memref<4x5120xf32, #tpu.memory_space<vmem>>, vector<16xf32>,
                %le3A_775 = arith.cmpf ole, %get3A_774, %select_n3A_714 : vector<16xf32>
                %jit3A_776 = arith.constant 3.000000e+38 : f32
                %broadcast_in_dim3A_777 = vector.broadcast %jit3A_776 : f32 to vector<16xf32>
                %select_n3A_778 = arith.select %le3A_775, %broadcast_in_dim3A_777, %get3A_774 : vector<16xi1>, vector<16xf32>
                %add3A_779 = arith.constant 16 : i32
                %add3A_780 = arith.addi %mul3A_183, %add3A_779 : i32
                %add3A_781 = vector.broadcast %add3A_780 : i32 to vector<16xi32>
                %add3A_782 = arith.addi %iota3A, %add3A_781 : vector<16xi32>
                %add3A_783 = arith.constant 16 : i32
                %add3A_784 = arith.addi %mul3A_183, %add3A_783 : i32
                %get3A_785 = arith.constant 0 : i32
                %get3A_786 = arith.index_cast %get3A_785 : i32 to index
                %get3A_787 = arith.index_cast %add3A_784 : i32 to index
                %get3A_788 = tpu.vector_load %arg11[%get3A_786, %get3A_787] {strides = array<i32>} : memref<4x5120xf32, #tpu.memory_space<vmem>>, vector<16xf32>,
                %le3A_789 = arith.cmpf ole, %get3A_788, %select_n3A_714 : vector<16xf32>
                %jit3A_790 = arith.constant 3.000000e+38 : f32
                %broadcast_in_dim3A_791 = vector.broadcast %jit3A_790 : f32 to vector<16xf32>
                %select_n3A_792 = arith.select %le3A_789, %broadcast_in_dim3A_791, %get3A_788 : vector<16xi1>, vector<16xf32>
                %lt3A_793 = arith.cmpf olt, %select_n3A_792, %select_n3A_778 : vector<16xf32>
                %select_n3A_794 = arith.select %lt3A_793, %select_n3A_792, %select_n3A_778 : vector<16xi1>, vector<16xf32>
                %select_n3A_795 = arith.select %lt3A_793, %add3A_782, %add3A_768 : vector<16xi1>, vector<16xi32>
                %add3A_796 = arith.constant 32 : i32
                %add3A_797 = arith.addi %mul3A_183, %add3A_796 : i32
                %add3A_798 = vector.broadcast %add3A_797 : i32 to vector<16xi32>
                %add3A_799 = arith.addi %iota3A, %add3A_798 : vector<16xi32>
                %add3A_800 = arith.constant 32 : i32
                %add3A_801 = arith.addi %mul3A_183, %add3A_800 : i32
                %get3A_802 = arith.constant 0 : i32
                %get3A_803 = arith.index_cast %get3A_802 : i32 to index
                %get3A_804 = arith.index_cast %add3A_801 : i32 to index
                %get3A_805 = tpu.vector_load %arg11[%get3A_803, %get3A_804] {strides = array<i32>} : memref<4x5120xf32, #tpu.memory_space<vmem>>, vector<16xf32>,
                %le3A_806 = arith.cmpf ole, %get3A_805, %select_n3A_714 : vector<16xf32>
                %jit3A_807 = arith.constant 3.000000e+38 : f32
                %broadcast_in_dim3A_808 = vector.broadcast %jit3A_807 : f32 to vector<16xf32>
                %select_n3A_809 = arith.select %le3A_806, %broadcast_in_dim3A_808, %get3A_805 : vector<16xi1>, vector<16xf32>
                %lt3A_810 = arith.cmpf olt, %select_n3A_809, %select_n3A_794 : vector<16xf32>
                %select_n3A_811 = arith.select %lt3A_810, %select_n3A_809, %select_n3A_794 : vector<16xi1>, vector<16xf32>
                %select_n3A_812 = arith.select %lt3A_810, %add3A_799, %select_n3A_795 : vector<16xi1>, vector<16xi32>
                %add3A_813 = arith.constant 48 : i32
                %add3A_814 = arith.addi %mul3A_183, %add3A_813 : i32
                %add3A_815 = vector.broadcast %add3A_814 : i32 to vector<16xi32>
                %add3A_816 = arith.addi %iota3A, %add3A_815 : vector<16xi32>
                %add3A_817 = arith.constant 48 : i32
                %add3A_818 = arith.addi %mul3A_183, %add3A_817 : i32
                %get3A_819 = arith.constant 0 : i32
                %get3A_820 = arith.index_cast %get3A_819 : i32 to index
                %get3A_821 = arith.index_cast %add3A_818 : i32 to index
                %get3A_822 = tpu.vector_load %arg11[%get3A_820, %get3A_821] {strides = array<i32>} : memref<4x5120xf32, #tpu.memory_space<vmem>>, vector<16xf32>,
                %le3A_823 = arith.cmpf ole, %get3A_822, %select_n3A_714 : vector<16xf32>
                %jit3A_824 = arith.constant 3.000000e+38 : f32
                %broadcast_in_dim3A_825 = vector.broadcast %jit3A_824 : f32 to vector<16xf32>
                %select_n3A_826 = arith.select %le3A_823, %broadcast_in_dim3A_825, %get3A_822 : vector<16xi1>, vector<16xf32>
                %lt3A_827 = arith.cmpf olt, %select_n3A_826, %select_n3A_811 : vector<16xf32>
                %select_n3A_828 = arith.select %lt3A_827, %select_n3A_826, %select_n3A_811 : vector<16xi1>, vector<16xf32>
                %select_n3A_829 = arith.select %lt3A_827, %add3A_816, %select_n3A_812 : vector<16xi1>, vector<16xi32>
                %add3A_830 = arith.constant 64 : i32
                %add3A_831 = arith.addi %mul3A_183, %add3A_830 : i32
                %add3A_832 = vector.broadcast %add3A_831 : i32 to vector<16xi32>
                %add3A_833 = arith.addi %iota3A, %add3A_832 : vector<16xi32>
                %add3A_834 = arith.constant 64 : i32
                %add3A_835 = arith.addi %mul3A_183, %add3A_834 : i32
                %get3A_836 = arith.constant 0 : i32
                %get3A_837 = arith.index_cast %get3A_836 : i32 to index
                %get3A_838 = arith.index_cast %add3A_835 : i32 to index
                %get3A_839 = tpu.vector_load %arg11[%get3A_837, %get3A_838] {strides = array<i32>} : memref<4x5120xf32, #tpu.memory_space<vmem>>, vector<16xf32>,
                %le3A_840 = arith.cmpf ole, %get3A_839, %select_n3A_714 : vector<16xf32>
                %jit3A_841 = arith.constant 3.000000e+38 : f32
                %broadcast_in_dim3A_842 = vector.broadcast %jit3A_841 : f32 to vector<16xf32>
                %select_n3A_843 = arith.select %le3A_840, %broadcast_in_dim3A_842, %get3A_839 : vector<16xi1>, vector<16xf32>
                %lt3A_844 = arith.cmpf olt, %select_n3A_843, %select_n3A_828 : vector<16xf32>
                %select_n3A_845 = arith.select %lt3A_844, %select_n3A_843, %select_n3A_828 : vector<16xi1>, vector<16xf32>
                %select_n3A_846 = arith.select %lt3A_844, %add3A_833, %select_n3A_829 : vector<16xi1>, vector<16xi32>
                %add3A_847 = arith.constant 80 : i32
                %add3A_848 = arith.addi %mul3A_183, %add3A_847 : i32
                %add3A_849 = vector.broadcast %add3A_848 : i32 to vector<16xi32>
                %add3A_850 = arith.addi %iota3A, %add3A_849 : vector<16xi32>
                %add3A_851 = arith.constant 80 : i32
                %add3A_852 = arith.addi %mul3A_183, %add3A_851 : i32
                %get3A_853 = arith.constant 0 : i32
                %get3A_854 = arith.index_cast %get3A_853 : i32 to index
                %get3A_855 = arith.index_cast %add3A_852 : i32 to index
                %get3A_856 = tpu.vector_load %arg11[%get3A_854, %get3A_855] {strides = array<i32>} : memref<4x5120xf32, #tpu.memory_space<vmem>>, vector<16xf32>,
                %le3A_857 = arith.cmpf ole, %get3A_856, %select_n3A_714 : vector<16xf32>
                %jit3A_858 = arith.constant 3.000000e+38 : f32
                %broadcast_in_dim3A_859 = vector.broadcast %jit3A_858 : f32 to vector<16xf32>
                %select_n3A_860 = arith.select %le3A_857, %broadcast_in_dim3A_859, %get3A_856 : vector<16xi1>, vector<16xf32>
                %lt3A_861 = arith.cmpf olt, %select_n3A_860, %select_n3A_845 : vector<16xf32>
                %select_n3A_862 = arith.select %lt3A_861, %select_n3A_860, %select_n3A_845 : vector<16xi1>, vector<16xf32>
                %select_n3A_863 = arith.select %lt3A_861, %add3A_850, %select_n3A_846 : vector<16xi1>, vector<16xi32>
                %add3A_864 = arith.constant 96 : i32
                %add3A_865 = arith.addi %mul3A_183, %add3A_864 : i32
                %add3A_866 = vector.broadcast %add3A_865 : i32 to vector<16xi32>
                %add3A_867 = arith.addi %iota3A, %add3A_866 : vector<16xi32>
                %add3A_868 = arith.constant 96 : i32
                %add3A_869 = arith.addi %mul3A_183, %add3A_868 : i32
                %get3A_870 = arith.constant 0 : i32
                %get3A_871 = arith.index_cast %get3A_870 : i32 to index
                %get3A_872 = arith.index_cast %add3A_869 : i32 to index
                %get3A_873 = tpu.vector_load %arg11[%get3A_871, %get3A_872] {strides = array<i32>} : memref<4x5120xf32, #tpu.memory_space<vmem>>, vector<16xf32>,
                %le3A_874 = arith.cmpf ole, %get3A_873, %select_n3A_714 : vector<16xf32>
                %jit3A_875 = arith.constant 3.000000e+38 : f32
                %broadcast_in_dim3A_876 = vector.broadcast %jit3A_875 : f32 to vector<16xf32>
                %select_n3A_877 = arith.select %le3A_874, %broadcast_in_dim3A_876, %get3A_873 : vector<16xi1>, vector<16xf32>
                %lt3A_878 = arith.cmpf olt, %select_n3A_877, %select_n3A_862 : vector<16xf32>
                %select_n3A_879 = arith.select %lt3A_878, %select_n3A_877, %select_n3A_862 : vector<16xi1>, vector<16xf32>
                %select_n3A_880 = arith.select %lt3A_878, %add3A_867, %select_n3A_863 : vector<16xi1>, vector<16xi32>
                %add3A_881 = arith.constant 112 : i32
                %add3A_882 = arith.addi %mul3A_183, %add3A_881 : i32
                %add3A_883 = vector.broadcast %add3A_882 : i32 to vector<16xi32>
                %add3A_884 = arith.addi %iota3A, %add3A_883 : vector<16xi32>
                %add3A_885 = arith.constant 112 : i32
                %add3A_886 = arith.addi %mul3A_183, %add3A_885 : i32
                %get3A_887 = arith.constant 0 : i32
                %get3A_888 = arith.index_cast %get3A_887 : i32 to index
                %get3A_889 = arith.index_cast %add3A_886 : i32 to index
                %get3A_890 = tpu.vector_load %arg11[%get3A_888, %get3A_889] {strides = array<i32>} : memref<4x5120xf32, #tpu.memory_space<vmem>>, vector<16xf32>,
                %le3A_891 = arith.cmpf ole, %get3A_890, %select_n3A_714 : vector<16xf32>
                %jit3A_892 = arith.constant 3.000000e+38 : f32
                %broadcast_in_dim3A_893 = vector.broadcast %jit3A_892 : f32 to vector<16xf32>
                %select_n3A_894 = arith.select %le3A_891, %broadcast_in_dim3A_893, %get3A_890 : vector<16xi1>, vector<16xf32>
                %lt3A_895 = arith.cmpf olt, %select_n3A_894, %select_n3A_879 : vector<16xf32>
                %select_n3A_896 = arith.select %lt3A_895, %select_n3A_894, %select_n3A_879 : vector<16xi1>, vector<16xf32>
                %select_n3A_897 = arith.select %lt3A_895, %add3A_884, %select_n3A_880 : vector<16xi1>, vector<16xi32>
                %sub3A_898 = arith.subf %select_n3A_896, %broadcast_in_dim3A_77 : vector<16xf32>
                %lt3A_899 = arith.constant 0.000000e+00 : f32
                %lt3A_900 = vector.broadcast %lt3A_899 : f32 to vector<16xf32>
                %lt3A_901 = arith.cmpf olt, %sub3A_898, %lt3A_900 : vector<16xf32>
                %all_reduce_population_count3A_902 = tpu.all_reduce %lt3A_901 {dim = 0 : i64, kind = #tpu.reduction_kind<sum>} : vector<16xi1> -> vector<16xi32>
                %slice3A_903 = vector.extract_strided_slice %all_reduce_population_count3A_902 {offsets = [0], sizes = [1], strides = [1]} : vector<16xi32> to vector<1xi32>
                %squeeze3A_904 = vector.extract %slice3A_903[0] : i32 from vector<1xi32>
                %gt3A_905 = arith.constant 0 : i32
                %gt3A_906 = arith.cmpi sgt, %squeeze3A_904, %gt3A_905 : i32
                %convert_element_type3A_907 = arith.extui %gt3A_906 : i1 to i32
                %cond3A_908 = arith.constant 0 : i32
                %cond3A_909 = arith.cmpi ne, %convert_element_type3A_907, %cond3A_908 : i32
                scf.if %cond3A_909 {
                  %get3A_910 = arith.constant 0 : i32
                  %get3A_911 = arith.index_cast %get3A_910 : i32 to index
                  %get3A_912 = arith.constant 0 : index
                  %get3A_913 = tpu.vector_load %arg13[%get3A_911, %get3A_912] {strides = array<i32>} : memref<4x16xf32, #tpu.memory_space<vmem>>, vector<16xf32>,
                  %get3A_914 = arith.constant 0 : i32
                  %get3A_915 = arith.index_cast %get3A_914 : i32 to index
                  %get3A_916 = arith.constant 0 : index
                  %get3A_917 = tpu.vector_load %arg14[%get3A_915, %get3A_916] {strides = array<i32>} : memref<4x16xi32, #tpu.memory_space<vmem>>, vector<16xi32>,
                  %masked_sort3A_918 = arith.constant dense<true> : vector<16xi1>
                  %masked_sort3A_919, %masked_sort3A_920, %masked_sort3A_921 = tpu.sort %select_n3A_896, %select_n3A_897 masked %masked_sort3A_918 : (vector<16xf32>, vector<16xi32>, vector<16xi1>) -> (vector<16xi1>, vector<16xf32>, vector<16xi32>)
                  %rev3A_922 = arith.constant 15 : i32
                  %rev3A_923 = vector.broadcast %rev3A_922 : i32 to vector<16xi32>
                  %rev3A_924 = tpu.iota {dimensions = array<i32: 0>} : vector<16xi32>
                  %rev3A_925 = arith.subi %rev3A_923, %rev3A_924 : vector<16xi32>
                  %rev3A_926 = tpu.dynamic_gather %masked_sort3A_920[%rev3A_925] in [0] : vector<16xf32>, vector<16xi32> -> vector<16xf32>
                  %rev3A_927 = arith.constant 15 : i32
                  %rev3A_928 = vector.broadcast %rev3A_927 : i32 to vector<16xi32>
                  %rev3A_929 = tpu.iota {dimensions = array<i32: 0>} : vector<16xi32>
                  %rev3A_930 = arith.subi %rev3A_928, %rev3A_929 : vector<16xi32>
                  %rev3A_931 = tpu.dynamic_gather %masked_sort3A_921[%rev3A_930] in [0] : vector<16xi32>, vector<16xi32> -> vector<16xi32>
                  %le3A_932 = arith.cmpf ole, %get3A_913, %rev3A_926 : vector<16xf32>
                  %select_n3A_933 = arith.select %le3A_932, %get3A_913, %rev3A_926 : vector<16xi1>, vector<16xf32>
                  %select_n3A_934 = arith.select %le3A_932, %get3A_917, %rev3A_931 : vector<16xi1>, vector<16xi32>
                  %masked_sort3A_935 = arith.constant dense<true> : vector<16xi1>
                  %masked_sort3A_936, %masked_sort3A_937, %masked_sort3A_938 = tpu.sort %select_n3A_933, %select_n3A_934 masked %masked_sort3A_935 : (vector<16xf32>, vector<16xi32>, vector<16xi1>) -> (vector<16xi1>, vector<16xf32>, vector<16xi32>)
                  %swap3A_939 = arith.constant 0 : i32
                  %swap3A_940 = arith.index_cast %swap3A_939 : i32 to index
                  %swap3A_941 = arith.constant 0 : index
                  %swap3A_942 = tpu.vector_load %arg13[%swap3A_940, %swap3A_941] {strides = array<i32>} : memref<4x16xf32, #tpu.memory_space<vmem>>, vector<16xf32>,
                  tpu.vector_store %arg13[%swap3A_940, %swap3A_941], %masked_sort3A_937 {strides = array<i32>} : memref<4x16xf32, #tpu.memory_space<vmem>>, vector<16xf32>,
                  %swap3A_943 = arith.constant 0 : i32
                  %swap3A_944 = arith.index_cast %swap3A_943 : i32 to index
                  %swap3A_945 = arith.constant 0 : index
                  %swap3A_946 = tpu.vector_load %arg14[%swap3A_944, %swap3A_945] {strides = array<i32>} : memref<4x16xi32, #tpu.memory_space<vmem>>, vector<16xi32>,
                  tpu.vector_store %arg14[%swap3A_944, %swap3A_945], %masked_sort3A_938 {strides = array<i32>} : memref<4x16xi32, #tpu.memory_space<vmem>>, vector<16xi32>,
                } else {
                }
              } else {
              }
            } else {
            }
          } else {
          }
          %sub3A_231 = arith.subf %get3A_195, %broadcast_in_dim3A_93 : vector<16xf32>
          %lt3A_232 = arith.constant 0.000000e+00 : f32
          %lt3A_233 = vector.broadcast %lt3A_232 : f32 to vector<16xf32>
          %lt3A_234 = arith.cmpf olt, %sub3A_231, %lt3A_233 : vector<16xf32>
          %all_reduce_population_count3A_235 = tpu.all_reduce %lt3A_234 {dim = 0 : i64, kind = #tpu.reduction_kind<sum>} : vector<16xi1> -> vector<16xi32>
          %slice3A_236 = vector.extract_strided_slice %all_reduce_population_count3A_235 {offsets = [0], sizes = [1], strides = [1]} : vector<16xi32> to vector<1xi32>
          %squeeze3A_237 = vector.extract %slice3A_236[0] : i32 from vector<1xi32>
          %gt3A_238 = arith.constant 0 : i32
          %gt3A_239 = arith.cmpi sgt, %squeeze3A_237, %gt3A_238 : i32
          %convert_element_type3A_240 = arith.extui %gt3A_239 : i1 to i32
          %cond3A_241 = arith.constant 0 : i32
          %cond3A_242 = arith.cmpi ne, %convert_element_type3A_240, %cond3A_241 : i32
          scf.if %cond3A_242 {
            %add3A_267 = arith.constant 0 : i32
            %add3A_268 = arith.addi %mul3A_183, %add3A_267 : i32
            %add3A_269 = vector.broadcast %add3A_268 : i32 to vector<16xi32>
            %add3A_270 = arith.addi %iota3A, %add3A_269 : vector<16xi32>
            %add3A_271 = arith.constant 0 : i32
            %add3A_272 = arith.addi %mul3A_183, %add3A_271 : i32
            %get3A_273 = arith.constant 1 : i32
            %get3A_274 = arith.index_cast %get3A_273 : i32 to index
            %get3A_275 = arith.index_cast %add3A_272 : i32 to index
            %get3A_276 = tpu.vector_load %arg11[%get3A_274, %get3A_275] {strides = array<i32>} : memref<4x5120xf32, #tpu.memory_space<vmem>>, vector<16xf32>,
            %add3A_277 = arith.constant 16 : i32
            %add3A_278 = arith.addi %mul3A_183, %add3A_277 : i32
            %add3A_279 = vector.broadcast %add3A_278 : i32 to vector<16xi32>
            %add3A_280 = arith.addi %iota3A, %add3A_279 : vector<16xi32>
            %add3A_281 = arith.constant 16 : i32
            %add3A_282 = arith.addi %mul3A_183, %add3A_281 : i32
            %get3A_283 = arith.constant 1 : i32
            %get3A_284 = arith.index_cast %get3A_283 : i32 to index
            %get3A_285 = arith.index_cast %add3A_282 : i32 to index
            %get3A_286 = tpu.vector_load %arg11[%get3A_284, %get3A_285] {strides = array<i32>} : memref<4x5120xf32, #tpu.memory_space<vmem>>, vector<16xf32>,
            %lt3A_287 = arith.cmpf olt, %get3A_286, %get3A_276 : vector<16xf32>
            %select_n3A = arith.select %lt3A_287, %get3A_286, %get3A_276 : vector<16xi1>, vector<16xf32>
            %select_n3A_288 = arith.select %lt3A_287, %add3A_280, %add3A_270 : vector<16xi1>, vector<16xi32>
            %add3A_289 = arith.constant 32 : i32
            %add3A_290 = arith.addi %mul3A_183, %add3A_289 : i32
            %add3A_291 = vector.broadcast %add3A_290 : i32 to vector<16xi32>
            %add3A_292 = arith.addi %iota3A, %add3A_291 : vector<16xi32>
            %add3A_293 = arith.constant 32 : i32
            %add3A_294 = arith.addi %mul3A_183, %add3A_293 : i32
            %get3A_295 = arith.constant 1 : i32
            %get3A_296 = arith.index_cast %get3A_295 : i32 to index
            %get3A_297 = arith.index_cast %add3A_294 : i32 to index
            %get3A_298 = tpu.vector_load %arg11[%get3A_296, %get3A_297] {strides = array<i32>} : memref<4x5120xf32, #tpu.memory_space<vmem>>, vector<16xf32>,
            %lt3A_299 = arith.cmpf olt, %get3A_298, %select_n3A : vector<16xf32>
            %select_n3A_300 = arith.select %lt3A_299, %get3A_298, %select_n3A : vector<16xi1>, vector<16xf32>
            %select_n3A_301 = arith.select %lt3A_299, %add3A_292, %select_n3A_288 : vector<16xi1>, vector<16xi32>
            %add3A_302 = arith.constant 48 : i32
            %add3A_303 = arith.addi %mul3A_183, %add3A_302 : i32
            %add3A_304 = vector.broadcast %add3A_303 : i32 to vector<16xi32>
            %add3A_305 = arith.addi %iota3A, %add3A_304 : vector<16xi32>
            %add3A_306 = arith.constant 48 : i32
            %add3A_307 = arith.addi %mul3A_183, %add3A_306 : i32
            %get3A_308 = arith.constant 1 : i32
            %get3A_309 = arith.index_cast %get3A_308 : i32 to index
            %get3A_310 = arith.index_cast %add3A_307 : i32 to index
            %get3A_311 = tpu.vector_load %arg11[%get3A_309, %get3A_310] {strides = array<i32>} : memref<4x5120xf32, #tpu.memory_space<vmem>>, vector<16xf32>,
            %lt3A_312 = arith.cmpf olt, %get3A_311, %select_n3A_300 : vector<16xf32>
            %select_n3A_313 = arith.select %lt3A_312, %get3A_311, %select_n3A_300 : vector<16xi1>, vector<16xf32>
            %select_n3A_314 = arith.select %lt3A_312, %add3A_305, %select_n3A_301 : vector<16xi1>, vector<16xi32>
            %add3A_315 = arith.constant 64 : i32
            %add3A_316 = arith.addi %mul3A_183, %add3A_315 : i32
            %add3A_317 = vector.broadcast %add3A_316 : i32 to vector<16xi32>
            %add3A_318 = arith.addi %iota3A, %add3A_317 : vector<16xi32>
            %add3A_319 = arith.constant 64 : i32
            %add3A_320 = arith.addi %mul3A_183, %add3A_319 : i32
            %get3A_321 = arith.constant 1 : i32
            %get3A_322 = arith.index_cast %get3A_321 : i32 to index
            %get3A_323 = arith.index_cast %add3A_320 : i32 to index
            %get3A_324 = tpu.vector_load %arg11[%get3A_322, %get3A_323] {strides = array<i32>} : memref<4x5120xf32, #tpu.memory_space<vmem>>, vector<16xf32>,
            %lt3A_325 = arith.cmpf olt, %get3A_324, %select_n3A_313 : vector<16xf32>
            %select_n3A_326 = arith.select %lt3A_325, %get3A_324, %select_n3A_313 : vector<16xi1>, vector<16xf32>
            %select_n3A_327 = arith.select %lt3A_325, %add3A_318, %select_n3A_314 : vector<16xi1>, vector<16xi32>
            %add3A_328 = arith.constant 80 : i32
            %add3A_329 = arith.addi %mul3A_183, %add3A_328 : i32
            %add3A_330 = vector.broadcast %add3A_329 : i32 to vector<16xi32>
            %add3A_331 = arith.addi %iota3A, %add3A_330 : vector<16xi32>
            %add3A_332 = arith.constant 80 : i32
            %add3A_333 = arith.addi %mul3A_183, %add3A_332 : i32
            %get3A_334 = arith.constant 1 : i32
            %get3A_335 = arith.index_cast %get3A_334 : i32 to index
            %get3A_336 = arith.index_cast %add3A_333 : i32 to index
            %get3A_337 = tpu.vector_load %arg11[%get3A_335, %get3A_336] {strides = array<i32>} : memref<4x5120xf32, #tpu.memory_space<vmem>>, vector<16xf32>,
            %lt3A_338 = arith.cmpf olt, %get3A_337, %select_n3A_326 : vector<16xf32>
            %select_n3A_339 = arith.select %lt3A_338, %get3A_337, %select_n3A_326 : vector<16xi1>, vector<16xf32>
            %select_n3A_340 = arith.select %lt3A_338, %add3A_331, %select_n3A_327 : vector<16xi1>, vector<16xi32>
            %add3A_341 = arith.constant 96 : i32
            %add3A_342 = arith.addi %mul3A_183, %add3A_341 : i32
            %add3A_343 = vector.broadcast %add3A_342 : i32 to vector<16xi32>
            %add3A_344 = arith.addi %iota3A, %add3A_343 : vector<16xi32>
            %add3A_345 = arith.constant 96 : i32
            %add3A_346 = arith.addi %mul3A_183, %add3A_345 : i32
            %get3A_347 = arith.constant 1 : i32
            %get3A_348 = arith.index_cast %get3A_347 : i32 to index
            %get3A_349 = arith.index_cast %add3A_346 : i32 to index
            %get3A_350 = tpu.vector_load %arg11[%get3A_348, %get3A_349] {strides = array<i32>} : memref<4x5120xf32, #tpu.memory_space<vmem>>, vector<16xf32>,
            %lt3A_351 = arith.cmpf olt, %get3A_350, %select_n3A_339 : vector<16xf32>
            %select_n3A_352 = arith.select %lt3A_351, %get3A_350, %select_n3A_339 : vector<16xi1>, vector<16xf32>
            %select_n3A_353 = arith.select %lt3A_351, %add3A_344, %select_n3A_340 : vector<16xi1>, vector<16xi32>
            %add3A_354 = arith.constant 112 : i32
            %add3A_355 = arith.addi %mul3A_183, %add3A_354 : i32
            %add3A_356 = vector.broadcast %add3A_355 : i32 to vector<16xi32>
            %add3A_357 = arith.addi %iota3A, %add3A_356 : vector<16xi32>
            %add3A_358 = arith.constant 112 : i32
            %add3A_359 = arith.addi %mul3A_183, %add3A_358 : i32
            %get3A_360 = arith.constant 1 : i32
            %get3A_361 = arith.index_cast %get3A_360 : i32 to index
            %get3A_362 = arith.index_cast %add3A_359 : i32 to index
            %get3A_363 = tpu.vector_load %arg11[%get3A_361, %get3A_362] {strides = array<i32>} : memref<4x5120xf32, #tpu.memory_space<vmem>>, vector<16xf32>,
            %lt3A_364 = arith.cmpf olt, %get3A_363, %select_n3A_352 : vector<16xf32>
            %select_n3A_365 = arith.select %lt3A_364, %get3A_363, %select_n3A_352 : vector<16xi1>, vector<16xf32>
            %select_n3A_366 = arith.select %lt3A_364, %add3A_357, %select_n3A_353 : vector<16xi1>, vector<16xi32>
            %get3A_367 = arith.constant 1 : i32
            %get3A_368 = arith.index_cast %get3A_367 : i32 to index
            %get3A_369 = arith.constant 0 : index
            %get3A_370 = tpu.vector_load %arg13[%get3A_368, %get3A_369] {strides = array<i32>} : memref<4x16xf32, #tpu.memory_space<vmem>>, vector<16xf32>,
            %get3A_371 = arith.constant 1 : i32
            %get3A_372 = arith.index_cast %get3A_371 : i32 to index
            %get3A_373 = arith.constant 0 : index
            %get3A_374 = tpu.vector_load %arg14[%get3A_372, %get3A_373] {strides = array<i32>} : memref<4x16xi32, #tpu.memory_space<vmem>>, vector<16xi32>,
            %masked_sort3A_375 = arith.constant dense<true> : vector<16xi1>
            %masked_sort3A_376, %masked_sort3A_377, %masked_sort3A_378 = tpu.sort %select_n3A_365, %select_n3A_366 masked %masked_sort3A_375 : (vector<16xf32>, vector<16xi32>, vector<16xi1>) -> (vector<16xi1>, vector<16xf32>, vector<16xi32>)
            %rev3A = arith.constant 15 : i32
            %rev3A_379 = vector.broadcast %rev3A : i32 to vector<16xi32>
            %rev3A_380 = tpu.iota {dimensions = array<i32: 0>} : vector<16xi32>
            %rev3A_381 = arith.subi %rev3A_379, %rev3A_380 : vector<16xi32>
            %rev3A_382 = tpu.dynamic_gather %masked_sort3A_377[%rev3A_381] in [0] : vector<16xf32>, vector<16xi32> -> vector<16xf32>
            %rev3A_383 = arith.constant 15 : i32
            %rev3A_384 = vector.broadcast %rev3A_383 : i32 to vector<16xi32>
            %rev3A_385 = tpu.iota {dimensions = array<i32: 0>} : vector<16xi32>
            %rev3A_386 = arith.subi %rev3A_384, %rev3A_385 : vector<16xi32>
            %rev3A_387 = tpu.dynamic_gather %masked_sort3A_378[%rev3A_386] in [0] : vector<16xi32>, vector<16xi32> -> vector<16xi32>
            %le3A = arith.cmpf ole, %get3A_370, %rev3A_382 : vector<16xf32>
            %select_n3A_388 = arith.select %le3A, %get3A_370, %rev3A_382 : vector<16xi1>, vector<16xf32>
            %select_n3A_389 = arith.select %le3A, %get3A_374, %rev3A_387 : vector<16xi1>, vector<16xi32>
            %masked_sort3A_390 = arith.constant dense<true> : vector<16xi1>
            %masked_sort3A_391, %masked_sort3A_392, %masked_sort3A_393 = tpu.sort %select_n3A_388, %select_n3A_389 masked %masked_sort3A_390 : (vector<16xf32>, vector<16xi32>, vector<16xi1>) -> (vector<16xi1>, vector<16xf32>, vector<16xi32>)
            %swap3A_394 = arith.constant 1 : i32
            %swap3A_395 = arith.index_cast %swap3A_394 : i32 to index
            %swap3A_396 = arith.constant 0 : index
            %swap3A_397 = tpu.vector_load %arg13[%swap3A_395, %swap3A_396] {strides = array<i32>} : memref<4x16xf32, #tpu.memory_space<vmem>>, vector<16xf32>,
            tpu.vector_store %arg13[%swap3A_395, %swap3A_396], %masked_sort3A_392 {strides = array<i32>} : memref<4x16xf32, #tpu.memory_space<vmem>>, vector<16xf32>,
            %swap3A_398 = arith.constant 1 : i32
            %swap3A_399 = arith.index_cast %swap3A_398 : i32 to index
            %swap3A_400 = arith.constant 0 : index
            %swap3A_401 = tpu.vector_load %arg14[%swap3A_399, %swap3A_400] {strides = array<i32>} : memref<4x16xi32, #tpu.memory_space<vmem>>, vector<16xi32>,
            tpu.vector_store %arg14[%swap3A_399, %swap3A_400], %masked_sort3A_393 {strides = array<i32>} : memref<4x16xi32, #tpu.memory_space<vmem>>, vector<16xi32>,
            %add3A_402 = arith.constant 0 : i32
            %add3A_403 = arith.addi %mul3A_183, %add3A_402 : i32
            %add3A_404 = vector.broadcast %add3A_403 : i32 to vector<16xi32>
            %add3A_405 = arith.addi %iota3A, %add3A_404 : vector<16xi32>
            %add3A_406 = arith.constant 0 : i32
            %add3A_407 = arith.addi %mul3A_183, %add3A_406 : i32
            %get3A_408 = arith.constant 1 : i32
            %get3A_409 = arith.index_cast %get3A_408 : i32 to index
            %get3A_410 = arith.index_cast %add3A_407 : i32 to index
            %get3A_411 = tpu.vector_load %arg11[%get3A_409, %get3A_410] {strides = array<i32>} : memref<4x5120xf32, #tpu.memory_space<vmem>>, vector<16xf32>,
            %le3A_412 = arith.cmpf ole, %get3A_411, %select_n3A_365 : vector<16xf32>
            %jit3A = arith.constant 3.000000e+38 : f32
            %broadcast_in_dim3A_413 = vector.broadcast %jit3A : f32 to vector<16xf32>
            %select_n3A_414 = arith.select %le3A_412, %broadcast_in_dim3A_413, %get3A_411 : vector<16xi1>, vector<16xf32>
            %add3A_415 = arith.constant 16 : i32
            %add3A_416 = arith.addi %mul3A_183, %add3A_415 : i32
            %add3A_417 = vector.broadcast %add3A_416 : i32 to vector<16xi32>
            %add3A_418 = arith.addi %iota3A, %add3A_417 : vector<16xi32>
            %add3A_419 = arith.constant 16 : i32
            %add3A_420 = arith.addi %mul3A_183, %add3A_419 : i32
            %get3A_421 = arith.constant 1 : i32
            %get3A_422 = arith.index_cast %get3A_421 : i32 to index
            %get3A_423 = arith.index_cast %add3A_420 : i32 to index
            %get3A_424 = tpu.vector_load %arg11[%get3A_422, %get3A_423] {strides = array<i32>} : memref<4x5120xf32, #tpu.memory_space<vmem>>, vector<16xf32>,
            %le3A_425 = arith.cmpf ole, %get3A_424, %select_n3A_365 : vector<16xf32>
            %jit3A_426 = arith.constant 3.000000e+38 : f32
            %broadcast_in_dim3A_427 = vector.broadcast %jit3A_426 : f32 to vector<16xf32>
            %select_n3A_428 = arith.select %le3A_425, %broadcast_in_dim3A_427, %get3A_424 : vector<16xi1>, vector<16xf32>
            %lt3A_429 = arith.cmpf olt, %select_n3A_428, %select_n3A_414 : vector<16xf32>
            %select_n3A_430 = arith.select %lt3A_429, %select_n3A_428, %select_n3A_414 : vector<16xi1>, vector<16xf32>
            %select_n3A_431 = arith.select %lt3A_429, %add3A_418, %add3A_405 : vector<16xi1>, vector<16xi32>
            %add3A_432 = arith.constant 32 : i32
            %add3A_433 = arith.addi %mul3A_183, %add3A_432 : i32
            %add3A_434 = vector.broadcast %add3A_433 : i32 to vector<16xi32>
            %add3A_435 = arith.addi %iota3A, %add3A_434 : vector<16xi32>
            %add3A_436 = arith.constant 32 : i32
            %add3A_437 = arith.addi %mul3A_183, %add3A_436 : i32
            %get3A_438 = arith.constant 1 : i32
            %get3A_439 = arith.index_cast %get3A_438 : i32 to index
            %get3A_440 = arith.index_cast %add3A_437 : i32 to index
            %get3A_441 = tpu.vector_load %arg11[%get3A_439, %get3A_440] {strides = array<i32>} : memref<4x5120xf32, #tpu.memory_space<vmem>>, vector<16xf32>,
            %le3A_442 = arith.cmpf ole, %get3A_441, %select_n3A_365 : vector<16xf32>
            %jit3A_443 = arith.constant 3.000000e+38 : f32
            %broadcast_in_dim3A_444 = vector.broadcast %jit3A_443 : f32 to vector<16xf32>
            %select_n3A_445 = arith.select %le3A_442, %broadcast_in_dim3A_444, %get3A_441 : vector<16xi1>, vector<16xf32>
            %lt3A_446 = arith.cmpf olt, %select_n3A_445, %select_n3A_430 : vector<16xf32>
            %select_n3A_447 = arith.select %lt3A_446, %select_n3A_445, %select_n3A_430 : vector<16xi1>, vector<16xf32>
            %select_n3A_448 = arith.select %lt3A_446, %add3A_435, %select_n3A_431 : vector<16xi1>, vector<16xi32>
            %add3A_449 = arith.constant 48 : i32
            %add3A_450 = arith.addi %mul3A_183, %add3A_449 : i32
            %add3A_451 = vector.broadcast %add3A_450 : i32 to vector<16xi32>
            %add3A_452 = arith.addi %iota3A, %add3A_451 : vector<16xi32>
            %add3A_453 = arith.constant 48 : i32
            %add3A_454 = arith.addi %mul3A_183, %add3A_453 : i32
            %get3A_455 = arith.constant 1 : i32
            %get3A_456 = arith.index_cast %get3A_455 : i32 to index
            %get3A_457 = arith.index_cast %add3A_454 : i32 to index
            %get3A_458 = tpu.vector_load %arg11[%get3A_456, %get3A_457] {strides = array<i32>} : memref<4x5120xf32, #tpu.memory_space<vmem>>, vector<16xf32>,
            %le3A_459 = arith.cmpf ole, %get3A_458, %select_n3A_365 : vector<16xf32>
            %jit3A_460 = arith.constant 3.000000e+38 : f32
            %broadcast_in_dim3A_461 = vector.broadcast %jit3A_460 : f32 to vector<16xf32>
            %select_n3A_462 = arith.select %le3A_459, %broadcast_in_dim3A_461, %get3A_458 : vector<16xi1>, vector<16xf32>
            %lt3A_463 = arith.cmpf olt, %select_n3A_462, %select_n3A_447 : vector<16xf32>
            %select_n3A_464 = arith.select %lt3A_463, %select_n3A_462, %select_n3A_447 : vector<16xi1>, vector<16xf32>
            %select_n3A_465 = arith.select %lt3A_463, %add3A_452, %select_n3A_448 : vector<16xi1>, vector<16xi32>
            %add3A_466 = arith.constant 64 : i32
            %add3A_467 = arith.addi %mul3A_183, %add3A_466 : i32
            %add3A_468 = vector.broadcast %add3A_467 : i32 to vector<16xi32>
            %add3A_469 = arith.addi %iota3A, %add3A_468 : vector<16xi32>
            %add3A_470 = arith.constant 64 : i32
            %add3A_471 = arith.addi %mul3A_183, %add3A_470 : i32
            %get3A_472 = arith.constant 1 : i32
            %get3A_473 = arith.index_cast %get3A_472 : i32 to index
            %get3A_474 = arith.index_cast %add3A_471 : i32 to index
            %get3A_475 = tpu.vector_load %arg11[%get3A_473, %get3A_474] {strides = array<i32>} : memref<4x5120xf32, #tpu.memory_space<vmem>>, vector<16xf32>,
            %le3A_476 = arith.cmpf ole, %get3A_475, %select_n3A_365 : vector<16xf32>
            %jit3A_477 = arith.constant 3.000000e+38 : f32
            %broadcast_in_dim3A_478 = vector.broadcast %jit3A_477 : f32 to vector<16xf32>
            %select_n3A_479 = arith.select %le3A_476, %broadcast_in_dim3A_478, %get3A_475 : vector<16xi1>, vector<16xf32>
            %lt3A_480 = arith.cmpf olt, %select_n3A_479, %select_n3A_464 : vector<16xf32>
            %select_n3A_481 = arith.select %lt3A_480, %select_n3A_479, %select_n3A_464 : vector<16xi1>, vector<16xf32>
            %select_n3A_482 = arith.select %lt3A_480, %add3A_469, %select_n3A_465 : vector<16xi1>, vector<16xi32>
            %add3A_483 = arith.constant 80 : i32
            %add3A_484 = arith.addi %mul3A_183, %add3A_483 : i32
            %add3A_485 = vector.broadcast %add3A_484 : i32 to vector<16xi32>
            %add3A_486 = arith.addi %iota3A, %add3A_485 : vector<16xi32>
            %add3A_487 = arith.constant 80 : i32
            %add3A_488 = arith.addi %mul3A_183, %add3A_487 : i32
            %get3A_489 = arith.constant 1 : i32
            %get3A_490 = arith.index_cast %get3A_489 : i32 to index
            %get3A_491 = arith.index_cast %add3A_488 : i32 to index
            %get3A_492 = tpu.vector_load %arg11[%get3A_490, %get3A_491] {strides = array<i32>} : memref<4x5120xf32, #tpu.memory_space<vmem>>, vector<16xf32>,
            %le3A_493 = arith.cmpf ole, %get3A_492, %select_n3A_365 : vector<16xf32>
            %jit3A_494 = arith.constant 3.000000e+38 : f32
            %broadcast_in_dim3A_495 = vector.broadcast %jit3A_494 : f32 to vector<16xf32>
            %select_n3A_496 = arith.select %le3A_493, %broadcast_in_dim3A_495, %get3A_492 : vector<16xi1>, vector<16xf32>
            %lt3A_497 = arith.cmpf olt, %select_n3A_496, %select_n3A_481 : vector<16xf32>
            %select_n3A_498 = arith.select %lt3A_497, %select_n3A_496, %select_n3A_481 : vector<16xi1>, vector<16xf32>
            %select_n3A_499 = arith.select %lt3A_497, %add3A_486, %select_n3A_482 : vector<16xi1>, vector<16xi32>
            %add3A_500 = arith.constant 96 : i32
            %add3A_501 = arith.addi %mul3A_183, %add3A_500 : i32
            %add3A_502 = vector.broadcast %add3A_501 : i32 to vector<16xi32>
            %add3A_503 = arith.addi %iota3A, %add3A_502 : vector<16xi32>
            %add3A_504 = arith.constant 96 : i32
            %add3A_505 = arith.addi %mul3A_183, %add3A_504 : i32
            %get3A_506 = arith.constant 1 : i32
            %get3A_507 = arith.index_cast %get3A_506 : i32 to index
            %get3A_508 = arith.index_cast %add3A_505 : i32 to index
            %get3A_509 = tpu.vector_load %arg11[%get3A_507, %get3A_508] {strides = array<i32>} : memref<4x5120xf32, #tpu.memory_space<vmem>>, vector<16xf32>,
            %le3A_510 = arith.cmpf ole, %get3A_509, %select_n3A_365 : vector<16xf32>
            %jit3A_511 = arith.constant 3.000000e+38 : f32
            %broadcast_in_dim3A_512 = vector.broadcast %jit3A_511 : f32 to vector<16xf32>
            %select_n3A_513 = arith.select %le3A_510, %broadcast_in_dim3A_512, %get3A_509 : vector<16xi1>, vector<16xf32>
            %lt3A_514 = arith.cmpf olt, %select_n3A_513, %select_n3A_498 : vector<16xf32>
            %select_n3A_515 = arith.select %lt3A_514, %select_n3A_513, %select_n3A_498 : vector<16xi1>, vector<16xf32>
            %select_n3A_516 = arith.select %lt3A_514, %add3A_503, %select_n3A_499 : vector<16xi1>, vector<16xi32>
            %add3A_517 = arith.constant 112 : i32
            %add3A_518 = arith.addi %mul3A_183, %add3A_517 : i32
            %add3A_519 = vector.broadcast %add3A_518 : i32 to vector<16xi32>
            %add3A_520 = arith.addi %iota3A, %add3A_519 : vector<16xi32>
            %add3A_521 = arith.constant 112 : i32
            %add3A_522 = arith.addi %mul3A_183, %add3A_521 : i32
            %get3A_523 = arith.constant 1 : i32
            %get3A_524 = arith.index_cast %get3A_523 : i32 to index
            %get3A_525 = arith.index_cast %add3A_522 : i32 to index
            %get3A_526 = tpu.vector_load %arg11[%get3A_524, %get3A_525] {strides = array<i32>} : memref<4x5120xf32, #tpu.memory_space<vmem>>, vector<16xf32>,
            %le3A_527 = arith.cmpf ole, %get3A_526, %select_n3A_365 : vector<16xf32>
            %jit3A_528 = arith.constant 3.000000e+38 : f32
            %broadcast_in_dim3A_529 = vector.broadcast %jit3A_528 : f32 to vector<16xf32>
            %select_n3A_530 = arith.select %le3A_527, %broadcast_in_dim3A_529, %get3A_526 : vector<16xi1>, vector<16xf32>
            %lt3A_531 = arith.cmpf olt, %select_n3A_530, %select_n3A_515 : vector<16xf32>
            %select_n3A_532 = arith.select %lt3A_531, %select_n3A_530, %select_n3A_515 : vector<16xi1>, vector<16xf32>
            %select_n3A_533 = arith.select %lt3A_531, %add3A_520, %select_n3A_516 : vector<16xi1>, vector<16xi32>
            %sub3A_534 = arith.subf %select_n3A_532, %broadcast_in_dim3A_93 : vector<16xf32>
            %lt3A_535 = arith.constant 0.000000e+00 : f32
            %lt3A_536 = vector.broadcast %lt3A_535 : f32 to vector<16xf32>
            %lt3A_537 = arith.cmpf olt, %sub3A_534, %lt3A_536 : vector<16xf32>
            %all_reduce_population_count3A_538 = tpu.all_reduce %lt3A_537 {dim = 0 : i64, kind = #tpu.reduction_kind<sum>} : vector<16xi1> -> vector<16xi32>
            %slice3A_539 = vector.extract_strided_slice %all_reduce_population_count3A_538 {offsets = [0], sizes = [1], strides = [1]} : vector<16xi32> to vector<1xi32>
            %squeeze3A_540 = vector.extract %slice3A_539[0] : i32 from vector<1xi32>
            %gt3A_541 = arith.constant 0 : i32
            %gt3A_542 = arith.cmpi sgt, %squeeze3A_540, %gt3A_541 : i32
            %convert_element_type3A_543 = arith.extui %gt3A_542 : i1 to i32
            %cond3A_544 = arith.constant 0 : i32
            %cond3A_545 = arith.cmpi ne, %convert_element_type3A_543, %cond3A_544 : i32
            scf.if %cond3A_545 {
              %get3A_546 = arith.constant 1 : i32
              %get3A_547 = arith.index_cast %get3A_546 : i32 to index
              %get3A_548 = arith.constant 0 : index
              %get3A_549 = tpu.vector_load %arg13[%get3A_547, %get3A_548] {strides = array<i32>} : memref<4x16xf32, #tpu.memory_space<vmem>>, vector<16xf32>,
              %get3A_550 = arith.constant 1 : i32
              %get3A_551 = arith.index_cast %get3A_550 : i32 to index
              %get3A_552 = arith.constant 0 : index
              %get3A_553 = tpu.vector_load %arg14[%get3A_551, %get3A_552] {strides = array<i32>} : memref<4x16xi32, #tpu.memory_space<vmem>>, vector<16xi32>,
              %masked_sort3A_554 = arith.constant dense<true> : vector<16xi1>
              %masked_sort3A_555, %masked_sort3A_556, %masked_sort3A_557 = tpu.sort %select_n3A_532, %select_n3A_533 masked %masked_sort3A_554 : (vector<16xf32>, vector<16xi32>, vector<16xi1>) -> (vector<16xi1>, vector<16xf32>, vector<16xi32>)
              %rev3A_558 = arith.constant 15 : i32
              %rev3A_559 = vector.broadcast %rev3A_558 : i32 to vector<16xi32>
              %rev3A_560 = tpu.iota {dimensions = array<i32: 0>} : vector<16xi32>
              %rev3A_561 = arith.subi %rev3A_559, %rev3A_560 : vector<16xi32>
              %rev3A_562 = tpu.dynamic_gather %masked_sort3A_556[%rev3A_561] in [0] : vector<16xf32>, vector<16xi32> -> vector<16xf32>
              %rev3A_563 = arith.constant 15 : i32
              %rev3A_564 = vector.broadcast %rev3A_563 : i32 to vector<16xi32>
              %rev3A_565 = tpu.iota {dimensions = array<i32: 0>} : vector<16xi32>
              %rev3A_566 = arith.subi %rev3A_564, %rev3A_565 : vector<16xi32>
              %rev3A_567 = tpu.dynamic_gather %masked_sort3A_557[%rev3A_566] in [0] : vector<16xi32>, vector<16xi32> -> vector<16xi32>
              %le3A_568 = arith.cmpf ole, %get3A_549, %rev3A_562 : vector<16xf32>
              %select_n3A_569 = arith.select %le3A_568, %get3A_549, %rev3A_562 : vector<16xi1>, vector<16xf32>
              %select_n3A_570 = arith.select %le3A_568, %get3A_553, %rev3A_567 : vector<16xi1>, vector<16xi32>
              %masked_sort3A_571 = arith.constant dense<true> : vector<16xi1>
              %masked_sort3A_572, %masked_sort3A_573, %masked_sort3A_574 = tpu.sort %select_n3A_569, %select_n3A_570 masked %masked_sort3A_571 : (vector<16xf32>, vector<16xi32>, vector<16xi1>) -> (vector<16xi1>, vector<16xf32>, vector<16xi32>)
              %swap3A_575 = arith.constant 1 : i32
              %swap3A_576 = arith.index_cast %swap3A_575 : i32 to index
              %swap3A_577 = arith.constant 0 : index
              %swap3A_578 = tpu.vector_load %arg13[%swap3A_576, %swap3A_577] {strides = array<i32>} : memref<4x16xf32, #tpu.memory_space<vmem>>, vector<16xf32>,
              tpu.vector_store %arg13[%swap3A_576, %swap3A_577], %masked_sort3A_573 {strides = array<i32>} : memref<4x16xf32, #tpu.memory_space<vmem>>, vector<16xf32>,
              %swap3A_579 = arith.constant 1 : i32
              %swap3A_580 = arith.index_cast %swap3A_579 : i32 to index
              %swap3A_581 = arith.constant 0 : index
              %swap3A_582 = tpu.vector_load %arg14[%swap3A_580, %swap3A_581] {strides = array<i32>} : memref<4x16xi32, #tpu.memory_space<vmem>>, vector<16xi32>,
              tpu.vector_store %arg14[%swap3A_580, %swap3A_581], %masked_sort3A_574 {strides = array<i32>} : memref<4x16xi32, #tpu.memory_space<vmem>>, vector<16xi32>,
              %add3A_583 = arith.constant 0 : i32
              %add3A_584 = arith.addi %mul3A_183, %add3A_583 : i32
              %add3A_585 = vector.broadcast %add3A_584 : i32 to vector<16xi32>
              %add3A_586 = arith.addi %iota3A, %add3A_585 : vector<16xi32>
              %add3A_587 = arith.constant 0 : i32
              %add3A_588 = arith.addi %mul3A_183, %add3A_587 : i32
              %get3A_589 = arith.constant 1 : i32
              %get3A_590 = arith.index_cast %get3A_589 : i32 to index
              %get3A_591 = arith.index_cast %add3A_588 : i32 to index
              %get3A_592 = tpu.vector_load %arg11[%get3A_590, %get3A_591] {strides = array<i32>} : memref<4x5120xf32, #tpu.memory_space<vmem>>, vector<16xf32>,
              %le3A_593 = arith.cmpf ole, %get3A_592, %select_n3A_532 : vector<16xf32>
              %jit3A_594 = arith.constant 3.000000e+38 : f32
              %broadcast_in_dim3A_595 = vector.broadcast %jit3A_594 : f32 to vector<16xf32>
              %select_n3A_596 = arith.select %le3A_593, %broadcast_in_dim3A_595, %get3A_592 : vector<16xi1>, vector<16xf32>
              %add3A_597 = arith.constant 16 : i32
              %add3A_598 = arith.addi %mul3A_183, %add3A_597 : i32
              %add3A_599 = vector.broadcast %add3A_598 : i32 to vector<16xi32>
              %add3A_600 = arith.addi %iota3A, %add3A_599 : vector<16xi32>
              %add3A_601 = arith.constant 16 : i32
              %add3A_602 = arith.addi %mul3A_183, %add3A_601 : i32
              %get3A_603 = arith.constant 1 : i32
              %get3A_604 = arith.index_cast %get3A_603 : i32 to index
              %get3A_605 = arith.index_cast %add3A_602 : i32 to index
              %get3A_606 = tpu.vector_load %arg11[%get3A_604, %get3A_605] {strides = array<i32>} : memref<4x5120xf32, #tpu.memory_space<vmem>>, vector<16xf32>,
              %le3A_607 = arith.cmpf ole, %get3A_606, %select_n3A_532 : vector<16xf32>
              %jit3A_608 = arith.constant 3.000000e+38 : f32
              %broadcast_in_dim3A_609 = vector.broadcast %jit3A_608 : f32 to vector<16xf32>
              %select_n3A_610 = arith.select %le3A_607, %broadcast_in_dim3A_609, %get3A_606 : vector<16xi1>, vector<16xf32>
              %lt3A_611 = arith.cmpf olt, %select_n3A_610, %select_n3A_596 : vector<16xf32>
              %select_n3A_612 = arith.select %lt3A_611, %select_n3A_610, %select_n3A_596 : vector<16xi1>, vector<16xf32>
              %select_n3A_613 = arith.select %lt3A_611, %add3A_600, %add3A_586 : vector<16xi1>, vector<16xi32>
              %add3A_614 = arith.constant 32 : i32
              %add3A_615 = arith.addi %mul3A_183, %add3A_614 : i32
              %add3A_616 = vector.broadcast %add3A_615 : i32 to vector<16xi32>
              %add3A_617 = arith.addi %iota3A, %add3A_616 : vector<16xi32>
              %add3A_618 = arith.constant 32 : i32
              %add3A_619 = arith.addi %mul3A_183, %add3A_618 : i32
              %get3A_620 = arith.constant 1 : i32
              %get3A_621 = arith.index_cast %get3A_620 : i32 to index
              %get3A_622 = arith.index_cast %add3A_619 : i32 to index
              %get3A_623 = tpu.vector_load %arg11[%get3A_621, %get3A_622] {strides = array<i32>} : memref<4x5120xf32, #tpu.memory_space<vmem>>, vector<16xf32>,
              %le3A_624 = arith.cmpf ole, %get3A_623, %select_n3A_532 : vector<16xf32>
              %jit3A_625 = arith.constant 3.000000e+38 : f32
              %broadcast_in_dim3A_626 = vector.broadcast %jit3A_625 : f32 to vector<16xf32>
              %select_n3A_627 = arith.select %le3A_624, %broadcast_in_dim3A_626, %get3A_623 : vector<16xi1>, vector<16xf32>
              %lt3A_628 = arith.cmpf olt, %select_n3A_627, %select_n3A_612 : vector<16xf32>
              %select_n3A_629 = arith.select %lt3A_628, %select_n3A_627, %select_n3A_612 : vector<16xi1>, vector<16xf32>
              %select_n3A_630 = arith.select %lt3A_628, %add3A_617, %select_n3A_613 : vector<16xi1>, vector<16xi32>
              %add3A_631 = arith.constant 48 : i32
              %add3A_632 = arith.addi %mul3A_183, %add3A_631 : i32
              %add3A_633 = vector.broadcast %add3A_632 : i32 to vector<16xi32>
              %add3A_634 = arith.addi %iota3A, %add3A_633 : vector<16xi32>
              %add3A_635 = arith.constant 48 : i32
              %add3A_636 = arith.addi %mul3A_183, %add3A_635 : i32
              %get3A_637 = arith.constant 1 : i32
              %get3A_638 = arith.index_cast %get3A_637 : i32 to index
              %get3A_639 = arith.index_cast %add3A_636 : i32 to index
              %get3A_640 = tpu.vector_load %arg11[%get3A_638, %get3A_639] {strides = array<i32>} : memref<4x5120xf32, #tpu.memory_space<vmem>>, vector<16xf32>,
              %le3A_641 = arith.cmpf ole, %get3A_640, %select_n3A_532 : vector<16xf32>
              %jit3A_642 = arith.constant 3.000000e+38 : f32
              %broadcast_in_dim3A_643 = vector.broadcast %jit3A_642 : f32 to vector<16xf32>
              %select_n3A_644 = arith.select %le3A_641, %broadcast_in_dim3A_643, %get3A_640 : vector<16xi1>, vector<16xf32>
              %lt3A_645 = arith.cmpf olt, %select_n3A_644, %select_n3A_629 : vector<16xf32>
              %select_n3A_646 = arith.select %lt3A_645, %select_n3A_644, %select_n3A_629 : vector<16xi1>, vector<16xf32>
              %select_n3A_647 = arith.select %lt3A_645, %add3A_634, %select_n3A_630 : vector<16xi1>, vector<16xi32>
              %add3A_648 = arith.constant 64 : i32
              %add3A_649 = arith.addi %mul3A_183, %add3A_648 : i32
              %add3A_650 = vector.broadcast %add3A_649 : i32 to vector<16xi32>
              %add3A_651 = arith.addi %iota3A, %add3A_650 : vector<16xi32>
              %add3A_652 = arith.constant 64 : i32
              %add3A_653 = arith.addi %mul3A_183, %add3A_652 : i32
              %get3A_654 = arith.constant 1 : i32
              %get3A_655 = arith.index_cast %get3A_654 : i32 to index
              %get3A_656 = arith.index_cast %add3A_653 : i32 to index
              %get3A_657 = tpu.vector_load %arg11[%get3A_655, %get3A_656] {strides = array<i32>} : memref<4x5120xf32, #tpu.memory_space<vmem>>, vector<16xf32>,
              %le3A_658 = arith.cmpf ole, %get3A_657, %select_n3A_532 : vector<16xf32>
              %jit3A_659 = arith.constant 3.000000e+38 : f32
              %broadcast_in_dim3A_660 = vector.broadcast %jit3A_659 : f32 to vector<16xf32>
              %select_n3A_661 = arith.select %le3A_658, %broadcast_in_dim3A_660, %get3A_657 : vector<16xi1>, vector<16xf32>
              %lt3A_662 = arith.cmpf olt, %select_n3A_661, %select_n3A_646 : vector<16xf32>
              %select_n3A_663 = arith.select %lt3A_662, %select_n3A_661, %select_n3A_646 : vector<16xi1>, vector<16xf32>
              %select_n3A_664 = arith.select %lt3A_662, %add3A_651, %select_n3A_647 : vector<16xi1>, vector<16xi32>
              %add3A_665 = arith.constant 80 : i32
              %add3A_666 = arith.addi %mul3A_183, %add3A_665 : i32
              %add3A_667 = vector.broadcast %add3A_666 : i32 to vector<16xi32>
              %add3A_668 = arith.addi %iota3A, %add3A_667 : vector<16xi32>
              %add3A_669 = arith.constant 80 : i32
              %add3A_670 = arith.addi %mul3A_183, %add3A_669 : i32
              %get3A_671 = arith.constant 1 : i32
              %get3A_672 = arith.index_cast %get3A_671 : i32 to index
              %get3A_673 = arith.index_cast %add3A_670 : i32 to index
              %get3A_674 = tpu.vector_load %arg11[%get3A_672, %get3A_673] {strides = array<i32>} : memref<4x5120xf32, #tpu.memory_space<vmem>>, vector<16xf32>,
              %le3A_675 = arith.cmpf ole, %get3A_674, %select_n3A_532 : vector<16xf32>
              %jit3A_676 = arith.constant 3.000000e+38 : f32
              %broadcast_in_dim3A_677 = vector.broadcast %jit3A_676 : f32 to vector<16xf32>
              %select_n3A_678 = arith.select %le3A_675, %broadcast_in_dim3A_677, %get3A_674 : vector<16xi1>, vector<16xf32>
              %lt3A_679 = arith.cmpf olt, %select_n3A_678, %select_n3A_663 : vector<16xf32>
              %select_n3A_680 = arith.select %lt3A_679, %select_n3A_678, %select_n3A_663 : vector<16xi1>, vector<16xf32>
              %select_n3A_681 = arith.select %lt3A_679, %add3A_668, %select_n3A_664 : vector<16xi1>, vector<16xi32>
              %add3A_682 = arith.constant 96 : i32
              %add3A_683 = arith.addi %mul3A_183, %add3A_682 : i32
              %add3A_684 = vector.broadcast %add3A_683 : i32 to vector<16xi32>
              %add3A_685 = arith.addi %iota3A, %add3A_684 : vector<16xi32>
              %add3A_686 = arith.constant 96 : i32
              %add3A_687 = arith.addi %mul3A_183, %add3A_686 : i32
              %get3A_688 = arith.constant 1 : i32
              %get3A_689 = arith.index_cast %get3A_688 : i32 to index
              %get3A_690 = arith.index_cast %add3A_687 : i32 to index
              %get3A_691 = tpu.vector_load %arg11[%get3A_689, %get3A_690] {strides = array<i32>} : memref<4x5120xf32, #tpu.memory_space<vmem>>, vector<16xf32>,
              %le3A_692 = arith.cmpf ole, %get3A_691, %select_n3A_532 : vector<16xf32>
              %jit3A_693 = arith.constant 3.000000e+38 : f32
              %broadcast_in_dim3A_694 = vector.broadcast %jit3A_693 : f32 to vector<16xf32>
              %select_n3A_695 = arith.select %le3A_692, %broadcast_in_dim3A_694, %get3A_691 : vector<16xi1>, vector<16xf32>
              %lt3A_696 = arith.cmpf olt, %select_n3A_695, %select_n3A_680 : vector<16xf32>
              %select_n3A_697 = arith.select %lt3A_696, %select_n3A_695, %select_n3A_680 : vector<16xi1>, vector<16xf32>
              %select_n3A_698 = arith.select %lt3A_696, %add3A_685, %select_n3A_681 : vector<16xi1>, vector<16xi32>
              %add3A_699 = arith.constant 112 : i32
              %add3A_700 = arith.addi %mul3A_183, %add3A_699 : i32
              %add3A_701 = vector.broadcast %add3A_700 : i32 to vector<16xi32>
              %add3A_702 = arith.addi %iota3A, %add3A_701 : vector<16xi32>
              %add3A_703 = arith.constant 112 : i32
              %add3A_704 = arith.addi %mul3A_183, %add3A_703 : i32
              %get3A_705 = arith.constant 1 : i32
              %get3A_706 = arith.index_cast %get3A_705 : i32 to index
              %get3A_707 = arith.index_cast %add3A_704 : i32 to index
              %get3A_708 = tpu.vector_load %arg11[%get3A_706, %get3A_707] {strides = array<i32>} : memref<4x5120xf32, #tpu.memory_space<vmem>>, vector<16xf32>,
              %le3A_709 = arith.cmpf ole, %get3A_708, %select_n3A_532 : vector<16xf32>
              %jit3A_710 = arith.constant 3.000000e+38 : f32
              %broadcast_in_dim3A_711 = vector.broadcast %jit3A_710 : f32 to vector<16xf32>
              %select_n3A_712 = arith.select %le3A_709, %broadcast_in_dim3A_711, %get3A_708 : vector<16xi1>, vector<16xf32>
              %lt3A_713 = arith.cmpf olt, %select_n3A_712, %select_n3A_697 : vector<16xf32>
              %select_n3A_714 = arith.select %lt3A_713, %select_n3A_712, %select_n3A_697 : vector<16xi1>, vector<16xf32>
              %select_n3A_715 = arith.select %lt3A_713, %add3A_702, %select_n3A_698 : vector<16xi1>, vector<16xi32>
              %sub3A_716 = arith.subf %select_n3A_714, %broadcast_in_dim3A_93 : vector<16xf32>
              %lt3A_717 = arith.constant 0.000000e+00 : f32
              %lt3A_718 = vector.broadcast %lt3A_717 : f32 to vector<16xf32>
              %lt3A_719 = arith.cmpf olt, %sub3A_716, %lt3A_718 : vector<16xf32>
              %all_reduce_population_count3A_720 = tpu.all_reduce %lt3A_719 {dim = 0 : i64, kind = #tpu.reduction_kind<sum>} : vector<16xi1> -> vector<16xi32>
              %slice3A_721 = vector.extract_strided_slice %all_reduce_population_count3A_720 {offsets = [0], sizes = [1], strides = [1]} : vector<16xi32> to vector<1xi32>
              %squeeze3A_722 = vector.extract %slice3A_721[0] : i32 from vector<1xi32>
              %gt3A_723 = arith.constant 0 : i32
              %gt3A_724 = arith.cmpi sgt, %squeeze3A_722, %gt3A_723 : i32
              %convert_element_type3A_725 = arith.extui %gt3A_724 : i1 to i32
              %cond3A_726 = arith.constant 0 : i32
              %cond3A_727 = arith.cmpi ne, %convert_element_type3A_725, %cond3A_726 : i32
              scf.if %cond3A_727 {
                %get3A_728 = arith.constant 1 : i32
                %get3A_729 = arith.index_cast %get3A_728 : i32 to index
                %get3A_730 = arith.constant 0 : index
                %get3A_731 = tpu.vector_load %arg13[%get3A_729, %get3A_730] {strides = array<i32>} : memref<4x16xf32, #tpu.memory_space<vmem>>, vector<16xf32>,
                %get3A_732 = arith.constant 1 : i32
                %get3A_733 = arith.index_cast %get3A_732 : i32 to index
                %get3A_734 = arith.constant 0 : index
                %get3A_735 = tpu.vector_load %arg14[%get3A_733, %get3A_734] {strides = array<i32>} : memref<4x16xi32, #tpu.memory_space<vmem>>, vector<16xi32>,
                %masked_sort3A_736 = arith.constant dense<true> : vector<16xi1>
                %masked_sort3A_737, %masked_sort3A_738, %masked_sort3A_739 = tpu.sort %select_n3A_714, %select_n3A_715 masked %masked_sort3A_736 : (vector<16xf32>, vector<16xi32>, vector<16xi1>) -> (vector<16xi1>, vector<16xf32>, vector<16xi32>)
                %rev3A_740 = arith.constant 15 : i32
                %rev3A_741 = vector.broadcast %rev3A_740 : i32 to vector<16xi32>
                %rev3A_742 = tpu.iota {dimensions = array<i32: 0>} : vector<16xi32>
                %rev3A_743 = arith.subi %rev3A_741, %rev3A_742 : vector<16xi32>
                %rev3A_744 = tpu.dynamic_gather %masked_sort3A_738[%rev3A_743] in [0] : vector<16xf32>, vector<16xi32> -> vector<16xf32>
                %rev3A_745 = arith.constant 15 : i32
                %rev3A_746 = vector.broadcast %rev3A_745 : i32 to vector<16xi32>
                %rev3A_747 = tpu.iota {dimensions = array<i32: 0>} : vector<16xi32>
                %rev3A_748 = arith.subi %rev3A_746, %rev3A_747 : vector<16xi32>
                %rev3A_749 = tpu.dynamic_gather %masked_sort3A_739[%rev3A_748] in [0] : vector<16xi32>, vector<16xi32> -> vector<16xi32>
                %le3A_750 = arith.cmpf ole, %get3A_731, %rev3A_744 : vector<16xf32>
                %select_n3A_751 = arith.select %le3A_750, %get3A_731, %rev3A_744 : vector<16xi1>, vector<16xf32>
                %select_n3A_752 = arith.select %le3A_750, %get3A_735, %rev3A_749 : vector<16xi1>, vector<16xi32>
                %masked_sort3A_753 = arith.constant dense<true> : vector<16xi1>
                %masked_sort3A_754, %masked_sort3A_755, %masked_sort3A_756 = tpu.sort %select_n3A_751, %select_n3A_752 masked %masked_sort3A_753 : (vector<16xf32>, vector<16xi32>, vector<16xi1>) -> (vector<16xi1>, vector<16xf32>, vector<16xi32>)
                %swap3A_757 = arith.constant 1 : i32
                %swap3A_758 = arith.index_cast %swap3A_757 : i32 to index
                %swap3A_759 = arith.constant 0 : index
                %swap3A_760 = tpu.vector_load %arg13[%swap3A_758, %swap3A_759] {strides = array<i32>} : memref<4x16xf32, #tpu.memory_space<vmem>>, vector<16xf32>,
                tpu.vector_store %arg13[%swap3A_758, %swap3A_759], %masked_sort3A_755 {strides = array<i32>} : memref<4x16xf32, #tpu.memory_space<vmem>>, vector<16xf32>,
                %swap3A_761 = arith.constant 1 : i32
                %swap3A_762 = arith.index_cast %swap3A_761 : i32 to index
                %swap3A_763 = arith.constant 0 : index
                %swap3A_764 = tpu.vector_load %arg14[%swap3A_762, %swap3A_763] {strides = array<i32>} : memref<4x16xi32, #tpu.memory_space<vmem>>, vector<16xi32>,
                tpu.vector_store %arg14[%swap3A_762, %swap3A_763], %masked_sort3A_756 {strides = array<i32>} : memref<4x16xi32, #tpu.memory_space<vmem>>, vector<16xi32>,
                %add3A_765 = arith.constant 0 : i32
                %add3A_766 = arith.addi %mul3A_183, %add3A_765 : i32
                %add3A_767 = vector.broadcast %add3A_766 : i32 to vector<16xi32>
                %add3A_768 = arith.addi %iota3A, %add3A_767 : vector<16xi32>
                %add3A_769 = arith.constant 0 : i32
                %add3A_770 = arith.addi %mul3A_183, %add3A_769 : i32
                %get3A_771 = arith.constant 1 : i32
                %get3A_772 = arith.index_cast %get3A_771 : i32 to index
                %get3A_773 = arith.index_cast %add3A_770 : i32 to index
                %get3A_774 = tpu.vector_load %arg11[%get3A_772, %get3A_773] {strides = array<i32>} : memref<4x5120xf32, #tpu.memory_space<vmem>>, vector<16xf32>,
                %le3A_775 = arith.cmpf ole, %get3A_774, %select_n3A_714 : vector<16xf32>
                %jit3A_776 = arith.constant 3.000000e+38 : f32
                %broadcast_in_dim3A_777 = vector.broadcast %jit3A_776 : f32 to vector<16xf32>
                %select_n3A_778 = arith.select %le3A_775, %broadcast_in_dim3A_777, %get3A_774 : vector<16xi1>, vector<16xf32>
                %add3A_779 = arith.constant 16 : i32
                %add3A_780 = arith.addi %mul3A_183, %add3A_779 : i32
                %add3A_781 = vector.broadcast %add3A_780 : i32 to vector<16xi32>
                %add3A_782 = arith.addi %iota3A, %add3A_781 : vector<16xi32>
                %add3A_783 = arith.constant 16 : i32
                %add3A_784 = arith.addi %mul3A_183, %add3A_783 : i32
                %get3A_785 = arith.constant 1 : i32
                %get3A_786 = arith.index_cast %get3A_785 : i32 to index
                %get3A_787 = arith.index_cast %add3A_784 : i32 to index
                %get3A_788 = tpu.vector_load %arg11[%get3A_786, %get3A_787] {strides = array<i32>} : memref<4x5120xf32, #tpu.memory_space<vmem>>, vector<16xf32>,
                %le3A_789 = arith.cmpf ole, %get3A_788, %select_n3A_714 : vector<16xf32>
                %jit3A_790 = arith.constant 3.000000e+38 : f32
                %broadcast_in_dim3A_791 = vector.broadcast %jit3A_790 : f32 to vector<16xf32>
                %select_n3A_792 = arith.select %le3A_789, %broadcast_in_dim3A_791, %get3A_788 : vector<16xi1>, vector<16xf32>
                %lt3A_793 = arith.cmpf olt, %select_n3A_792, %select_n3A_778 : vector<16xf32>
                %select_n3A_794 = arith.select %lt3A_793, %select_n3A_792, %select_n3A_778 : vector<16xi1>, vector<16xf32>
                %select_n3A_795 = arith.select %lt3A_793, %add3A_782, %add3A_768 : vector<16xi1>, vector<16xi32>
                %add3A_796 = arith.constant 32 : i32
                %add3A_797 = arith.addi %mul3A_183, %add3A_796 : i32
                %add3A_798 = vector.broadcast %add3A_797 : i32 to vector<16xi32>
                %add3A_799 = arith.addi %iota3A, %add3A_798 : vector<16xi32>
                %add3A_800 = arith.constant 32 : i32
                %add3A_801 = arith.addi %mul3A_183, %add3A_800 : i32
                %get3A_802 = arith.constant 1 : i32
                %get3A_803 = arith.index_cast %get3A_802 : i32 to index
                %get3A_804 = arith.index_cast %add3A_801 : i32 to index
                %get3A_805 = tpu.vector_load %arg11[%get3A_803, %get3A_804] {strides = array<i32>} : memref<4x5120xf32, #tpu.memory_space<vmem>>, vector<16xf32>,
                %le3A_806 = arith.cmpf ole, %get3A_805, %select_n3A_714 : vector<16xf32>
                %jit3A_807 = arith.constant 3.000000e+38 : f32
                %broadcast_in_dim3A_808 = vector.broadcast %jit3A_807 : f32 to vector<16xf32>
                %select_n3A_809 = arith.select %le3A_806, %broadcast_in_dim3A_808, %get3A_805 : vector<16xi1>, vector<16xf32>
                %lt3A_810 = arith.cmpf olt, %select_n3A_809, %select_n3A_794 : vector<16xf32>
                %select_n3A_811 = arith.select %lt3A_810, %select_n3A_809, %select_n3A_794 : vector<16xi1>, vector<16xf32>
                %select_n3A_812 = arith.select %lt3A_810, %add3A_799, %select_n3A_795 : vector<16xi1>, vector<16xi32>
                %add3A_813 = arith.constant 48 : i32
                %add3A_814 = arith.addi %mul3A_183, %add3A_813 : i32
                %add3A_815 = vector.broadcast %add3A_814 : i32 to vector<16xi32>
                %add3A_816 = arith.addi %iota3A, %add3A_815 : vector<16xi32>
                %add3A_817 = arith.constant 48 : i32
                %add3A_818 = arith.addi %mul3A_183, %add3A_817 : i32
                %get3A_819 = arith.constant 1 : i32
                %get3A_820 = arith.index_cast %get3A_819 : i32 to index
                %get3A_821 = arith.index_cast %add3A_818 : i32 to index
                %get3A_822 = tpu.vector_load %arg11[%get3A_820, %get3A_821] {strides = array<i32>} : memref<4x5120xf32, #tpu.memory_space<vmem>>, vector<16xf32>,
                %le3A_823 = arith.cmpf ole, %get3A_822, %select_n3A_714 : vector<16xf32>
                %jit3A_824 = arith.constant 3.000000e+38 : f32
                %broadcast_in_dim3A_825 = vector.broadcast %jit3A_824 : f32 to vector<16xf32>
                %select_n3A_826 = arith.select %le3A_823, %broadcast_in_dim3A_825, %get3A_822 : vector<16xi1>, vector<16xf32>
                %lt3A_827 = arith.cmpf olt, %select_n3A_826, %select_n3A_811 : vector<16xf32>
                %select_n3A_828 = arith.select %lt3A_827, %select_n3A_826, %select_n3A_811 : vector<16xi1>, vector<16xf32>
                %select_n3A_829 = arith.select %lt3A_827, %add3A_816, %select_n3A_812 : vector<16xi1>, vector<16xi32>
                %add3A_830 = arith.constant 64 : i32
                %add3A_831 = arith.addi %mul3A_183, %add3A_830 : i32
                %add3A_832 = vector.broadcast %add3A_831 : i32 to vector<16xi32>
                %add3A_833 = arith.addi %iota3A, %add3A_832 : vector<16xi32>
                %add3A_834 = arith.constant 64 : i32
                %add3A_835 = arith.addi %mul3A_183, %add3A_834 : i32
                %get3A_836 = arith.constant 1 : i32
                %get3A_837 = arith.index_cast %get3A_836 : i32 to index
                %get3A_838 = arith.index_cast %add3A_835 : i32 to index
                %get3A_839 = tpu.vector_load %arg11[%get3A_837, %get3A_838] {strides = array<i32>} : memref<4x5120xf32, #tpu.memory_space<vmem>>, vector<16xf32>,
                %le3A_840 = arith.cmpf ole, %get3A_839, %select_n3A_714 : vector<16xf32>
                %jit3A_841 = arith.constant 3.000000e+38 : f32
                %broadcast_in_dim3A_842 = vector.broadcast %jit3A_841 : f32 to vector<16xf32>
                %select_n3A_843 = arith.select %le3A_840, %broadcast_in_dim3A_842, %get3A_839 : vector<16xi1>, vector<16xf32>
                %lt3A_844 = arith.cmpf olt, %select_n3A_843, %select_n3A_828 : vector<16xf32>
                %select_n3A_845 = arith.select %lt3A_844, %select_n3A_843, %select_n3A_828 : vector<16xi1>, vector<16xf32>
                %select_n3A_846 = arith.select %lt3A_844, %add3A_833, %select_n3A_829 : vector<16xi1>, vector<16xi32>
                %add3A_847 = arith.constant 80 : i32
                %add3A_848 = arith.addi %mul3A_183, %add3A_847 : i32
                %add3A_849 = vector.broadcast %add3A_848 : i32 to vector<16xi32>
                %add3A_850 = arith.addi %iota3A, %add3A_849 : vector<16xi32>
                %add3A_851 = arith.constant 80 : i32
                %add3A_852 = arith.addi %mul3A_183, %add3A_851 : i32
                %get3A_853 = arith.constant 1 : i32
                %get3A_854 = arith.index_cast %get3A_853 : i32 to index
                %get3A_855 = arith.index_cast %add3A_852 : i32 to index
                %get3A_856 = tpu.vector_load %arg11[%get3A_854, %get3A_855] {strides = array<i32>} : memref<4x5120xf32, #tpu.memory_space<vmem>>, vector<16xf32>,
                %le3A_857 = arith.cmpf ole, %get3A_856, %select_n3A_714 : vector<16xf32>
                %jit3A_858 = arith.constant 3.000000e+38 : f32
                %broadcast_in_dim3A_859 = vector.broadcast %jit3A_858 : f32 to vector<16xf32>
                %select_n3A_860 = arith.select %le3A_857, %broadcast_in_dim3A_859, %get3A_856 : vector<16xi1>, vector<16xf32>
                %lt3A_861 = arith.cmpf olt, %select_n3A_860, %select_n3A_845 : vector<16xf32>
                %select_n3A_862 = arith.select %lt3A_861, %select_n3A_860, %select_n3A_845 : vector<16xi1>, vector<16xf32>
                %select_n3A_863 = arith.select %lt3A_861, %add3A_850, %select_n3A_846 : vector<16xi1>, vector<16xi32>
                %add3A_864 = arith.constant 96 : i32
                %add3A_865 = arith.addi %mul3A_183, %add3A_864 : i32
                %add3A_866 = vector.broadcast %add3A_865 : i32 to vector<16xi32>
                %add3A_867 = arith.addi %iota3A, %add3A_866 : vector<16xi32>
                %add3A_868 = arith.constant 96 : i32
                %add3A_869 = arith.addi %mul3A_183, %add3A_868 : i32
                %get3A_870 = arith.constant 1 : i32
                %get3A_871 = arith.index_cast %get3A_870 : i32 to index
                %get3A_872 = arith.index_cast %add3A_869 : i32 to index
                %get3A_873 = tpu.vector_load %arg11[%get3A_871, %get3A_872] {strides = array<i32>} : memref<4x5120xf32, #tpu.memory_space<vmem>>, vector<16xf32>,
                %le3A_874 = arith.cmpf ole, %get3A_873, %select_n3A_714 : vector<16xf32>
                %jit3A_875 = arith.constant 3.000000e+38 : f32
                %broadcast_in_dim3A_876 = vector.broadcast %jit3A_875 : f32 to vector<16xf32>
                %select_n3A_877 = arith.select %le3A_874, %broadcast_in_dim3A_876, %get3A_873 : vector<16xi1>, vector<16xf32>
                %lt3A_878 = arith.cmpf olt, %select_n3A_877, %select_n3A_862 : vector<16xf32>
                %select_n3A_879 = arith.select %lt3A_878, %select_n3A_877, %select_n3A_862 : vector<16xi1>, vector<16xf32>
                %select_n3A_880 = arith.select %lt3A_878, %add3A_867, %select_n3A_863 : vector<16xi1>, vector<16xi32>
                %add3A_881 = arith.constant 112 : i32
                %add3A_882 = arith.addi %mul3A_183, %add3A_881 : i32
                %add3A_883 = vector.broadcast %add3A_882 : i32 to vector<16xi32>
                %add3A_884 = arith.addi %iota3A, %add3A_883 : vector<16xi32>
                %add3A_885 = arith.constant 112 : i32
                %add3A_886 = arith.addi %mul3A_183, %add3A_885 : i32
                %get3A_887 = arith.constant 1 : i32
                %get3A_888 = arith.index_cast %get3A_887 : i32 to index
                %get3A_889 = arith.index_cast %add3A_886 : i32 to index
                %get3A_890 = tpu.vector_load %arg11[%get3A_888, %get3A_889] {strides = array<i32>} : memref<4x5120xf32, #tpu.memory_space<vmem>>, vector<16xf32>,
                %le3A_891 = arith.cmpf ole, %get3A_890, %select_n3A_714 : vector<16xf32>
                %jit3A_892 = arith.constant 3.000000e+38 : f32
                %broadcast_in_dim3A_893 = vector.broadcast %jit3A_892 : f32 to vector<16xf32>
                %select_n3A_894 = arith.select %le3A_891, %broadcast_in_dim3A_893, %get3A_890 : vector<16xi1>, vector<16xf32>
                %lt3A_895 = arith.cmpf olt, %select_n3A_894, %select_n3A_879 : vector<16xf32>
                %select_n3A_896 = arith.select %lt3A_895, %select_n3A_894, %select_n3A_879 : vector<16xi1>, vector<16xf32>
                %select_n3A_897 = arith.select %lt3A_895, %add3A_884, %select_n3A_880 : vector<16xi1>, vector<16xi32>
                %sub3A_898 = arith.subf %select_n3A_896, %broadcast_in_dim3A_93 : vector<16xf32>
                %lt3A_899 = arith.constant 0.000000e+00 : f32
                %lt3A_900 = vector.broadcast %lt3A_899 : f32 to vector<16xf32>
                %lt3A_901 = arith.cmpf olt, %sub3A_898, %lt3A_900 : vector<16xf32>
                %all_reduce_population_count3A_902 = tpu.all_reduce %lt3A_901 {dim = 0 : i64, kind = #tpu.reduction_kind<sum>} : vector<16xi1> -> vector<16xi32>
                %slice3A_903 = vector.extract_strided_slice %all_reduce_population_count3A_902 {offsets = [0], sizes = [1], strides = [1]} : vector<16xi32> to vector<1xi32>
                %squeeze3A_904 = vector.extract %slice3A_903[0] : i32 from vector<1xi32>
                %gt3A_905 = arith.constant 0 : i32
                %gt3A_906 = arith.cmpi sgt, %squeeze3A_904, %gt3A_905 : i32
                %convert_element_type3A_907 = arith.extui %gt3A_906 : i1 to i32
                %cond3A_908 = arith.constant 0 : i32
                %cond3A_909 = arith.cmpi ne, %convert_element_type3A_907, %cond3A_908 : i32
                scf.if %cond3A_909 {
                  %get3A_910 = arith.constant 1 : i32
                  %get3A_911 = arith.index_cast %get3A_910 : i32 to index
                  %get3A_912 = arith.constant 0 : index
                  %get3A_913 = tpu.vector_load %arg13[%get3A_911, %get3A_912] {strides = array<i32>} : memref<4x16xf32, #tpu.memory_space<vmem>>, vector<16xf32>,
                  %get3A_914 = arith.constant 1 : i32
                  %get3A_915 = arith.index_cast %get3A_914 : i32 to index
                  %get3A_916 = arith.constant 0 : index
                  %get3A_917 = tpu.vector_load %arg14[%get3A_915, %get3A_916] {strides = array<i32>} : memref<4x16xi32, #tpu.memory_space<vmem>>, vector<16xi32>,
                  %masked_sort3A_918 = arith.constant dense<true> : vector<16xi1>
                  %masked_sort3A_919, %masked_sort3A_920, %masked_sort3A_921 = tpu.sort %select_n3A_896, %select_n3A_897 masked %masked_sort3A_918 : (vector<16xf32>, vector<16xi32>, vector<16xi1>) -> (vector<16xi1>, vector<16xf32>, vector<16xi32>)
                  %rev3A_922 = arith.constant 15 : i32
                  %rev3A_923 = vector.broadcast %rev3A_922 : i32 to vector<16xi32>
                  %rev3A_924 = tpu.iota {dimensions = array<i32: 0>} : vector<16xi32>
                  %rev3A_925 = arith.subi %rev3A_923, %rev3A_924 : vector<16xi32>
                  %rev3A_926 = tpu.dynamic_gather %masked_sort3A_920[%rev3A_925] in [0] : vector<16xf32>, vector<16xi32> -> vector<16xf32>
                  %rev3A_927 = arith.constant 15 : i32
                  %rev3A_928 = vector.broadcast %rev3A_927 : i32 to vector<16xi32>
                  %rev3A_929 = tpu.iota {dimensions = array<i32: 0>} : vector<16xi32>
                  %rev3A_930 = arith.subi %rev3A_928, %rev3A_929 : vector<16xi32>
                  %rev3A_931 = tpu.dynamic_gather %masked_sort3A_921[%rev3A_930] in [0] : vector<16xi32>, vector<16xi32> -> vector<16xi32>
                  %le3A_932 = arith.cmpf ole, %get3A_913, %rev3A_926 : vector<16xf32>
                  %select_n3A_933 = arith.select %le3A_932, %get3A_913, %rev3A_926 : vector<16xi1>, vector<16xf32>
                  %select_n3A_934 = arith.select %le3A_932, %get3A_917, %rev3A_931 : vector<16xi1>, vector<16xi32>
                  %masked_sort3A_935 = arith.constant dense<true> : vector<16xi1>
                  %masked_sort3A_936, %masked_sort3A_937, %masked_sort3A_938 = tpu.sort %select_n3A_933, %select_n3A_934 masked %masked_sort3A_935 : (vector<16xf32>, vector<16xi32>, vector<16xi1>) -> (vector<16xi1>, vector<16xf32>, vector<16xi32>)
                  %swap3A_939 = arith.constant 1 : i32
                  %swap3A_940 = arith.index_cast %swap3A_939 : i32 to index
                  %swap3A_941 = arith.constant 0 : index
                  %swap3A_942 = tpu.vector_load %arg13[%swap3A_940, %swap3A_941] {strides = array<i32>} : memref<4x16xf32, #tpu.memory_space<vmem>>, vector<16xf32>,
                  tpu.vector_store %arg13[%swap3A_940, %swap3A_941], %masked_sort3A_937 {strides = array<i32>} : memref<4x16xf32, #tpu.memory_space<vmem>>, vector<16xf32>,
                  %swap3A_943 = arith.constant 1 : i32
                  %swap3A_944 = arith.index_cast %swap3A_943 : i32 to index
                  %swap3A_945 = arith.constant 0 : index
                  %swap3A_946 = tpu.vector_load %arg14[%swap3A_944, %swap3A_945] {strides = array<i32>} : memref<4x16xi32, #tpu.memory_space<vmem>>, vector<16xi32>,
                  tpu.vector_store %arg14[%swap3A_944, %swap3A_945], %masked_sort3A_938 {strides = array<i32>} : memref<4x16xi32, #tpu.memory_space<vmem>>, vector<16xi32>,
                } else {
                }
              } else {
              }
            } else {
            }
          } else {
          }
          %sub3A_243 = arith.subf %get3A_201, %broadcast_in_dim3A_110 : vector<16xf32>
          %lt3A_244 = arith.constant 0.000000e+00 : f32
          %lt3A_245 = vector.broadcast %lt3A_244 : f32 to vector<16xf32>
          %lt3A_246 = arith.cmpf olt, %sub3A_243, %lt3A_245 : vector<16xf32>
          %all_reduce_population_count3A_247 = tpu.all_reduce %lt3A_246 {dim = 0 : i64, kind = #tpu.reduction_kind<sum>} : vector<16xi1> -> vector<16xi32>
          %slice3A_248 = vector.extract_strided_slice %all_reduce_population_count3A_247 {offsets = [0], sizes = [1], strides = [1]} : vector<16xi32> to vector<1xi32>
          %squeeze3A_249 = vector.extract %slice3A_248[0] : i32 from vector<1xi32>
          %gt3A_250 = arith.constant 0 : i32
          %gt3A_251 = arith.cmpi sgt, %squeeze3A_249, %gt3A_250 : i32
          %convert_element_type3A_252 = arith.extui %gt3A_251 : i1 to i32
          %cond3A_253 = arith.constant 0 : i32
          %cond3A_254 = arith.cmpi ne, %convert_element_type3A_252, %cond3A_253 : i32
          scf.if %cond3A_254 {
            %add3A_267 = arith.constant 0 : i32
            %add3A_268 = arith.addi %mul3A_183, %add3A_267 : i32
            %add3A_269 = vector.broadcast %add3A_268 : i32 to vector<16xi32>
            %add3A_270 = arith.addi %iota3A, %add3A_269 : vector<16xi32>
            %add3A_271 = arith.constant 0 : i32
            %add3A_272 = arith.addi %mul3A_183, %add3A_271 : i32
            %get3A_273 = arith.constant 2 : i32
            %get3A_274 = arith.index_cast %get3A_273 : i32 to index
            %get3A_275 = arith.index_cast %add3A_272 : i32 to index
            %get3A_276 = tpu.vector_load %arg11[%get3A_274, %get3A_275] {strides = array<i32>} : memref<4x5120xf32, #tpu.memory_space<vmem>>, vector<16xf32>,
            %add3A_277 = arith.constant 16 : i32
            %add3A_278 = arith.addi %mul3A_183, %add3A_277 : i32
            %add3A_279 = vector.broadcast %add3A_278 : i32 to vector<16xi32>
            %add3A_280 = arith.addi %iota3A, %add3A_279 : vector<16xi32>
            %add3A_281 = arith.constant 16 : i32
            %add3A_282 = arith.addi %mul3A_183, %add3A_281 : i32
            %get3A_283 = arith.constant 2 : i32
            %get3A_284 = arith.index_cast %get3A_283 : i32 to index
            %get3A_285 = arith.index_cast %add3A_282 : i32 to index
            %get3A_286 = tpu.vector_load %arg11[%get3A_284, %get3A_285] {strides = array<i32>} : memref<4x5120xf32, #tpu.memory_space<vmem>>, vector<16xf32>,
            %lt3A_287 = arith.cmpf olt, %get3A_286, %get3A_276 : vector<16xf32>
            %select_n3A = arith.select %lt3A_287, %get3A_286, %get3A_276 : vector<16xi1>, vector<16xf32>
            %select_n3A_288 = arith.select %lt3A_287, %add3A_280, %add3A_270 : vector<16xi1>, vector<16xi32>
            %add3A_289 = arith.constant 32 : i32
            %add3A_290 = arith.addi %mul3A_183, %add3A_289 : i32
            %add3A_291 = vector.broadcast %add3A_290 : i32 to vector<16xi32>
            %add3A_292 = arith.addi %iota3A, %add3A_291 : vector<16xi32>
            %add3A_293 = arith.constant 32 : i32
            %add3A_294 = arith.addi %mul3A_183, %add3A_293 : i32
            %get3A_295 = arith.constant 2 : i32
            %get3A_296 = arith.index_cast %get3A_295 : i32 to index
            %get3A_297 = arith.index_cast %add3A_294 : i32 to index
            %get3A_298 = tpu.vector_load %arg11[%get3A_296, %get3A_297] {strides = array<i32>} : memref<4x5120xf32, #tpu.memory_space<vmem>>, vector<16xf32>,
            %lt3A_299 = arith.cmpf olt, %get3A_298, %select_n3A : vector<16xf32>
            %select_n3A_300 = arith.select %lt3A_299, %get3A_298, %select_n3A : vector<16xi1>, vector<16xf32>
            %select_n3A_301 = arith.select %lt3A_299, %add3A_292, %select_n3A_288 : vector<16xi1>, vector<16xi32>
            %add3A_302 = arith.constant 48 : i32
            %add3A_303 = arith.addi %mul3A_183, %add3A_302 : i32
            %add3A_304 = vector.broadcast %add3A_303 : i32 to vector<16xi32>
            %add3A_305 = arith.addi %iota3A, %add3A_304 : vector<16xi32>
            %add3A_306 = arith.constant 48 : i32
            %add3A_307 = arith.addi %mul3A_183, %add3A_306 : i32
            %get3A_308 = arith.constant 2 : i32
            %get3A_309 = arith.index_cast %get3A_308 : i32 to index
            %get3A_310 = arith.index_cast %add3A_307 : i32 to index
            %get3A_311 = tpu.vector_load %arg11[%get3A_309, %get3A_310] {strides = array<i32>} : memref<4x5120xf32, #tpu.memory_space<vmem>>, vector<16xf32>,
            %lt3A_312 = arith.cmpf olt, %get3A_311, %select_n3A_300 : vector<16xf32>
            %select_n3A_313 = arith.select %lt3A_312, %get3A_311, %select_n3A_300 : vector<16xi1>, vector<16xf32>
            %select_n3A_314 = arith.select %lt3A_312, %add3A_305, %select_n3A_301 : vector<16xi1>, vector<16xi32>
            %add3A_315 = arith.constant 64 : i32
            %add3A_316 = arith.addi %mul3A_183, %add3A_315 : i32
            %add3A_317 = vector.broadcast %add3A_316 : i32 to vector<16xi32>
            %add3A_318 = arith.addi %iota3A, %add3A_317 : vector<16xi32>
            %add3A_319 = arith.constant 64 : i32
            %add3A_320 = arith.addi %mul3A_183, %add3A_319 : i32
            %get3A_321 = arith.constant 2 : i32
            %get3A_322 = arith.index_cast %get3A_321 : i32 to index
            %get3A_323 = arith.index_cast %add3A_320 : i32 to index
            %get3A_324 = tpu.vector_load %arg11[%get3A_322, %get3A_323] {strides = array<i32>} : memref<4x5120xf32, #tpu.memory_space<vmem>>, vector<16xf32>,
            %lt3A_325 = arith.cmpf olt, %get3A_324, %select_n3A_313 : vector<16xf32>
            %select_n3A_326 = arith.select %lt3A_325, %get3A_324, %select_n3A_313 : vector<16xi1>, vector<16xf32>
            %select_n3A_327 = arith.select %lt3A_325, %add3A_318, %select_n3A_314 : vector<16xi1>, vector<16xi32>
            %add3A_328 = arith.constant 80 : i32
            %add3A_329 = arith.addi %mul3A_183, %add3A_328 : i32
            %add3A_330 = vector.broadcast %add3A_329 : i32 to vector<16xi32>
            %add3A_331 = arith.addi %iota3A, %add3A_330 : vector<16xi32>
            %add3A_332 = arith.constant 80 : i32
            %add3A_333 = arith.addi %mul3A_183, %add3A_332 : i32
            %get3A_334 = arith.constant 2 : i32
            %get3A_335 = arith.index_cast %get3A_334 : i32 to index
            %get3A_336 = arith.index_cast %add3A_333 : i32 to index
            %get3A_337 = tpu.vector_load %arg11[%get3A_335, %get3A_336] {strides = array<i32>} : memref<4x5120xf32, #tpu.memory_space<vmem>>, vector<16xf32>,
            %lt3A_338 = arith.cmpf olt, %get3A_337, %select_n3A_326 : vector<16xf32>
            %select_n3A_339 = arith.select %lt3A_338, %get3A_337, %select_n3A_326 : vector<16xi1>, vector<16xf32>
            %select_n3A_340 = arith.select %lt3A_338, %add3A_331, %select_n3A_327 : vector<16xi1>, vector<16xi32>
            %add3A_341 = arith.constant 96 : i32
            %add3A_342 = arith.addi %mul3A_183, %add3A_341 : i32
            %add3A_343 = vector.broadcast %add3A_342 : i32 to vector<16xi32>
            %add3A_344 = arith.addi %iota3A, %add3A_343 : vector<16xi32>
            %add3A_345 = arith.constant 96 : i32
            %add3A_346 = arith.addi %mul3A_183, %add3A_345 : i32
            %get3A_347 = arith.constant 2 : i32
            %get3A_348 = arith.index_cast %get3A_347 : i32 to index
            %get3A_349 = arith.index_cast %add3A_346 : i32 to index
            %get3A_350 = tpu.vector_load %arg11[%get3A_348, %get3A_349] {strides = array<i32>} : memref<4x5120xf32, #tpu.memory_space<vmem>>, vector<16xf32>,
            %lt3A_351 = arith.cmpf olt, %get3A_350, %select_n3A_339 : vector<16xf32>
            %select_n3A_352 = arith.select %lt3A_351, %get3A_350, %select_n3A_339 : vector<16xi1>, vector<16xf32>
            %select_n3A_353 = arith.select %lt3A_351, %add3A_344, %select_n3A_340 : vector<16xi1>, vector<16xi32>
            %add3A_354 = arith.constant 112 : i32
            %add3A_355 = arith.addi %mul3A_183, %add3A_354 : i32
            %add3A_356 = vector.broadcast %add3A_355 : i32 to vector<16xi32>
            %add3A_357 = arith.addi %iota3A, %add3A_356 : vector<16xi32>
            %add3A_358 = arith.constant 112 : i32
            %add3A_359 = arith.addi %mul3A_183, %add3A_358 : i32
            %get3A_360 = arith.constant 2 : i32
            %get3A_361 = arith.index_cast %get3A_360 : i32 to index
            %get3A_362 = arith.index_cast %add3A_359 : i32 to index
            %get3A_363 = tpu.vector_load %arg11[%get3A_361, %get3A_362] {strides = array<i32>} : memref<4x5120xf32, #tpu.memory_space<vmem>>, vector<16xf32>,
            %lt3A_364 = arith.cmpf olt, %get3A_363, %select_n3A_352 : vector<16xf32>
            %select_n3A_365 = arith.select %lt3A_364, %get3A_363, %select_n3A_352 : vector<16xi1>, vector<16xf32>
            %select_n3A_366 = arith.select %lt3A_364, %add3A_357, %select_n3A_353 : vector<16xi1>, vector<16xi32>
            %get3A_367 = arith.constant 2 : i32
            %get3A_368 = arith.index_cast %get3A_367 : i32 to index
            %get3A_369 = arith.constant 0 : index
            %get3A_370 = tpu.vector_load %arg13[%get3A_368, %get3A_369] {strides = array<i32>} : memref<4x16xf32, #tpu.memory_space<vmem>>, vector<16xf32>,
            %get3A_371 = arith.constant 2 : i32
            %get3A_372 = arith.index_cast %get3A_371 : i32 to index
            %get3A_373 = arith.constant 0 : index
            %get3A_374 = tpu.vector_load %arg14[%get3A_372, %get3A_373] {strides = array<i32>} : memref<4x16xi32, #tpu.memory_space<vmem>>, vector<16xi32>,
            %masked_sort3A_375 = arith.constant dense<true> : vector<16xi1>
            %masked_sort3A_376, %masked_sort3A_377, %masked_sort3A_378 = tpu.sort %select_n3A_365, %select_n3A_366 masked %masked_sort3A_375 : (vector<16xf32>, vector<16xi32>, vector<16xi1>) -> (vector<16xi1>, vector<16xf32>, vector<16xi32>)
            %rev3A = arith.constant 15 : i32
            %rev3A_379 = vector.broadcast %rev3A : i32 to vector<16xi32>
            %rev3A_380 = tpu.iota {dimensions = array<i32: 0>} : vector<16xi32>
            %rev3A_381 = arith.subi %rev3A_379, %rev3A_380 : vector<16xi32>
            %rev3A_382 = tpu.dynamic_gather %masked_sort3A_377[%rev3A_381] in [0] : vector<16xf32>, vector<16xi32> -> vector<16xf32>
            %rev3A_383 = arith.constant 15 : i32
            %rev3A_384 = vector.broadcast %rev3A_383 : i32 to vector<16xi32>
            %rev3A_385 = tpu.iota {dimensions = array<i32: 0>} : vector<16xi32>
            %rev3A_386 = arith.subi %rev3A_384, %rev3A_385 : vector<16xi32>
            %rev3A_387 = tpu.dynamic_gather %masked_sort3A_378[%rev3A_386] in [0] : vector<16xi32>, vector<16xi32> -> vector<16xi32>
            %le3A = arith.cmpf ole, %get3A_370, %rev3A_382 : vector<16xf32>
            %select_n3A_388 = arith.select %le3A, %get3A_370, %rev3A_382 : vector<16xi1>, vector<16xf32>
            %select_n3A_389 = arith.select %le3A, %get3A_374, %rev3A_387 : vector<16xi1>, vector<16xi32>
            %masked_sort3A_390 = arith.constant dense<true> : vector<16xi1>
            %masked_sort3A_391, %masked_sort3A_392, %masked_sort3A_393 = tpu.sort %select_n3A_388, %select_n3A_389 masked %masked_sort3A_390 : (vector<16xf32>, vector<16xi32>, vector<16xi1>) -> (vector<16xi1>, vector<16xf32>, vector<16xi32>)
            %swap3A_394 = arith.constant 2 : i32
            %swap3A_395 = arith.index_cast %swap3A_394 : i32 to index
            %swap3A_396 = arith.constant 0 : index
            %swap3A_397 = tpu.vector_load %arg13[%swap3A_395, %swap3A_396] {strides = array<i32>} : memref<4x16xf32, #tpu.memory_space<vmem>>, vector<16xf32>,
            tpu.vector_store %arg13[%swap3A_395, %swap3A_396], %masked_sort3A_392 {strides = array<i32>} : memref<4x16xf32, #tpu.memory_space<vmem>>, vector<16xf32>,
            %swap3A_398 = arith.constant 2 : i32
            %swap3A_399 = arith.index_cast %swap3A_398 : i32 to index
            %swap3A_400 = arith.constant 0 : index
            %swap3A_401 = tpu.vector_load %arg14[%swap3A_399, %swap3A_400] {strides = array<i32>} : memref<4x16xi32, #tpu.memory_space<vmem>>, vector<16xi32>,
            tpu.vector_store %arg14[%swap3A_399, %swap3A_400], %masked_sort3A_393 {strides = array<i32>} : memref<4x16xi32, #tpu.memory_space<vmem>>, vector<16xi32>,
            %add3A_402 = arith.constant 0 : i32
            %add3A_403 = arith.addi %mul3A_183, %add3A_402 : i32
            %add3A_404 = vector.broadcast %add3A_403 : i32 to vector<16xi32>
            %add3A_405 = arith.addi %iota3A, %add3A_404 : vector<16xi32>
            %add3A_406 = arith.constant 0 : i32
            %add3A_407 = arith.addi %mul3A_183, %add3A_406 : i32
            %get3A_408 = arith.constant 2 : i32
            %get3A_409 = arith.index_cast %get3A_408 : i32 to index
            %get3A_410 = arith.index_cast %add3A_407 : i32 to index
            %get3A_411 = tpu.vector_load %arg11[%get3A_409, %get3A_410] {strides = array<i32>} : memref<4x5120xf32, #tpu.memory_space<vmem>>, vector<16xf32>,
            %le3A_412 = arith.cmpf ole, %get3A_411, %select_n3A_365 : vector<16xf32>
            %jit3A = arith.constant 3.000000e+38 : f32
            %broadcast_in_dim3A_413 = vector.broadcast %jit3A : f32 to vector<16xf32>
            %select_n3A_414 = arith.select %le3A_412, %broadcast_in_dim3A_413, %get3A_411 : vector<16xi1>, vector<16xf32>
            %add3A_415 = arith.constant 16 : i32
            %add3A_416 = arith.addi %mul3A_183, %add3A_415 : i32
            %add3A_417 = vector.broadcast %add3A_416 : i32 to vector<16xi32>
            %add3A_418 = arith.addi %iota3A, %add3A_417 : vector<16xi32>
            %add3A_419 = arith.constant 16 : i32
            %add3A_420 = arith.addi %mul3A_183, %add3A_419 : i32
            %get3A_421 = arith.constant 2 : i32
            %get3A_422 = arith.index_cast %get3A_421 : i32 to index
            %get3A_423 = arith.index_cast %add3A_420 : i32 to index
            %get3A_424 = tpu.vector_load %arg11[%get3A_422, %get3A_423] {strides = array<i32>} : memref<4x5120xf32, #tpu.memory_space<vmem>>, vector<16xf32>,
            %le3A_425 = arith.cmpf ole, %get3A_424, %select_n3A_365 : vector<16xf32>
            %jit3A_426 = arith.constant 3.000000e+38 : f32
            %broadcast_in_dim3A_427 = vector.broadcast %jit3A_426 : f32 to vector<16xf32>
            %select_n3A_428 = arith.select %le3A_425, %broadcast_in_dim3A_427, %get3A_424 : vector<16xi1>, vector<16xf32>
            %lt3A_429 = arith.cmpf olt, %select_n3A_428, %select_n3A_414 : vector<16xf32>
            %select_n3A_430 = arith.select %lt3A_429, %select_n3A_428, %select_n3A_414 : vector<16xi1>, vector<16xf32>
            %select_n3A_431 = arith.select %lt3A_429, %add3A_418, %add3A_405 : vector<16xi1>, vector<16xi32>
            %add3A_432 = arith.constant 32 : i32
            %add3A_433 = arith.addi %mul3A_183, %add3A_432 : i32
            %add3A_434 = vector.broadcast %add3A_433 : i32 to vector<16xi32>
            %add3A_435 = arith.addi %iota3A, %add3A_434 : vector<16xi32>
            %add3A_436 = arith.constant 32 : i32
            %add3A_437 = arith.addi %mul3A_183, %add3A_436 : i32
            %get3A_438 = arith.constant 2 : i32
            %get3A_439 = arith.index_cast %get3A_438 : i32 to index
            %get3A_440 = arith.index_cast %add3A_437 : i32 to index
            %get3A_441 = tpu.vector_load %arg11[%get3A_439, %get3A_440] {strides = array<i32>} : memref<4x5120xf32, #tpu.memory_space<vmem>>, vector<16xf32>,
            %le3A_442 = arith.cmpf ole, %get3A_441, %select_n3A_365 : vector<16xf32>
            %jit3A_443 = arith.constant 3.000000e+38 : f32
            %broadcast_in_dim3A_444 = vector.broadcast %jit3A_443 : f32 to vector<16xf32>
            %select_n3A_445 = arith.select %le3A_442, %broadcast_in_dim3A_444, %get3A_441 : vector<16xi1>, vector<16xf32>
            %lt3A_446 = arith.cmpf olt, %select_n3A_445, %select_n3A_430 : vector<16xf32>
            %select_n3A_447 = arith.select %lt3A_446, %select_n3A_445, %select_n3A_430 : vector<16xi1>, vector<16xf32>
            %select_n3A_448 = arith.select %lt3A_446, %add3A_435, %select_n3A_431 : vector<16xi1>, vector<16xi32>
            %add3A_449 = arith.constant 48 : i32
            %add3A_450 = arith.addi %mul3A_183, %add3A_449 : i32
            %add3A_451 = vector.broadcast %add3A_450 : i32 to vector<16xi32>
            %add3A_452 = arith.addi %iota3A, %add3A_451 : vector<16xi32>
            %add3A_453 = arith.constant 48 : i32
            %add3A_454 = arith.addi %mul3A_183, %add3A_453 : i32
            %get3A_455 = arith.constant 2 : i32
            %get3A_456 = arith.index_cast %get3A_455 : i32 to index
            %get3A_457 = arith.index_cast %add3A_454 : i32 to index
            %get3A_458 = tpu.vector_load %arg11[%get3A_456, %get3A_457] {strides = array<i32>} : memref<4x5120xf32, #tpu.memory_space<vmem>>, vector<16xf32>,
            %le3A_459 = arith.cmpf ole, %get3A_458, %select_n3A_365 : vector<16xf32>
            %jit3A_460 = arith.constant 3.000000e+38 : f32
            %broadcast_in_dim3A_461 = vector.broadcast %jit3A_460 : f32 to vector<16xf32>
            %select_n3A_462 = arith.select %le3A_459, %broadcast_in_dim3A_461, %get3A_458 : vector<16xi1>, vector<16xf32>
            %lt3A_463 = arith.cmpf olt, %select_n3A_462, %select_n3A_447 : vector<16xf32>
            %select_n3A_464 = arith.select %lt3A_463, %select_n3A_462, %select_n3A_447 : vector<16xi1>, vector<16xf32>
            %select_n3A_465 = arith.select %lt3A_463, %add3A_452, %select_n3A_448 : vector<16xi1>, vector<16xi32>
            %add3A_466 = arith.constant 64 : i32
            %add3A_467 = arith.addi %mul3A_183, %add3A_466 : i32
            %add3A_468 = vector.broadcast %add3A_467 : i32 to vector<16xi32>
            %add3A_469 = arith.addi %iota3A, %add3A_468 : vector<16xi32>
            %add3A_470 = arith.constant 64 : i32
            %add3A_471 = arith.addi %mul3A_183, %add3A_470 : i32
            %get3A_472 = arith.constant 2 : i32
            %get3A_473 = arith.index_cast %get3A_472 : i32 to index
            %get3A_474 = arith.index_cast %add3A_471 : i32 to index
            %get3A_475 = tpu.vector_load %arg11[%get3A_473, %get3A_474] {strides = array<i32>} : memref<4x5120xf32, #tpu.memory_space<vmem>>, vector<16xf32>,
            %le3A_476 = arith.cmpf ole, %get3A_475, %select_n3A_365 : vector<16xf32>
            %jit3A_477 = arith.constant 3.000000e+38 : f32
            %broadcast_in_dim3A_478 = vector.broadcast %jit3A_477 : f32 to vector<16xf32>
            %select_n3A_479 = arith.select %le3A_476, %broadcast_in_dim3A_478, %get3A_475 : vector<16xi1>, vector<16xf32>
            %lt3A_480 = arith.cmpf olt, %select_n3A_479, %select_n3A_464 : vector<16xf32>
            %select_n3A_481 = arith.select %lt3A_480, %select_n3A_479, %select_n3A_464 : vector<16xi1>, vector<16xf32>
            %select_n3A_482 = arith.select %lt3A_480, %add3A_469, %select_n3A_465 : vector<16xi1>, vector<16xi32>
            %add3A_483 = arith.constant 80 : i32
            %add3A_484 = arith.addi %mul3A_183, %add3A_483 : i32
            %add3A_485 = vector.broadcast %add3A_484 : i32 to vector<16xi32>
            %add3A_486 = arith.addi %iota3A, %add3A_485 : vector<16xi32>
            %add3A_487 = arith.constant 80 : i32
            %add3A_488 = arith.addi %mul3A_183, %add3A_487 : i32
            %get3A_489 = arith.constant 2 : i32
            %get3A_490 = arith.index_cast %get3A_489 : i32 to index
            %get3A_491 = arith.index_cast %add3A_488 : i32 to index
            %get3A_492 = tpu.vector_load %arg11[%get3A_490, %get3A_491] {strides = array<i32>} : memref<4x5120xf32, #tpu.memory_space<vmem>>, vector<16xf32>,
            %le3A_493 = arith.cmpf ole, %get3A_492, %select_n3A_365 : vector<16xf32>
            %jit3A_494 = arith.constant 3.000000e+38 : f32
            %broadcast_in_dim3A_495 = vector.broadcast %jit3A_494 : f32 to vector<16xf32>
            %select_n3A_496 = arith.select %le3A_493, %broadcast_in_dim3A_495, %get3A_492 : vector<16xi1>, vector<16xf32>
            %lt3A_497 = arith.cmpf olt, %select_n3A_496, %select_n3A_481 : vector<16xf32>
            %select_n3A_498 = arith.select %lt3A_497, %select_n3A_496, %select_n3A_481 : vector<16xi1>, vector<16xf32>
            %select_n3A_499 = arith.select %lt3A_497, %add3A_486, %select_n3A_482 : vector<16xi1>, vector<16xi32>
            %add3A_500 = arith.constant 96 : i32
            %add3A_501 = arith.addi %mul3A_183, %add3A_500 : i32
            %add3A_502 = vector.broadcast %add3A_501 : i32 to vector<16xi32>
            %add3A_503 = arith.addi %iota3A, %add3A_502 : vector<16xi32>
            %add3A_504 = arith.constant 96 : i32
            %add3A_505 = arith.addi %mul3A_183, %add3A_504 : i32
            %get3A_506 = arith.constant 2 : i32
            %get3A_507 = arith.index_cast %get3A_506 : i32 to index
            %get3A_508 = arith.index_cast %add3A_505 : i32 to index
            %get3A_509 = tpu.vector_load %arg11[%get3A_507, %get3A_508] {strides = array<i32>} : memref<4x5120xf32, #tpu.memory_space<vmem>>, vector<16xf32>,
            %le3A_510 = arith.cmpf ole, %get3A_509, %select_n3A_365 : vector<16xf32>
            %jit3A_511 = arith.constant 3.000000e+38 : f32
            %broadcast_in_dim3A_512 = vector.broadcast %jit3A_511 : f32 to vector<16xf32>
            %select_n3A_513 = arith.select %le3A_510, %broadcast_in_dim3A_512, %get3A_509 : vector<16xi1>, vector<16xf32>
            %lt3A_514 = arith.cmpf olt, %select_n3A_513, %select_n3A_498 : vector<16xf32>
            %select_n3A_515 = arith.select %lt3A_514, %select_n3A_513, %select_n3A_498 : vector<16xi1>, vector<16xf32>
            %select_n3A_516 = arith.select %lt3A_514, %add3A_503, %select_n3A_499 : vector<16xi1>, vector<16xi32>
            %add3A_517 = arith.constant 112 : i32
            %add3A_518 = arith.addi %mul3A_183, %add3A_517 : i32
            %add3A_519 = vector.broadcast %add3A_518 : i32 to vector<16xi32>
            %add3A_520 = arith.addi %iota3A, %add3A_519 : vector<16xi32>
            %add3A_521 = arith.constant 112 : i32
            %add3A_522 = arith.addi %mul3A_183, %add3A_521 : i32
            %get3A_523 = arith.constant 2 : i32
            %get3A_524 = arith.index_cast %get3A_523 : i32 to index
            %get3A_525 = arith.index_cast %add3A_522 : i32 to index
            %get3A_526 = tpu.vector_load %arg11[%get3A_524, %get3A_525] {strides = array<i32>} : memref<4x5120xf32, #tpu.memory_space<vmem>>, vector<16xf32>,
            %le3A_527 = arith.cmpf ole, %get3A_526, %select_n3A_365 : vector<16xf32>
            %jit3A_528 = arith.constant 3.000000e+38 : f32
            %broadcast_in_dim3A_529 = vector.broadcast %jit3A_528 : f32 to vector<16xf32>
            %select_n3A_530 = arith.select %le3A_527, %broadcast_in_dim3A_529, %get3A_526 : vector<16xi1>, vector<16xf32>
            %lt3A_531 = arith.cmpf olt, %select_n3A_530, %select_n3A_515 : vector<16xf32>
            %select_n3A_532 = arith.select %lt3A_531, %select_n3A_530, %select_n3A_515 : vector<16xi1>, vector<16xf32>
            %select_n3A_533 = arith.select %lt3A_531, %add3A_520, %select_n3A_516 : vector<16xi1>, vector<16xi32>
            %sub3A_534 = arith.subf %select_n3A_532, %broadcast_in_dim3A_110 : vector<16xf32>
            %lt3A_535 = arith.constant 0.000000e+00 : f32
            %lt3A_536 = vector.broadcast %lt3A_535 : f32 to vector<16xf32>
            %lt3A_537 = arith.cmpf olt, %sub3A_534, %lt3A_536 : vector<16xf32>
            %all_reduce_population_count3A_538 = tpu.all_reduce %lt3A_537 {dim = 0 : i64, kind = #tpu.reduction_kind<sum>} : vector<16xi1> -> vector<16xi32>
            %slice3A_539 = vector.extract_strided_slice %all_reduce_population_count3A_538 {offsets = [0], sizes = [1], strides = [1]} : vector<16xi32> to vector<1xi32>
            %squeeze3A_540 = vector.extract %slice3A_539[0] : i32 from vector<1xi32>
            %gt3A_541 = arith.constant 0 : i32
            %gt3A_542 = arith.cmpi sgt, %squeeze3A_540, %gt3A_541 : i32
            %convert_element_type3A_543 = arith.extui %gt3A_542 : i1 to i32
            %cond3A_544 = arith.constant 0 : i32
            %cond3A_545 = arith.cmpi ne, %convert_element_type3A_543, %cond3A_544 : i32
            scf.if %cond3A_545 {
              %get3A_546 = arith.constant 2 : i32
              %get3A_547 = arith.index_cast %get3A_546 : i32 to index
              %get3A_548 = arith.constant 0 : index
              %get3A_549 = tpu.vector_load %arg13[%get3A_547, %get3A_548] {strides = array<i32>} : memref<4x16xf32, #tpu.memory_space<vmem>>, vector<16xf32>,
              %get3A_550 = arith.constant 2 : i32
              %get3A_551 = arith.index_cast %get3A_550 : i32 to index
              %get3A_552 = arith.constant 0 : index
              %get3A_553 = tpu.vector_load %arg14[%get3A_551, %get3A_552] {strides = array<i32>} : memref<4x16xi32, #tpu.memory_space<vmem>>, vector<16xi32>,
              %masked_sort3A_554 = arith.constant dense<true> : vector<16xi1>
              %masked_sort3A_555, %masked_sort3A_556, %masked_sort3A_557 = tpu.sort %select_n3A_532, %select_n3A_533 masked %masked_sort3A_554 : (vector<16xf32>, vector<16xi32>, vector<16xi1>) -> (vector<16xi1>, vector<16xf32>, vector<16xi32>)
              %rev3A_558 = arith.constant 15 : i32
              %rev3A_559 = vector.broadcast %rev3A_558 : i32 to vector<16xi32>
              %rev3A_560 = tpu.iota {dimensions = array<i32: 0>} : vector<16xi32>
              %rev3A_561 = arith.subi %rev3A_559, %rev3A_560 : vector<16xi32>
              %rev3A_562 = tpu.dynamic_gather %masked_sort3A_556[%rev3A_561] in [0] : vector<16xf32>, vector<16xi32> -> vector<16xf32>
              %rev3A_563 = arith.constant 15 : i32
              %rev3A_564 = vector.broadcast %rev3A_563 : i32 to vector<16xi32>
              %rev3A_565 = tpu.iota {dimensions = array<i32: 0>} : vector<16xi32>
              %rev3A_566 = arith.subi %rev3A_564, %rev3A_565 : vector<16xi32>
              %rev3A_567 = tpu.dynamic_gather %masked_sort3A_557[%rev3A_566] in [0] : vector<16xi32>, vector<16xi32> -> vector<16xi32>
              %le3A_568 = arith.cmpf ole, %get3A_549, %rev3A_562 : vector<16xf32>
              %select_n3A_569 = arith.select %le3A_568, %get3A_549, %rev3A_562 : vector<16xi1>, vector<16xf32>
              %select_n3A_570 = arith.select %le3A_568, %get3A_553, %rev3A_567 : vector<16xi1>, vector<16xi32>
              %masked_sort3A_571 = arith.constant dense<true> : vector<16xi1>
              %masked_sort3A_572, %masked_sort3A_573, %masked_sort3A_574 = tpu.sort %select_n3A_569, %select_n3A_570 masked %masked_sort3A_571 : (vector<16xf32>, vector<16xi32>, vector<16xi1>) -> (vector<16xi1>, vector<16xf32>, vector<16xi32>)
              %swap3A_575 = arith.constant 2 : i32
              %swap3A_576 = arith.index_cast %swap3A_575 : i32 to index
              %swap3A_577 = arith.constant 0 : index
              %swap3A_578 = tpu.vector_load %arg13[%swap3A_576, %swap3A_577] {strides = array<i32>} : memref<4x16xf32, #tpu.memory_space<vmem>>, vector<16xf32>,
              tpu.vector_store %arg13[%swap3A_576, %swap3A_577], %masked_sort3A_573 {strides = array<i32>} : memref<4x16xf32, #tpu.memory_space<vmem>>, vector<16xf32>,
              %swap3A_579 = arith.constant 2 : i32
              %swap3A_580 = arith.index_cast %swap3A_579 : i32 to index
              %swap3A_581 = arith.constant 0 : index
              %swap3A_582 = tpu.vector_load %arg14[%swap3A_580, %swap3A_581] {strides = array<i32>} : memref<4x16xi32, #tpu.memory_space<vmem>>, vector<16xi32>,
              tpu.vector_store %arg14[%swap3A_580, %swap3A_581], %masked_sort3A_574 {strides = array<i32>} : memref<4x16xi32, #tpu.memory_space<vmem>>, vector<16xi32>,
              %add3A_583 = arith.constant 0 : i32
              %add3A_584 = arith.addi %mul3A_183, %add3A_583 : i32
              %add3A_585 = vector.broadcast %add3A_584 : i32 to vector<16xi32>
              %add3A_586 = arith.addi %iota3A, %add3A_585 : vector<16xi32>
              %add3A_587 = arith.constant 0 : i32
              %add3A_588 = arith.addi %mul3A_183, %add3A_587 : i32
              %get3A_589 = arith.constant 2 : i32
              %get3A_590 = arith.index_cast %get3A_589 : i32 to index
              %get3A_591 = arith.index_cast %add3A_588 : i32 to index
              %get3A_592 = tpu.vector_load %arg11[%get3A_590, %get3A_591] {strides = array<i32>} : memref<4x5120xf32, #tpu.memory_space<vmem>>, vector<16xf32>,
              %le3A_593 = arith.cmpf ole, %get3A_592, %select_n3A_532 : vector<16xf32>
              %jit3A_594 = arith.constant 3.000000e+38 : f32
              %broadcast_in_dim3A_595 = vector.broadcast %jit3A_594 : f32 to vector<16xf32>
              %select_n3A_596 = arith.select %le3A_593, %broadcast_in_dim3A_595, %get3A_592 : vector<16xi1>, vector<16xf32>
              %add3A_597 = arith.constant 16 : i32
              %add3A_598 = arith.addi %mul3A_183, %add3A_597 : i32
              %add3A_599 = vector.broadcast %add3A_598 : i32 to vector<16xi32>
              %add3A_600 = arith.addi %iota3A, %add3A_599 : vector<16xi32>
              %add3A_601 = arith.constant 16 : i32
              %add3A_602 = arith.addi %mul3A_183, %add3A_601 : i32
              %get3A_603 = arith.constant 2 : i32
              %get3A_604 = arith.index_cast %get3A_603 : i32 to index
              %get3A_605 = arith.index_cast %add3A_602 : i32 to index
              %get3A_606 = tpu.vector_load %arg11[%get3A_604, %get3A_605] {strides = array<i32>} : memref<4x5120xf32, #tpu.memory_space<vmem>>, vector<16xf32>,
              %le3A_607 = arith.cmpf ole, %get3A_606, %select_n3A_532 : vector<16xf32>
              %jit3A_608 = arith.constant 3.000000e+38 : f32
              %broadcast_in_dim3A_609 = vector.broadcast %jit3A_608 : f32 to vector<16xf32>
              %select_n3A_610 = arith.select %le3A_607, %broadcast_in_dim3A_609, %get3A_606 : vector<16xi1>, vector<16xf32>
              %lt3A_611 = arith.cmpf olt, %select_n3A_610, %select_n3A_596 : vector<16xf32>
              %select_n3A_612 = arith.select %lt3A_611, %select_n3A_610, %select_n3A_596 : vector<16xi1>, vector<16xf32>
              %select_n3A_613 = arith.select %lt3A_611, %add3A_600, %add3A_586 : vector<16xi1>, vector<16xi32>
              %add3A_614 = arith.constant 32 : i32
              %add3A_615 = arith.addi %mul3A_183, %add3A_614 : i32
              %add3A_616 = vector.broadcast %add3A_615 : i32 to vector<16xi32>
              %add3A_617 = arith.addi %iota3A, %add3A_616 : vector<16xi32>
              %add3A_618 = arith.constant 32 : i32
              %add3A_619 = arith.addi %mul3A_183, %add3A_618 : i32
              %get3A_620 = arith.constant 2 : i32
              %get3A_621 = arith.index_cast %get3A_620 : i32 to index
              %get3A_622 = arith.index_cast %add3A_619 : i32 to index
              %get3A_623 = tpu.vector_load %arg11[%get3A_621, %get3A_622] {strides = array<i32>} : memref<4x5120xf32, #tpu.memory_space<vmem>>, vector<16xf32>,
              %le3A_624 = arith.cmpf ole, %get3A_623, %select_n3A_532 : vector<16xf32>
              %jit3A_625 = arith.constant 3.000000e+38 : f32
              %broadcast_in_dim3A_626 = vector.broadcast %jit3A_625 : f32 to vector<16xf32>
              %select_n3A_627 = arith.select %le3A_624, %broadcast_in_dim3A_626, %get3A_623 : vector<16xi1>, vector<16xf32>
              %lt3A_628 = arith.cmpf olt, %select_n3A_627, %select_n3A_612 : vector<16xf32>
              %select_n3A_629 = arith.select %lt3A_628, %select_n3A_627, %select_n3A_612 : vector<16xi1>, vector<16xf32>
              %select_n3A_630 = arith.select %lt3A_628, %add3A_617, %select_n3A_613 : vector<16xi1>, vector<16xi32>
              %add3A_631 = arith.constant 48 : i32
              %add3A_632 = arith.addi %mul3A_183, %add3A_631 : i32
              %add3A_633 = vector.broadcast %add3A_632 : i32 to vector<16xi32>
              %add3A_634 = arith.addi %iota3A, %add3A_633 : vector<16xi32>
              %add3A_635 = arith.constant 48 : i32
              %add3A_636 = arith.addi %mul3A_183, %add3A_635 : i32
              %get3A_637 = arith.constant 2 : i32
              %get3A_638 = arith.index_cast %get3A_637 : i32 to index
              %get3A_639 = arith.index_cast %add3A_636 : i32 to index
              %get3A_640 = tpu.vector_load %arg11[%get3A_638, %get3A_639] {strides = array<i32>} : memref<4x5120xf32, #tpu.memory_space<vmem>>, vector<16xf32>,
              %le3A_641 = arith.cmpf ole, %get3A_640, %select_n3A_532 : vector<16xf32>
              %jit3A_642 = arith.constant 3.000000e+38 : f32
              %broadcast_in_dim3A_643 = vector.broadcast %jit3A_642 : f32 to vector<16xf32>
              %select_n3A_644 = arith.select %le3A_641, %broadcast_in_dim3A_643, %get3A_640 : vector<16xi1>, vector<16xf32>
              %lt3A_645 = arith.cmpf olt, %select_n3A_644, %select_n3A_629 : vector<16xf32>
              %select_n3A_646 = arith.select %lt3A_645, %select_n3A_644, %select_n3A_629 : vector<16xi1>, vector<16xf32>
              %select_n3A_647 = arith.select %lt3A_645, %add3A_634, %select_n3A_630 : vector<16xi1>, vector<16xi32>
              %add3A_648 = arith.constant 64 : i32
              %add3A_649 = arith.addi %mul3A_183, %add3A_648 : i32
              %add3A_650 = vector.broadcast %add3A_649 : i32 to vector<16xi32>
              %add3A_651 = arith.addi %iota3A, %add3A_650 : vector<16xi32>
              %add3A_652 = arith.constant 64 : i32
              %add3A_653 = arith.addi %mul3A_183, %add3A_652 : i32
              %get3A_654 = arith.constant 2 : i32
              %get3A_655 = arith.index_cast %get3A_654 : i32 to index
              %get3A_656 = arith.index_cast %add3A_653 : i32 to index
              %get3A_657 = tpu.vector_load %arg11[%get3A_655, %get3A_656] {strides = array<i32>} : memref<4x5120xf32, #tpu.memory_space<vmem>>, vector<16xf32>,
              %le3A_658 = arith.cmpf ole, %get3A_657, %select_n3A_532 : vector<16xf32>
              %jit3A_659 = arith.constant 3.000000e+38 : f32
              %broadcast_in_dim3A_660 = vector.broadcast %jit3A_659 : f32 to vector<16xf32>
              %select_n3A_661 = arith.select %le3A_658, %broadcast_in_dim3A_660, %get3A_657 : vector<16xi1>, vector<16xf32>
              %lt3A_662 = arith.cmpf olt, %select_n3A_661, %select_n3A_646 : vector<16xf32>
              %select_n3A_663 = arith.select %lt3A_662, %select_n3A_661, %select_n3A_646 : vector<16xi1>, vector<16xf32>
              %select_n3A_664 = arith.select %lt3A_662, %add3A_651, %select_n3A_647 : vector<16xi1>, vector<16xi32>
              %add3A_665 = arith.constant 80 : i32
              %add3A_666 = arith.addi %mul3A_183, %add3A_665 : i32
              %add3A_667 = vector.broadcast %add3A_666 : i32 to vector<16xi32>
              %add3A_668 = arith.addi %iota3A, %add3A_667 : vector<16xi32>
              %add3A_669 = arith.constant 80 : i32
              %add3A_670 = arith.addi %mul3A_183, %add3A_669 : i32
              %get3A_671 = arith.constant 2 : i32
              %get3A_672 = arith.index_cast %get3A_671 : i32 to index
              %get3A_673 = arith.index_cast %add3A_670 : i32 to index
              %get3A_674 = tpu.vector_load %arg11[%get3A_672, %get3A_673] {strides = array<i32>} : memref<4x5120xf32, #tpu.memory_space<vmem>>, vector<16xf32>,
              %le3A_675 = arith.cmpf ole, %get3A_674, %select_n3A_532 : vector<16xf32>
              %jit3A_676 = arith.constant 3.000000e+38 : f32
              %broadcast_in_dim3A_677 = vector.broadcast %jit3A_676 : f32 to vector<16xf32>
              %select_n3A_678 = arith.select %le3A_675, %broadcast_in_dim3A_677, %get3A_674 : vector<16xi1>, vector<16xf32>
              %lt3A_679 = arith.cmpf olt, %select_n3A_678, %select_n3A_663 : vector<16xf32>
              %select_n3A_680 = arith.select %lt3A_679, %select_n3A_678, %select_n3A_663 : vector<16xi1>, vector<16xf32>
              %select_n3A_681 = arith.select %lt3A_679, %add3A_668, %select_n3A_664 : vector<16xi1>, vector<16xi32>
              %add3A_682 = arith.constant 96 : i32
              %add3A_683 = arith.addi %mul3A_183, %add3A_682 : i32
              %add3A_684 = vector.broadcast %add3A_683 : i32 to vector<16xi32>
              %add3A_685 = arith.addi %iota3A, %add3A_684 : vector<16xi32>
              %add3A_686 = arith.constant 96 : i32
              %add3A_687 = arith.addi %mul3A_183, %add3A_686 : i32
              %get3A_688 = arith.constant 2 : i32
              %get3A_689 = arith.index_cast %get3A_688 : i32 to index
              %get3A_690 = arith.index_cast %add3A_687 : i32 to index
              %get3A_691 = tpu.vector_load %arg11[%get3A_689, %get3A_690] {strides = array<i32>} : memref<4x5120xf32, #tpu.memory_space<vmem>>, vector<16xf32>,
              %le3A_692 = arith.cmpf ole, %get3A_691, %select_n3A_532 : vector<16xf32>
              %jit3A_693 = arith.constant 3.000000e+38 : f32
              %broadcast_in_dim3A_694 = vector.broadcast %jit3A_693 : f32 to vector<16xf32>
              %select_n3A_695 = arith.select %le3A_692, %broadcast_in_dim3A_694, %get3A_691 : vector<16xi1>, vector<16xf32>
              %lt3A_696 = arith.cmpf olt, %select_n3A_695, %select_n3A_680 : vector<16xf32>
              %select_n3A_697 = arith.select %lt3A_696, %select_n3A_695, %select_n3A_680 : vector<16xi1>, vector<16xf32>
              %select_n3A_698 = arith.select %lt3A_696, %add3A_685, %select_n3A_681 : vector<16xi1>, vector<16xi32>
              %add3A_699 = arith.constant 112 : i32
              %add3A_700 = arith.addi %mul3A_183, %add3A_699 : i32
              %add3A_701 = vector.broadcast %add3A_700 : i32 to vector<16xi32>
              %add3A_702 = arith.addi %iota3A, %add3A_701 : vector<16xi32>
              %add3A_703 = arith.constant 112 : i32
              %add3A_704 = arith.addi %mul3A_183, %add3A_703 : i32
              %get3A_705 = arith.constant 2 : i32
              %get3A_706 = arith.index_cast %get3A_705 : i32 to index
              %get3A_707 = arith.index_cast %add3A_704 : i32 to index
              %get3A_708 = tpu.vector_load %arg11[%get3A_706, %get3A_707] {strides = array<i32>} : memref<4x5120xf32, #tpu.memory_space<vmem>>, vector<16xf32>,
              %le3A_709 = arith.cmpf ole, %get3A_708, %select_n3A_532 : vector<16xf32>
              %jit3A_710 = arith.constant 3.000000e+38 : f32
              %broadcast_in_dim3A_711 = vector.broadcast %jit3A_710 : f32 to vector<16xf32>
              %select_n3A_712 = arith.select %le3A_709, %broadcast_in_dim3A_711, %get3A_708 : vector<16xi1>, vector<16xf32>
              %lt3A_713 = arith.cmpf olt, %select_n3A_712, %select_n3A_697 : vector<16xf32>
              %select_n3A_714 = arith.select %lt3A_713, %select_n3A_712, %select_n3A_697 : vector<16xi1>, vector<16xf32>
              %select_n3A_715 = arith.select %lt3A_713, %add3A_702, %select_n3A_698 : vector<16xi1>, vector<16xi32>
              %sub3A_716 = arith.subf %select_n3A_714, %broadcast_in_dim3A_110 : vector<16xf32>
              %lt3A_717 = arith.constant 0.000000e+00 : f32
              %lt3A_718 = vector.broadcast %lt3A_717 : f32 to vector<16xf32>
              %lt3A_719 = arith.cmpf olt, %sub3A_716, %lt3A_718 : vector<16xf32>
              %all_reduce_population_count3A_720 = tpu.all_reduce %lt3A_719 {dim = 0 : i64, kind = #tpu.reduction_kind<sum>} : vector<16xi1> -> vector<16xi32>
              %slice3A_721 = vector.extract_strided_slice %all_reduce_population_count3A_720 {offsets = [0], sizes = [1], strides = [1]} : vector<16xi32> to vector<1xi32>
              %squeeze3A_722 = vector.extract %slice3A_721[0] : i32 from vector<1xi32>
              %gt3A_723 = arith.constant 0 : i32
              %gt3A_724 = arith.cmpi sgt, %squeeze3A_722, %gt3A_723 : i32
              %convert_element_type3A_725 = arith.extui %gt3A_724 : i1 to i32
              %cond3A_726 = arith.constant 0 : i32
              %cond3A_727 = arith.cmpi ne, %convert_element_type3A_725, %cond3A_726 : i32
              scf.if %cond3A_727 {
                %get3A_728 = arith.constant 2 : i32
                %get3A_729 = arith.index_cast %get3A_728 : i32 to index
                %get3A_730 = arith.constant 0 : index
                %get3A_731 = tpu.vector_load %arg13[%get3A_729, %get3A_730] {strides = array<i32>} : memref<4x16xf32, #tpu.memory_space<vmem>>, vector<16xf32>,
                %get3A_732 = arith.constant 2 : i32
                %get3A_733 = arith.index_cast %get3A_732 : i32 to index
                %get3A_734 = arith.constant 0 : index
                %get3A_735 = tpu.vector_load %arg14[%get3A_733, %get3A_734] {strides = array<i32>} : memref<4x16xi32, #tpu.memory_space<vmem>>, vector<16xi32>,
                %masked_sort3A_736 = arith.constant dense<true> : vector<16xi1>
                %masked_sort3A_737, %masked_sort3A_738, %masked_sort3A_739 = tpu.sort %select_n3A_714, %select_n3A_715 masked %masked_sort3A_736 : (vector<16xf32>, vector<16xi32>, vector<16xi1>) -> (vector<16xi1>, vector<16xf32>, vector<16xi32>)
                %rev3A_740 = arith.constant 15 : i32
                %rev3A_741 = vector.broadcast %rev3A_740 : i32 to vector<16xi32>
                %rev3A_742 = tpu.iota {dimensions = array<i32: 0>} : vector<16xi32>
                %rev3A_743 = arith.subi %rev3A_741, %rev3A_742 : vector<16xi32>
                %rev3A_744 = tpu.dynamic_gather %masked_sort3A_738[%rev3A_743] in [0] : vector<16xf32>, vector<16xi32> -> vector<16xf32>
                %rev3A_745 = arith.constant 15 : i32
                %rev3A_746 = vector.broadcast %rev3A_745 : i32 to vector<16xi32>
                %rev3A_747 = tpu.iota {dimensions = array<i32: 0>} : vector<16xi32>
                %rev3A_748 = arith.subi %rev3A_746, %rev3A_747 : vector<16xi32>
                %rev3A_749 = tpu.dynamic_gather %masked_sort3A_739[%rev3A_748] in [0] : vector<16xi32>, vector<16xi32> -> vector<16xi32>
                %le3A_750 = arith.cmpf ole, %get3A_731, %rev3A_744 : vector<16xf32>
                %select_n3A_751 = arith.select %le3A_750, %get3A_731, %rev3A_744 : vector<16xi1>, vector<16xf32>
                %select_n3A_752 = arith.select %le3A_750, %get3A_735, %rev3A_749 : vector<16xi1>, vector<16xi32>
                %masked_sort3A_753 = arith.constant dense<true> : vector<16xi1>
                %masked_sort3A_754, %masked_sort3A_755, %masked_sort3A_756 = tpu.sort %select_n3A_751, %select_n3A_752 masked %masked_sort3A_753 : (vector<16xf32>, vector<16xi32>, vector<16xi1>) -> (vector<16xi1>, vector<16xf32>, vector<16xi32>)
                %swap3A_757 = arith.constant 2 : i32
                %swap3A_758 = arith.index_cast %swap3A_757 : i32 to index
                %swap3A_759 = arith.constant 0 : index
                %swap3A_760 = tpu.vector_load %arg13[%swap3A_758, %swap3A_759] {strides = array<i32>} : memref<4x16xf32, #tpu.memory_space<vmem>>, vector<16xf32>,
                tpu.vector_store %arg13[%swap3A_758, %swap3A_759], %masked_sort3A_755 {strides = array<i32>} : memref<4x16xf32, #tpu.memory_space<vmem>>, vector<16xf32>,
                %swap3A_761 = arith.constant 2 : i32
                %swap3A_762 = arith.index_cast %swap3A_761 : i32 to index
                %swap3A_763 = arith.constant 0 : index
                %swap3A_764 = tpu.vector_load %arg14[%swap3A_762, %swap3A_763] {strides = array<i32>} : memref<4x16xi32, #tpu.memory_space<vmem>>, vector<16xi32>,
                tpu.vector_store %arg14[%swap3A_762, %swap3A_763], %masked_sort3A_756 {strides = array<i32>} : memref<4x16xi32, #tpu.memory_space<vmem>>, vector<16xi32>,
                %add3A_765 = arith.constant 0 : i32
                %add3A_766 = arith.addi %mul3A_183, %add3A_765 : i32
                %add3A_767 = vector.broadcast %add3A_766 : i32 to vector<16xi32>
                %add3A_768 = arith.addi %iota3A, %add3A_767 : vector<16xi32>
                %add3A_769 = arith.constant 0 : i32
                %add3A_770 = arith.addi %mul3A_183, %add3A_769 : i32
                %get3A_771 = arith.constant 2 : i32
                %get3A_772 = arith.index_cast %get3A_771 : i32 to index
                %get3A_773 = arith.index_cast %add3A_770 : i32 to index
                %get3A_774 = tpu.vector_load %arg11[%get3A_772, %get3A_773] {strides = array<i32>} : memref<4x5120xf32, #tpu.memory_space<vmem>>, vector<16xf32>,
                %le3A_775 = arith.cmpf ole, %get3A_774, %select_n3A_714 : vector<16xf32>
                %jit3A_776 = arith.constant 3.000000e+38 : f32
                %broadcast_in_dim3A_777 = vector.broadcast %jit3A_776 : f32 to vector<16xf32>
                %select_n3A_778 = arith.select %le3A_775, %broadcast_in_dim3A_777, %get3A_774 : vector<16xi1>, vector<16xf32>
                %add3A_779 = arith.constant 16 : i32
                %add3A_780 = arith.addi %mul3A_183, %add3A_779 : i32
                %add3A_781 = vector.broadcast %add3A_780 : i32 to vector<16xi32>
                %add3A_782 = arith.addi %iota3A, %add3A_781 : vector<16xi32>
                %add3A_783 = arith.constant 16 : i32
                %add3A_784 = arith.addi %mul3A_183, %add3A_783 : i32
                %get3A_785 = arith.constant 2 : i32
                %get3A_786 = arith.index_cast %get3A_785 : i32 to index
                %get3A_787 = arith.index_cast %add3A_784 : i32 to index
                %get3A_788 = tpu.vector_load %arg11[%get3A_786, %get3A_787] {strides = array<i32>} : memref<4x5120xf32, #tpu.memory_space<vmem>>, vector<16xf32>,
                %le3A_789 = arith.cmpf ole, %get3A_788, %select_n3A_714 : vector<16xf32>
                %jit3A_790 = arith.constant 3.000000e+38 : f32
                %broadcast_in_dim3A_791 = vector.broadcast %jit3A_790 : f32 to vector<16xf32>
                %select_n3A_792 = arith.select %le3A_789, %broadcast_in_dim3A_791, %get3A_788 : vector<16xi1>, vector<16xf32>
                %lt3A_793 = arith.cmpf olt, %select_n3A_792, %select_n3A_778 : vector<16xf32>
                %select_n3A_794 = arith.select %lt3A_793, %select_n3A_792, %select_n3A_778 : vector<16xi1>, vector<16xf32>
                %select_n3A_795 = arith.select %lt3A_793, %add3A_782, %add3A_768 : vector<16xi1>, vector<16xi32>
                %add3A_796 = arith.constant 32 : i32
                %add3A_797 = arith.addi %mul3A_183, %add3A_796 : i32
                %add3A_798 = vector.broadcast %add3A_797 : i32 to vector<16xi32>
                %add3A_799 = arith.addi %iota3A, %add3A_798 : vector<16xi32>
                %add3A_800 = arith.constant 32 : i32
                %add3A_801 = arith.addi %mul3A_183, %add3A_800 : i32
                %get3A_802 = arith.constant 2 : i32
                %get3A_803 = arith.index_cast %get3A_802 : i32 to index
                %get3A_804 = arith.index_cast %add3A_801 : i32 to index
                %get3A_805 = tpu.vector_load %arg11[%get3A_803, %get3A_804] {strides = array<i32>} : memref<4x5120xf32, #tpu.memory_space<vmem>>, vector<16xf32>,
                %le3A_806 = arith.cmpf ole, %get3A_805, %select_n3A_714 : vector<16xf32>
                %jit3A_807 = arith.constant 3.000000e+38 : f32
                %broadcast_in_dim3A_808 = vector.broadcast %jit3A_807 : f32 to vector<16xf32>
                %select_n3A_809 = arith.select %le3A_806, %broadcast_in_dim3A_808, %get3A_805 : vector<16xi1>, vector<16xf32>
                %lt3A_810 = arith.cmpf olt, %select_n3A_809, %select_n3A_794 : vector<16xf32>
                %select_n3A_811 = arith.select %lt3A_810, %select_n3A_809, %select_n3A_794 : vector<16xi1>, vector<16xf32>
                %select_n3A_812 = arith.select %lt3A_810, %add3A_799, %select_n3A_795 : vector<16xi1>, vector<16xi32>
                %add3A_813 = arith.constant 48 : i32
                %add3A_814 = arith.addi %mul3A_183, %add3A_813 : i32
                %add3A_815 = vector.broadcast %add3A_814 : i32 to vector<16xi32>
                %add3A_816 = arith.addi %iota3A, %add3A_815 : vector<16xi32>
                %add3A_817 = arith.constant 48 : i32
                %add3A_818 = arith.addi %mul3A_183, %add3A_817 : i32
                %get3A_819 = arith.constant 2 : i32
                %get3A_820 = arith.index_cast %get3A_819 : i32 to index
                %get3A_821 = arith.index_cast %add3A_818 : i32 to index
                %get3A_822 = tpu.vector_load %arg11[%get3A_820, %get3A_821] {strides = array<i32>} : memref<4x5120xf32, #tpu.memory_space<vmem>>, vector<16xf32>,
                %le3A_823 = arith.cmpf ole, %get3A_822, %select_n3A_714 : vector<16xf32>
                %jit3A_824 = arith.constant 3.000000e+38 : f32
                %broadcast_in_dim3A_825 = vector.broadcast %jit3A_824 : f32 to vector<16xf32>
                %select_n3A_826 = arith.select %le3A_823, %broadcast_in_dim3A_825, %get3A_822 : vector<16xi1>, vector<16xf32>
                %lt3A_827 = arith.cmpf olt, %select_n3A_826, %select_n3A_811 : vector<16xf32>
                %select_n3A_828 = arith.select %lt3A_827, %select_n3A_826, %select_n3A_811 : vector<16xi1>, vector<16xf32>
                %select_n3A_829 = arith.select %lt3A_827, %add3A_816, %select_n3A_812 : vector<16xi1>, vector<16xi32>
                %add3A_830 = arith.constant 64 : i32
                %add3A_831 = arith.addi %mul3A_183, %add3A_830 : i32
                %add3A_832 = vector.broadcast %add3A_831 : i32 to vector<16xi32>
                %add3A_833 = arith.addi %iota3A, %add3A_832 : vector<16xi32>
                %add3A_834 = arith.constant 64 : i32
                %add3A_835 = arith.addi %mul3A_183, %add3A_834 : i32
                %get3A_836 = arith.constant 2 : i32
                %get3A_837 = arith.index_cast %get3A_836 : i32 to index
                %get3A_838 = arith.index_cast %add3A_835 : i32 to index
                %get3A_839 = tpu.vector_load %arg11[%get3A_837, %get3A_838] {strides = array<i32>} : memref<4x5120xf32, #tpu.memory_space<vmem>>, vector<16xf32>,
                %le3A_840 = arith.cmpf ole, %get3A_839, %select_n3A_714 : vector<16xf32>
                %jit3A_841 = arith.constant 3.000000e+38 : f32
                %broadcast_in_dim3A_842 = vector.broadcast %jit3A_841 : f32 to vector<16xf32>
                %select_n3A_843 = arith.select %le3A_840, %broadcast_in_dim3A_842, %get3A_839 : vector<16xi1>, vector<16xf32>
                %lt3A_844 = arith.cmpf olt, %select_n3A_843, %select_n3A_828 : vector<16xf32>
                %select_n3A_845 = arith.select %lt3A_844, %select_n3A_843, %select_n3A_828 : vector<16xi1>, vector<16xf32>
                %select_n3A_846 = arith.select %lt3A_844, %add3A_833, %select_n3A_829 : vector<16xi1>, vector<16xi32>
                %add3A_847 = arith.constant 80 : i32
                %add3A_848 = arith.addi %mul3A_183, %add3A_847 : i32
                %add3A_849 = vector.broadcast %add3A_848 : i32 to vector<16xi32>
                %add3A_850 = arith.addi %iota3A, %add3A_849 : vector<16xi32>
                %add3A_851 = arith.constant 80 : i32
                %add3A_852 = arith.addi %mul3A_183, %add3A_851 : i32
                %get3A_853 = arith.constant 2 : i32
                %get3A_854 = arith.index_cast %get3A_853 : i32 to index
                %get3A_855 = arith.index_cast %add3A_852 : i32 to index
                %get3A_856 = tpu.vector_load %arg11[%get3A_854, %get3A_855] {strides = array<i32>} : memref<4x5120xf32, #tpu.memory_space<vmem>>, vector<16xf32>,
                %le3A_857 = arith.cmpf ole, %get3A_856, %select_n3A_714 : vector<16xf32>
                %jit3A_858 = arith.constant 3.000000e+38 : f32
                %broadcast_in_dim3A_859 = vector.broadcast %jit3A_858 : f32 to vector<16xf32>
                %select_n3A_860 = arith.select %le3A_857, %broadcast_in_dim3A_859, %get3A_856 : vector<16xi1>, vector<16xf32>
                %lt3A_861 = arith.cmpf olt, %select_n3A_860, %select_n3A_845 : vector<16xf32>
                %select_n3A_862 = arith.select %lt3A_861, %select_n3A_860, %select_n3A_845 : vector<16xi1>, vector<16xf32>
                %select_n3A_863 = arith.select %lt3A_861, %add3A_850, %select_n3A_846 : vector<16xi1>, vector<16xi32>
                %add3A_864 = arith.constant 96 : i32
                %add3A_865 = arith.addi %mul3A_183, %add3A_864 : i32
                %add3A_866 = vector.broadcast %add3A_865 : i32 to vector<16xi32>
                %add3A_867 = arith.addi %iota3A, %add3A_866 : vector<16xi32>
                %add3A_868 = arith.constant 96 : i32
                %add3A_869 = arith.addi %mul3A_183, %add3A_868 : i32
                %get3A_870 = arith.constant 2 : i32
                %get3A_871 = arith.index_cast %get3A_870 : i32 to index
                %get3A_872 = arith.index_cast %add3A_869 : i32 to index
                %get3A_873 = tpu.vector_load %arg11[%get3A_871, %get3A_872] {strides = array<i32>} : memref<4x5120xf32, #tpu.memory_space<vmem>>, vector<16xf32>,
                %le3A_874 = arith.cmpf ole, %get3A_873, %select_n3A_714 : vector<16xf32>
                %jit3A_875 = arith.constant 3.000000e+38 : f32
                %broadcast_in_dim3A_876 = vector.broadcast %jit3A_875 : f32 to vector<16xf32>
                %select_n3A_877 = arith.select %le3A_874, %broadcast_in_dim3A_876, %get3A_873 : vector<16xi1>, vector<16xf32>
                %lt3A_878 = arith.cmpf olt, %select_n3A_877, %select_n3A_862 : vector<16xf32>
                %select_n3A_879 = arith.select %lt3A_878, %select_n3A_877, %select_n3A_862 : vector<16xi1>, vector<16xf32>
                %select_n3A_880 = arith.select %lt3A_878, %add3A_867, %select_n3A_863 : vector<16xi1>, vector<16xi32>
                %add3A_881 = arith.constant 112 : i32
                %add3A_882 = arith.addi %mul3A_183, %add3A_881 : i32
                %add3A_883 = vector.broadcast %add3A_882 : i32 to vector<16xi32>
                %add3A_884 = arith.addi %iota3A, %add3A_883 : vector<16xi32>
                %add3A_885 = arith.constant 112 : i32
                %add3A_886 = arith.addi %mul3A_183, %add3A_885 : i32
                %get3A_887 = arith.constant 2 : i32
                %get3A_888 = arith.index_cast %get3A_887 : i32 to index
                %get3A_889 = arith.index_cast %add3A_886 : i32 to index
                %get3A_890 = tpu.vector_load %arg11[%get3A_888, %get3A_889] {strides = array<i32>} : memref<4x5120xf32, #tpu.memory_space<vmem>>, vector<16xf32>,
                %le3A_891 = arith.cmpf ole, %get3A_890, %select_n3A_714 : vector<16xf32>
                %jit3A_892 = arith.constant 3.000000e+38 : f32
                %broadcast_in_dim3A_893 = vector.broadcast %jit3A_892 : f32 to vector<16xf32>
                %select_n3A_894 = arith.select %le3A_891, %broadcast_in_dim3A_893, %get3A_890 : vector<16xi1>, vector<16xf32>
                %lt3A_895 = arith.cmpf olt, %select_n3A_894, %select_n3A_879 : vector<16xf32>
                %select_n3A_896 = arith.select %lt3A_895, %select_n3A_894, %select_n3A_879 : vector<16xi1>, vector<16xf32>
                %select_n3A_897 = arith.select %lt3A_895, %add3A_884, %select_n3A_880 : vector<16xi1>, vector<16xi32>
                %sub3A_898 = arith.subf %select_n3A_896, %broadcast_in_dim3A_110 : vector<16xf32>
                %lt3A_899 = arith.constant 0.000000e+00 : f32
                %lt3A_900 = vector.broadcast %lt3A_899 : f32 to vector<16xf32>
                %lt3A_901 = arith.cmpf olt, %sub3A_898, %lt3A_900 : vector<16xf32>
                %all_reduce_population_count3A_902 = tpu.all_reduce %lt3A_901 {dim = 0 : i64, kind = #tpu.reduction_kind<sum>} : vector<16xi1> -> vector<16xi32>
                %slice3A_903 = vector.extract_strided_slice %all_reduce_population_count3A_902 {offsets = [0], sizes = [1], strides = [1]} : vector<16xi32> to vector<1xi32>
                %squeeze3A_904 = vector.extract %slice3A_903[0] : i32 from vector<1xi32>
                %gt3A_905 = arith.constant 0 : i32
                %gt3A_906 = arith.cmpi sgt, %squeeze3A_904, %gt3A_905 : i32
                %convert_element_type3A_907 = arith.extui %gt3A_906 : i1 to i32
                %cond3A_908 = arith.constant 0 : i32
                %cond3A_909 = arith.cmpi ne, %convert_element_type3A_907, %cond3A_908 : i32
                scf.if %cond3A_909 {
                  %get3A_910 = arith.constant 2 : i32
                  %get3A_911 = arith.index_cast %get3A_910 : i32 to index
                  %get3A_912 = arith.constant 0 : index
                  %get3A_913 = tpu.vector_load %arg13[%get3A_911, %get3A_912] {strides = array<i32>} : memref<4x16xf32, #tpu.memory_space<vmem>>, vector<16xf32>,
                  %get3A_914 = arith.constant 2 : i32
                  %get3A_915 = arith.index_cast %get3A_914 : i32 to index
                  %get3A_916 = arith.constant 0 : index
                  %get3A_917 = tpu.vector_load %arg14[%get3A_915, %get3A_916] {strides = array<i32>} : memref<4x16xi32, #tpu.memory_space<vmem>>, vector<16xi32>,
                  %masked_sort3A_918 = arith.constant dense<true> : vector<16xi1>
                  %masked_sort3A_919, %masked_sort3A_920, %masked_sort3A_921 = tpu.sort %select_n3A_896, %select_n3A_897 masked %masked_sort3A_918 : (vector<16xf32>, vector<16xi32>, vector<16xi1>) -> (vector<16xi1>, vector<16xf32>, vector<16xi32>)
                  %rev3A_922 = arith.constant 15 : i32
                  %rev3A_923 = vector.broadcast %rev3A_922 : i32 to vector<16xi32>
                  %rev3A_924 = tpu.iota {dimensions = array<i32: 0>} : vector<16xi32>
                  %rev3A_925 = arith.subi %rev3A_923, %rev3A_924 : vector<16xi32>
                  %rev3A_926 = tpu.dynamic_gather %masked_sort3A_920[%rev3A_925] in [0] : vector<16xf32>, vector<16xi32> -> vector<16xf32>
                  %rev3A_927 = arith.constant 15 : i32
                  %rev3A_928 = vector.broadcast %rev3A_927 : i32 to vector<16xi32>
                  %rev3A_929 = tpu.iota {dimensions = array<i32: 0>} : vector<16xi32>
                  %rev3A_930 = arith.subi %rev3A_928, %rev3A_929 : vector<16xi32>
                  %rev3A_931 = tpu.dynamic_gather %masked_sort3A_921[%rev3A_930] in [0] : vector<16xi32>, vector<16xi32> -> vector<16xi32>
                  %le3A_932 = arith.cmpf ole, %get3A_913, %rev3A_926 : vector<16xf32>
                  %select_n3A_933 = arith.select %le3A_932, %get3A_913, %rev3A_926 : vector<16xi1>, vector<16xf32>
                  %select_n3A_934 = arith.select %le3A_932, %get3A_917, %rev3A_931 : vector<16xi1>, vector<16xi32>
                  %masked_sort3A_935 = arith.constant dense<true> : vector<16xi1>
                  %masked_sort3A_936, %masked_sort3A_937, %masked_sort3A_938 = tpu.sort %select_n3A_933, %select_n3A_934 masked %masked_sort3A_935 : (vector<16xf32>, vector<16xi32>, vector<16xi1>) -> (vector<16xi1>, vector<16xf32>, vector<16xi32>)
                  %swap3A_939 = arith.constant 2 : i32
                  %swap3A_940 = arith.index_cast %swap3A_939 : i32 to index
                  %swap3A_941 = arith.constant 0 : index
                  %swap3A_942 = tpu.vector_load %arg13[%swap3A_940, %swap3A_941] {strides = array<i32>} : memref<4x16xf32, #tpu.memory_space<vmem>>, vector<16xf32>,
                  tpu.vector_store %arg13[%swap3A_940, %swap3A_941], %masked_sort3A_937 {strides = array<i32>} : memref<4x16xf32, #tpu.memory_space<vmem>>, vector<16xf32>,
                  %swap3A_943 = arith.constant 2 : i32
                  %swap3A_944 = arith.index_cast %swap3A_943 : i32 to index
                  %swap3A_945 = arith.constant 0 : index
                  %swap3A_946 = tpu.vector_load %arg14[%swap3A_944, %swap3A_945] {strides = array<i32>} : memref<4x16xi32, #tpu.memory_space<vmem>>, vector<16xi32>,
                  tpu.vector_store %arg14[%swap3A_944, %swap3A_945], %masked_sort3A_938 {strides = array<i32>} : memref<4x16xi32, #tpu.memory_space<vmem>>, vector<16xi32>,
                } else {
                }
              } else {
              }
            } else {
            }
          } else {
          }
          %sub3A_255 = arith.subf %get3A_207, %broadcast_in_dim3A_127 : vector<16xf32>
          %lt3A_256 = arith.constant 0.000000e+00 : f32
          %lt3A_257 = vector.broadcast %lt3A_256 : f32 to vector<16xf32>
          %lt3A_258 = arith.cmpf olt, %sub3A_255, %lt3A_257 : vector<16xf32>
          %all_reduce_population_count3A_259 = tpu.all_reduce %lt3A_258 {dim = 0 : i64, kind = #tpu.reduction_kind<sum>} : vector<16xi1> -> vector<16xi32>
          %slice3A_260 = vector.extract_strided_slice %all_reduce_population_count3A_259 {offsets = [0], sizes = [1], strides = [1]} : vector<16xi32> to vector<1xi32>
          %squeeze3A_261 = vector.extract %slice3A_260[0] : i32 from vector<1xi32>
          %gt3A_262 = arith.constant 0 : i32
          %gt3A_263 = arith.cmpi sgt, %squeeze3A_261, %gt3A_262 : i32
          %convert_element_type3A_264 = arith.extui %gt3A_263 : i1 to i32
          %cond3A_265 = arith.constant 0 : i32
          %cond3A_266 = arith.cmpi ne, %convert_element_type3A_264, %cond3A_265 : i32
          scf.if %cond3A_266 {
            %add3A_267 = arith.constant 0 : i32
            %add3A_268 = arith.addi %mul3A_183, %add3A_267 : i32
            %add3A_269 = vector.broadcast %add3A_268 : i32 to vector<16xi32>
            %add3A_270 = arith.addi %iota3A, %add3A_269 : vector<16xi32>
            %add3A_271 = arith.constant 0 : i32
            %add3A_272 = arith.addi %mul3A_183, %add3A_271 : i32
            %get3A_273 = arith.constant 3 : i32
            %get3A_274 = arith.index_cast %get3A_273 : i32 to index
            %get3A_275 = arith.index_cast %add3A_272 : i32 to index
            %get3A_276 = tpu.vector_load %arg11[%get3A_274, %get3A_275] {strides = array<i32>} : memref<4x5120xf32, #tpu.memory_space<vmem>>, vector<16xf32>,
            %add3A_277 = arith.constant 16 : i32
            %add3A_278 = arith.addi %mul3A_183, %add3A_277 : i32
            %add3A_279 = vector.broadcast %add3A_278 : i32 to vector<16xi32>
            %add3A_280 = arith.addi %iota3A, %add3A_279 : vector<16xi32>
            %add3A_281 = arith.constant 16 : i32
            %add3A_282 = arith.addi %mul3A_183, %add3A_281 : i32
            %get3A_283 = arith.constant 3 : i32
            %get3A_284 = arith.index_cast %get3A_283 : i32 to index
            %get3A_285 = arith.index_cast %add3A_282 : i32 to index
            %get3A_286 = tpu.vector_load %arg11[%get3A_284, %get3A_285] {strides = array<i32>} : memref<4x5120xf32, #tpu.memory_space<vmem>>, vector<16xf32>,
            %lt3A_287 = arith.cmpf olt, %get3A_286, %get3A_276 : vector<16xf32>
            %select_n3A = arith.select %lt3A_287, %get3A_286, %get3A_276 : vector<16xi1>, vector<16xf32>
            %select_n3A_288 = arith.select %lt3A_287, %add3A_280, %add3A_270 : vector<16xi1>, vector<16xi32>
            %add3A_289 = arith.constant 32 : i32
            %add3A_290 = arith.addi %mul3A_183, %add3A_289 : i32
            %add3A_291 = vector.broadcast %add3A_290 : i32 to vector<16xi32>
            %add3A_292 = arith.addi %iota3A, %add3A_291 : vector<16xi32>
            %add3A_293 = arith.constant 32 : i32
            %add3A_294 = arith.addi %mul3A_183, %add3A_293 : i32
            %get3A_295 = arith.constant 3 : i32
            %get3A_296 = arith.index_cast %get3A_295 : i32 to index
            %get3A_297 = arith.index_cast %add3A_294 : i32 to index
            %get3A_298 = tpu.vector_load %arg11[%get3A_296, %get3A_297] {strides = array<i32>} : memref<4x5120xf32, #tpu.memory_space<vmem>>, vector<16xf32>,
            %lt3A_299 = arith.cmpf olt, %get3A_298, %select_n3A : vector<16xf32>
            %select_n3A_300 = arith.select %lt3A_299, %get3A_298, %select_n3A : vector<16xi1>, vector<16xf32>
            %select_n3A_301 = arith.select %lt3A_299, %add3A_292, %select_n3A_288 : vector<16xi1>, vector<16xi32>
            %add3A_302 = arith.constant 48 : i32
            %add3A_303 = arith.addi %mul3A_183, %add3A_302 : i32
            %add3A_304 = vector.broadcast %add3A_303 : i32 to vector<16xi32>
            %add3A_305 = arith.addi %iota3A, %add3A_304 : vector<16xi32>
            %add3A_306 = arith.constant 48 : i32
            %add3A_307 = arith.addi %mul3A_183, %add3A_306 : i32
            %get3A_308 = arith.constant 3 : i32
            %get3A_309 = arith.index_cast %get3A_308 : i32 to index
            %get3A_310 = arith.index_cast %add3A_307 : i32 to index
            %get3A_311 = tpu.vector_load %arg11[%get3A_309, %get3A_310] {strides = array<i32>} : memref<4x5120xf32, #tpu.memory_space<vmem>>, vector<16xf32>,
            %lt3A_312 = arith.cmpf olt, %get3A_311, %select_n3A_300 : vector<16xf32>
            %select_n3A_313 = arith.select %lt3A_312, %get3A_311, %select_n3A_300 : vector<16xi1>, vector<16xf32>
            %select_n3A_314 = arith.select %lt3A_312, %add3A_305, %select_n3A_301 : vector<16xi1>, vector<16xi32>
            %add3A_315 = arith.constant 64 : i32
            %add3A_316 = arith.addi %mul3A_183, %add3A_315 : i32
            %add3A_317 = vector.broadcast %add3A_316 : i32 to vector<16xi32>
            %add3A_318 = arith.addi %iota3A, %add3A_317 : vector<16xi32>
            %add3A_319 = arith.constant 64 : i32
            %add3A_320 = arith.addi %mul3A_183, %add3A_319 : i32
            %get3A_321 = arith.constant 3 : i32
            %get3A_322 = arith.index_cast %get3A_321 : i32 to index
            %get3A_323 = arith.index_cast %add3A_320 : i32 to index
            %get3A_324 = tpu.vector_load %arg11[%get3A_322, %get3A_323] {strides = array<i32>} : memref<4x5120xf32, #tpu.memory_space<vmem>>, vector<16xf32>,
            %lt3A_325 = arith.cmpf olt, %get3A_324, %select_n3A_313 : vector<16xf32>
            %select_n3A_326 = arith.select %lt3A_325, %get3A_324, %select_n3A_313 : vector<16xi1>, vector<16xf32>
            %select_n3A_327 = arith.select %lt3A_325, %add3A_318, %select_n3A_314 : vector<16xi1>, vector<16xi32>
            %add3A_328 = arith.constant 80 : i32
            %add3A_329 = arith.addi %mul3A_183, %add3A_328 : i32
            %add3A_330 = vector.broadcast %add3A_329 : i32 to vector<16xi32>
            %add3A_331 = arith.addi %iota3A, %add3A_330 : vector<16xi32>
            %add3A_332 = arith.constant 80 : i32
            %add3A_333 = arith.addi %mul3A_183, %add3A_332 : i32
            %get3A_334 = arith.constant 3 : i32
            %get3A_335 = arith.index_cast %get3A_334 : i32 to index
            %get3A_336 = arith.index_cast %add3A_333 : i32 to index
            %get3A_337 = tpu.vector_load %arg11[%get3A_335, %get3A_336] {strides = array<i32>} : memref<4x5120xf32, #tpu.memory_space<vmem>>, vector<16xf32>,
            %lt3A_338 = arith.cmpf olt, %get3A_337, %select_n3A_326 : vector<16xf32>
            %select_n3A_339 = arith.select %lt3A_338, %get3A_337, %select_n3A_326 : vector<16xi1>, vector<16xf32>
            %select_n3A_340 = arith.select %lt3A_338, %add3A_331, %select_n3A_327 : vector<16xi1>, vector<16xi32>
            %add3A_341 = arith.constant 96 : i32
            %add3A_342 = arith.addi %mul3A_183, %add3A_341 : i32
            %add3A_343 = vector.broadcast %add3A_342 : i32 to vector<16xi32>
            %add3A_344 = arith.addi %iota3A, %add3A_343 : vector<16xi32>
            %add3A_345 = arith.constant 96 : i32
            %add3A_346 = arith.addi %mul3A_183, %add3A_345 : i32
            %get3A_347 = arith.constant 3 : i32
            %get3A_348 = arith.index_cast %get3A_347 : i32 to index
            %get3A_349 = arith.index_cast %add3A_346 : i32 to index
            %get3A_350 = tpu.vector_load %arg11[%get3A_348, %get3A_349] {strides = array<i32>} : memref<4x5120xf32, #tpu.memory_space<vmem>>, vector<16xf32>,
            %lt3A_351 = arith.cmpf olt, %get3A_350, %select_n3A_339 : vector<16xf32>
            %select_n3A_352 = arith.select %lt3A_351, %get3A_350, %select_n3A_339 : vector<16xi1>, vector<16xf32>
            %select_n3A_353 = arith.select %lt3A_351, %add3A_344, %select_n3A_340 : vector<16xi1>, vector<16xi32>
            %add3A_354 = arith.constant 112 : i32
            %add3A_355 = arith.addi %mul3A_183, %add3A_354 : i32
            %add3A_356 = vector.broadcast %add3A_355 : i32 to vector<16xi32>
            %add3A_357 = arith.addi %iota3A, %add3A_356 : vector<16xi32>
            %add3A_358 = arith.constant 112 : i32
            %add3A_359 = arith.addi %mul3A_183, %add3A_358 : i32
            %get3A_360 = arith.constant 3 : i32
            %get3A_361 = arith.index_cast %get3A_360 : i32 to index
            %get3A_362 = arith.index_cast %add3A_359 : i32 to index
            %get3A_363 = tpu.vector_load %arg11[%get3A_361, %get3A_362] {strides = array<i32>} : memref<4x5120xf32, #tpu.memory_space<vmem>>, vector<16xf32>,
            %lt3A_364 = arith.cmpf olt, %get3A_363, %select_n3A_352 : vector<16xf32>
            %select_n3A_365 = arith.select %lt3A_364, %get3A_363, %select_n3A_352 : vector<16xi1>, vector<16xf32>
            %select_n3A_366 = arith.select %lt3A_364, %add3A_357, %select_n3A_353 : vector<16xi1>, vector<16xi32>
            %get3A_367 = arith.constant 3 : i32
            %get3A_368 = arith.index_cast %get3A_367 : i32 to index
            %get3A_369 = arith.constant 0 : index
            %get3A_370 = tpu.vector_load %arg13[%get3A_368, %get3A_369] {strides = array<i32>} : memref<4x16xf32, #tpu.memory_space<vmem>>, vector<16xf32>,
            %get3A_371 = arith.constant 3 : i32
            %get3A_372 = arith.index_cast %get3A_371 : i32 to index
            %get3A_373 = arith.constant 0 : index
            %get3A_374 = tpu.vector_load %arg14[%get3A_372, %get3A_373] {strides = array<i32>} : memref<4x16xi32, #tpu.memory_space<vmem>>, vector<16xi32>,
            %masked_sort3A_375 = arith.constant dense<true> : vector<16xi1>
            %masked_sort3A_376, %masked_sort3A_377, %masked_sort3A_378 = tpu.sort %select_n3A_365, %select_n3A_366 masked %masked_sort3A_375 : (vector<16xf32>, vector<16xi32>, vector<16xi1>) -> (vector<16xi1>, vector<16xf32>, vector<16xi32>)
            %rev3A = arith.constant 15 : i32
            %rev3A_379 = vector.broadcast %rev3A : i32 to vector<16xi32>
            %rev3A_380 = tpu.iota {dimensions = array<i32: 0>} : vector<16xi32>
            %rev3A_381 = arith.subi %rev3A_379, %rev3A_380 : vector<16xi32>
            %rev3A_382 = tpu.dynamic_gather %masked_sort3A_377[%rev3A_381] in [0] : vector<16xf32>, vector<16xi32> -> vector<16xf32>
            %rev3A_383 = arith.constant 15 : i32
            %rev3A_384 = vector.broadcast %rev3A_383 : i32 to vector<16xi32>
            %rev3A_385 = tpu.iota {dimensions = array<i32: 0>} : vector<16xi32>
            %rev3A_386 = arith.subi %rev3A_384, %rev3A_385 : vector<16xi32>
            %rev3A_387 = tpu.dynamic_gather %masked_sort3A_378[%rev3A_386] in [0] : vector<16xi32>, vector<16xi32> -> vector<16xi32>
            %le3A = arith.cmpf ole, %get3A_370, %rev3A_382 : vector<16xf32>
            %select_n3A_388 = arith.select %le3A, %get3A_370, %rev3A_382 : vector<16xi1>, vector<16xf32>
            %select_n3A_389 = arith.select %le3A, %get3A_374, %rev3A_387 : vector<16xi1>, vector<16xi32>
            %masked_sort3A_390 = arith.constant dense<true> : vector<16xi1>
            %masked_sort3A_391, %masked_sort3A_392, %masked_sort3A_393 = tpu.sort %select_n3A_388, %select_n3A_389 masked %masked_sort3A_390 : (vector<16xf32>, vector<16xi32>, vector<16xi1>) -> (vector<16xi1>, vector<16xf32>, vector<16xi32>)
            %swap3A_394 = arith.constant 3 : i32
            %swap3A_395 = arith.index_cast %swap3A_394 : i32 to index
            %swap3A_396 = arith.constant 0 : index
            %swap3A_397 = tpu.vector_load %arg13[%swap3A_395, %swap3A_396] {strides = array<i32>} : memref<4x16xf32, #tpu.memory_space<vmem>>, vector<16xf32>,
            tpu.vector_store %arg13[%swap3A_395, %swap3A_396], %masked_sort3A_392 {strides = array<i32>} : memref<4x16xf32, #tpu.memory_space<vmem>>, vector<16xf32>,
            %swap3A_398 = arith.constant 3 : i32
            %swap3A_399 = arith.index_cast %swap3A_398 : i32 to index
            %swap3A_400 = arith.constant 0 : index
            %swap3A_401 = tpu.vector_load %arg14[%swap3A_399, %swap3A_400] {strides = array<i32>} : memref<4x16xi32, #tpu.memory_space<vmem>>, vector<16xi32>,
            tpu.vector_store %arg14[%swap3A_399, %swap3A_400], %masked_sort3A_393 {strides = array<i32>} : memref<4x16xi32, #tpu.memory_space<vmem>>, vector<16xi32>,
            %add3A_402 = arith.constant 0 : i32
            %add3A_403 = arith.addi %mul3A_183, %add3A_402 : i32
            %add3A_404 = vector.broadcast %add3A_403 : i32 to vector<16xi32>
            %add3A_405 = arith.addi %iota3A, %add3A_404 : vector<16xi32>
            %add3A_406 = arith.constant 0 : i32
            %add3A_407 = arith.addi %mul3A_183, %add3A_406 : i32
            %get3A_408 = arith.constant 3 : i32
            %get3A_409 = arith.index_cast %get3A_408 : i32 to index
            %get3A_410 = arith.index_cast %add3A_407 : i32 to index
            %get3A_411 = tpu.vector_load %arg11[%get3A_409, %get3A_410] {strides = array<i32>} : memref<4x5120xf32, #tpu.memory_space<vmem>>, vector<16xf32>,
            %le3A_412 = arith.cmpf ole, %get3A_411, %select_n3A_365 : vector<16xf32>
            %jit3A = arith.constant 3.000000e+38 : f32
            %broadcast_in_dim3A_413 = vector.broadcast %jit3A : f32 to vector<16xf32>
            %select_n3A_414 = arith.select %le3A_412, %broadcast_in_dim3A_413, %get3A_411 : vector<16xi1>, vector<16xf32>
            %add3A_415 = arith.constant 16 : i32
            %add3A_416 = arith.addi %mul3A_183, %add3A_415 : i32
            %add3A_417 = vector.broadcast %add3A_416 : i32 to vector<16xi32>
            %add3A_418 = arith.addi %iota3A, %add3A_417 : vector<16xi32>
            %add3A_419 = arith.constant 16 : i32
            %add3A_420 = arith.addi %mul3A_183, %add3A_419 : i32
            %get3A_421 = arith.constant 3 : i32
            %get3A_422 = arith.index_cast %get3A_421 : i32 to index
            %get3A_423 = arith.index_cast %add3A_420 : i32 to index
            %get3A_424 = tpu.vector_load %arg11[%get3A_422, %get3A_423] {strides = array<i32>} : memref<4x5120xf32, #tpu.memory_space<vmem>>, vector<16xf32>,
            %le3A_425 = arith.cmpf ole, %get3A_424, %select_n3A_365 : vector<16xf32>
            %jit3A_426 = arith.constant 3.000000e+38 : f32
            %broadcast_in_dim3A_427 = vector.broadcast %jit3A_426 : f32 to vector<16xf32>
            %select_n3A_428 = arith.select %le3A_425, %broadcast_in_dim3A_427, %get3A_424 : vector<16xi1>, vector<16xf32>
            %lt3A_429 = arith.cmpf olt, %select_n3A_428, %select_n3A_414 : vector<16xf32>
            %select_n3A_430 = arith.select %lt3A_429, %select_n3A_428, %select_n3A_414 : vector<16xi1>, vector<16xf32>
            %select_n3A_431 = arith.select %lt3A_429, %add3A_418, %add3A_405 : vector<16xi1>, vector<16xi32>
            %add3A_432 = arith.constant 32 : i32
            %add3A_433 = arith.addi %mul3A_183, %add3A_432 : i32
            %add3A_434 = vector.broadcast %add3A_433 : i32 to vector<16xi32>
            %add3A_435 = arith.addi %iota3A, %add3A_434 : vector<16xi32>
            %add3A_436 = arith.constant 32 : i32
            %add3A_437 = arith.addi %mul3A_183, %add3A_436 : i32
            %get3A_438 = arith.constant 3 : i32
            %get3A_439 = arith.index_cast %get3A_438 : i32 to index
            %get3A_440 = arith.index_cast %add3A_437 : i32 to index
            %get3A_441 = tpu.vector_load %arg11[%get3A_439, %get3A_440] {strides = array<i32>} : memref<4x5120xf32, #tpu.memory_space<vmem>>, vector<16xf32>,
            %le3A_442 = arith.cmpf ole, %get3A_441, %select_n3A_365 : vector<16xf32>
            %jit3A_443 = arith.constant 3.000000e+38 : f32
            %broadcast_in_dim3A_444 = vector.broadcast %jit3A_443 : f32 to vector<16xf32>
            %select_n3A_445 = arith.select %le3A_442, %broadcast_in_dim3A_444, %get3A_441 : vector<16xi1>, vector<16xf32>
            %lt3A_446 = arith.cmpf olt, %select_n3A_445, %select_n3A_430 : vector<16xf32>
            %select_n3A_447 = arith.select %lt3A_446, %select_n3A_445, %select_n3A_430 : vector<16xi1>, vector<16xf32>
            %select_n3A_448 = arith.select %lt3A_446, %add3A_435, %select_n3A_431 : vector<16xi1>, vector<16xi32>
            %add3A_449 = arith.constant 48 : i32
            %add3A_450 = arith.addi %mul3A_183, %add3A_449 : i32
            %add3A_451 = vector.broadcast %add3A_450 : i32 to vector<16xi32>
            %add3A_452 = arith.addi %iota3A, %add3A_451 : vector<16xi32>
            %add3A_453 = arith.constant 48 : i32
            %add3A_454 = arith.addi %mul3A_183, %add3A_453 : i32
            %get3A_455 = arith.constant 3 : i32
            %get3A_456 = arith.index_cast %get3A_455 : i32 to index
            %get3A_457 = arith.index_cast %add3A_454 : i32 to index
            %get3A_458 = tpu.vector_load %arg11[%get3A_456, %get3A_457] {strides = array<i32>} : memref<4x5120xf32, #tpu.memory_space<vmem>>, vector<16xf32>,
            %le3A_459 = arith.cmpf ole, %get3A_458, %select_n3A_365 : vector<16xf32>
            %jit3A_460 = arith.constant 3.000000e+38 : f32
            %broadcast_in_dim3A_461 = vector.broadcast %jit3A_460 : f32 to vector<16xf32>
            %select_n3A_462 = arith.select %le3A_459, %broadcast_in_dim3A_461, %get3A_458 : vector<16xi1>, vector<16xf32>
            %lt3A_463 = arith.cmpf olt, %select_n3A_462, %select_n3A_447 : vector<16xf32>
            %select_n3A_464 = arith.select %lt3A_463, %select_n3A_462, %select_n3A_447 : vector<16xi1>, vector<16xf32>
            %select_n3A_465 = arith.select %lt3A_463, %add3A_452, %select_n3A_448 : vector<16xi1>, vector<16xi32>
            %add3A_466 = arith.constant 64 : i32
            %add3A_467 = arith.addi %mul3A_183, %add3A_466 : i32
            %add3A_468 = vector.broadcast %add3A_467 : i32 to vector<16xi32>
            %add3A_469 = arith.addi %iota3A, %add3A_468 : vector<16xi32>
            %add3A_470 = arith.constant 64 : i32
            %add3A_471 = arith.addi %mul3A_183, %add3A_470 : i32
            %get3A_472 = arith.constant 3 : i32
            %get3A_473 = arith.index_cast %get3A_472 : i32 to index
            %get3A_474 = arith.index_cast %add3A_471 : i32 to index
            %get3A_475 = tpu.vector_load %arg11[%get3A_473, %get3A_474] {strides = array<i32>} : memref<4x5120xf32, #tpu.memory_space<vmem>>, vector<16xf32>,
            %le3A_476 = arith.cmpf ole, %get3A_475, %select_n3A_365 : vector<16xf32>
            %jit3A_477 = arith.constant 3.000000e+38 : f32
            %broadcast_in_dim3A_478 = vector.broadcast %jit3A_477 : f32 to vector<16xf32>
            %select_n3A_479 = arith.select %le3A_476, %broadcast_in_dim3A_478, %get3A_475 : vector<16xi1>, vector<16xf32>
            %lt3A_480 = arith.cmpf olt, %select_n3A_479, %select_n3A_464 : vector<16xf32>
            %select_n3A_481 = arith.select %lt3A_480, %select_n3A_479, %select_n3A_464 : vector<16xi1>, vector<16xf32>
            %select_n3A_482 = arith.select %lt3A_480, %add3A_469, %select_n3A_465 : vector<16xi1>, vector<16xi32>
            %add3A_483 = arith.constant 80 : i32
            %add3A_484 = arith.addi %mul3A_183, %add3A_483 : i32
            %add3A_485 = vector.broadcast %add3A_484 : i32 to vector<16xi32>
            %add3A_486 = arith.addi %iota3A, %add3A_485 : vector<16xi32>
            %add3A_487 = arith.constant 80 : i32
            %add3A_488 = arith.addi %mul3A_183, %add3A_487 : i32
            %get3A_489 = arith.constant 3 : i32
            %get3A_490 = arith.index_cast %get3A_489 : i32 to index
            %get3A_491 = arith.index_cast %add3A_488 : i32 to index
            %get3A_492 = tpu.vector_load %arg11[%get3A_490, %get3A_491] {strides = array<i32>} : memref<4x5120xf32, #tpu.memory_space<vmem>>, vector<16xf32>,
            %le3A_493 = arith.cmpf ole, %get3A_492, %select_n3A_365 : vector<16xf32>
            %jit3A_494 = arith.constant 3.000000e+38 : f32
            %broadcast_in_dim3A_495 = vector.broadcast %jit3A_494 : f32 to vector<16xf32>
            %select_n3A_496 = arith.select %le3A_493, %broadcast_in_dim3A_495, %get3A_492 : vector<16xi1>, vector<16xf32>
            %lt3A_497 = arith.cmpf olt, %select_n3A_496, %select_n3A_481 : vector<16xf32>
            %select_n3A_498 = arith.select %lt3A_497, %select_n3A_496, %select_n3A_481 : vector<16xi1>, vector<16xf32>
            %select_n3A_499 = arith.select %lt3A_497, %add3A_486, %select_n3A_482 : vector<16xi1>, vector<16xi32>
            %add3A_500 = arith.constant 96 : i32
            %add3A_501 = arith.addi %mul3A_183, %add3A_500 : i32
            %add3A_502 = vector.broadcast %add3A_501 : i32 to vector<16xi32>
            %add3A_503 = arith.addi %iota3A, %add3A_502 : vector<16xi32>
            %add3A_504 = arith.constant 96 : i32
            %add3A_505 = arith.addi %mul3A_183, %add3A_504 : i32
            %get3A_506 = arith.constant 3 : i32
            %get3A_507 = arith.index_cast %get3A_506 : i32 to index
            %get3A_508 = arith.index_cast %add3A_505 : i32 to index
            %get3A_509 = tpu.vector_load %arg11[%get3A_507, %get3A_508] {strides = array<i32>} : memref<4x5120xf32, #tpu.memory_space<vmem>>, vector<16xf32>,
            %le3A_510 = arith.cmpf ole, %get3A_509, %select_n3A_365 : vector<16xf32>
            %jit3A_511 = arith.constant 3.000000e+38 : f32
            %broadcast_in_dim3A_512 = vector.broadcast %jit3A_511 : f32 to vector<16xf32>
            %select_n3A_513 = arith.select %le3A_510, %broadcast_in_dim3A_512, %get3A_509 : vector<16xi1>, vector<16xf32>
            %lt3A_514 = arith.cmpf olt, %select_n3A_513, %select_n3A_498 : vector<16xf32>
            %select_n3A_515 = arith.select %lt3A_514, %select_n3A_513, %select_n3A_498 : vector<16xi1>, vector<16xf32>
            %select_n3A_516 = arith.select %lt3A_514, %add3A_503, %select_n3A_499 : vector<16xi1>, vector<16xi32>
            %add3A_517 = arith.constant 112 : i32
            %add3A_518 = arith.addi %mul3A_183, %add3A_517 : i32
            %add3A_519 = vector.broadcast %add3A_518 : i32 to vector<16xi32>
            %add3A_520 = arith.addi %iota3A, %add3A_519 : vector<16xi32>
            %add3A_521 = arith.constant 112 : i32
            %add3A_522 = arith.addi %mul3A_183, %add3A_521 : i32
            %get3A_523 = arith.constant 3 : i32
            %get3A_524 = arith.index_cast %get3A_523 : i32 to index
            %get3A_525 = arith.index_cast %add3A_522 : i32 to index
            %get3A_526 = tpu.vector_load %arg11[%get3A_524, %get3A_525] {strides = array<i32>} : memref<4x5120xf32, #tpu.memory_space<vmem>>, vector<16xf32>,
            %le3A_527 = arith.cmpf ole, %get3A_526, %select_n3A_365 : vector<16xf32>
            %jit3A_528 = arith.constant 3.000000e+38 : f32
            %broadcast_in_dim3A_529 = vector.broadcast %jit3A_528 : f32 to vector<16xf32>
            %select_n3A_530 = arith.select %le3A_527, %broadcast_in_dim3A_529, %get3A_526 : vector<16xi1>, vector<16xf32>
            %lt3A_531 = arith.cmpf olt, %select_n3A_530, %select_n3A_515 : vector<16xf32>
            %select_n3A_532 = arith.select %lt3A_531, %select_n3A_530, %select_n3A_515 : vector<16xi1>, vector<16xf32>
            %select_n3A_533 = arith.select %lt3A_531, %add3A_520, %select_n3A_516 : vector<16xi1>, vector<16xi32>
            %sub3A_534 = arith.subf %select_n3A_532, %broadcast_in_dim3A_127 : vector<16xf32>
            %lt3A_535 = arith.constant 0.000000e+00 : f32
            %lt3A_536 = vector.broadcast %lt3A_535 : f32 to vector<16xf32>
            %lt3A_537 = arith.cmpf olt, %sub3A_534, %lt3A_536 : vector<16xf32>
            %all_reduce_population_count3A_538 = tpu.all_reduce %lt3A_537 {dim = 0 : i64, kind = #tpu.reduction_kind<sum>} : vector<16xi1> -> vector<16xi32>
            %slice3A_539 = vector.extract_strided_slice %all_reduce_population_count3A_538 {offsets = [0], sizes = [1], strides = [1]} : vector<16xi32> to vector<1xi32>
            %squeeze3A_540 = vector.extract %slice3A_539[0] : i32 from vector<1xi32>
            %gt3A_541 = arith.constant 0 : i32
            %gt3A_542 = arith.cmpi sgt, %squeeze3A_540, %gt3A_541 : i32
            %convert_element_type3A_543 = arith.extui %gt3A_542 : i1 to i32
            %cond3A_544 = arith.constant 0 : i32
            %cond3A_545 = arith.cmpi ne, %convert_element_type3A_543, %cond3A_544 : i32
            scf.if %cond3A_545 {
              %get3A_546 = arith.constant 3 : i32
              %get3A_547 = arith.index_cast %get3A_546 : i32 to index
              %get3A_548 = arith.constant 0 : index
              %get3A_549 = tpu.vector_load %arg13[%get3A_547, %get3A_548] {strides = array<i32>} : memref<4x16xf32, #tpu.memory_space<vmem>>, vector<16xf32>,
              %get3A_550 = arith.constant 3 : i32
              %get3A_551 = arith.index_cast %get3A_550 : i32 to index
              %get3A_552 = arith.constant 0 : index
              %get3A_553 = tpu.vector_load %arg14[%get3A_551, %get3A_552] {strides = array<i32>} : memref<4x16xi32, #tpu.memory_space<vmem>>, vector<16xi32>,
              %masked_sort3A_554 = arith.constant dense<true> : vector<16xi1>
              %masked_sort3A_555, %masked_sort3A_556, %masked_sort3A_557 = tpu.sort %select_n3A_532, %select_n3A_533 masked %masked_sort3A_554 : (vector<16xf32>, vector<16xi32>, vector<16xi1>) -> (vector<16xi1>, vector<16xf32>, vector<16xi32>)
              %rev3A_558 = arith.constant 15 : i32
              %rev3A_559 = vector.broadcast %rev3A_558 : i32 to vector<16xi32>
              %rev3A_560 = tpu.iota {dimensions = array<i32: 0>} : vector<16xi32>
              %rev3A_561 = arith.subi %rev3A_559, %rev3A_560 : vector<16xi32>
              %rev3A_562 = tpu.dynamic_gather %masked_sort3A_556[%rev3A_561] in [0] : vector<16xf32>, vector<16xi32> -> vector<16xf32>
              %rev3A_563 = arith.constant 15 : i32
              %rev3A_564 = vector.broadcast %rev3A_563 : i32 to vector<16xi32>
              %rev3A_565 = tpu.iota {dimensions = array<i32: 0>} : vector<16xi32>
              %rev3A_566 = arith.subi %rev3A_564, %rev3A_565 : vector<16xi32>
              %rev3A_567 = tpu.dynamic_gather %masked_sort3A_557[%rev3A_566] in [0] : vector<16xi32>, vector<16xi32> -> vector<16xi32>
              %le3A_568 = arith.cmpf ole, %get3A_549, %rev3A_562 : vector<16xf32>
              %select_n3A_569 = arith.select %le3A_568, %get3A_549, %rev3A_562 : vector<16xi1>, vector<16xf32>
              %select_n3A_570 = arith.select %le3A_568, %get3A_553, %rev3A_567 : vector<16xi1>, vector<16xi32>
              %masked_sort3A_571 = arith.constant dense<true> : vector<16xi1>
              %masked_sort3A_572, %masked_sort3A_573, %masked_sort3A_574 = tpu.sort %select_n3A_569, %select_n3A_570 masked %masked_sort3A_571 : (vector<16xf32>, vector<16xi32>, vector<16xi1>) -> (vector<16xi1>, vector<16xf32>, vector<16xi32>)
              %swap3A_575 = arith.constant 3 : i32
              %swap3A_576 = arith.index_cast %swap3A_575 : i32 to index
              %swap3A_577 = arith.constant 0 : index
              %swap3A_578 = tpu.vector_load %arg13[%swap3A_576, %swap3A_577] {strides = array<i32>} : memref<4x16xf32, #tpu.memory_space<vmem>>, vector<16xf32>,
              tpu.vector_store %arg13[%swap3A_576, %swap3A_577], %masked_sort3A_573 {strides = array<i32>} : memref<4x16xf32, #tpu.memory_space<vmem>>, vector<16xf32>,
              %swap3A_579 = arith.constant 3 : i32
              %swap3A_580 = arith.index_cast %swap3A_579 : i32 to index
              %swap3A_581 = arith.constant 0 : index
              %swap3A_582 = tpu.vector_load %arg14[%swap3A_580, %swap3A_581] {strides = array<i32>} : memref<4x16xi32, #tpu.memory_space<vmem>>, vector<16xi32>,
              tpu.vector_store %arg14[%swap3A_580, %swap3A_581], %masked_sort3A_574 {strides = array<i32>} : memref<4x16xi32, #tpu.memory_space<vmem>>, vector<16xi32>,
              %add3A_583 = arith.constant 0 : i32
              %add3A_584 = arith.addi %mul3A_183, %add3A_583 : i32
              %add3A_585 = vector.broadcast %add3A_584 : i32 to vector<16xi32>
              %add3A_586 = arith.addi %iota3A, %add3A_585 : vector<16xi32>
              %add3A_587 = arith.constant 0 : i32
              %add3A_588 = arith.addi %mul3A_183, %add3A_587 : i32
              %get3A_589 = arith.constant 3 : i32
              %get3A_590 = arith.index_cast %get3A_589 : i32 to index
              %get3A_591 = arith.index_cast %add3A_588 : i32 to index
              %get3A_592 = tpu.vector_load %arg11[%get3A_590, %get3A_591] {strides = array<i32>} : memref<4x5120xf32, #tpu.memory_space<vmem>>, vector<16xf32>,
              %le3A_593 = arith.cmpf ole, %get3A_592, %select_n3A_532 : vector<16xf32>
              %jit3A_594 = arith.constant 3.000000e+38 : f32
              %broadcast_in_dim3A_595 = vector.broadcast %jit3A_594 : f32 to vector<16xf32>
              %select_n3A_596 = arith.select %le3A_593, %broadcast_in_dim3A_595, %get3A_592 : vector<16xi1>, vector<16xf32>
              %add3A_597 = arith.constant 16 : i32
              %add3A_598 = arith.addi %mul3A_183, %add3A_597 : i32
              %add3A_599 = vector.broadcast %add3A_598 : i32 to vector<16xi32>
              %add3A_600 = arith.addi %iota3A, %add3A_599 : vector<16xi32>
              %add3A_601 = arith.constant 16 : i32
              %add3A_602 = arith.addi %mul3A_183, %add3A_601 : i32
              %get3A_603 = arith.constant 3 : i32
              %get3A_604 = arith.index_cast %get3A_603 : i32 to index
              %get3A_605 = arith.index_cast %add3A_602 : i32 to index
              %get3A_606 = tpu.vector_load %arg11[%get3A_604, %get3A_605] {strides = array<i32>} : memref<4x5120xf32, #tpu.memory_space<vmem>>, vector<16xf32>,
              %le3A_607 = arith.cmpf ole, %get3A_606, %select_n3A_532 : vector<16xf32>
              %jit3A_608 = arith.constant 3.000000e+38 : f32
              %broadcast_in_dim3A_609 = vector.broadcast %jit3A_608 : f32 to vector<16xf32>
              %select_n3A_610 = arith.select %le3A_607, %broadcast_in_dim3A_609, %get3A_606 : vector<16xi1>, vector<16xf32>
              %lt3A_611 = arith.cmpf olt, %select_n3A_610, %select_n3A_596 : vector<16xf32>
              %select_n3A_612 = arith.select %lt3A_611, %select_n3A_610, %select_n3A_596 : vector<16xi1>, vector<16xf32>
              %select_n3A_613 = arith.select %lt3A_611, %add3A_600, %add3A_586 : vector<16xi1>, vector<16xi32>
              %add3A_614 = arith.constant 32 : i32
              %add3A_615 = arith.addi %mul3A_183, %add3A_614 : i32
              %add3A_616 = vector.broadcast %add3A_615 : i32 to vector<16xi32>
              %add3A_617 = arith.addi %iota3A, %add3A_616 : vector<16xi32>
              %add3A_618 = arith.constant 32 : i32
              %add3A_619 = arith.addi %mul3A_183, %add3A_618 : i32
              %get3A_620 = arith.constant 3 : i32
              %get3A_621 = arith.index_cast %get3A_620 : i32 to index
              %get3A_622 = arith.index_cast %add3A_619 : i32 to index
              %get3A_623 = tpu.vector_load %arg11[%get3A_621, %get3A_622] {strides = array<i32>} : memref<4x5120xf32, #tpu.memory_space<vmem>>, vector<16xf32>,
              %le3A_624 = arith.cmpf ole, %get3A_623, %select_n3A_532 : vector<16xf32>
              %jit3A_625 = arith.constant 3.000000e+38 : f32
              %broadcast_in_dim3A_626 = vector.broadcast %jit3A_625 : f32 to vector<16xf32>
              %select_n3A_627 = arith.select %le3A_624, %broadcast_in_dim3A_626, %get3A_623 : vector<16xi1>, vector<16xf32>
              %lt3A_628 = arith.cmpf olt, %select_n3A_627, %select_n3A_612 : vector<16xf32>
              %select_n3A_629 = arith.select %lt3A_628, %select_n3A_627, %select_n3A_612 : vector<16xi1>, vector<16xf32>
              %select_n3A_630 = arith.select %lt3A_628, %add3A_617, %select_n3A_613 : vector<16xi1>, vector<16xi32>
              %add3A_631 = arith.constant 48 : i32
              %add3A_632 = arith.addi %mul3A_183, %add3A_631 : i32
              %add3A_633 = vector.broadcast %add3A_632 : i32 to vector<16xi32>
              %add3A_634 = arith.addi %iota3A, %add3A_633 : vector<16xi32>
              %add3A_635 = arith.constant 48 : i32
              %add3A_636 = arith.addi %mul3A_183, %add3A_635 : i32
              %get3A_637 = arith.constant 3 : i32
              %get3A_638 = arith.index_cast %get3A_637 : i32 to index
              %get3A_639 = arith.index_cast %add3A_636 : i32 to index
              %get3A_640 = tpu.vector_load %arg11[%get3A_638, %get3A_639] {strides = array<i32>} : memref<4x5120xf32, #tpu.memory_space<vmem>>, vector<16xf32>,
              %le3A_641 = arith.cmpf ole, %get3A_640, %select_n3A_532 : vector<16xf32>
              %jit3A_642 = arith.constant 3.000000e+38 : f32
              %broadcast_in_dim3A_643 = vector.broadcast %jit3A_642 : f32 to vector<16xf32>
              %select_n3A_644 = arith.select %le3A_641, %broadcast_in_dim3A_643, %get3A_640 : vector<16xi1>, vector<16xf32>
              %lt3A_645 = arith.cmpf olt, %select_n3A_644, %select_n3A_629 : vector<16xf32>
              %select_n3A_646 = arith.select %lt3A_645, %select_n3A_644, %select_n3A_629 : vector<16xi1>, vector<16xf32>
              %select_n3A_647 = arith.select %lt3A_645, %add3A_634, %select_n3A_630 : vector<16xi1>, vector<16xi32>
              %add3A_648 = arith.constant 64 : i32
              %add3A_649 = arith.addi %mul3A_183, %add3A_648 : i32
              %add3A_650 = vector.broadcast %add3A_649 : i32 to vector<16xi32>
              %add3A_651 = arith.addi %iota3A, %add3A_650 : vector<16xi32>
              %add3A_652 = arith.constant 64 : i32
              %add3A_653 = arith.addi %mul3A_183, %add3A_652 : i32
              %get3A_654 = arith.constant 3 : i32
              %get3A_655 = arith.index_cast %get3A_654 : i32 to index
              %get3A_656 = arith.index_cast %add3A_653 : i32 to index
              %get3A_657 = tpu.vector_load %arg11[%get3A_655, %get3A_656] {strides = array<i32>} : memref<4x5120xf32, #tpu.memory_space<vmem>>, vector<16xf32>,
              %le3A_658 = arith.cmpf ole, %get3A_657, %select_n3A_532 : vector<16xf32>
              %jit3A_659 = arith.constant 3.000000e+38 : f32
              %broadcast_in_dim3A_660 = vector.broadcast %jit3A_659 : f32 to vector<16xf32>
              %select_n3A_661 = arith.select %le3A_658, %broadcast_in_dim3A_660, %get3A_657 : vector<16xi1>, vector<16xf32>
              %lt3A_662 = arith.cmpf olt, %select_n3A_661, %select_n3A_646 : vector<16xf32>
              %select_n3A_663 = arith.select %lt3A_662, %select_n3A_661, %select_n3A_646 : vector<16xi1>, vector<16xf32>
              %select_n3A_664 = arith.select %lt3A_662, %add3A_651, %select_n3A_647 : vector<16xi1>, vector<16xi32>
              %add3A_665 = arith.constant 80 : i32
              %add3A_666 = arith.addi %mul3A_183, %add3A_665 : i32
              %add3A_667 = vector.broadcast %add3A_666 : i32 to vector<16xi32>
              %add3A_668 = arith.addi %iota3A, %add3A_667 : vector<16xi32>
              %add3A_669 = arith.constant 80 : i32
              %add3A_670 = arith.addi %mul3A_183, %add3A_669 : i32
              %get3A_671 = arith.constant 3 : i32
              %get3A_672 = arith.index_cast %get3A_671 : i32 to index
              %get3A_673 = arith.index_cast %add3A_670 : i32 to index
              %get3A_674 = tpu.vector_load %arg11[%get3A_672, %get3A_673] {strides = array<i32>} : memref<4x5120xf32, #tpu.memory_space<vmem>>, vector<16xf32>,
              %le3A_675 = arith.cmpf ole, %get3A_674, %select_n3A_532 : vector<16xf32>
              %jit3A_676 = arith.constant 3.000000e+38 : f32
              %broadcast_in_dim3A_677 = vector.broadcast %jit3A_676 : f32 to vector<16xf32>
              %select_n3A_678 = arith.select %le3A_675, %broadcast_in_dim3A_677, %get3A_674 : vector<16xi1>, vector<16xf32>
              %lt3A_679 = arith.cmpf olt, %select_n3A_678, %select_n3A_663 : vector<16xf32>
              %select_n3A_680 = arith.select %lt3A_679, %select_n3A_678, %select_n3A_663 : vector<16xi1>, vector<16xf32>
              %select_n3A_681 = arith.select %lt3A_679, %add3A_668, %select_n3A_664 : vector<16xi1>, vector<16xi32>
              %add3A_682 = arith.constant 96 : i32
              %add3A_683 = arith.addi %mul3A_183, %add3A_682 : i32
              %add3A_684 = vector.broadcast %add3A_683 : i32 to vector<16xi32>
              %add3A_685 = arith.addi %iota3A, %add3A_684 : vector<16xi32>
              %add3A_686 = arith.constant 96 : i32
              %add3A_687 = arith.addi %mul3A_183, %add3A_686 : i32
              %get3A_688 = arith.constant 3 : i32
              %get3A_689 = arith.index_cast %get3A_688 : i32 to index
              %get3A_690 = arith.index_cast %add3A_687 : i32 to index
              %get3A_691 = tpu.vector_load %arg11[%get3A_689, %get3A_690] {strides = array<i32>} : memref<4x5120xf32, #tpu.memory_space<vmem>>, vector<16xf32>,
              %le3A_692 = arith.cmpf ole, %get3A_691, %select_n3A_532 : vector<16xf32>
              %jit3A_693 = arith.constant 3.000000e+38 : f32
              %broadcast_in_dim3A_694 = vector.broadcast %jit3A_693 : f32 to vector<16xf32>
              %select_n3A_695 = arith.select %le3A_692, %broadcast_in_dim3A_694, %get3A_691 : vector<16xi1>, vector<16xf32>
              %lt3A_696 = arith.cmpf olt, %select_n3A_695, %select_n3A_680 : vector<16xf32>
              %select_n3A_697 = arith.select %lt3A_696, %select_n3A_695, %select_n3A_680 : vector<16xi1>, vector<16xf32>
              %select_n3A_698 = arith.select %lt3A_696, %add3A_685, %select_n3A_681 : vector<16xi1>, vector<16xi32>
              %add3A_699 = arith.constant 112 : i32
              %add3A_700 = arith.addi %mul3A_183, %add3A_699 : i32
              %add3A_701 = vector.broadcast %add3A_700 : i32 to vector<16xi32>
              %add3A_702 = arith.addi %iota3A, %add3A_701 : vector<16xi32>
              %add3A_703 = arith.constant 112 : i32
              %add3A_704 = arith.addi %mul3A_183, %add3A_703 : i32
              %get3A_705 = arith.constant 3 : i32
              %get3A_706 = arith.index_cast %get3A_705 : i32 to index
              %get3A_707 = arith.index_cast %add3A_704 : i32 to index
              %get3A_708 = tpu.vector_load %arg11[%get3A_706, %get3A_707] {strides = array<i32>} : memref<4x5120xf32, #tpu.memory_space<vmem>>, vector<16xf32>,
              %le3A_709 = arith.cmpf ole, %get3A_708, %select_n3A_532 : vector<16xf32>
              %jit3A_710 = arith.constant 3.000000e+38 : f32
              %broadcast_in_dim3A_711 = vector.broadcast %jit3A_710 : f32 to vector<16xf32>
              %select_n3A_712 = arith.select %le3A_709, %broadcast_in_dim3A_711, %get3A_708 : vector<16xi1>, vector<16xf32>
              %lt3A_713 = arith.cmpf olt, %select_n3A_712, %select_n3A_697 : vector<16xf32>
              %select_n3A_714 = arith.select %lt3A_713, %select_n3A_712, %select_n3A_697 : vector<16xi1>, vector<16xf32>
              %select_n3A_715 = arith.select %lt3A_713, %add3A_702, %select_n3A_698 : vector<16xi1>, vector<16xi32>
              %sub3A_716 = arith.subf %select_n3A_714, %broadcast_in_dim3A_127 : vector<16xf32>
              %lt3A_717 = arith.constant 0.000000e+00 : f32
              %lt3A_718 = vector.broadcast %lt3A_717 : f32 to vector<16xf32>
              %lt3A_719 = arith.cmpf olt, %sub3A_716, %lt3A_718 : vector<16xf32>
              %all_reduce_population_count3A_720 = tpu.all_reduce %lt3A_719 {dim = 0 : i64, kind = #tpu.reduction_kind<sum>} : vector<16xi1> -> vector<16xi32>
              %slice3A_721 = vector.extract_strided_slice %all_reduce_population_count3A_720 {offsets = [0], sizes = [1], strides = [1]} : vector<16xi32> to vector<1xi32>
              %squeeze3A_722 = vector.extract %slice3A_721[0] : i32 from vector<1xi32>
              %gt3A_723 = arith.constant 0 : i32
              %gt3A_724 = arith.cmpi sgt, %squeeze3A_722, %gt3A_723 : i32
              %convert_element_type3A_725 = arith.extui %gt3A_724 : i1 to i32
              %cond3A_726 = arith.constant 0 : i32
              %cond3A_727 = arith.cmpi ne, %convert_element_type3A_725, %cond3A_726 : i32
              scf.if %cond3A_727 {
                %get3A_728 = arith.constant 3 : i32
                %get3A_729 = arith.index_cast %get3A_728 : i32 to index
                %get3A_730 = arith.constant 0 : index
                %get3A_731 = tpu.vector_load %arg13[%get3A_729, %get3A_730] {strides = array<i32>} : memref<4x16xf32, #tpu.memory_space<vmem>>, vector<16xf32>,
                %get3A_732 = arith.constant 3 : i32
                %get3A_733 = arith.index_cast %get3A_732 : i32 to index
                %get3A_734 = arith.constant 0 : index
                %get3A_735 = tpu.vector_load %arg14[%get3A_733, %get3A_734] {strides = array<i32>} : memref<4x16xi32, #tpu.memory_space<vmem>>, vector<16xi32>,
                %masked_sort3A_736 = arith.constant dense<true> : vector<16xi1>
                %masked_sort3A_737, %masked_sort3A_738, %masked_sort3A_739 = tpu.sort %select_n3A_714, %select_n3A_715 masked %masked_sort3A_736 : (vector<16xf32>, vector<16xi32>, vector<16xi1>) -> (vector<16xi1>, vector<16xf32>, vector<16xi32>)
                %rev3A_740 = arith.constant 15 : i32
                %rev3A_741 = vector.broadcast %rev3A_740 : i32 to vector<16xi32>
                %rev3A_742 = tpu.iota {dimensions = array<i32: 0>} : vector<16xi32>
                %rev3A_743 = arith.subi %rev3A_741, %rev3A_742 : vector<16xi32>
                %rev3A_744 = tpu.dynamic_gather %masked_sort3A_738[%rev3A_743] in [0] : vector<16xf32>, vector<16xi32> -> vector<16xf32>
                %rev3A_745 = arith.constant 15 : i32
                %rev3A_746 = vector.broadcast %rev3A_745 : i32 to vector<16xi32>
                %rev3A_747 = tpu.iota {dimensions = array<i32: 0>} : vector<16xi32>
                %rev3A_748 = arith.subi %rev3A_746, %rev3A_747 : vector<16xi32>
                %rev3A_749 = tpu.dynamic_gather %masked_sort3A_739[%rev3A_748] in [0] : vector<16xi32>, vector<16xi32> -> vector<16xi32>
                %le3A_750 = arith.cmpf ole, %get3A_731, %rev3A_744 : vector<16xf32>
                %select_n3A_751 = arith.select %le3A_750, %get3A_731, %rev3A_744 : vector<16xi1>, vector<16xf32>
                %select_n3A_752 = arith.select %le3A_750, %get3A_735, %rev3A_749 : vector<16xi1>, vector<16xi32>
                %masked_sort3A_753 = arith.constant dense<true> : vector<16xi1>
                %masked_sort3A_754, %masked_sort3A_755, %masked_sort3A_756 = tpu.sort %select_n3A_751, %select_n3A_752 masked %masked_sort3A_753 : (vector<16xf32>, vector<16xi32>, vector<16xi1>) -> (vector<16xi1>, vector<16xf32>, vector<16xi32>)
                %swap3A_757 = arith.constant 3 : i32
                %swap3A_758 = arith.index_cast %swap3A_757 : i32 to index
                %swap3A_759 = arith.constant 0 : index
                %swap3A_760 = tpu.vector_load %arg13[%swap3A_758, %swap3A_759] {strides = array<i32>} : memref<4x16xf32, #tpu.memory_space<vmem>>, vector<16xf32>,
                tpu.vector_store %arg13[%swap3A_758, %swap3A_759], %masked_sort3A_755 {strides = array<i32>} : memref<4x16xf32, #tpu.memory_space<vmem>>, vector<16xf32>,
                %swap3A_761 = arith.constant 3 : i32
                %swap3A_762 = arith.index_cast %swap3A_761 : i32 to index
                %swap3A_763 = arith.constant 0 : index
                %swap3A_764 = tpu.vector_load %arg14[%swap3A_762, %swap3A_763] {strides = array<i32>} : memref<4x16xi32, #tpu.memory_space<vmem>>, vector<16xi32>,
                tpu.vector_store %arg14[%swap3A_762, %swap3A_763], %masked_sort3A_756 {strides = array<i32>} : memref<4x16xi32, #tpu.memory_space<vmem>>, vector<16xi32>,
                %add3A_765 = arith.constant 0 : i32
                %add3A_766 = arith.addi %mul3A_183, %add3A_765 : i32
                %add3A_767 = vector.broadcast %add3A_766 : i32 to vector<16xi32>
                %add3A_768 = arith.addi %iota3A, %add3A_767 : vector<16xi32>
                %add3A_769 = arith.constant 0 : i32
                %add3A_770 = arith.addi %mul3A_183, %add3A_769 : i32
                %get3A_771 = arith.constant 3 : i32
                %get3A_772 = arith.index_cast %get3A_771 : i32 to index
                %get3A_773 = arith.index_cast %add3A_770 : i32 to index
                %get3A_774 = tpu.vector_load %arg11[%get3A_772, %get3A_773] {strides = array<i32>} : memref<4x5120xf32, #tpu.memory_space<vmem>>, vector<16xf32>,
                %le3A_775 = arith.cmpf ole, %get3A_774, %select_n3A_714 : vector<16xf32>
                %jit3A_776 = arith.constant 3.000000e+38 : f32
                %broadcast_in_dim3A_777 = vector.broadcast %jit3A_776 : f32 to vector<16xf32>
                %select_n3A_778 = arith.select %le3A_775, %broadcast_in_dim3A_777, %get3A_774 : vector<16xi1>, vector<16xf32>
                %add3A_779 = arith.constant 16 : i32
                %add3A_780 = arith.addi %mul3A_183, %add3A_779 : i32
                %add3A_781 = vector.broadcast %add3A_780 : i32 to vector<16xi32>
                %add3A_782 = arith.addi %iota3A, %add3A_781 : vector<16xi32>
                %add3A_783 = arith.constant 16 : i32
                %add3A_784 = arith.addi %mul3A_183, %add3A_783 : i32
                %get3A_785 = arith.constant 3 : i32
                %get3A_786 = arith.index_cast %get3A_785 : i32 to index
                %get3A_787 = arith.index_cast %add3A_784 : i32 to index
                %get3A_788 = tpu.vector_load %arg11[%get3A_786, %get3A_787] {strides = array<i32>} : memref<4x5120xf32, #tpu.memory_space<vmem>>, vector<16xf32>,
                %le3A_789 = arith.cmpf ole, %get3A_788, %select_n3A_714 : vector<16xf32>
                %jit3A_790 = arith.constant 3.000000e+38 : f32
                %broadcast_in_dim3A_791 = vector.broadcast %jit3A_790 : f32 to vector<16xf32>
                %select_n3A_792 = arith.select %le3A_789, %broadcast_in_dim3A_791, %get3A_788 : vector<16xi1>, vector<16xf32>
                %lt3A_793 = arith.cmpf olt, %select_n3A_792, %select_n3A_778 : vector<16xf32>
                %select_n3A_794 = arith.select %lt3A_793, %select_n3A_792, %select_n3A_778 : vector<16xi1>, vector<16xf32>
                %select_n3A_795 = arith.select %lt3A_793, %add3A_782, %add3A_768 : vector<16xi1>, vector<16xi32>
                %add3A_796 = arith.constant 32 : i32
                %add3A_797 = arith.addi %mul3A_183, %add3A_796 : i32
                %add3A_798 = vector.broadcast %add3A_797 : i32 to vector<16xi32>
                %add3A_799 = arith.addi %iota3A, %add3A_798 : vector<16xi32>
                %add3A_800 = arith.constant 32 : i32
                %add3A_801 = arith.addi %mul3A_183, %add3A_800 : i32
                %get3A_802 = arith.constant 3 : i32
                %get3A_803 = arith.index_cast %get3A_802 : i32 to index
                %get3A_804 = arith.index_cast %add3A_801 : i32 to index
                %get3A_805 = tpu.vector_load %arg11[%get3A_803, %get3A_804] {strides = array<i32>} : memref<4x5120xf32, #tpu.memory_space<vmem>>, vector<16xf32>,
                %le3A_806 = arith.cmpf ole, %get3A_805, %select_n3A_714 : vector<16xf32>
                %jit3A_807 = arith.constant 3.000000e+38 : f32
                %broadcast_in_dim3A_808 = vector.broadcast %jit3A_807 : f32 to vector<16xf32>
                %select_n3A_809 = arith.select %le3A_806, %broadcast_in_dim3A_808, %get3A_805 : vector<16xi1>, vector<16xf32>
                %lt3A_810 = arith.cmpf olt, %select_n3A_809, %select_n3A_794 : vector<16xf32>
                %select_n3A_811 = arith.select %lt3A_810, %select_n3A_809, %select_n3A_794 : vector<16xi1>, vector<16xf32>
                %select_n3A_812 = arith.select %lt3A_810, %add3A_799, %select_n3A_795 : vector<16xi1>, vector<16xi32>
                %add3A_813 = arith.constant 48 : i32
                %add3A_814 = arith.addi %mul3A_183, %add3A_813 : i32
                %add3A_815 = vector.broadcast %add3A_814 : i32 to vector<16xi32>
                %add3A_816 = arith.addi %iota3A, %add3A_815 : vector<16xi32>
                %add3A_817 = arith.constant 48 : i32
                %add3A_818 = arith.addi %mul3A_183, %add3A_817 : i32
                %get3A_819 = arith.constant 3 : i32
                %get3A_820 = arith.index_cast %get3A_819 : i32 to index
                %get3A_821 = arith.index_cast %add3A_818 : i32 to index
                %get3A_822 = tpu.vector_load %arg11[%get3A_820, %get3A_821] {strides = array<i32>} : memref<4x5120xf32, #tpu.memory_space<vmem>>, vector<16xf32>,
                %le3A_823 = arith.cmpf ole, %get3A_822, %select_n3A_714 : vector<16xf32>
                %jit3A_824 = arith.constant 3.000000e+38 : f32
                %broadcast_in_dim3A_825 = vector.broadcast %jit3A_824 : f32 to vector<16xf32>
                %select_n3A_826 = arith.select %le3A_823, %broadcast_in_dim3A_825, %get3A_822 : vector<16xi1>, vector<16xf32>
                %lt3A_827 = arith.cmpf olt, %select_n3A_826, %select_n3A_811 : vector<16xf32>
                %select_n3A_828 = arith.select %lt3A_827, %select_n3A_826, %select_n3A_811 : vector<16xi1>, vector<16xf32>
                %select_n3A_829 = arith.select %lt3A_827, %add3A_816, %select_n3A_812 : vector<16xi1>, vector<16xi32>
                %add3A_830 = arith.constant 64 : i32
                %add3A_831 = arith.addi %mul3A_183, %add3A_830 : i32
                %add3A_832 = vector.broadcast %add3A_831 : i32 to vector<16xi32>
                %add3A_833 = arith.addi %iota3A, %add3A_832 : vector<16xi32>
                %add3A_834 = arith.constant 64 : i32
                %add3A_835 = arith.addi %mul3A_183, %add3A_834 : i32
                %get3A_836 = arith.constant 3 : i32
                %get3A_837 = arith.index_cast %get3A_836 : i32 to index
                %get3A_838 = arith.index_cast %add3A_835 : i32 to index
                %get3A_839 = tpu.vector_load %arg11[%get3A_837, %get3A_838] {strides = array<i32>} : memref<4x5120xf32, #tpu.memory_space<vmem>>, vector<16xf32>,
                %le3A_840 = arith.cmpf ole, %get3A_839, %select_n3A_714 : vector<16xf32>
                %jit3A_841 = arith.constant 3.000000e+38 : f32
                %broadcast_in_dim3A_842 = vector.broadcast %jit3A_841 : f32 to vector<16xf32>
                %select_n3A_843 = arith.select %le3A_840, %broadcast_in_dim3A_842, %get3A_839 : vector<16xi1>, vector<16xf32>
                %lt3A_844 = arith.cmpf olt, %select_n3A_843, %select_n3A_828 : vector<16xf32>
                %select_n3A_845 = arith.select %lt3A_844, %select_n3A_843, %select_n3A_828 : vector<16xi1>, vector<16xf32>
                %select_n3A_846 = arith.select %lt3A_844, %add3A_833, %select_n3A_829 : vector<16xi1>, vector<16xi32>
                %add3A_847 = arith.constant 80 : i32
                %add3A_848 = arith.addi %mul3A_183, %add3A_847 : i32
                %add3A_849 = vector.broadcast %add3A_848 : i32 to vector<16xi32>
                %add3A_850 = arith.addi %iota3A, %add3A_849 : vector<16xi32>
                %add3A_851 = arith.constant 80 : i32
                %add3A_852 = arith.addi %mul3A_183, %add3A_851 : i32
                %get3A_853 = arith.constant 3 : i32
                %get3A_854 = arith.index_cast %get3A_853 : i32 to index
                %get3A_855 = arith.index_cast %add3A_852 : i32 to index
                %get3A_856 = tpu.vector_load %arg11[%get3A_854, %get3A_855] {strides = array<i32>} : memref<4x5120xf32, #tpu.memory_space<vmem>>, vector<16xf32>,
                %le3A_857 = arith.cmpf ole, %get3A_856, %select_n3A_714 : vector<16xf32>
                %jit3A_858 = arith.constant 3.000000e+38 : f32
                %broadcast_in_dim3A_859 = vector.broadcast %jit3A_858 : f32 to vector<16xf32>
                %select_n3A_860 = arith.select %le3A_857, %broadcast_in_dim3A_859, %get3A_856 : vector<16xi1>, vector<16xf32>
                %lt3A_861 = arith.cmpf olt, %select_n3A_860, %select_n3A_845 : vector<16xf32>
                %select_n3A_862 = arith.select %lt3A_861, %select_n3A_860, %select_n3A_845 : vector<16xi1>, vector<16xf32>
                %select_n3A_863 = arith.select %lt3A_861, %add3A_850, %select_n3A_846 : vector<16xi1>, vector<16xi32>
                %add3A_864 = arith.constant 96 : i32
                %add3A_865 = arith.addi %mul3A_183, %add3A_864 : i32
                %add3A_866 = vector.broadcast %add3A_865 : i32 to vector<16xi32>
                %add3A_867 = arith.addi %iota3A, %add3A_866 : vector<16xi32>
                %add3A_868 = arith.constant 96 : i32
                %add3A_869 = arith.addi %mul3A_183, %add3A_868 : i32
                %get3A_870 = arith.constant 3 : i32
                %get3A_871 = arith.index_cast %get3A_870 : i32 to index
                %get3A_872 = arith.index_cast %add3A_869 : i32 to index
                %get3A_873 = tpu.vector_load %arg11[%get3A_871, %get3A_872] {strides = array<i32>} : memref<4x5120xf32, #tpu.memory_space<vmem>>, vector<16xf32>,
                %le3A_874 = arith.cmpf ole, %get3A_873, %select_n3A_714 : vector<16xf32>
                %jit3A_875 = arith.constant 3.000000e+38 : f32
                %broadcast_in_dim3A_876 = vector.broadcast %jit3A_875 : f32 to vector<16xf32>
                %select_n3A_877 = arith.select %le3A_874, %broadcast_in_dim3A_876, %get3A_873 : vector<16xi1>, vector<16xf32>
                %lt3A_878 = arith.cmpf olt, %select_n3A_877, %select_n3A_862 : vector<16xf32>
                %select_n3A_879 = arith.select %lt3A_878, %select_n3A_877, %select_n3A_862 : vector<16xi1>, vector<16xf32>
                %select_n3A_880 = arith.select %lt3A_878, %add3A_867, %select_n3A_863 : vector<16xi1>, vector<16xi32>
                %add3A_881 = arith.constant 112 : i32
                %add3A_882 = arith.addi %mul3A_183, %add3A_881 : i32
                %add3A_883 = vector.broadcast %add3A_882 : i32 to vector<16xi32>
                %add3A_884 = arith.addi %iota3A, %add3A_883 : vector<16xi32>
                %add3A_885 = arith.constant 112 : i32
                %add3A_886 = arith.addi %mul3A_183, %add3A_885 : i32
                %get3A_887 = arith.constant 3 : i32
                %get3A_888 = arith.index_cast %get3A_887 : i32 to index
                %get3A_889 = arith.index_cast %add3A_886 : i32 to index
                %get3A_890 = tpu.vector_load %arg11[%get3A_888, %get3A_889] {strides = array<i32>} : memref<4x5120xf32, #tpu.memory_space<vmem>>, vector<16xf32>,
                %le3A_891 = arith.cmpf ole, %get3A_890, %select_n3A_714 : vector<16xf32>
                %jit3A_892 = arith.constant 3.000000e+38 : f32
                %broadcast_in_dim3A_893 = vector.broadcast %jit3A_892 : f32 to vector<16xf32>
                %select_n3A_894 = arith.select %le3A_891, %broadcast_in_dim3A_893, %get3A_890 : vector<16xi1>, vector<16xf32>
                %lt3A_895 = arith.cmpf olt, %select_n3A_894, %select_n3A_879 : vector<16xf32>
                %select_n3A_896 = arith.select %lt3A_895, %select_n3A_894, %select_n3A_879 : vector<16xi1>, vector<16xf32>
                %select_n3A_897 = arith.select %lt3A_895, %add3A_884, %select_n3A_880 : vector<16xi1>, vector<16xi32>
                %sub3A_898 = arith.subf %select_n3A_896, %broadcast_in_dim3A_127 : vector<16xf32>
                %lt3A_899 = arith.constant 0.000000e+00 : f32
                %lt3A_900 = vector.broadcast %lt3A_899 : f32 to vector<16xf32>
                %lt3A_901 = arith.cmpf olt, %sub3A_898, %lt3A_900 : vector<16xf32>
                %all_reduce_population_count3A_902 = tpu.all_reduce %lt3A_901 {dim = 0 : i64, kind = #tpu.reduction_kind<sum>} : vector<16xi1> -> vector<16xi32>
                %slice3A_903 = vector.extract_strided_slice %all_reduce_population_count3A_902 {offsets = [0], sizes = [1], strides = [1]} : vector<16xi32> to vector<1xi32>
                %squeeze3A_904 = vector.extract %slice3A_903[0] : i32 from vector<1xi32>
                %gt3A_905 = arith.constant 0 : i32
                %gt3A_906 = arith.cmpi sgt, %squeeze3A_904, %gt3A_905 : i32
                %convert_element_type3A_907 = arith.extui %gt3A_906 : i1 to i32
                %cond3A_908 = arith.constant 0 : i32
                %cond3A_909 = arith.cmpi ne, %convert_element_type3A_907, %cond3A_908 : i32
                scf.if %cond3A_909 {
                  %get3A_910 = arith.constant 3 : i32
                  %get3A_911 = arith.index_cast %get3A_910 : i32 to index
                  %get3A_912 = arith.constant 0 : index
                  %get3A_913 = tpu.vector_load %arg13[%get3A_911, %get3A_912] {strides = array<i32>} : memref<4x16xf32, #tpu.memory_space<vmem>>, vector<16xf32>,
                  %get3A_914 = arith.constant 3 : i32
                  %get3A_915 = arith.index_cast %get3A_914 : i32 to index
                  %get3A_916 = arith.constant 0 : index
                  %get3A_917 = tpu.vector_load %arg14[%get3A_915, %get3A_916] {strides = array<i32>} : memref<4x16xi32, #tpu.memory_space<vmem>>, vector<16xi32>,
                  %masked_sort3A_918 = arith.constant dense<true> : vector<16xi1>
                  %masked_sort3A_919, %masked_sort3A_920, %masked_sort3A_921 = tpu.sort %select_n3A_896, %select_n3A_897 masked %masked_sort3A_918 : (vector<16xf32>, vector<16xi32>, vector<16xi1>) -> (vector<16xi1>, vector<16xf32>, vector<16xi32>)
                  %rev3A_922 = arith.constant 15 : i32
                  %rev3A_923 = vector.broadcast %rev3A_922 : i32 to vector<16xi32>
                  %rev3A_924 = tpu.iota {dimensions = array<i32: 0>} : vector<16xi32>
                  %rev3A_925 = arith.subi %rev3A_923, %rev3A_924 : vector<16xi32>
                  %rev3A_926 = tpu.dynamic_gather %masked_sort3A_920[%rev3A_925] in [0] : vector<16xf32>, vector<16xi32> -> vector<16xf32>
                  %rev3A_927 = arith.constant 15 : i32
                  %rev3A_928 = vector.broadcast %rev3A_927 : i32 to vector<16xi32>
                  %rev3A_929 = tpu.iota {dimensions = array<i32: 0>} : vector<16xi32>
                  %rev3A_930 = arith.subi %rev3A_928, %rev3A_929 : vector<16xi32>
                  %rev3A_931 = tpu.dynamic_gather %masked_sort3A_921[%rev3A_930] in [0] : vector<16xi32>, vector<16xi32> -> vector<16xi32>
                  %le3A_932 = arith.cmpf ole, %get3A_913, %rev3A_926 : vector<16xf32>
                  %select_n3A_933 = arith.select %le3A_932, %get3A_913, %rev3A_926 : vector<16xi1>, vector<16xf32>
                  %select_n3A_934 = arith.select %le3A_932, %get3A_917, %rev3A_931 : vector<16xi1>, vector<16xi32>
                  %masked_sort3A_935 = arith.constant dense<true> : vector<16xi1>
                  %masked_sort3A_936, %masked_sort3A_937, %masked_sort3A_938 = tpu.sort %select_n3A_933, %select_n3A_934 masked %masked_sort3A_935 : (vector<16xf32>, vector<16xi32>, vector<16xi1>) -> (vector<16xi1>, vector<16xf32>, vector<16xi32>)
                  %swap3A_939 = arith.constant 3 : i32
                  %swap3A_940 = arith.index_cast %swap3A_939 : i32 to index
                  %swap3A_941 = arith.constant 0 : index
                  %swap3A_942 = tpu.vector_load %arg13[%swap3A_940, %swap3A_941] {strides = array<i32>} : memref<4x16xf32, #tpu.memory_space<vmem>>, vector<16xf32>,
                  tpu.vector_store %arg13[%swap3A_940, %swap3A_941], %masked_sort3A_937 {strides = array<i32>} : memref<4x16xf32, #tpu.memory_space<vmem>>, vector<16xf32>,
                  %swap3A_943 = arith.constant 3 : i32
                  %swap3A_944 = arith.index_cast %swap3A_943 : i32 to index
                  %swap3A_945 = arith.constant 0 : index
                  %swap3A_946 = tpu.vector_load %arg14[%swap3A_944, %swap3A_945] {strides = array<i32>} : memref<4x16xi32, #tpu.memory_space<vmem>>, vector<16xi32>,
                  tpu.vector_store %arg14[%swap3A_944, %swap3A_945], %masked_sort3A_938 {strides = array<i32>} : memref<4x16xi32, #tpu.memory_space<vmem>>, vector<16xi32>,
                } else {
                }
              } else {
              }
            } else {
            }
          } else {
          }
        } else {
        }
      }
      %scan3A_143 = arith.constant 40 : i32
      %get3A_144 = arith.constant 0 : i32
      %get3A_145 = arith.index_cast %get3A_144 : i32 to index
      %get3A_146 = arith.constant 0 : index
      %get3A_147 = tpu.vector_load %arg14[%get3A_145, %get3A_146] {strides = array<i32>} : memref<4x16xi32, #tpu.memory_space<vmem>>, vector<16xi32>,
      %add3A_148 = arith.constant 0 : i32
      %add3A_149 = arith.addi %mul3A_16, %add3A_148 : i32
      %swap3A_150 = arith.index_cast %add3A_149 : i32 to index
      %swap3A_151 = arith.constant 0 : index
      %swap3A_152 = tpu.vector_load %arg10[%swap3A_150, %swap3A_151] {strides = array<i32>} : memref<408x16xi32, #tpu.memory_space<vmem>>, vector<16xi32>,
      tpu.vector_store %arg10[%swap3A_150, %swap3A_151], %get3A_147 {strides = array<i32>} : memref<408x16xi32, #tpu.memory_space<vmem>>, vector<16xi32>,
      %get3A_153 = arith.constant 1 : i32
      %get3A_154 = arith.index_cast %get3A_153 : i32 to index
      %get3A_155 = arith.constant 0 : index
      %get3A_156 = tpu.vector_load %arg14[%get3A_154, %get3A_155] {strides = array<i32>} : memref<4x16xi32, #tpu.memory_space<vmem>>, vector<16xi32>,
      %add3A_157 = arith.constant 1 : i32
      %add3A_158 = arith.addi %mul3A_16, %add3A_157 : i32
      %swap3A_159 = arith.index_cast %add3A_158 : i32 to index
      %swap3A_160 = arith.constant 0 : index
      %swap3A_161 = tpu.vector_load %arg10[%swap3A_159, %swap3A_160] {strides = array<i32>} : memref<408x16xi32, #tpu.memory_space<vmem>>, vector<16xi32>,
      tpu.vector_store %arg10[%swap3A_159, %swap3A_160], %get3A_156 {strides = array<i32>} : memref<408x16xi32, #tpu.memory_space<vmem>>, vector<16xi32>,
      %get3A_162 = arith.constant 2 : i32
      %get3A_163 = arith.index_cast %get3A_162 : i32 to index
      %get3A_164 = arith.constant 0 : index
      %get3A_165 = tpu.vector_load %arg14[%get3A_163, %get3A_164] {strides = array<i32>} : memref<4x16xi32, #tpu.memory_space<vmem>>, vector<16xi32>,
      %add3A_166 = arith.constant 2 : i32
      %add3A_167 = arith.addi %mul3A_16, %add3A_166 : i32
      %swap3A_168 = arith.index_cast %add3A_167 : i32 to index
      %swap3A_169 = arith.constant 0 : index
      %swap3A_170 = tpu.vector_load %arg10[%swap3A_168, %swap3A_169] {strides = array<i32>} : memref<408x16xi32, #tpu.memory_space<vmem>>, vector<16xi32>,
      tpu.vector_store %arg10[%swap3A_168, %swap3A_169], %get3A_165 {strides = array<i32>} : memref<408x16xi32, #tpu.memory_space<vmem>>, vector<16xi32>,
      %get3A_171 = arith.constant 3 : i32
      %get3A_172 = arith.index_cast %get3A_171 : i32 to index
      %get3A_173 = arith.constant 0 : index
      %get3A_174 = tpu.vector_load %arg14[%get3A_172, %get3A_173] {strides = array<i32>} : memref<4x16xi32, #tpu.memory_space<vmem>>, vector<16xi32>,
      %add3A_175 = arith.constant 3 : i32
      %add3A_176 = arith.addi %mul3A_16, %add3A_175 : i32
      %swap3A_177 = arith.index_cast %add3A_176 : i32 to index
      %swap3A_178 = arith.constant 0 : index
      %swap3A_179 = tpu.vector_load %arg10[%swap3A_177, %swap3A_178] {strides = array<i32>} : memref<408x16xi32, #tpu.memory_space<vmem>>, vector<16xi32>,
      tpu.vector_store %arg10[%swap3A_177, %swap3A_178], %get3A_174 {strides = array<i32>} : memref<408x16xi32, #tpu.memory_space<vmem>>, vector<16xi32>,
      %scan3A_180 = arith.constant 0 : i32
      scf.yield %scan3A_180 : i32
    }
    %scan3A_12 = arith.constant 102 : i32
    "tpu.region"() ({
      %run_scoped3A_13 = tpu.sem_alloc : memref<!tpu.dma_semaphore, #tpu.memory_space<semaphore_mem>>
      %dma_start3A = arith.constant 0 : i32
      %dma_start3A_14 = tpu.memref_slice %arg4[%mul3A_2, %dma_start3A] : memref<13056x16xi32, #tpu.memory_space<hbm>> -> memref<408x16xi32, #tpu.memory_space<hbm>>
      %dma_start3A_15 = arith.constant 0 : i32
      %dma_start3A_16 = tpu.memref_slice %arg4[%mul3A_2, %dma_start3A_15] : memref<13056x16xi32, #tpu.memory_space<hbm>> -> memref<408x16xi32, #tpu.memory_space<hbm>>
      tpu.enqueue_dma source(%arg10 : memref<408x16xi32, #tpu.memory_space<vmem>>) target(%dma_start3A_16 : memref<408x16xi32, #tpu.memory_space<hbm>>) target_semaphore(%run_scoped3A_13 : memref<!tpu.dma_semaphore, #tpu.memory_space<semaphore_mem>>)
      %dma_wait3A = arith.constant 0 : i32
      %dma_wait3A_17 = tpu.memref_slice %arg4[%mul3A_2, %dma_wait3A] : memref<13056x16xi32, #tpu.memory_space<hbm>> -> memref<408x16xi32, #tpu.memory_space<hbm>>
      %dma_wait3A_18 = arith.constant 0 : i32
      %dma_wait3A_19 = tpu.memref_slice %arg4[%mul3A_2, %dma_wait3A_18] : memref<13056x16xi32, #tpu.memory_space<hbm>> -> memref<408x16xi32, #tpu.memory_space<hbm>>
      tpu.wait_dma2 semaphore(%run_scoped3A_13 : memref<!tpu.dma_semaphore, #tpu.memory_space<semaphore_mem>>) src(%arg10 : memref<408x16xi32, #tpu.memory_space<vmem>>) dst(%dma_wait3A_19 : memref<408x16xi32, #tpu.memory_space<hbm>>)
      tpu.yield
    }) : () -> ()
    return
  }
}

module attributes {stable_mosaic.version = 14 : i64} {
  func.func @_knn_block(%arg0: i32, %arg1: memref<512x3xbf16, #tpu.memory_space<vmem>>, %arg2: memref<512x1xf32, #tpu.memory_space<vmem>>, %arg3: memref<3x5120xbf16, #tpu.memory_space<vmem>>, %arg4: memref<1x5120xf32, #tpu.memory_space<vmem>>, %arg5: memref<512x8xi32, #tpu.memory_space<vmem>>) attributes {dimension_semantics = [#tpu.dimension_semantics<arbitrary>], iteration_bounds = array<i64: 73>, scalar_prefetch = 0 : i64, scratch_operands = 0 : i64, tpu.core_type = #tpu.core_type<tc>, window_params = [{transform_indices = @transform_0, window_bounds = array<i64: 512, 3>}, {transform_indices = @transform_1, window_bounds = array<i64: 512, 1>}, {pipeline_mode = #tpu.pipeline_mode<synchronous>, transform_indices = @transform_2, window_bounds = array<i64: 3, 5120>}, {pipeline_mode = #tpu.pipeline_mode<synchronous>, transform_indices = @transform_3, window_bounds = array<i64: 1, 5120>}, {transform_indices = @transform_4, window_bounds = array<i64: 512, 8>}]} {
    %get3A = arith.constant 0 : index
    %get3A_0 = arith.constant 0 : index
    %get3A_1 = vector.load %arg1[%get3A, %get3A_0] : memref<512x3xbf16, #tpu.memory_space<vmem>>, vector<512x3xbf16>
    %convert_element_type3A = arith.extf %get3A_1 : vector<512x3xbf16> to vector<512x3xf32>
    %slice3A = vector.extract_strided_slice %convert_element_type3A {offsets = [0, 0], sizes = [512, 1], strides = [1, 1]} : vector<512x3xf32> to vector<512x1xf32>
    %slice3A_2 = vector.extract_strided_slice %convert_element_type3A {offsets = [0, 1], sizes = [512, 1], strides = [1, 1]} : vector<512x3xf32> to vector<512x1xf32>
    %slice3A_3 = vector.extract_strided_slice %convert_element_type3A {offsets = [0, 2], sizes = [512, 1], strides = [1, 1]} : vector<512x3xf32> to vector<512x1xf32>
    %get3A_4 = arith.constant 0 : index
    %get3A_5 = arith.constant 0 : index
    %get3A_6 = vector.load %arg2[%get3A_4, %get3A_5] : memref<512x1xf32, #tpu.memory_space<vmem>>, vector<512x1xf32>
    %get3A_7 = arith.constant 0 : index
    %get3A_8 = arith.constant 0 : index
    %get3A_9 = vector.load %arg3[%get3A_7, %get3A_8] : memref<3x5120xbf16, #tpu.memory_space<vmem>>, vector<3x5120xbf16>
    %convert_element_type3A_10 = arith.extf %get3A_9 : vector<3x5120xbf16> to vector<3x5120xf32>
    %slice3A_11 = vector.extract_strided_slice %convert_element_type3A_10 {offsets = [0, 0], sizes = [1, 5120], strides = [1, 1]} : vector<3x5120xf32> to vector<1x5120xf32>
    %slice3A_12 = vector.extract_strided_slice %convert_element_type3A_10 {offsets = [1, 0], sizes = [1, 5120], strides = [1, 1]} : vector<3x5120xf32> to vector<1x5120xf32>
    %slice3A_13 = vector.extract_strided_slice %convert_element_type3A_10 {offsets = [2, 0], sizes = [1, 5120], strides = [1, 1]} : vector<3x5120xf32> to vector<1x5120xf32>
    %get3A_14 = arith.constant 0 : index
    %get3A_15 = arith.constant 0 : index
    %get3A_16 = vector.load %arg4[%get3A_14, %get3A_15] : memref<1x5120xf32, #tpu.memory_space<vmem>>, vector<1x5120xf32>
    %mul3A = vector.broadcast %slice3A : vector<512x1xf32> to vector<512x5120xf32>
    %mul3A_17 = vector.broadcast %slice3A_11 : vector<1x5120xf32> to vector<512x5120xf32>
    %mul3A_18 = arith.mulf %mul3A, %mul3A_17 : vector<512x5120xf32>
    %mul3A_19 = vector.broadcast %slice3A_2 : vector<512x1xf32> to vector<512x5120xf32>
    %mul3A_20 = vector.broadcast %slice3A_12 : vector<1x5120xf32> to vector<512x5120xf32>
    %mul3A_21 = arith.mulf %mul3A_19, %mul3A_20 : vector<512x5120xf32>
    %add3A = arith.addf %mul3A_18, %mul3A_21 : vector<512x5120xf32>
    %mul3A_22 = vector.broadcast %slice3A_3 : vector<512x1xf32> to vector<512x5120xf32>
    %mul3A_23 = vector.broadcast %slice3A_13 : vector<1x5120xf32> to vector<512x5120xf32>
    %mul3A_24 = arith.mulf %mul3A_22, %mul3A_23 : vector<512x5120xf32>
    %add3A_25 = arith.addf %add3A, %mul3A_24 : vector<512x5120xf32>
    %mul3A_26 = arith.constant 2.000000e+00 : f32
    %mul3A_27 = vector.broadcast %mul3A_26 : f32 to vector<512x5120xf32>
    %mul3A_28 = arith.mulf %mul3A_27, %add3A_25 : vector<512x5120xf32>
    %sub3A = vector.broadcast %get3A_6 : vector<512x1xf32> to vector<512x5120xf32>
    %sub3A_29 = arith.subf %sub3A, %mul3A_28 : vector<512x5120xf32>
    %add3A_30 = vector.broadcast %get3A_16 : vector<1x5120xf32> to vector<512x5120xf32>
    %add3A_31 = arith.addf %sub3A_29, %add3A_30 : vector<512x5120xf32>
    %iota3A = tpu.iota {dimensions = array<i32: 1>} : vector<512x5120xi32>
    %reduce_min3A = arith.constant dense<0x7F800000> : vector<512xf32>
    %reduce_min3A_32 = vector.multi_reduction <minimumf>, %add3A_31, %reduce_min3A [1] : vector<512x5120xf32> to vector<512xf32>
    %broadcast_in_dim3A = vector.shape_cast %reduce_min3A_32 : vector<512xf32> to vector<512x1xf32>
    %eq3A = vector.broadcast %broadcast_in_dim3A : vector<512x1xf32> to vector<512x5120xf32>
    %eq3A_33 = arith.cmpf oeq, %add3A_31, %eq3A : vector<512x5120xf32>
    %jit3A = arith.constant 1073741824 : i32
    %broadcast_in_dim3A_34 = vector.broadcast %jit3A : i32 to vector<512x5120xi32>
    %select_n3A = arith.select %eq3A_33, %iota3A, %broadcast_in_dim3A_34 : vector<512x5120xi1>, vector<512x5120xi32>
    %reduce_min3A_35 = arith.constant dense<2147483647> : vector<512xi32>
    %reduce_min3A_36 = vector.multi_reduction <minsi>, %select_n3A, %reduce_min3A_35 [1] : vector<512x5120xi32> to vector<512xi32>
    %broadcast_in_dim3A_37 = vector.shape_cast %reduce_min3A_36 : vector<512xi32> to vector<512x1xi32>
    %eq3A_38 = vector.broadcast %broadcast_in_dim3A_37 : vector<512x1xi32> to vector<512x5120xi32>
    %eq3A_39 = arith.cmpi eq, %iota3A, %eq3A_38 : vector<512x5120xi32>
    %jit3A_40 = arith.constant 0x7F800000 : f32
    %broadcast_in_dim3A_41 = vector.broadcast %jit3A_40 : f32 to vector<512x5120xf32>
    %select_n3A_42 = arith.select %eq3A_39, %broadcast_in_dim3A_41, %add3A_31 : vector<512x5120xi1>, vector<512x5120xf32>
    %reduce_min3A_43 = arith.constant dense<0x7F800000> : vector<512xf32>
    %reduce_min3A_44 = vector.multi_reduction <minimumf>, %select_n3A_42, %reduce_min3A_43 [1] : vector<512x5120xf32> to vector<512xf32>
    %broadcast_in_dim3A_45 = vector.shape_cast %reduce_min3A_44 : vector<512xf32> to vector<512x1xf32>
    %eq3A_46 = vector.broadcast %broadcast_in_dim3A_45 : vector<512x1xf32> to vector<512x5120xf32>
    %eq3A_47 = arith.cmpf oeq, %select_n3A_42, %eq3A_46 : vector<512x5120xf32>
    %jit3A_48 = arith.constant 1073741824 : i32
    %broadcast_in_dim3A_49 = vector.broadcast %jit3A_48 : i32 to vector<512x5120xi32>
    %select_n3A_50 = arith.select %eq3A_47, %iota3A, %broadcast_in_dim3A_49 : vector<512x5120xi1>, vector<512x5120xi32>
    %reduce_min3A_51 = arith.constant dense<2147483647> : vector<512xi32>
    %reduce_min3A_52 = vector.multi_reduction <minsi>, %select_n3A_50, %reduce_min3A_51 [1] : vector<512x5120xi32> to vector<512xi32>
    %broadcast_in_dim3A_53 = vector.shape_cast %reduce_min3A_52 : vector<512xi32> to vector<512x1xi32>
    %eq3A_54 = vector.broadcast %broadcast_in_dim3A_53 : vector<512x1xi32> to vector<512x5120xi32>
    %eq3A_55 = arith.cmpi eq, %iota3A, %eq3A_54 : vector<512x5120xi32>
    %jit3A_56 = arith.constant 0x7F800000 : f32
    %broadcast_in_dim3A_57 = vector.broadcast %jit3A_56 : f32 to vector<512x5120xf32>
    %select_n3A_58 = arith.select %eq3A_55, %broadcast_in_dim3A_57, %select_n3A_42 : vector<512x5120xi1>, vector<512x5120xf32>
    %reduce_min3A_59 = arith.constant dense<0x7F800000> : vector<512xf32>
    %reduce_min3A_60 = vector.multi_reduction <minimumf>, %select_n3A_58, %reduce_min3A_59 [1] : vector<512x5120xf32> to vector<512xf32>
    %broadcast_in_dim3A_61 = vector.shape_cast %reduce_min3A_60 : vector<512xf32> to vector<512x1xf32>
    %eq3A_62 = vector.broadcast %broadcast_in_dim3A_61 : vector<512x1xf32> to vector<512x5120xf32>
    %eq3A_63 = arith.cmpf oeq, %select_n3A_58, %eq3A_62 : vector<512x5120xf32>
    %jit3A_64 = arith.constant 1073741824 : i32
    %broadcast_in_dim3A_65 = vector.broadcast %jit3A_64 : i32 to vector<512x5120xi32>
    %select_n3A_66 = arith.select %eq3A_63, %iota3A, %broadcast_in_dim3A_65 : vector<512x5120xi1>, vector<512x5120xi32>
    %reduce_min3A_67 = arith.constant dense<2147483647> : vector<512xi32>
    %reduce_min3A_68 = vector.multi_reduction <minsi>, %select_n3A_66, %reduce_min3A_67 [1] : vector<512x5120xi32> to vector<512xi32>
    %broadcast_in_dim3A_69 = vector.shape_cast %reduce_min3A_68 : vector<512xi32> to vector<512x1xi32>
    %eq3A_70 = vector.broadcast %broadcast_in_dim3A_69 : vector<512x1xi32> to vector<512x5120xi32>
    %eq3A_71 = arith.cmpi eq, %iota3A, %eq3A_70 : vector<512x5120xi32>
    %jit3A_72 = arith.constant 0x7F800000 : f32
    %broadcast_in_dim3A_73 = vector.broadcast %jit3A_72 : f32 to vector<512x5120xf32>
    %select_n3A_74 = arith.select %eq3A_71, %broadcast_in_dim3A_73, %select_n3A_58 : vector<512x5120xi1>, vector<512x5120xf32>
    %reduce_min3A_75 = arith.constant dense<0x7F800000> : vector<512xf32>
    %reduce_min3A_76 = vector.multi_reduction <minimumf>, %select_n3A_74, %reduce_min3A_75 [1] : vector<512x5120xf32> to vector<512xf32>
    %broadcast_in_dim3A_77 = vector.shape_cast %reduce_min3A_76 : vector<512xf32> to vector<512x1xf32>
    %eq3A_78 = vector.broadcast %broadcast_in_dim3A_77 : vector<512x1xf32> to vector<512x5120xf32>
    %eq3A_79 = arith.cmpf oeq, %select_n3A_74, %eq3A_78 : vector<512x5120xf32>
    %jit3A_80 = arith.constant 1073741824 : i32
    %broadcast_in_dim3A_81 = vector.broadcast %jit3A_80 : i32 to vector<512x5120xi32>
    %select_n3A_82 = arith.select %eq3A_79, %iota3A, %broadcast_in_dim3A_81 : vector<512x5120xi1>, vector<512x5120xi32>
    %reduce_min3A_83 = arith.constant dense<2147483647> : vector<512xi32>
    %reduce_min3A_84 = vector.multi_reduction <minsi>, %select_n3A_82, %reduce_min3A_83 [1] : vector<512x5120xi32> to vector<512xi32>
    %broadcast_in_dim3A_85 = vector.shape_cast %reduce_min3A_84 : vector<512xi32> to vector<512x1xi32>
    %eq3A_86 = vector.broadcast %broadcast_in_dim3A_85 : vector<512x1xi32> to vector<512x5120xi32>
    %eq3A_87 = arith.cmpi eq, %iota3A, %eq3A_86 : vector<512x5120xi32>
    %jit3A_88 = arith.constant 0x7F800000 : f32
    %broadcast_in_dim3A_89 = vector.broadcast %jit3A_88 : f32 to vector<512x5120xf32>
    %select_n3A_90 = arith.select %eq3A_87, %broadcast_in_dim3A_89, %select_n3A_74 : vector<512x5120xi1>, vector<512x5120xf32>
    %reduce_min3A_91 = arith.constant dense<0x7F800000> : vector<512xf32>
    %reduce_min3A_92 = vector.multi_reduction <minimumf>, %select_n3A_90, %reduce_min3A_91 [1] : vector<512x5120xf32> to vector<512xf32>
    %broadcast_in_dim3A_93 = vector.shape_cast %reduce_min3A_92 : vector<512xf32> to vector<512x1xf32>
    %eq3A_94 = vector.broadcast %broadcast_in_dim3A_93 : vector<512x1xf32> to vector<512x5120xf32>
    %eq3A_95 = arith.cmpf oeq, %select_n3A_90, %eq3A_94 : vector<512x5120xf32>
    %jit3A_96 = arith.constant 1073741824 : i32
    %broadcast_in_dim3A_97 = vector.broadcast %jit3A_96 : i32 to vector<512x5120xi32>
    %select_n3A_98 = arith.select %eq3A_95, %iota3A, %broadcast_in_dim3A_97 : vector<512x5120xi1>, vector<512x5120xi32>
    %reduce_min3A_99 = arith.constant dense<2147483647> : vector<512xi32>
    %reduce_min3A_100 = vector.multi_reduction <minsi>, %select_n3A_98, %reduce_min3A_99 [1] : vector<512x5120xi32> to vector<512xi32>
    %broadcast_in_dim3A_101 = vector.shape_cast %reduce_min3A_100 : vector<512xi32> to vector<512x1xi32>
    %eq3A_102 = vector.broadcast %broadcast_in_dim3A_101 : vector<512x1xi32> to vector<512x5120xi32>
    %eq3A_103 = arith.cmpi eq, %iota3A, %eq3A_102 : vector<512x5120xi32>
    %jit3A_104 = arith.constant 0x7F800000 : f32
    %broadcast_in_dim3A_105 = vector.broadcast %jit3A_104 : f32 to vector<512x5120xf32>
    %select_n3A_106 = arith.select %eq3A_103, %broadcast_in_dim3A_105, %select_n3A_90 : vector<512x5120xi1>, vector<512x5120xf32>
    %reduce_min3A_107 = arith.constant dense<0x7F800000> : vector<512xf32>
    %reduce_min3A_108 = vector.multi_reduction <minimumf>, %select_n3A_106, %reduce_min3A_107 [1] : vector<512x5120xf32> to vector<512xf32>
    %broadcast_in_dim3A_109 = vector.shape_cast %reduce_min3A_108 : vector<512xf32> to vector<512x1xf32>
    %eq3A_110 = vector.broadcast %broadcast_in_dim3A_109 : vector<512x1xf32> to vector<512x5120xf32>
    %eq3A_111 = arith.cmpf oeq, %select_n3A_106, %eq3A_110 : vector<512x5120xf32>
    %jit3A_112 = arith.constant 1073741824 : i32
    %broadcast_in_dim3A_113 = vector.broadcast %jit3A_112 : i32 to vector<512x5120xi32>
    %select_n3A_114 = arith.select %eq3A_111, %iota3A, %broadcast_in_dim3A_113 : vector<512x5120xi1>, vector<512x5120xi32>
    %reduce_min3A_115 = arith.constant dense<2147483647> : vector<512xi32>
    %reduce_min3A_116 = vector.multi_reduction <minsi>, %select_n3A_114, %reduce_min3A_115 [1] : vector<512x5120xi32> to vector<512xi32>
    %broadcast_in_dim3A_117 = vector.shape_cast %reduce_min3A_116 : vector<512xi32> to vector<512x1xi32>
    %eq3A_118 = vector.broadcast %broadcast_in_dim3A_117 : vector<512x1xi32> to vector<512x5120xi32>
    %eq3A_119 = arith.cmpi eq, %iota3A, %eq3A_118 : vector<512x5120xi32>
    %jit3A_120 = arith.constant 0x7F800000 : f32
    %broadcast_in_dim3A_121 = vector.broadcast %jit3A_120 : f32 to vector<512x5120xf32>
    %select_n3A_122 = arith.select %eq3A_119, %broadcast_in_dim3A_121, %select_n3A_106 : vector<512x5120xi1>, vector<512x5120xf32>
    %reduce_min3A_123 = arith.constant dense<0x7F800000> : vector<512xf32>
    %reduce_min3A_124 = vector.multi_reduction <minimumf>, %select_n3A_122, %reduce_min3A_123 [1] : vector<512x5120xf32> to vector<512xf32>
    %broadcast_in_dim3A_125 = vector.shape_cast %reduce_min3A_124 : vector<512xf32> to vector<512x1xf32>
    %eq3A_126 = vector.broadcast %broadcast_in_dim3A_125 : vector<512x1xf32> to vector<512x5120xf32>
    %eq3A_127 = arith.cmpf oeq, %select_n3A_122, %eq3A_126 : vector<512x5120xf32>
    %jit3A_128 = arith.constant 1073741824 : i32
    %broadcast_in_dim3A_129 = vector.broadcast %jit3A_128 : i32 to vector<512x5120xi32>
    %select_n3A_130 = arith.select %eq3A_127, %iota3A, %broadcast_in_dim3A_129 : vector<512x5120xi1>, vector<512x5120xi32>
    %reduce_min3A_131 = arith.constant dense<2147483647> : vector<512xi32>
    %reduce_min3A_132 = vector.multi_reduction <minsi>, %select_n3A_130, %reduce_min3A_131 [1] : vector<512x5120xi32> to vector<512xi32>
    %broadcast_in_dim3A_133 = vector.shape_cast %reduce_min3A_132 : vector<512xi32> to vector<512x1xi32>
    %eq3A_134 = vector.broadcast %broadcast_in_dim3A_133 : vector<512x1xi32> to vector<512x5120xi32>
    %eq3A_135 = arith.cmpi eq, %iota3A, %eq3A_134 : vector<512x5120xi32>
    %jit3A_136 = arith.constant 0x7F800000 : f32
    %broadcast_in_dim3A_137 = vector.broadcast %jit3A_136 : f32 to vector<512x5120xf32>
    %select_n3A_138 = arith.select %eq3A_135, %broadcast_in_dim3A_137, %select_n3A_122 : vector<512x5120xi1>, vector<512x5120xf32>
    %reduce_min3A_139 = arith.constant dense<0x7F800000> : vector<512xf32>
    %reduce_min3A_140 = vector.multi_reduction <minimumf>, %select_n3A_138, %reduce_min3A_139 [1] : vector<512x5120xf32> to vector<512xf32>
    %broadcast_in_dim3A_141 = vector.shape_cast %reduce_min3A_140 : vector<512xf32> to vector<512x1xf32>
    %eq3A_142 = vector.broadcast %broadcast_in_dim3A_141 : vector<512x1xf32> to vector<512x5120xf32>
    %eq3A_143 = arith.cmpf oeq, %select_n3A_138, %eq3A_142 : vector<512x5120xf32>
    %jit3A_144 = arith.constant 1073741824 : i32
    %broadcast_in_dim3A_145 = vector.broadcast %jit3A_144 : i32 to vector<512x5120xi32>
    %select_n3A_146 = arith.select %eq3A_143, %iota3A, %broadcast_in_dim3A_145 : vector<512x5120xi1>, vector<512x5120xi32>
    %reduce_min3A_147 = arith.constant dense<2147483647> : vector<512xi32>
    %reduce_min3A_148 = vector.multi_reduction <minsi>, %select_n3A_146, %reduce_min3A_147 [1] : vector<512x5120xi32> to vector<512xi32>
    %broadcast_in_dim3A_149 = vector.shape_cast %reduce_min3A_148 : vector<512xi32> to vector<512x1xi32>
    %concatenate3A = tpu.concatenate %broadcast_in_dim3A_37, %broadcast_in_dim3A_53, %broadcast_in_dim3A_69, %broadcast_in_dim3A_85, %broadcast_in_dim3A_101, %broadcast_in_dim3A_117, %broadcast_in_dim3A_133, %broadcast_in_dim3A_149 in 1 : vector<512x1xi32>, vector<512x1xi32>, vector<512x1xi32>, vector<512x1xi32>, vector<512x1xi32>, vector<512x1xi32>, vector<512x1xi32>, vector<512x1xi32> -> vector<512x8xi32>
    %swap3A = arith.constant 0 : index
    %swap3A_150 = arith.constant 0 : index
    %swap3A_151 = vector.load %arg5[%swap3A, %swap3A_150] : memref<512x8xi32, #tpu.memory_space<vmem>>, vector<512x8xi32>
    tpu.vector_store %arg5[%swap3A, %swap3A_150], %concatenate3A {strides = array<i32>} : memref<512x8xi32, #tpu.memory_space<vmem>>, vector<512x8xi32>,
    return
  }
  func.func @transform_0(%arg0: i32) -> (i32, i32) {
    %c0_i32 = arith.constant 0 : i32
    %c0_i32_0 = arith.constant 0 : i32
    return %arg0, %c0_i32 : i32, i32
  }
  func.func @transform_1(%arg0: i32) -> (i32, i32) {
    %c0_i32 = arith.constant 0 : i32
    %c0_i32_0 = arith.constant 0 : i32
    return %arg0, %c0_i32 : i32, i32
  }
  func.func @transform_2(%arg0: i32) -> (i32, i32) {
    %c0_i32 = arith.constant 0 : i32
    %c0_i32_0 = arith.constant 0 : i32
    %c0_i32_1 = arith.constant 0 : i32
    return %c0_i32, %c0_i32_0 : i32, i32
  }
  func.func @transform_3(%arg0: i32) -> (i32, i32) {
    %c0_i32 = arith.constant 0 : i32
    %c0_i32_0 = arith.constant 0 : i32
    %c0_i32_1 = arith.constant 0 : i32
    return %c0_i32, %c0_i32_0 : i32, i32
  }
  func.func @transform_4(%arg0: i32) -> (i32, i32) {
    %c0_i32 = arith.constant 0 : i32
    %c0_i32_0 = arith.constant 0 : i32
    return %arg0, %c0_i32 : i32, i32
  }
}

</mosaic_0001>

<sc_bundles>
// kernel: kernel.4.cloned.1.call-start
scs
__scs_entry_jumppad:
0x0: {  	(pc) =	sbr.rel $0x88, $3  }
0x1: {  	(tag) =	ssettag $0x0;
	lr =	simm.s32 $0x1  }
0x2: {  	[smem:$0x3F9F] =	sst lr;
	_ =	strace $0xD0000000  }
0x3: {  	_ = 	snop  }
0x4: {  	_ = 	snop  }
0x5: {  	_ = 	snop  }
0x6: {  	_ = 	snop  }
0x7: {  	_ = 	snop  }
__scs_overlays_trampoline_lowered:
0x8: {  	[smem:$0x3FAE] =	sst s0  }
0x9: {  	[smem:$0x3FAF] =	sst s1  }
0xa: {  	[smem:$0x3FB0] =	sst s2  }
0xb: {  	[smem:$0x3FB1] =	sst s3  }
0xc: {  	[smem:$0x3FB2] =	sst s4  }
0xd: {  	[smem:$0x3FB3] =	sst s5  }
0xe: {  	[smem:$0x3FB4] =	sst s6  }
0xf: {  	[smem:$0x3FB5] =	sst s7  }
0x10: {  	[smem:$0x3FB6] =	sst s8  }
0x11: {  	[smem:$0x3FB7] =	sst s9;
	s0 =	simm.s32 @!p0 $0x0  }
0x12: {  	s1 =	sld [smem:$0x3F9D];
	s0 =	simm.s32 @p0 $0x1  }
0x13: {  	[smem:$0x3FB8] =	sst s0;
	s0 =	simm.s32 @!p1 $0x0  }
0x14: {  	s2 =	sld [smem:$0x3F9C];
	s0 =	simm.s32 @p1 $0x1  }
0x15: {  	[smem:$0x3FB9] =	sst s0;
	s0 =	simm.s32 @!p2 $0x0  }
0x16: {  	s3 =	sld [smem:$0x3FDB];
	s0 =	simm.s32 @p2 $0x1  }
0x17: {  	s4 =	simm.s32 $0x1BF5;
	[smem:$0x3FBB] =	sst s0  }
0x18: {  	s0 =	sld [smem:$0x3F9E];
	_ =	swait.ge [sflag:s4], $0x0  }
0x19: {  	s7 =	sld [smem:$0x3F9F]  }
0x1a: {  	s8 =	sadd.s32 $0xFFFFE003, lr  }
0x1b: {  	s9 =	sadd.s32 $0xFFFFFEF7, lr;
	s5 =	simm.s32 $0xFFFFFFFF;
	p2 =	slt.u32 s8, $0xFFFFF086  }
0x1c: {  	p1 =	slt.u32 s9, $0xF7A;
	s5 =	simm.s32 @!p2 $0x0  }
0x1d: {  	s5 =	simm.s32 @p1 $0x1;
	p0 =	seq.s32 s7, s2  }
0x1e: {  	s7 =	smul.u32 @!p0 $0xF7A, s2;
	p2 =	seq.s32 @!p0 s5, $0x0  }
0x1f: {  	s9 =	smul.u32 $0xF7A, s1;
	s8 =	simm.s32 @!p0 $0x1BF5;
	p2 =	por !p2, p0  }
0x20: {  	[sflag:s8] =	ssyncset.s32 @!p0 $0xFFFFF086;
	s6 =	sadd.s32 @!p0 s3, s7;
	s7 =	simm.s32 @!p0 $0x108  }
0x21: {  	s3 =	sadd.s32 s3, s9;
	s6 =	sadd.s32 @!p0 $0x88, s6;
	s7 =	simm.s32 @p2 $0x1082  }
0x22: {  	[simem:s7], [sflag:s8] =	dma.local @!p0 [hbm:s6], $0xF7A  }
0x23: {  	s9 =	sor.u32 $0xD0000000, s2;
	s6 =	simm.s32 $0x108;
	_ =	swait.ge @!p0 [sflag:s8], $0x0  }
0x24: {  	s3 =	sadd.s32 $0x88, s3;
	s6 =	simm.s32 @!p1 $0x1082;
	[sflag:s4] =	ssyncset.s32 $0xFFFFF086  }
0x25: {  	[simem:s6], [sflag:s4] =	dma.local [hbm:s3], $0xF7A  }
0x26: {  	[smem:$0x3F9F] =	sst s1;
	(tag) =	ssettag s2;
	_ =	strace s9  }
0x27: {  	s1 =	sld [smem:$0x3FAF]  }
0x28: {  	s2 =	sld [smem:$0x3FB0]  }
0x29: {  	s4 =	sld [smem:$0x3FB2]  }
0x2a: {  	p0 =	seq.s32 s5, $0x0;
	s5 =	sld [smem:$0x3FB3]  }
0x2b: {  	s6 =	sld [smem:$0x3FB4]  }
0x2c: {  	s7 =	sld [smem:$0x3FB5]  }
0x2d: {  	s3 =	simm.s32 $0x108;
	s8 =	sld [smem:$0x3FB6]  }
0x2e: {  	s3 =	simm.s32 @!p0 $0x1082;
	s9 =	sld [smem:$0x3FB7]  }
0x2f: {  	lr =	sadd.s32 s0, s3;
	s0 =	sld [smem:$0x3FAE]  }
0x30: {  	s3 =	sld [smem:$0x3FB1]  }
0x31: {  	[smem:$0x3FBA] =	sst s10  }
0x32: {  	s10 =	sld [smem:$0x3FB8];
	_ =	sdelay $0x3  }
0x33: {  	p0 =	seq.s32 s10, $0x1;
	s10 =	sld [smem:$0x3FBA];
	_ =	sdelay $0x3  }
0x34: {  	[smem:$0x3FBA] =	sst s10  }
0x35: {  	s10 =	sld [smem:$0x3FB9];
	_ =	sdelay $0x3  }
0x36: {  	p1 =	seq.s32 s10, $0x1;
	s10 =	sld [smem:$0x3FBA];
	_ =	sdelay $0x3  }
0x37: {  	[smem:$0x3FBA] =	sst s10  }
0x38: {  	s10 =	sld [smem:$0x3FBB]  }
0x39: {  	_ = 	snop;
	(pc) =	sbr.ind lr, $3  }
0x3a: {  	_ = 	snop  }
0x3b: {  	_ = 	snop  }
0x3c: {  	p2 =	seq.s32 s10, $0x1;
	s10 =	sld [smem:$0x3FBA]  }
0x3d: {  	_ =	shalt  }
0x3e: {  	_ =	shalt  }
0x3f: {  	_ =	shalt  }
0x40: {  	_ =	shalt  }
0x41: {  	_ =	shalt  }
0x42: {  	_ =	shalt  }
0x43: {  	_ =	shalt  }
0x44: {  	_ =	shalt  }
0x45: {  	_ =	shalt  }
0x46: {  	_ =	shalt  }
0x47: {  	_ =	shalt  }
0x48: {  	_ =	shalt  }
0x49: {  	_ =	shalt  }
0x4a: {  	_ =	shalt  }
0x4b: {  	_ =	shalt  }
0x4c: {  	_ =	shalt  }
0x4d: {  	_ =	shalt  }
0x4e: {  	_ =	shalt  }
0x4f: {  	_ =	shalt  }
0x50: {  	_ =	shalt  }
0x51: {  	_ =	shalt  }
0x52: {  	_ =	shalt  }
0x53: {  	_ =	shalt  }
0x54: {  	_ =	shalt  }
0x55: {  	_ =	shalt  }
0x56: {  	_ =	shalt  }
0x57: {  	_ =	shalt  }
0x58: {  	_ =	shalt  }
0x59: {  	_ =	shalt  }
0x5a: {  	_ =	shalt  }
0x5b: {  	_ =	shalt  }
0x5c: {  	_ =	shalt  }
0x5d: {  	_ =	shalt  }
0x5e: {  	_ =	shalt  }
0x5f: {  	_ =	shalt  }
0x60: {  	_ =	shalt  }
0x61: {  	_ =	shalt  }
0x62: {  	_ =	shalt  }
0x63: {  	_ =	shalt  }
0x64: {  	_ =	shalt  }
0x65: {  	_ =	shalt  }
0x66: {  	_ =	shalt  }
0x67: {  	_ =	shalt  }
0x68: {  	_ =	shalt  }
0x69: {  	_ =	shalt  }
0x6a: {  	_ =	shalt  }
0x6b: {  	_ =	shalt  }
0x6c: {  	_ =	shalt  }
0x6d: {  	_ =	shalt  }
0x6e: {  	_ =	shalt  }
0x6f: {  	_ =	shalt  }
0x70: {  	_ =	shalt  }
0x71: {  	_ =	shalt  }
0x72: {  	_ =	shalt  }
0x73: {  	_ =	shalt  }
0x74: {  	_ =	shalt  }
0x75: {  	_ =	shalt  }
0x76: {  	_ =	shalt  }
0x77: {  	_ =	shalt  }
0x78: {  	_ =	shalt  }
0x79: {  	_ =	shalt  }
0x7a: {  	_ =	shalt  }
0x7b: {  	_ =	shalt  }
0x7c: {  	_ =	shalt  }
0x7d: {  	_ =	shalt  }
0x7e: {  	_ =	shalt  }
0x7f: {  	_ =	shalt  }
0x80: {  	_ =	shalt  }
0x81: {  	_ =	shalt  }
0x82: {  	_ =	shalt  }
0x83: {  	_ =	shalt  }
0x84: {  	_ =	shalt  }
0x85: {  	_ =	shalt  }
0x86: {  	_ =	shalt  }
0x87: {  	_ =	shalt  }
.Lfunc_end0:
.L_simem_size_0:
called_computation_lowered:
.L_overlay_start_0:
0x88: {  	s2 =	sld [smem:$0x3FD9]  }
0x89: {  	s3 =	sld [smem:$0x3FFE];
	_ =	sdelay $0x1  }
0x8a: {  	s1 =	srdreg.scid  }
0x8b: {  	s0 =	sand.u32 $0x1, s1  }
0x8c: {  	s14 =	sshll.u32 s0, $0xA;
	s2 =	sadd.s32 s3, s2  }
0x8d: {  	s2 =	sadd.s32 s2, s14  }
0x8e: {  	[smem:$0x3FC6] =	sst s2  }
0x8f: {  	_ = 	snop  }
0x90: {  	s2 =	sld [smem:$0x3FD0];
	_ =	sdelay $0x2  }
0x91: {  	s15 =	simm.s32 $0xA;
	s4 =	simm.s32 $0x10  }
0x92: {  	[smem:s4], [sflag:s15] =	dma.local [hbm:s2], $0x1  }
0x93: {  	_ =	swait.eq [sflag:s15], $0x1  }
0x94: {  	[sflag:s15] =	ssyncset.done $0x0  }
0x95: {  	[sflag:s15] =	ssyncadd.s32 $0xFFFFFFFF  }
0x96: {  	s16 =	sld [smem:$0x10];
	(tm) =	ssettm $0x1  }
0x97: {  	s17 =	sld [smem:$0x3FFB];
	_ =	sdelay $0x3  }
0x98: {  	_ =	strace s17  }
0x99: {  	s3 =	sld [smem:$0x3FFC];
	_ =	sdelay $0x3  }
0x9a: {  	_ =	strace s3  }
0x9b: {  	s3 =	sld [smem:$0x3FFD];
	_ =	sdelay $0x3  }
0x9c: {  	_ =	strace s3  }
0x9d: {  	_ =	strace $0x8FFFFFFF  }
0x9e: {  	s18 =	sld [smem:$0x3FDB];
	_ =	sdelay $0x1  }
0x9f: {  	s19 =	simm.s32 $_scs_section_size  }
0xa0: {  	s5 =	simm.s32 $_size__tile_overlayer_lowered;
	s6 =	simm.s32 $_tile_overlayer_lowered  }
0xa1: {  	s22 =	simm.s32 $0x1BFF;
	s21 =	sshll.u32 s6, $0x1;
	s3 =	sadd.s32 s19, s18  }
0xa2: {  	s7 =	simm.s32 $0x0;
	s20 =	sshll.u32 s5, $0x1;
	s5 =	sadd.s32 s21, s3  }
0xa3: {  	[timem:s7], [sflag:s22] =	dma.local [hbm:s5], s20  }
0xa4: {  	_ =	swait.ge [sflag:s22], s20  }
0xa5: {  	s4 =	ssub.s32 $0x0, s20;
	[sflag:s22] =	ssyncset.done $0x0  }
0xa6: {  	[sflag:s22] =	ssyncadd.s32 s4;
	_ =	sdelay $0x1  }
0xa7: {  	s23 =	simm.s32 $0x1B8B  }
0xa8: {  	_ =	swait.ge [sflag:s23], $0x1  }
0xa9: {  	[sflag:s23] =	ssyncset.done $0x0  }
0xaa: {  	s25 =	simm.s32 $0x1B8E;
	s24 =	sld [smem:$0x3FFE];
	[sflag:s23] =	ssyncadd.s32 $0xFFFFFFFF  }
0xab: {  	s26 =	simm.s32 $execute0_lowered;
	[smem:$0x3FD2] =	sst s25  }
0xac: {  	s5 =	sshll.u32 s26, $0x1;
	_ =	strace $0x80000046;
	[dreg:$0x1] =	wrdreg $0xFFFFFFFF  }
0xad: {  	s28 =	simm.s32 $_size_execute0_lowered;
	s3 =	sadd.s32 s3, s5;
	[dreg:$0x0] =	wrdreg $0x0  }
0xae: {  	s5 =	sshll.u32 s28, $0x1;
	[dreg:$0x2] =	wrdreg s3  }
0xaf: {  	[dreg:$0x3] =	wrdreg s5  }
0xb0: {  	[dreg:$0x4] =	wrdreg $0xC0  }
0xb1: {  	_ =	task [dreg:s7], $0x5FFFF  }
0xb2: {  	[dreg:$0x1] =	wrdreg $0xFFFFFFFF  }
0xb3: {  	[dreg:$0x0] =	wrdreg $0x60  }
0xb4: {  	[dreg:$0x2] =	wrdreg s16  }
0xb5: {  	[dreg:$0x3] =	wrdreg s24  }
0xb6: {  	[dreg:$0x4] =	wrdreg $0x9  }
0xb7: {  	_ =	task.clear_ibuf [dreg:s7], $0x5FFFF;
	_ =	strace $0x90000046  }
0xb8: {  	s29 =	simm.s32 $0x9;
	_ =	strace $0x80000048  }
0xb9: {  	_ =	swait.ge [sflag:s29], $0x1  }
0xba: {  	[sflag:s29] =	ssyncadd.s32 $0xFFFFFFFF  }
0xbb: {  	_ =	strace $0x90000048  }
0xbc: {  	_ =	sfence  }
0xbd: {  	s30 =	sld [smem:$0x0];
	_ =	sdelay $0x2  }
0xbe: {  	s31 =	sshll.u32 s1, $0xD;
	s1 =	sshrl.u32 s1, $0x2  }
0xbf: {  	s3 =	sand.u32 $0x4000, s31;
	s1 =	sadd.s32 s1, s30  }
0xc0: {  	s0 =	sor.u32 s3, s0;
	s1 =	sshll.u32 s1, $0x11  }
0xc1: {  	s0 =	sor.u32 s1, s0  }
0xc2: {  	s0 =	sadd.s32 $0x8F2B, s0  }
0xc3: {  	[sflag:s0] =	ssyncadd.remote.s32 $0x1  }
0xc4: {  	_ =	sfence.sel $0xFFFF  }
0xc5: {  	[dreg:$0x0] =	wrdreg $0xFFFFFFFF;
	(pc) =	sbr.abs _section_cstart, $3  }
0xc6: {  	[dreg:$0x1] =	wrdreg $0xFFFFFFFF  }
0xc7: {  	_ =	task.clear_ibuf [dreg:s7], $0x2FFFF;
	_ =	strace $0x9FFFFFFF  }
0xc8: {  	(tm) =	ssettm $0x7FFFFFFF  }
0xc9: {  	_ =	shalt  }
tec
execute0_lowered:
.L_overlay_start_1:
0x0: {  	(tag) =	ssettag $0x1  }
0x1: {  	s7 =	rddreg [dreg:$0x0]  }
0x2: {  	s1 =	srdreg.scid;
	s0 =	stileid.u32  }
0x3: {  	s2 =	rddreg [dreg:$0x1];
	s3 =	simm.s32 $0x0;
	s11 =	simm.s32 $0x1400  }
0x4: {  	s12 =	simm.s32 $0x2800;
	s13 =	simm.s32 $0x3C00;
	s14 =	simm.s32 $0x5000  }
0x5: {  	s15 =	simm.s32 $0x6980;
	s4 =	sand.u32 $0x1, s1;
	s1 =	rddreg [dreg:$0x2]  }
0x6: {  	s16 =	simm.s32 $0x0;
	s5 =	sshll.u32 s0, $0x1;
	[smem:$0x7FF] =	sst s3  }
.Ltmp0:
0x7: {  	s5 =	sor.u32 s4, s5;
	s4 =	ssub.s32 $0x2, s4;
	(pc) =	sbr.rel .LBB2_1-.Ltmp0, $4  }
0x8: {  	s6 =	sadd.s32 $0x780, s2;
	s8 =	smul.u32 $0x330, s5;
	s31 =	sshrl.u32 s4, $0x1  }
0x9: {  	_ =	strace $0x80000047;
	s5 =	sadd.s32 $0x500, s2;
	s10 =	ssub.s32 s4, s31  }
0xa: {  	s4 =	sadd.s32 $0x280, s2;
	s9 =	sadd.s32 s8, s2;
	s7 =	sadd.s32 s7, s8  }
0xb: {  	v0 =	vlaneseq.u32;
	v1 =	vimm.f32 $3.000000010e+38;
	v2 =	vimm.s32 $0x0;
	s8 =	sadd.s32 $0xA00, s9;
	s9 =	smax.u32 s10, $0x1;
	s10 =	simm.s32 $0x1  }
.LBB2_16:
0xc: {  	s16 =	sadd.s32 $0x1, s16  }
0xd: {  	p0 =	sne.s32 s16, s9  }
.Ltmp1:
0xe: {  	_ = 	snop;
	(pc) =	sbr.rel @!p0 .LBB2_17-.Ltmp1, $4  }
0xf: {  	[hbm4b:s8+s3] =	stream.linear.scatter [tilespmem:s15], [sflag:$0x1], $0x1980, $0x38;
	[tilespmem:$0xDD80] =	vst v63  }
0x10: {  	_ =	swait.ge [sflag:s10], $0x1980  }
0x11: {  	[sflag:s10] =	ssyncset.done $0x0  }
0x12: {  	[sflag:s10] =	ssyncadd.s32 $0xFFFFE680  }
.LBB2_1:
0x13: {  	[tilespmem:s3], [sflag:$0x1] =	stream.linear.gather [hbm4b:s2+s3], $0x1400, $0x38;
	[tilespmem:$0xDD80] =	vst v63  }
0x14: {  	_ =	swait.ge [sflag:s10], $0x1400  }
0x15: {  	[sflag:s10] =	ssyncset.done $0x0  }
0x16: {  	[sflag:s10] =	ssyncadd.s32 $0xFFFFEC00  }
0x17: {  	[tilespmem:s11], [sflag:$0x1] =	stream.linear.gather [hbm4b:s4+s3], $0x1400, $0x38;
	[tilespmem:$0xDD80] =	vst v63  }
0x18: {  	_ =	swait.ge [sflag:s10], $0x1400  }
0x19: {  	[sflag:s10] =	ssyncset.done $0x0  }
0x1a: {  	[sflag:s10] =	ssyncadd.s32 $0xFFFFEC00  }
0x1b: {  	[tilespmem:s12], [sflag:$0x1] =	stream.linear.gather [hbm4b:s5+s3], $0x1400, $0x38;
	[tilespmem:$0xDD80] =	vst v63  }
0x1c: {  	_ =	swait.ge [sflag:s10], $0x1400  }
0x1d: {  	[sflag:s10] =	ssyncset.done $0x0  }
0x1e: {  	[sflag:s10] =	ssyncadd.s32 $0xFFFFEC00  }
0x1f: {  	[tilespmem:s13], [sflag:$0x1] =	stream.linear.gather [hbm4b:s6+s3], $0x1400, $0x38;
	[tilespmem:$0xDD80] =	vst v63  }
0x20: {  	_ =	swait.ge [sflag:s10], $0x1400  }
0x21: {  	[sflag:s10] =	ssyncset.done $0x0  }
.Ltmp2:
0x22: {  	[sflag:s10] =	ssyncadd.s32 $0xFFFFEC00;
	(pc) =	sbr.rel .LBB2_2-.Ltmp2, $4  }
0x23: {  	[tilespmem:s14], [sflag:$0x1] =	stream.linear.gather [hbm4b:s7+s3], $0x1980, $0x38;
	[tilespmem:$0xDD80] =	vst v63  }
0x24: {  	_ =	swait.ge [sflag:s10], $0x1980  }
0x25: {  	[sflag:s10] =	ssyncset.done $0x0  }
0x26: {  	s17 =	simm.s32 $0x0;
	[sflag:s10] =	ssyncadd.s32 $0xFFFFE680  }
.LBB2_15:
0x27: {  	v3 =	vld [tilespmem:$0xDD40];
	_ =	sdelay $0x4  }
0x28: {  	[tilespmem:s18+$0x6980] =	vst v3  }
0x29: {  	v3 =	vld [tilespmem:$0xDD50];
	_ =	sdelay $0x4  }
0x2a: {  	[tilespmem:s21+$0x6980] =	vst v3  }
0x2b: {  	v3 =	vld [tilespmem:$0xDD60];
	_ =	sdelay $0x4  }
0x2c: {  	s17 =	sadd.s32 $0x1, s17;
	[tilespmem:s19+$0x6980] =	vst v3  }
0x2d: {  	p0 =	sne.s32 s17, $0x66;
	v3 =	vld [tilespmem:$0xDD70]  }
.Ltmp3:
0x2e: {  	_ = 	snop;
	(pc) =	sbr.rel @!p0 .LBB2_16-.Ltmp3, $2  }
0x2f: {  	_ =	sdelay $0x2  }
0x30: {  	[tilespmem:s20+$0x6980] =	vst v3  }
.LBB2_2:
0x31: {  	s18 =	sshll.u32 s17, $0x6  }
0x32: {  	v6 =	vld [tilespmem:s18+$0x5000];
	_ =	sdelay $0x1  }
0x33: {  	v10 =	vld [tilespmem:s18+$0x5010];
	_ =	sdelay $0x1  }
0x34: {  	v14 =	vld [tilespmem:s18+$0x5020]  }
0x35: {  	v3 =	vbroadcast v6, $0x0;
	v4 =	vbroadcast v6, $0x1  }
0x36: {  	v17 =	vld [tilespmem:s18+$0x5030];
	v5 =	vbroadcast v6, $0x2;
	v6 =	vbroadcast v6, $0x3  }
0x37: {  	v7 =	vbroadcast v10, $0x0;
	v8 =	vbroadcast v10, $0x1  }
0x38: {  	v9 =	vbroadcast v10, $0x2;
	v10 =	vbroadcast v10, $0x3  }
0x39: {  	v20 =	vimm.f32 $3.000000010e+38;
	v11 =	vbroadcast v14, $0x0;
	v12 =	vbroadcast v14, $0x1  }
0x3a: {  	v21 =	vimm.f32 $3.000000010e+38;
	v13 =	vbroadcast v14, $0x2;
	v14 =	vbroadcast v14, $0x3  }
0x3b: {  	s22 =	simm.s32 $0x0;
	s23 =	simm.s32 $0xD800;
	v22 =	vimm.f32 $3.000000010e+38;
	v15 =	vbroadcast v17, $0x0;
	v16 =	vbroadcast v17, $0x1  }
0x3c: {  	s21 =	sor.u32 $0x10, s18;
	s19 =	sor.u32 $0x20, s18;
	s20 =	sor.u32 $0x30, s18;
	v18 =	vbroadcast v17, $0x2;
	v19 =	vbroadcast v17, $0x3;
	v17 =	vimm.f32 $3.000000010e+38  }
.LBB2_3:
0x3d: {  	s24 =	sshra.s32 s22, $0x2  }
0x3e: {  	v23 =	vld [tilespmem:s24+$0x0]  }
0x3f: {  	v24 =	vld [tilespmem:s24+$0x1400];
	_ =	sdelay $0x1  }
0x40: {  	v25 =	vld [tilespmem:s24+$0x2800];
	_ =	sdelay $0x2  }
0x41: {  	v47 =	vld [tilespmem:s24+$0x10];
	v26 =	vmul.f32 v23, v3;
	v27 =	vmul.f32 v24, v4  }
0x42: {  	v50 =	vld [tilespmem:s24+$0x1410];
	v28 =	vmul.f32 v23, v7;
	v29 =	vmul.f32 v24, v8  }
0x43: {  	v51 =	vld [tilespmem:s24+$0x2810];
	v42 =	vmul.f32 v25, v5;
	v30 =	vmul.f32 v25, v9  }
0x44: {  	v43 =	vmul.f32 v23, v11;
	v31 =	vmul.f32 v24, v12  }
0x45: {  	v23 =	vmul.f32 v23, v15;
	v24 =	vmul.f32 v24, v16  }
0x46: {  	v45 =	vmul.f32 v25, v13;
	v46 =	vmul.f32 v25, v18  }
0x47: {  	v61 =	vld [tilespmem:s24+$0x1420];
	v54 =	vmul.f32 v47, v3;
	v32 =	vmul.f32 v50, v4  }
0x48: {  	v33 =	vmul.f32 v51, v5;
	v34 =	vmul.f32 v47, v7  }
0x49: {  	v60 =	vld [tilespmem:s24+$0x20];
	v55 =	vmul.f32 v50, v8;
	v35 =	vmul.f32 v51, v9  }
0x4a: {  	v63 =	vld [tilespmem:s24+$0x2820];
	v56 =	vmul.f32 v47, v11;
	v36 =	vmul.f32 v50, v12  }
0x4b: {  	v57 =	vmul.f32 v51, v13;
	v26 =	vadd.f32 v27, v26;
	v28 =	vadd.f32 v29, v28  }
0x4c: {  	v39 =	vmul.f32 v61, v12;
	v29 =	vadd.f32 v31, v43;
	v23 =	vadd.f32 v24, v23  }
0x4d: {  	v27 =	vadd.f32 v55, v34;
	v31 =	vmul.f32 v47, v15;
	v26 =	vadd.f32 v42, v26  }
0x4e: {  	v47 =	vmul.f32 v60, v11;
	v28 =	vadd.f32 v30, v28;
	v49 =	vadd.f32 v45, v29  }
0x4f: {  	v37 =	vmul.f32 v63, v9;
	v23 =	vadd.f32 v46, v23;
	v27 =	vadd.f32 v35, v27  }
0x50: {  	v29 =	vmul.f32 v50, v16;
	v34 =	vadd.f32 v39, v47;
	v26 =	vadd.f32 v26, v26  }
0x51: {  	v44 =	vld [tilespmem:s24+$0x3C00];
	v43 =	vmul.f32 v61, v4;
	v48 =	vadd.f32 v28, v28;
	v53 =	vadd.f32 v49, v49  }
0x52: {  	v30 =	vmul.f32 v51, v18;
	v23 =	vadd.f32 v23, v23;
	v29 =	vadd.f32 v29, v31  }
0x53: {  	v42 =	vmul.f32 v60, v3;
	v50 =	vld [tilespmem:s24+$0x30];
	v27 =	vadd.f32 v27, v27;
	v26 =	vsub.f32 v6, v26  }
0x54: {  	v45 =	vmul.f32 v61, v8;
	v51 =	vld [tilespmem:s24+$0x1430];
	v52 =	vsub.f32 v10, v48;
	v25 =	vsub.f32 v14, v53  }
0x55: {  	v58 =	vld [tilespmem:s24+$0x3C10];
	v46 =	vmul.f32 v63, v5;
	v23 =	vsub.f32 v19, v23;
	v29 =	vadd.f32 v30, v29  }
0x56: {  	v49 =	vmul.f32 v63, v18;
	v27 =	vsub.f32 v10, v27;
	v28 =	vadd.f32 v26, v44  }
0x57: {  	v48 =	vmul.f32 v63, v13;
	v24 =	vadd.f32 v52, v44;
	v25 =	vadd.f32 v25, v44  }
0x58: {  	v35 =	vmul.f32 v50, v15;
	v23 =	vadd.f32 v23, v44;
	v26 =	vadd.f32 v32, v54  }
0x59: {  	v39 =	vmul.f32 v51, v16;
	v32 =	vadd.f32 v36, v56;
	v29 =	vadd.f32 v29, v29  }
0x5a: {  	v55 =	vmul.f32 v50, v3;
	v31 =	vadd.f32 v27, v58;
	v34 =	vadd.f32 v48, v34  }
0x5b: {  	v44 =	vmul.f32 v60, v7;
	v35 =	vadd.f32 v39, v35;
	v26 =	vadd.f32 v33, v26  }
0x5c: {  	v52 =	vld [tilespmem:s24+$0x2830];
	v56 =	vmul.f32 v51, v4;
	v59 =	vadd.f32 v57, v32;
	v41 =	vsub.f32 v19, v29  }
0x5d: {  	v27 =	vadd.f32 v45, v44;
	v32 =	vmul.f32 v60, v15;
	v34 =	vadd.f32 v34, v34  }
0x5e: {  	v33 =	vmul.f32 v61, v16;
	v26 =	vadd.f32 v26, v26;
	v62 =	vadd.f32 v59, v59  }
0x5f: {  	v57 =	vmul.f32 v51, v8;
	v29 =	vadd.f32 v41, v58;
	v27 =	vadd.f32 v37, v27  }
0x60: {  	v44 =	vmul.f32 v51, v12;
	v61 =	vld [tilespmem:s24+$0x40];
	v32 =	vadd.f32 v33, v32;
	v54 =	vsub.f32 v14, v34  }
0x61: {  	v33 =	vmul.f32 v52, v18;
	v26 =	vsub.f32 v6, v26;
	v40 =	vsub.f32 v14, v62  }
0x62: {  	[tilespmem:s24+$0x9700] =	vst v24;
	v24 =	vmin.f32 v24, v31;
	v27 =	vadd.f32 v27, v27;
	v32 =	vadd.f32 v49, v32  }
0x63: {  	v41 =	vmul.f32 v52, v5;
	v33 =	vadd.f32 v33, v35;
	v38 =	vadd.f32 v26, v58  }
0x64: {  	v59 =	vmul.f32 v52, v13;
	v62 =	vld [tilespmem:s24+$0x1440];
	v30 =	vadd.f32 v40, v58;
	v26 =	vadd.f32 v43, v42  }
0x65: {  	v39 =	vmul.f32 v61, v15;
	v40 =	vld [tilespmem:s24+$0x3C20];
	v53 =	vadd.f32 v32, v32;
	v32 =	vadd.f32 v56, v55  }
0x66: {  	v27 =	vsub.f32 v10, v27;
	v58 =	vmul.f32 v50, v11;
	v33 =	vadd.f32 v33, v33  }
0x67: {  	v42 =	vmul.f32 v50, v7;
	v26 =	vadd.f32 v46, v26;
	v32 =	vadd.f32 v41, v32  }
0x68: {  	v50 =	vmul.f32 v61, v3;
	v34 =	vadd.f32 v44, v58;
	v49 =	vsub.f32 v19, v33  }
0x69: {  	v60 =	vld [tilespmem:s24+$0x3C30];
	v45 =	vmul.f32 v62, v4;
	v26 =	vadd.f32 v26, v26;
	v32 =	vadd.f32 v32, v32  }
0x6a: {  	v58 =	vld [tilespmem:s24+$0x50];
	v41 =	vmul.f32 v62, v16;
	v34 =	vadd.f32 v59, v34;
	v36 =	vadd.f32 v27, v40  }
0x6b: {  	v63 =	vld [tilespmem:s24+$0x2840];
	v43 =	vmul.f32 v52, v9;
	v27 =	vadd.f32 v54, v40;
	v44 =	vadd.f32 v45, v50  }
0x6c: {  	v52 =	vmul.f32 v62, v8;
	v59 =	vld [tilespmem:s24+$0x1450];
	v39 =	vadd.f32 v41, v39;
	v26 =	vsub.f32 v6, v26  }
0x6d: {  	v47 =	vmul.f32 v62, v12;
	v32 =	vsub.f32 v6, v32;
	v34 =	vadd.f32 v34, v34  }
0x6e: {  	v54 =	vmul.f32 v61, v11;
	v37 =	vadd.f32 v26, v40;
	v26 =	vsub.f32 v19, v53  }
0x6f: {  	v50 =	vmul.f32 v58, v7;
	v35 =	vadd.f32 v32, v60;
	v48 =	vsub.f32 v14, v34  }
0x70: {  	v53 =	vmul.f32 v63, v5;
	v26 =	vadd.f32 v26, v40;
	v40 =	vadd.f32 v57, v42  }
0x71: {  	v32 =	vadd.f32 v49, v60;
	v62 =	vmul.f32 v59, v8;
	v33 =	vadd.f32 v48, v60  }
0x72: {  	v56 =	vmul.f32 v63, v13;
	v44 =	vadd.f32 v53, v44;
	v40 =	vadd.f32 v43, v40  }
0x73: {  	v42 =	vadd.f32 v47, v54;
	v57 =	vmul.f32 v63, v18;
	v45 =	vadd.f32 v62, v50  }
0x74: {  	[tilespmem:s24+$0xBF00] =	vst v23;
	v23 =	vmin.f32 v23, v29;
	v55 =	vld [tilespmem:s24+$0x3C40];
	v44 =	vadd.f32 v44, v44;
	v40 =	vadd.f32 v40, v40  }
0x75: {  	v51 =	vmul.f32 v61, v7;
	v42 =	vadd.f32 v56, v42;
	v41 =	vadd.f32 v57, v39  }
0x76: {  	v46 =	vmul.f32 v63, v9;
	v44 =	vsub.f32 v6, v44;
	v40 =	vsub.f32 v10, v40  }
0x77: {  	v61 =	vmul.f32 v58, v3;
	v42 =	vadd.f32 v42, v42;
	v41 =	vadd.f32 v41, v41  }
0x78: {  	v48 =	vmul.f32 v59, v4;
	v34 =	vadd.f32 v40, v60;
	v40 =	vadd.f32 v52, v51;
	v60 =	vld [tilespmem:s24+$0x2850]  }
0x79: {  	v63 =	vmul.f32 v58, v11;
	v39 =	vadd.f32 v44, v55;
	v42 =	vsub.f32 v14, v42  }
0x7a: {  	v43 =	vmul.f32 v58, v15;
	v41 =	vsub.f32 v19, v41;
	v40 =	vadd.f32 v46, v40  }
0x7b: {  	v44 =	vadd.f32 v48, v61;
	v42 =	vadd.f32 v42, v55;
	v52 =	vmul.f32 v59, v12  }
0x7c: {  	v41 =	vadd.f32 v41, v55;
	v46 =	vmul.f32 v59, v16;
	v40 =	vadd.f32 v40, v40  }
0x7d: {  	v48 =	vadd.f32 v52, v63;
	v49 =	vmul.f32 v60, v5;
	v51 =	vmul.f32 v60, v9  }
0x7e: {  	v59 =	vld [tilespmem:s24+$0x1460];
	v43 =	vadd.f32 v46, v43;
	v57 =	vmul.f32 v60, v18;
	v40 =	vsub.f32 v10, v40  }
0x7f: {  	[tilespmem:s24+$0x8300] =	vst v28;
	v28 =	vmin.f32 v28, v38;
	v44 =	vadd.f32 v49, v44;
	v45 =	vadd.f32 v51, v45  }
0x80: {  	v56 =	vld [tilespmem:s24+$0x3C50];
	v43 =	vadd.f32 v57, v43;
	v40 =	vadd.f32 v40, v55;
	v55 =	vmul.f32 v60, v13  }
0x81: {  	[tilespmem:s24+$0xAB00] =	vst v25;
	v25 =	vmin.f32 v25, v30;
	v60 =	vld [tilespmem:s24+$0x2860];
	v44 =	vadd.f32 v44, v44;
	v45 =	vadd.f32 v45, v45  }
0x82: {  	v24 =	vmin.f32 v24, v36;
	v43 =	vadd.f32 v43, v43;
	v58 =	vadd.f32 v55, v48;
	v48 =	vld [tilespmem:s24+$0x60]  }
0x83: {  	v62 =	vmul.f32 v59, v4;
	v44 =	vsub.f32 v6, v44;
	v45 =	vsub.f32 v10, v45  }
0x84: {  	v54 =	vmul.f32 v59, v12;
	v43 =	vsub.f32 v19, v43;
	v47 =	vadd.f32 v58, v58  }
0x85: {  	[tilespmem:s24+$0x9710] =	vst v31;
	v46 =	vmul.f32 v59, v16;
	v44 =	vadd.f32 v44, v56;
	v45 =	vadd.f32 v45, v56  }
0x86: {  	[tilespmem:s24+$0xBF10] =	vst v29;
	v57 =	vmul.f32 v60, v5;
	v53 =	vmul.f32 v60, v9;
	v47 =	vsub.f32 v14, v47  }
0x87: {  	[tilespmem:s24+$0x8310] =	vst v38;
	v49 =	vld [tilespmem:s24+$0x70];
	v38 =	vadd.f32 v43, v56;
	v61 =	vmul.f32 v48, v3;
	v63 =	vmul.f32 v48, v7  }
0x88: {  	[tilespmem:s24+$0xAB10] =	vst v30;
	v58 =	vmul.f32 v48, v11;
	v48 =	vmul.f32 v48, v15;
	v47 =	vadd.f32 v47, v56  }
0x89: {  	[tilespmem:s24+$0x9720] =	vst v36;
	v56 =	vmul.f32 v59, v8;
	v59 =	vmul.f32 v60, v13;
	v51 =	vadd.f32 v62, v61  }
0x8a: {  	[tilespmem:s24+$0xAB20] =	vst v27;
	v60 =	vmul.f32 v60, v18;
	v50 =	vadd.f32 v54, v58;
	v46 =	vadd.f32 v46, v48  }
0x8b: {  	[tilespmem:s24+$0x8320] =	vst v37;
	v28 =	vmin.f32 v28, v37;
	v48 =	vld [tilespmem:s24+$0x2870];
	v43 =	vadd.f32 v56, v63;
	v51 =	vadd.f32 v57, v51  }
0x8c: {  	[tilespmem:s24+$0x8330] =	vst v35;
	v56 =	vmul.f32 v49, v3;
	v62 =	vadd.f32 v59, v50;
	v50 =	vld [tilespmem:s24+$0x1470];
	v46 =	vadd.f32 v60, v46  }
0x8d: {  	[tilespmem:s24+$0xBF30] =	vst v32;
	v52 =	vld [tilespmem:s24+$0x3C60];
	v59 =	vmul.f32 v49, v7;
	v43 =	vadd.f32 v53, v43;
	v51 =	vadd.f32 v51, v51  }
0x8e: {  	[tilespmem:s24+$0xBF20] =	vst v26;
	v53 =	vadd.f32 v62, v62;
	v54 =	vadd.f32 v46, v46;
	v62 =	vmul.f32 v49, v11  }
0x8f: {  	[tilespmem:s24+$0xAB30] =	vst v33;
	v49 =	vmul.f32 v49, v15;
	v61 =	vadd.f32 v43, v43;
	v63 =	vsub.f32 v6, v51  }
0x90: {  	[tilespmem:s24+$0x8340] =	vst v39;
	v58 =	vmul.f32 v48, v5;
	v31 =	vsub.f32 v14, v53;
	v55 =	vsub.f32 v19, v54  }
0x91: {  	[tilespmem:s24+$0x9730] =	vst v34;
	v51 =	vsub.f32 v10, v61;
	v57 =	vmul.f32 v50, v4;
	v60 =	vmul.f32 v50, v8  }
0x92: {  	[tilespmem:s24+$0xAB40] =	vst v42;
	v61 =	vmul.f32 v48, v9;
	v30 =	vadd.f32 v63, v52;
	v31 =	vadd.f32 v31, v52  }
0x93: {  	[tilespmem:s24+$0xBF40] =	vst v41;
	v36 =	vadd.f32 v55, v52;
	v63 =	vmul.f32 v50, v12;
	v37 =	vadd.f32 v57, v56  }
0x94: {  	[tilespmem:s24+$0x9740] =	vst v40;
	v50 =	vmul.f32 v50, v16;
	v29 =	vadd.f32 v51, v52;
	v51 =	vadd.f32 v60, v59  }
0x95: {  	[tilespmem:s24+$0x8350] =	vst v44;
	v55 =	vmul.f32 v48, v13;
	v43 =	vadd.f32 v63, v62;
	v37 =	vadd.f32 v58, v37  }
0x96: {  	[tilespmem:s24+$0x9750] =	vst v45;
	v48 =	vmul.f32 v48, v18;
	v56 =	vld [tilespmem:s24+$0x3C70];
	v49 =	vadd.f32 v50, v49;
	v51 =	vadd.f32 v61, v51  }
0x97: {  	v25 =	vmin.f32 v25, v27;
	[tilespmem:s24+$0xBF50] =	vst v38;
	v57 =	vadd.f32 v55, v43;
	v37 =	vadd.f32 v37, v37  }
0x98: {  	v28 =	vmin.f32 v28, v35;
	[tilespmem:s24+$0xAB50] =	vst v47;
	v58 =	vadd.f32 v48, v49;
	v59 =	vadd.f32 v51, v51  }
0x99: {  	v23 =	vmin.f32 v23, v26;
	[tilespmem:s24+$0x8360] =	vst v30;
	v27 =	vadd.f32 v57, v57;
	v60 =	vsub.f32 v6, v37  }
0x9a: {  	v25 =	vmin.f32 v25, v33;
	[tilespmem:s24+$0xAB60] =	vst v31;
	v26 =	vadd.f32 v58, v58;
	v61 =	vsub.f32 v10, v59  }
0x9b: {  	v23 =	vmin.f32 v23, v32;
	[tilespmem:s24+$0xBF60] =	vst v36;
	v27 =	vsub.f32 v14, v27;
	v62 =	vadd.f32 v60, v56  }
0x9c: {  	v28 =	vmin.f32 v28, v39;
	[tilespmem:s24+$0x9760] =	vst v29;
	v26 =	vsub.f32 v19, v26;
	v63 =	vadd.f32 v61, v56  }
0x9d: {  	v24 =	vmin.f32 v24, v34;
	v25 =	vmin.f32 v25, v42;
	v27 =	vadd.f32 v27, v56;
	[tilespmem:s24+$0x8370] =	vst v62  }
0x9e: {  	v24 =	vmin.f32 v24, v40;
	v28 =	vmin.f32 v28, v44;
	v26 =	vadd.f32 v26, v56;
	[tilespmem:s24+$0x9770] =	vst v63  }
0x9f: {  	p0 =	sne.s32 s22, $0x4E00;
	v23 =	vmin.f32 v23, v41;
	v24 =	vmin.f32 v24, v45;
	v28 =	vmin.f32 v28, v30;
	[tilespmem:s24+$0xAB70] =	vst v27  }
.Ltmp4:
0xa0: {  	v25 =	vmin.f32 v25, v47;
	v24 =	vmin.f32 v24, v29;
	v28 =	vmin.f32 v28, v62;
	[tilespmem:s24+$0xBF70] =	vst v26;
	(pc) =	sbr.rel @p0 .LBB2_3-.Ltmp4, $4  }
0xa1: {  	v23 =	vmin.f32 v23, v38;
	v25 =	vmin.f32 v25, v31;
	v24 =	vmin.f32 v24, v63;
	[tilespmem:s23+$0xFFFFFB00] =	vst v28  }
0xa2: {  	v23 =	vmin.f32 v23, v36;
	v25 =	vmin.f32 v25, v27;
	[tilespmem:s23+$0xFFFFFD80] =	vst v24  }
0xa3: {  	v23 =	vmin.f32 v23, v26;
	v22 =	vmin.f32 v22, v28;
	[tilespmem:s23+$0x0] =	vst v25  }
0xa4: {  	s22 =	sadd.s32 $0x200, s22;
	v21 =	vmin.f32 v21, v24;
	[tilespmem:s23+$0x280] =	vst v23;
	v20 =	vmin.f32 v20, v25;
	v17 =	vmin.f32 v17, v23;
	s23 =	sadd.s32 $0x10, s23  }
0xa5: {  	(xrf1) =	vsort.ascd.msk.f32 $0xffff, v22, v0  }
0xa6: {  	(xrf1) =	vsort.ascd.msk.f32 $0xffff, v21, v0  }
0xa7: {  	(xrf1) =	vsort.ascd.msk.f32 $0xffff, v20, v0  }
0xa8: {  	(xrf1) =	vsort.ascd.msk.f32 $0xffff, v17, v0;
	_ =	sdelay $0x7  }
0xa9: {  	[tilespmem:$0xDD00] =	vst v1  }
0xaa: {  	[tilespmem:$0xDD40] =	vst v2  }
0xab: {  	[tilespmem:$0xDD10] =	vst v1  }
.Ltmp5:
0xac: {  	[tilespmem:$0xDD50] =	vst v2;
	v3, _, _ =	vpop (xrf1);
	(pc) =	sbr.rel .LBB2_5-.Ltmp5, $4  }
0xad: {  	[tilespmem:$0xDD20] =	vst v1;
	v4, _, _ =	vpop (xrf1)  }
0xae: {  	[tilespmem:$0xDD60] =	vst v2;
	v5, _, _ =	vpop (xrf1)  }
0xaf: {  	[tilespmem:$0xDD30] =	vst v1;
	v3 =	vbroadcast v3, $0x8;
	v4 =	vbroadcast v4, $0x8;
	v6, _, _ =	vpop (xrf1)  }
0xb0: {  	[tilespmem:$0xDD70] =	vst v2;
	s22 =	simm.s32 $0x70;
	s23 =	simm.s32 $0xD800;
	s24 =	simm.s32 $0xAB00;
	v5 =	vbroadcast v5, $0x8;
	v6 =	vbroadcast v6, $0x8  }
.LBB2_14:
0xb1: {  	s22 =	sadd.s32 $0x80, s22  }
0xb2: {  	p0 =	sne.s32 s22, $0x1470  }
.Ltmp6:
0xb3: {  	_ = 	snop;
	(pc) =	sbr.rel @!p0 .LBB2_15-.Ltmp6, $2  }
0xb4: {  	_ =	sdelay $0x2  }
0xb5: {  	s23 =	sadd.s32 $0x10, s23;
	s24 =	sadd.s32 $0x80, s24  }
.LBB2_5:
0xb6: {  	v7 =	vld [tilespmem:s23+$0xFFFFFB00]  }
0xb7: {  	v8 =	vld [tilespmem:s23+$0xFFFFFD80]  }
0xb8: {  	v11 =	vld [tilespmem:s23+$0x0]  }
0xb9: {  	v12 =	vld [tilespmem:s23+$0x280];
	_ =	sdelay $0x2  }
0xba: {  	v10 =	vsub.f32 v7, v3;
	v9 =	vsub.f32 v8, v4  }
0xbb: {  	v8 =	vsub.f32 v11, v5  }
0xbc: {  	v7 =	vsub.f32 v12, v6;
	v11 =	vmin.f32 v10, v9  }
0xbd: {  	v11 =	vmin.f32 v11, v8  }
0xbe: {  	v11 =	vmin.f32 v11, v7  }
0xbf: {  	vm0 =	vlt.f32 v11, $0.0e+00  }
0xc0: {  	v11 =	vmpcnt.ones.xlane vm0;
	_ =	sdelay $0x1  }
0xc1: {  	(v2sf) =	vpush v11, $0x0;
	_ =	sdelay $0xe  }
0xc2: {  	s25 =	spop (v2sf)  }
0xc3: {  	p0 =	slt.s32 s25, $0x1  }
.Ltmp7:
0xc4: {  	_ = 	snop;
	(pc) =	sbr.rel @p0 .LBB2_14-.Ltmp7, $1  }
0xc5: {  	_ =	sdelay $0x3  }
0xc6: {  	vm0 =	vlt.f32 v10, $0.0e+00  }
0xc7: {  	v10 =	vmpcnt.ones.xlane vm0;
	_ =	sdelay $0x1  }
0xc8: {  	(v2sf) =	vpush v10, $0x0;
	_ =	sdelay $0xe  }
0xc9: {  	s25 =	spop (v2sf)  }
0xca: {  	p0 =	slt.s32 s25, $0x1  }
0xcb: {  	v10 =	vld @!p0 [tilespmem:s24+$0xFFFFD800]  }
0xcc: {  	v11 =	vld @!p0 [tilespmem:s24+$0xFFFFD810];
	_ =	sdelay $0x1  }
0xcd: {  	v12 =	vld @!p0 [tilespmem:s24+$0xFFFFD820];
	_ =	sdelay $0x1  }
0xce: {  	v13 =	vld @!p0 [tilespmem:s24+$0xFFFFD830]  }
0xcf: {  	vm0 =	vlt.f32 @!p0 v11, v10  }
0xd0: {  	v14 =	vld @!p0 [tilespmem:s24+$0xFFFFD840];
	v10 =	vsel @!p0 vm0, v11, v10  }
0xd1: {  	vm1 =	vlt.f32 @!p0 v12, v10  }
0xd2: {  	v15 =	vld @!p0 [tilespmem:s24+$0xFFFFD850];
	v10 =	vsel @!p0 vm1, v12, v10  }
0xd3: {  	vm2 =	vlt.f32 @!p0 v13, v10  }
0xd4: {  	s25 =	sadd.s32 $0xFFFFFF90, s22;
	v18 =	vlaneseq.u32 @!p0;
	s26 =	sadd.s32 @!p0 $0xFFFFFFA0, s22;
	v17 =	vld @!p0 [tilespmem:s24+$0xFFFFD860];
	v13 =	vsel @!p0 vm2, v13, v10  }
0xd5: {  	v11 =	vor.u32 @!p0 s26, v18;
	s26 =	sadd.s32 @!p0 $0xFFFFFFB0, s22;
	v10 =	vor.u32 @!p0 s25, v18;
	vm3 =	vlt.f32 @!p0 v14, v13  }
0xd6: {  	v20 =	vld @!p0 [tilespmem:s24+$0xFFFFD870];
	v12 =	vor.u32 @!p0 s26, v18;
	s26 =	sadd.s32 @!p0 $0xFFFFFFC0, s22;
	v16 =	vsel @!p0 vm0, v11, v10;
	v19 =	vsel @!p0 vm3, v14, v13  }
0xd7: {  	v14 =	vsel @!p0 vm1, v12, v16;
	v13 =	vor.u32 @!p0 s26, v18;
	s26 =	sadd.s32 @!p0 $0xFFFFFFD0, s22;
	vm0 =	vlt.f32 @!p0 v15, v19  }
0xd8: {  	v16 =	vsel @!p0 vm2, v13, v14;
	v14 =	vor.u32 @!p0 s26, v18;
	s26 =	sadd.s32 @!p0 $0xFFFFFFE0, s22;
	v19 =	vsel @!p0 vm0, v15, v19  }
0xd9: {  	v16 =	vsel @!p0 vm3, v14, v16;
	v15 =	vor.u32 @!p0 s26, v18;
	s26 =	sadd.s32 @!p0 $0xFFFFFFF0, s22;
	vm1 =	vlt.f32 @!p0 v17, v19  }
0xda: {  	v21 =	vsel @!p0 vm0, v15, v16;
	v16 =	vor.u32 @!p0 s26, v18;
	v19 =	vsel @!p0 vm1, v17, v19  }
0xdb: {  	v21 =	vsel @!p0 vm1, v16, v21;
	v17 =	vor.u32 @!p0 s22, v18;
	vm0 =	vlt.f32 @!p0 v20, v19  }
0xdc: {  	v19 =	vsel @!p0 vm0, v20, v19;
	v20 =	vsel @!p0 vm0, v17, v21  }
0xdd: {  	(xrf1) =	vsort.ascd.msk.f32 @!p0 $0xffff, v19, v20;
	_ =	sdelay $0xb  }
0xde: {  	v18 =	vmul.u32 @!p0 $0xFFFFFFFF, v18;
	v20 =	vld @!p0 [tilespmem:$0xDD00]  }
0xdf: {  	v21 =	vld @!p0 [tilespmem:$0xDD40]  }
0xe0: {  	v18 =	vadd.s32 @!p0 $0xF, v18;
	v22, v23, _ =	vpop @!p0 (xrf1)  }
0xe1: {  	v22 =	vperm.xlane @!p0 v22, v18  }
0xe2: {  	v18 =	vperm.xlane @!p0 v23, v18  }
0xe3: {  	vm0 =	vle.f32 @!p0 v20, v22  }
0xe4: {  	v20 =	vsel @!p0 vm0, v20, v22;
	v18 =	vsel @!p0 vm0, v21, v18  }
0xe5: {  	(xrf1) =	vsort.ascd.msk.f32 @!p0 $0xffff, v20, v18;
	_ =	sdelay $0xd  }
0xe6: {  	v20, v18, _ =	vpop @!p0 (xrf1)  }
0xe7: {  	[tilespmem:$0xDD00] =	vst @!p0 v20  }
0xe8: {  	[tilespmem:$0xDD40] =	vst @!p0 v18  }
0xe9: {  	v20 =	vld @!p0 [tilespmem:s24+$0xFFFFD800]  }
0xea: {  	v21 =	vld @!p0 [tilespmem:s24+$0xFFFFD810];
	_ =	sdelay $0x1  }
0xeb: {  	v22 =	vld @!p0 [tilespmem:s24+$0xFFFFD820];
	_ =	sdelay $0x1  }
0xec: {  	v23 =	vld @!p0 [tilespmem:s24+$0xFFFFD830]  }
0xed: {  	vm0 =	vle.f32 @!p0 v20, v19;
	vm1 =	vle.f32 @!p0 v21, v19  }
0xee: {  	v24 =	vld @!p0 [tilespmem:s24+$0xFFFFD840];
	v20 =	vsel @!p0 vm0, $0x7F61B1E6, v20;
	v21 =	vsel @!p0 vm1, $0x7F61B1E6, v21  }
0xef: {  	vm1 =	vle.f32 @!p0 v22, v19;
	vm0 =	vlt.f32 @!p0 v21, v20  }
0xf0: {  	v26 =	vld @!p0 [tilespmem:s24+$0xFFFFD850];
	v22 =	vsel @!p0 vm1, $0x7F61B1E6, v22;
	v25 =	vsel @!p0 vm0, v21, v20  }
0xf1: {  	vm1 =	vle.f32 @!p0 v23, v19;
	vm0 =	vlt.f32 @!p0 v22, v25  }
0xf2: {  	v28 =	vld @!p0 [tilespmem:s24+$0xFFFFD860];
	v23 =	vsel @!p0 vm1, $0x7F61B1E6, v23;
	v27 =	vsel @!p0 vm0, v22, v25  }
0xf3: {  	vm1 =	vle.f32 @!p0 v24, v19;
	vm0 =	vlt.f32 @!p0 v23, v27  }
0xf4: {  	v30 =	vld @!p0 [tilespmem:s24+$0xFFFFD870];
	v24 =	vsel @!p0 vm1, $0x7F61B1E6, v24;
	v29 =	vsel @!p0 vm0, v23, v27  }
0xf5: {  	vm1 =	vle.f32 @!p0 v26, v19;
	vm0 =	vlt.f32 @!p0 v24, v29  }
0xf6: {  	v26 =	vsel @!p0 vm1, $0x7F61B1E6, v26;
	v31 =	vsel @!p0 vm0, v24, v29  }
0xf7: {  	vm1 =	vle.f32 @!p0 v28, v19;
	vm0 =	vlt.f32 @!p0 v26, v31  }
0xf8: {  	v28 =	vsel @!p0 vm1, $0x7F61B1E6, v28;
	v32 =	vsel @!p0 vm0, v26, v31  }
0xf9: {  	vm1 =	vle.f32 @!p0 v30, v19;
	vm0 =	vlt.f32 @!p0 v28, v32  }
0xfa: {  	v30 =	vsel @!p0 vm1, $0x7F61B1E6, v30;
	v19 =	vsel @!p0 vm0, v28, v32  }
0xfb: {  	vm0 =	vlt.f32 @!p0 v30, v19  }
0xfc: {  	v33 =	vsel @!p0 vm0, v30, v19  }
0xfd: {  	vm0 =	vlt.f32 @!p0 v33, v3  }
0xfe: {  	v34 =	vmpcnt.ones.xlane @!p0 vm0;
	_ =	sdelay $0x1  }
0xff: {  	(v2sf) =	vpush @!p0 v34, $0x0;
	_ =	sdelay $0xe  }
0x100: {  	s26 =	spop @!p0 (v2sf)  }
0x101: {  	p1 =	slt.s32 @!p0 s26, $0x1  }
0x102: {  	p0 =	por p0, p1  }
0x103: {  	vm0 =	vlt.f32 @!p0 v21, v20  }
0x104: {  	vm1 =	vlt.f32 @!p0 v22, v25;
	v20 =	vsel @!p0 vm0, v11, v10  }
0x105: {  	vm0 =	vlt.f32 @!p0 v23, v27;
	v20 =	vsel @!p0 vm1, v12, v20  }
0x106: {  	vm1 =	vlt.f32 @!p0 v24, v29;
	v20 =	vsel @!p0 vm0, v13, v20  }
0x107: {  	vm0 =	vlt.f32 @!p0 v26, v31;
	v20 =	vsel @!p0 vm1, v14, v20  }
0x108: {  	vm1 =	vlt.f32 @!p0 v28, v32;
	v20 =	vsel @!p0 vm0, v15, v20  }
0x109: {  	vm0 =	vlt.f32 @!p0 v30, v19;
	v19 =	vsel @!p0 vm1, v16, v20  }
0x10a: {  	v19 =	vsel @!p0 vm0, v17, v19  }
0x10b: {  	(xrf1) =	vsort.ascd.msk.f32 @!p0 $0xffff, v33, v19;
	_ =	sdelay $0xa  }
0x10c: {  	v19 =	vlaneseq.u32 @!p0  }
0x10d: {  	v20 =	vld @!p0 [tilespmem:$0xDD00];
	v19 =	vmul.u32 @!p0 $0xFFFFFFFF, v19;
	_ =	sdelay $0x1  }
0x10e: {  	v19 =	vadd.s32 @!p0 $0xF, v19;
	v21, v22, _ =	vpop @!p0 (xrf1)  }
0x10f: {  	v21 =	vperm.xlane @!p0 v21, v19  }
0x110: {  	v19 =	vperm.xlane @!p0 v22, v19  }
0x111: {  	vm0 =	vle.f32 @!p0 v20, v21  }
0x112: {  	v20 =	vsel @!p0 vm0, v20, v21;
	v18 =	vsel @!p0 vm0, v18, v19  }
0x113: {  	(xrf1) =	vsort.ascd.msk.f32 @!p0 $0xffff, v20, v18;
	_ =	sdelay $0xd  }
0x114: {  	v19, v18, _ =	vpop @!p0 (xrf1)  }
0x115: {  	[tilespmem:$0xDD00] =	vst @!p0 v19  }
0x116: {  	[tilespmem:$0xDD40] =	vst @!p0 v18  }
0x117: {  	v19 =	vld @!p0 [tilespmem:s24+$0xFFFFD800]  }
0x118: {  	v21 =	vld @!p0 [tilespmem:s24+$0xFFFFD810];
	_ =	sdelay $0x1  }
0x119: {  	v23 =	vld @!p0 [tilespmem:s24+$0xFFFFD820];
	_ =	sdelay $0x1  }
0x11a: {  	v25 =	vld @!p0 [tilespmem:s24+$0xFFFFD830]  }
0x11b: {  	vm0 =	vle.f32 @!p0 v19, v33;
	vm1 =	vle.f32 @!p0 v21, v33  }
0x11c: {  	v20 =	vsel @!p0 vm0, $0x7F61B1E6, v19;
	v21 =	vsel @!p0 vm1, $0x7F61B1E6, v21;
	v19 =	vld @!p0 [tilespmem:s24+$0xFFFFD840]  }
0x11d: {  	vm1 =	vle.f32 @!p0 v23, v33;
	vm0 =	vlt.f32 @!p0 v21, v20  }
0x11e: {  	v29 =	vld @!p0 [tilespmem:s24+$0xFFFFD850];
	v23 =	vsel @!p0 vm1, $0x7F61B1E6, v23;
	v22 =	vsel @!p0 vm0, v21, v20  }
0x11f: {  	vm1 =	vle.f32 @!p0 v25, v33;
	vm0 =	vlt.f32 @!p0 v23, v22  }
0x120: {  	v31 =	vld @!p0 [tilespmem:s24+$0xFFFFD860];
	v25 =	vsel @!p0 vm1, $0x7F61B1E6, v25;
	v24 =	vsel @!p0 vm0, v23, v22  }
0x121: {  	vm0 =	vlt.f32 @!p0 v25, v24;
	vm1 =	vle.f32 @!p0 v19, v33  }
0x122: {  	v26 =	vsel @!p0 vm0, v25, v24;
	v27 =	vsel @!p0 vm1, $0x7F61B1E6, v19;
	v19 =	vld @!p0 [tilespmem:s24+$0xFFFFD870]  }
0x123: {  	vm1 =	vle.f32 @!p0 v29, v33;
	vm0 =	vlt.f32 @!p0 v27, v26  }
0x124: {  	v29 =	vsel @!p0 vm1, $0x7F61B1E6, v29;
	v28 =	vsel @!p0 vm0, v27, v26  }
0x125: {  	vm1 =	vle.f32 @!p0 v31, v33;
	vm0 =	vlt.f32 @!p0 v29, v28  }
0x126: {  	v31 =	vsel @!p0 vm1, $0x7F61B1E6, v31;
	v30 =	vsel @!p0 vm0, v29, v28  }
0x127: {  	vm0 =	vlt.f32 @!p0 v31, v30;
	vm1 =	vle.f32 @!p0 v19, v33  }
0x128: {  	v32 =	vsel @!p0 vm0, v31, v30;
	v33 =	vsel @!p0 vm1, $0x7F61B1E6, v19  }
0x129: {  	vm0 =	vlt.f32 @!p0 v33, v32  }
0x12a: {  	v19 =	vsel @!p0 vm0, v33, v32  }
0x12b: {  	vm0 =	vlt.f32 @!p0 v19, v3  }
0x12c: {  	v34 =	vmpcnt.ones.xlane @!p0 vm0;
	_ =	sdelay $0x1  }
0x12d: {  	(v2sf) =	vpush @!p0 v34, $0x0;
	_ =	sdelay $0xe  }
0x12e: {  	s26 =	spop @!p0 (v2sf)  }
0x12f: {  	p1 =	slt.s32 @!p0 s26, $0x1  }
0x130: {  	p0 =	por p0, p1  }
.Ltmp8:
0x131: {  	_ = 	snop;
	(pc) =	sbr.rel @p0 .LBB2_8-.Ltmp8, $1  }
0x132: {  	_ =	sdelay $0x3  }
0x133: {  	vm0 =	vlt.f32 v21, v20  }
0x134: {  	vm1 =	vlt.f32 v23, v22;
	v20 =	vsel vm0, v11, v10  }
0x135: {  	vm14 =	vlt.f32 v25, v24;
	v20 =	vsel vm1, v12, v20  }
0x136: {  	vm15 =	vlt.f32 v27, v26;
	v20 =	vsel vm14, v13, v20  }
0x137: {  	vm4 =	vlt.f32 v29, v28;
	v20 =	vsel vm15, v14, v20  }
0x138: {  	vm5 =	vlt.f32 v31, v30;
	v20 =	vsel vm4, v15, v20  }
0x139: {  	vm6 =	vlt.f32 v33, v32;
	v20 =	vsel vm5, v16, v20  }
0x13a: {  	v20 =	vsel vm6, v17, v20  }
0x13b: {  	(xrf1) =	vsort.ascd.msk.f32 $0xffff, v19, v20;
	_ =	sdelay $0xb  }
0x13c: {  	v55 =	vld [tilespmem:$0xDD00];
	v56 =	vmul.u32 $0xFFFFFFFF, v0;
	_ =	sdelay $0x1  }
0x13d: {  	v21 =	vadd.s32 $0xF, v56;
	v22, v23, _ =	vpop (xrf1)  }
0x13e: {  	v22 =	vperm.xlane v22, v21  }
0x13f: {  	v21 =	vperm.xlane v23, v21  }
0x140: {  	vm7 =	vle.f32 v55, v22  }
0x141: {  	v20 =	vsel vm7, v55, v22;
	v18 =	vsel vm7, v18, v21  }
0x142: {  	(xrf1) =	vsort.ascd.msk.f32 $0xffff, v20, v18;
	_ =	sdelay $0xd  }
0x143: {  	v20, v18, _ =	vpop (xrf1)  }
0x144: {  	[tilespmem:$0xDD00] =	vst v20  }
0x145: {  	[tilespmem:$0xDD40] =	vst v18  }
0x146: {  	v20 =	vld [tilespmem:s24+$0xFFFFD800]  }
0x147: {  	v57 =	vld [tilespmem:s24+$0xFFFFD810];
	_ =	sdelay $0x1  }
0x148: {  	v58 =	vld [tilespmem:s24+$0xFFFFD820];
	_ =	sdelay $0x1  }
0x149: {  	v59 =	vld [tilespmem:s24+$0xFFFFD830]  }
0x14a: {  	vm8 =	vle.f32 v20, v19;
	vm9 =	vle.f32 v57, v19  }
0x14b: {  	v60 =	vld [tilespmem:s24+$0xFFFFD840];
	v20 =	vsel vm8, $0x7F61B1E6, v20;
	v21 =	vsel vm9, $0x7F61B1E6, v57  }
0x14c: {  	vm10 =	vle.f32 v58, v19;
	vm0 =	vlt.f32 v21, v20  }
0x14d: {  	v61 =	vld [tilespmem:s24+$0xFFFFD850];
	v22 =	vsel vm10, $0x7F61B1E6, v58;
	v25 =	vsel vm0, v21, v20  }
0x14e: {  	vm11 =	vle.f32 v59, v19;
	vm0 =	vlt.f32 v22, v25  }
0x14f: {  	v62 =	vld [tilespmem:s24+$0xFFFFD860];
	v23 =	vsel vm11, $0x7F61B1E6, v59;
	v27 =	vsel vm0, v22, v25  }
0x150: {  	vm12 =	vle.f32 v60, v19;
	vm0 =	vlt.f32 v23, v27  }
0x151: {  	v63 =	vld [tilespmem:s24+$0xFFFFD870];
	v24 =	vsel vm12, $0x7F61B1E6, v60;
	v29 =	vsel vm0, v23, v27  }
0x152: {  	vm13 =	vle.f32 v61, v19;
	vm0 =	vlt.f32 v24, v29  }
0x153: {  	v26 =	vsel vm13, $0x7F61B1E6, v61;
	v31 =	vsel vm0, v24, v29  }
0x154: {  	vm14 =	vle.f32 v62, v19;
	vm0 =	vlt.f32 v26, v31  }
0x155: {  	v28 =	vsel vm14, $0x7F61B1E6, v62;
	v32 =	vsel vm0, v26, v31  }
0x156: {  	vm15 =	vle.f32 v63, v19;
	vm0 =	vlt.f32 v28, v32  }
0x157: {  	v30 =	vsel vm15, $0x7F61B1E6, v63;
	v19 =	vsel vm0, v28, v32  }
0x158: {  	vm0 =	vlt.f32 v30, v19  }
0x159: {  	v33 =	vsel vm0, v30, v19  }
0x15a: {  	vm0 =	vlt.f32 v33, v3  }
0x15b: {  	v34 =	vmpcnt.ones.xlane vm0;
	_ =	sdelay $0x1  }
0x15c: {  	(v2sf) =	vpush v34, $0x0;
	_ =	sdelay $0xe  }
0x15d: {  	s26 =	spop (v2sf)  }
0x15e: {  	p0 =	slt.s32 s26, $0x1  }
0x15f: {  	vm0 =	vlt.f32 @!p0 v21, v20  }
0x160: {  	vm1 =	vlt.f32 @!p0 v22, v25;
	v10 =	vsel @!p0 vm0, v11, v10  }
0x161: {  	vm0 =	vlt.f32 @!p0 v23, v27;
	v10 =	vsel @!p0 vm1, v12, v10  }
0x162: {  	vm1 =	vlt.f32 @!p0 v24, v29;
	v10 =	vsel @!p0 vm0, v13, v10  }
0x163: {  	vm0 =	vlt.f32 @!p0 v26, v31;
	v10 =	vsel @!p0 vm1, v14, v10  }
0x164: {  	vm1 =	vlt.f32 @!p0 v28, v32;
	v10 =	vsel @!p0 vm0, v15, v10  }
0x165: {  	vm0 =	vlt.f32 @!p0 v30, v19;
	v10 =	vsel @!p0 vm1, v16, v10  }
0x166: {  	v10 =	vsel @!p0 vm0, v17, v10  }
0x167: {  	(xrf1) =	vsort.ascd.msk.f32 @!p0 $0xffff, v33, v10;
	_ =	sdelay $0xa  }
0x168: {  	v10 =	vlaneseq.u32 @!p0  }
0x169: {  	v11 =	vld @!p0 [tilespmem:$0xDD00];
	v10 =	vmul.u32 @!p0 $0xFFFFFFFF, v10;
	_ =	sdelay $0x1  }
0x16a: {  	v10 =	vadd.s32 @!p0 $0xF, v10;
	v12, v13, _ =	vpop @!p0 (xrf1)  }
0x16b: {  	v12 =	vperm.xlane @!p0 v12, v10  }
0x16c: {  	v10 =	vperm.xlane @!p0 v13, v10  }
0x16d: {  	vm0 =	vle.f32 @!p0 v11, v12  }
0x16e: {  	v11 =	vsel @!p0 vm0, v11, v12;
	v10 =	vsel @!p0 vm0, v18, v10  }
0x16f: {  	(xrf1) =	vsort.ascd.msk.f32 @!p0 $0xffff, v11, v10;
	_ =	sdelay $0xd  }
0x170: {  	v10, v11, _ =	vpop @!p0 (xrf1)  }
0x171: {  	[tilespmem:$0xDD00] =	vst @!p0 v10  }
0x172: {  	[tilespmem:$0xDD40] =	vst @!p0 v11  }
.LBB2_8:
0x173: {  	vm0 =	vlt.f32 v9, $0.0e+00  }
0x174: {  	v9 =	vmpcnt.ones.xlane vm0;
	_ =	sdelay $0x1  }
0x175: {  	(v2sf) =	vpush v9, $0x0;
	_ =	sdelay $0xe  }
0x176: {  	s26 =	spop (v2sf)  }
0x177: {  	p0 =	slt.s32 s26, $0x1  }
0x178: {  	v9 =	vld @!p0 [tilespmem:s24+$0xFFFFEC00]  }
0x179: {  	v10 =	vld @!p0 [tilespmem:s24+$0xFFFFEC10];
	_ =	sdelay $0x1  }
0x17a: {  	v11 =	vld @!p0 [tilespmem:s24+$0xFFFFEC20];
	_ =	sdelay $0x1  }
0x17b: {  	v12 =	vld @!p0 [tilespmem:s24+$0xFFFFEC30]  }
0x17c: {  	vm0 =	vlt.f32 @!p0 v10, v9  }
0x17d: {  	v13 =	vld @!p0 [tilespmem:s24+$0xFFFFEC40];
	v9 =	vsel @!p0 vm0, v10, v9  }
0x17e: {  	vm1 =	vlt.f32 @!p0 v11, v9  }
0x17f: {  	v14 =	vld @!p0 [tilespmem:s24+$0xFFFFEC50];
	v9 =	vsel @!p0 vm1, v11, v9  }
0x180: {  	vm2 =	vlt.f32 @!p0 v12, v9  }
0x181: {  	v17 =	vlaneseq.u32 @!p0;
	s26 =	sadd.s32 @!p0 $0xFFFFFFA0, s22;
	v16 =	vld @!p0 [tilespmem:s24+$0xFFFFEC60];
	v12 =	vsel @!p0 vm2, v12, v9  }
0x182: {  	v10 =	vor.u32 @!p0 s26, v17;
	s26 =	sadd.s32 @!p0 $0xFFFFFFB0, s22;
	v9 =	vor.u32 @!p0 s25, v17;
	vm3 =	vlt.f32 @!p0 v13, v12  }
0x183: {  	v19 =	vld @!p0 [tilespmem:s24+$0xFFFFEC70];
	v11 =	vor.u32 @!p0 s26, v17;
	s26 =	sadd.s32 @!p0 $0xFFFFFFC0, s22;
	v15 =	vsel @!p0 vm0, v10, v9;
	v18 =	vsel @!p0 vm3, v13, v12  }
0x184: {  	v13 =	vsel @!p0 vm1, v11, v15;
	v12 =	vor.u32 @!p0 s26, v17;
	s26 =	sadd.s32 @!p0 $0xFFFFFFD0, s22;
	vm0 =	vlt.f32 @!p0 v14, v18  }
0x185: {  	v15 =	vsel @!p0 vm2, v12, v13;
	v13 =	vor.u32 @!p0 s26, v17;
	s26 =	sadd.s32 @!p0 $0xFFFFFFE0, s22;
	v18 =	vsel @!p0 vm0, v14, v18  }
0x186: {  	v15 =	vsel @!p0 vm3, v13, v15;
	v14 =	vor.u32 @!p0 s26, v17;
	s26 =	sadd.s32 @!p0 $0xFFFFFFF0, s22;
	vm1 =	vlt.f32 @!p0 v16, v18  }
0x187: {  	v20 =	vsel @!p0 vm0, v14, v15;
	v15 =	vor.u32 @!p0 s26, v17;
	v18 =	vsel @!p0 vm1, v16, v18  }
0x188: {  	v20 =	vsel @!p0 vm1, v15, v20;
	v16 =	vor.u32 @!p0 s22, v17;
	vm0 =	vlt.f32 @!p0 v19, v18  }
0x189: {  	v18 =	vsel @!p0 vm0, v19, v18;
	v19 =	vsel @!p0 vm0, v16, v20  }
0x18a: {  	(xrf1) =	vsort.ascd.msk.f32 @!p0 $0xffff, v18, v19;
	_ =	sdelay $0xb  }
0x18b: {  	v17 =	vmul.u32 @!p0 $0xFFFFFFFF, v17;
	v19 =	vld @!p0 [tilespmem:$0xDD10]  }
0x18c: {  	v20 =	vld @!p0 [tilespmem:$0xDD50]  }
0x18d: {  	v17 =	vadd.s32 @!p0 $0xF, v17;
	v21, v22, _ =	vpop @!p0 (xrf1)  }
0x18e: {  	v21 =	vperm.xlane @!p0 v21, v17  }
0x18f: {  	v17 =	vperm.xlane @!p0 v22, v17  }
0x190: {  	vm0 =	vle.f32 @!p0 v19, v21  }
0x191: {  	v19 =	vsel @!p0 vm0, v19, v21;
	v17 =	vsel @!p0 vm0, v20, v17  }
0x192: {  	(xrf1) =	vsort.ascd.msk.f32 @!p0 $0xffff, v19, v17;
	_ =	sdelay $0xd  }
0x193: {  	v19, v17, _ =	vpop @!p0 (xrf1)  }
0x194: {  	[tilespmem:$0xDD10] =	vst @!p0 v19  }
0x195: {  	[tilespmem:$0xDD50] =	vst @!p0 v17  }
0x196: {  	v19 =	vld @!p0 [tilespmem:s24+$0xFFFFEC00]  }
0x197: {  	v20 =	vld @!p0 [tilespmem:s24+$0xFFFFEC10];
	_ =	sdelay $0x1  }
0x198: {  	v21 =	vld @!p0 [tilespmem:s24+$0xFFFFEC20];
	_ =	sdelay $0x1  }
0x199: {  	v22 =	vld @!p0 [tilespmem:s24+$0xFFFFEC30]  }
0x19a: {  	vm0 =	vle.f32 @!p0 v19, v18;
	vm1 =	vle.f32 @!p0 v20, v18  }
0x19b: {  	v23 =	vld @!p0 [tilespmem:s24+$0xFFFFEC40];
	v19 =	vsel @!p0 vm0, $0x7F61B1E6, v19;
	v20 =	vsel @!p0 vm1, $0x7F61B1E6, v20  }
0x19c: {  	vm1 =	vle.f32 @!p0 v21, v18;
	vm0 =	vlt.f32 @!p0 v20, v19  }
0x19d: {  	v25 =	vld @!p0 [tilespmem:s24+$0xFFFFEC50];
	v21 =	vsel @!p0 vm1, $0x7F61B1E6, v21;
	v24 =	vsel @!p0 vm0, v20, v19  }
0x19e: {  	vm1 =	vle.f32 @!p0 v22, v18;
	vm0 =	vlt.f32 @!p0 v21, v24  }
0x19f: {  	v27 =	vld @!p0 [tilespmem:s24+$0xFFFFEC60];
	v22 =	vsel @!p0 vm1, $0x7F61B1E6, v22;
	v26 =	vsel @!p0 vm0, v21, v24  }
0x1a0: {  	vm1 =	vle.f32 @!p0 v23, v18;
	vm0 =	vlt.f32 @!p0 v22, v26  }
0x1a1: {  	v29 =	vld @!p0 [tilespmem:s24+$0xFFFFEC70];
	v23 =	vsel @!p0 vm1, $0x7F61B1E6, v23;
	v28 =	vsel @!p0 vm0, v22, v26  }
0x1a2: {  	vm1 =	vle.f32 @!p0 v25, v18;
	vm0 =	vlt.f32 @!p0 v23, v28  }
0x1a3: {  	v25 =	vsel @!p0 vm1, $0x7F61B1E6, v25;
	v30 =	vsel @!p0 vm0, v23, v28  }
0x1a4: {  	vm1 =	vle.f32 @!p0 v27, v18;
	vm0 =	vlt.f32 @!p0 v25, v30  }
0x1a5: {  	v27 =	vsel @!p0 vm1, $0x7F61B1E6, v27;
	v31 =	vsel @!p0 vm0, v25, v30  }
0x1a6: {  	vm1 =	vle.f32 @!p0 v29, v18;
	vm0 =	vlt.f32 @!p0 v27, v31  }
0x1a7: {  	v29 =	vsel @!p0 vm1, $0x7F61B1E6, v29;
	v18 =	vsel @!p0 vm0, v27, v31  }
0x1a8: {  	vm0 =	vlt.f32 @!p0 v29, v18  }
0x1a9: {  	v32 =	vsel @!p0 vm0, v29, v18  }
0x1aa: {  	vm0 =	vlt.f32 @!p0 v32, v4  }
0x1ab: {  	v33 =	vmpcnt.ones.xlane @!p0 vm0;
	_ =	sdelay $0x1  }
0x1ac: {  	(v2sf) =	vpush @!p0 v33, $0x0;
	_ =	sdelay $0xe  }
0x1ad: {  	s26 =	spop @!p0 (v2sf)  }
0x1ae: {  	p1 =	slt.s32 @!p0 s26, $0x1  }
0x1af: {  	p0 =	por p0, p1  }
0x1b0: {  	vm0 =	vlt.f32 @!p0 v20, v19  }
0x1b1: {  	vm1 =	vlt.f32 @!p0 v21, v24;
	v19 =	vsel @!p0 vm0, v10, v9  }
0x1b2: {  	vm0 =	vlt.f32 @!p0 v22, v26;
	v19 =	vsel @!p0 vm1, v11, v19  }
0x1b3: {  	vm1 =	vlt.f32 @!p0 v23, v28;
	v19 =	vsel @!p0 vm0, v12, v19  }
0x1b4: {  	vm0 =	vlt.f32 @!p0 v25, v30;
	v19 =	vsel @!p0 vm1, v13, v19  }
0x1b5: {  	vm1 =	vlt.f32 @!p0 v27, v31;
	v19 =	vsel @!p0 vm0, v14, v19  }
0x1b6: {  	vm0 =	vlt.f32 @!p0 v29, v18;
	v18 =	vsel @!p0 vm1, v15, v19  }
0x1b7: {  	v18 =	vsel @!p0 vm0, v16, v18  }
0x1b8: {  	(xrf1) =	vsort.ascd.msk.f32 @!p0 $0xffff, v32, v18;
	_ =	sdelay $0xa  }
0x1b9: {  	v18 =	vlaneseq.u32 @!p0  }
0x1ba: {  	v19 =	vld @!p0 [tilespmem:$0xDD10];
	v18 =	vmul.u32 @!p0 $0xFFFFFFFF, v18;
	_ =	sdelay $0x1  }
0x1bb: {  	v18 =	vadd.s32 @!p0 $0xF, v18;
	v20, v21, _ =	vpop @!p0 (xrf1)  }
0x1bc: {  	v20 =	vperm.xlane @!p0 v20, v18  }
0x1bd: {  	v18 =	vperm.xlane @!p0 v21, v18  }
0x1be: {  	vm0 =	vle.f32 @!p0 v19, v20  }
0x1bf: {  	v19 =	vsel @!p0 vm0, v19, v20;
	v17 =	vsel @!p0 vm0, v17, v18  }
0x1c0: {  	(xrf1) =	vsort.ascd.msk.f32 @!p0 $0xffff, v19, v17;
	_ =	sdelay $0xd  }
0x1c1: {  	v18, v17, _ =	vpop @!p0 (xrf1)  }
0x1c2: {  	[tilespmem:$0xDD10] =	vst @!p0 v18  }
0x1c3: {  	[tilespmem:$0xDD50] =	vst @!p0 v17  }
0x1c4: {  	v18 =	vld @!p0 [tilespmem:s24+$0xFFFFEC00]  }
0x1c5: {  	v20 =	vld @!p0 [tilespmem:s24+$0xFFFFEC10];
	_ =	sdelay $0x1  }
0x1c6: {  	v22 =	vld @!p0 [tilespmem:s24+$0xFFFFEC20];
	_ =	sdelay $0x1  }
0x1c7: {  	v24 =	vld @!p0 [tilespmem:s24+$0xFFFFEC30]  }
0x1c8: {  	vm0 =	vle.f32 @!p0 v18, v32;
	vm1 =	vle.f32 @!p0 v20, v32  }
0x1c9: {  	v19 =	vsel @!p0 vm0, $0x7F61B1E6, v18;
	v20 =	vsel @!p0 vm1, $0x7F61B1E6, v20;
	v18 =	vld @!p0 [tilespmem:s24+$0xFFFFEC40]  }
0x1ca: {  	vm1 =	vle.f32 @!p0 v22, v32;
	vm0 =	vlt.f32 @!p0 v20, v19  }
0x1cb: {  	v28 =	vld @!p0 [tilespmem:s24+$0xFFFFEC50];
	v22 =	vsel @!p0 vm1, $0x7F61B1E6, v22;
	v21 =	vsel @!p0 vm0, v20, v19  }
0x1cc: {  	vm1 =	vle.f32 @!p0 v24, v32;
	vm0 =	vlt.f32 @!p0 v22, v21  }
0x1cd: {  	v30 =	vld @!p0 [tilespmem:s24+$0xFFFFEC60];
	v24 =	vsel @!p0 vm1, $0x7F61B1E6, v24;
	v23 =	vsel @!p0 vm0, v22, v21  }
0x1ce: {  	vm0 =	vlt.f32 @!p0 v24, v23;
	vm1 =	vle.f32 @!p0 v18, v32  }
0x1cf: {  	v25 =	vsel @!p0 vm0, v24, v23;
	v26 =	vsel @!p0 vm1, $0x7F61B1E6, v18;
	v18 =	vld @!p0 [tilespmem:s24+$0xFFFFEC70]  }
0x1d0: {  	vm1 =	vle.f32 @!p0 v28, v32;
	vm0 =	vlt.f32 @!p0 v26, v25  }
0x1d1: {  	v28 =	vsel @!p0 vm1, $0x7F61B1E6, v28;
	v27 =	vsel @!p0 vm0, v26, v25  }
0x1d2: {  	vm1 =	vle.f32 @!p0 v30, v32;
	vm0 =	vlt.f32 @!p0 v28, v27  }
0x1d3: {  	v30 =	vsel @!p0 vm1, $0x7F61B1E6, v30;
	v29 =	vsel @!p0 vm0, v28, v27  }
0x1d4: {  	vm0 =	vlt.f32 @!p0 v30, v29;
	vm1 =	vle.f32 @!p0 v18, v32  }
0x1d5: {  	v31 =	vsel @!p0 vm0, v30, v29;
	v32 =	vsel @!p0 vm1, $0x7F61B1E6, v18  }
0x1d6: {  	vm0 =	vlt.f32 @!p0 v32, v31  }
0x1d7: {  	v18 =	vsel @!p0 vm0, v32, v31  }
0x1d8: {  	vm0 =	vlt.f32 @!p0 v18, v4  }
0x1d9: {  	v33 =	vmpcnt.ones.xlane @!p0 vm0;
	_ =	sdelay $0x1  }
0x1da: {  	(v2sf) =	vpush @!p0 v33, $0x0;
	_ =	sdelay $0xe  }
0x1db: {  	s26 =	spop @!p0 (v2sf)  }
0x1dc: {  	p1 =	slt.s32 @!p0 s26, $0x1  }
0x1dd: {  	p0 =	por p0, p1  }
.Ltmp9:
0x1de: {  	_ = 	snop;
	(pc) =	sbr.rel @p0 .LBB2_10-.Ltmp9, $1  }
0x1df: {  	_ =	sdelay $0x3  }
0x1e0: {  	vm0 =	vlt.f32 v20, v19  }
0x1e1: {  	vm1 =	vlt.f32 v22, v21;
	v19 =	vsel vm0, v10, v9  }
0x1e2: {  	vm14 =	vlt.f32 v24, v23;
	v19 =	vsel vm1, v11, v19  }
0x1e3: {  	vm15 =	vlt.f32 v26, v25;
	v19 =	vsel vm14, v12, v19  }
0x1e4: {  	vm4 =	vlt.f32 v28, v27;
	v19 =	vsel vm15, v13, v19  }
0x1e5: {  	vm5 =	vlt.f32 v30, v29;
	v19 =	vsel vm4, v14, v19  }
0x1e6: {  	vm6 =	vlt.f32 v32, v31;
	v19 =	vsel vm5, v15, v19  }
0x1e7: {  	v19 =	vsel vm6, v16, v19  }
0x1e8: {  	(xrf1) =	vsort.ascd.msk.f32 $0xffff, v18, v19;
	_ =	sdelay $0xb  }
0x1e9: {  	v55 =	vld [tilespmem:$0xDD10];
	v56 =	vmul.u32 $0xFFFFFFFF, v0;
	_ =	sdelay $0x1  }
0x1ea: {  	v20 =	vadd.s32 $0xF, v56;
	v21, v22, _ =	vpop (xrf1)  }
0x1eb: {  	v21 =	vperm.xlane v21, v20  }
0x1ec: {  	v20 =	vperm.xlane v22, v20  }
0x1ed: {  	vm7 =	vle.f32 v55, v21  }
0x1ee: {  	v19 =	vsel vm7, v55, v21;
	v17 =	vsel vm7, v17, v20  }
0x1ef: {  	(xrf1) =	vsort.ascd.msk.f32 $0xffff, v19, v17;
	_ =	sdelay $0xd  }
0x1f0: {  	v19, v17, _ =	vpop (xrf1)  }
0x1f1: {  	[tilespmem:$0xDD10] =	vst v19  }
0x1f2: {  	[tilespmem:$0xDD50] =	vst v17  }
0x1f3: {  	v19 =	vld [tilespmem:s24+$0xFFFFEC00]  }
0x1f4: {  	v57 =	vld [tilespmem:s24+$0xFFFFEC10];
	_ =	sdelay $0x1  }
0x1f5: {  	v58 =	vld [tilespmem:s24+$0xFFFFEC20];
	_ =	sdelay $0x1  }
0x1f6: {  	v59 =	vld [tilespmem:s24+$0xFFFFEC30]  }
0x1f7: {  	vm8 =	vle.f32 v19, v18;
	vm9 =	vle.f32 v57, v18  }
0x1f8: {  	v60 =	vld [tilespmem:s24+$0xFFFFEC40];
	v19 =	vsel vm8, $0x7F61B1E6, v19;
	v20 =	vsel vm9, $0x7F61B1E6, v57  }
0x1f9: {  	vm10 =	vle.f32 v58, v18;
	vm0 =	vlt.f32 v20, v19  }
0x1fa: {  	v61 =	vld [tilespmem:s24+$0xFFFFEC50];
	v21 =	vsel vm10, $0x7F61B1E6, v58;
	v24 =	vsel vm0, v20, v19  }
0x1fb: {  	vm11 =	vle.f32 v59, v18;
	vm0 =	vlt.f32 v21, v24  }
0x1fc: {  	v62 =	vld [tilespmem:s24+$0xFFFFEC60];
	v22 =	vsel vm11, $0x7F61B1E6, v59;
	v26 =	vsel vm0, v21, v24  }
0x1fd: {  	vm12 =	vle.f32 v60, v18;
	vm0 =	vlt.f32 v22, v26  }
0x1fe: {  	v63 =	vld [tilespmem:s24+$0xFFFFEC70];
	v23 =	vsel vm12, $0x7F61B1E6, v60;
	v28 =	vsel vm0, v22, v26  }
0x1ff: {  	vm13 =	vle.f32 v61, v18;
	vm0 =	vlt.f32 v23, v28  }
0x200: {  	v25 =	vsel vm13, $0x7F61B1E6, v61;
	v30 =	vsel vm0, v23, v28  }
0x201: {  	vm14 =	vle.f32 v62, v18;
	vm0 =	vlt.f32 v25, v30  }
0x202: {  	v27 =	vsel vm14, $0x7F61B1E6, v62;
	v31 =	vsel vm0, v25, v30  }
0x203: {  	vm15 =	vle.f32 v63, v18;
	vm0 =	vlt.f32 v27, v31  }
0x204: {  	v29 =	vsel vm15, $0x7F61B1E6, v63;
	v18 =	vsel vm0, v27, v31  }
0x205: {  	vm0 =	vlt.f32 v29, v18  }
0x206: {  	v32 =	vsel vm0, v29, v18  }
0x207: {  	vm0 =	vlt.f32 v32, v4  }
0x208: {  	v33 =	vmpcnt.ones.xlane vm0;
	_ =	sdelay $0x1  }
0x209: {  	(v2sf) =	vpush v33, $0x0;
	_ =	sdelay $0xe  }
0x20a: {  	s26 =	spop (v2sf)  }
0x20b: {  	p0 =	slt.s32 s26, $0x1  }
0x20c: {  	vm0 =	vlt.f32 @!p0 v20, v19  }
0x20d: {  	vm1 =	vlt.f32 @!p0 v21, v24;
	v9 =	vsel @!p0 vm0, v10, v9  }
0x20e: {  	vm0 =	vlt.f32 @!p0 v22, v26;
	v9 =	vsel @!p0 vm1, v11, v9  }
0x20f: {  	vm1 =	vlt.f32 @!p0 v23, v28;
	v9 =	vsel @!p0 vm0, v12, v9  }
0x210: {  	vm0 =	vlt.f32 @!p0 v25, v30;
	v9 =	vsel @!p0 vm1, v13, v9  }
0x211: {  	vm1 =	vlt.f32 @!p0 v27, v31;
	v9 =	vsel @!p0 vm0, v14, v9  }
0x212: {  	vm0 =	vlt.f32 @!p0 v29, v18;
	v9 =	vsel @!p0 vm1, v15, v9  }
0x213: {  	v9 =	vsel @!p0 vm0, v16, v9  }
0x214: {  	(xrf1) =	vsort.ascd.msk.f32 @!p0 $0xffff, v32, v9;
	_ =	sdelay $0xa  }
0x215: {  	v9 =	vlaneseq.u32 @!p0  }
0x216: {  	v10 =	vld @!p0 [tilespmem:$0xDD10];
	v9 =	vmul.u32 @!p0 $0xFFFFFFFF, v9;
	_ =	sdelay $0x1  }
0x217: {  	v9 =	vadd.s32 @!p0 $0xF, v9;
	v11, v12, _ =	vpop @!p0 (xrf1)  }
0x218: {  	v11 =	vperm.xlane @!p0 v11, v9  }
0x219: {  	v9 =	vperm.xlane @!p0 v12, v9  }
0x21a: {  	vm0 =	vle.f32 @!p0 v10, v11  }
0x21b: {  	v10 =	vsel @!p0 vm0, v10, v11;
	v9 =	vsel @!p0 vm0, v17, v9  }
0x21c: {  	(xrf1) =	vsort.ascd.msk.f32 @!p0 $0xffff, v10, v9;
	_ =	sdelay $0xd  }
0x21d: {  	v9, v10, _ =	vpop @!p0 (xrf1)  }
0x21e: {  	[tilespmem:$0xDD10] =	vst @!p0 v9  }
0x21f: {  	[tilespmem:$0xDD50] =	vst @!p0 v10  }
.LBB2_10:
0x220: {  	vm0 =	vlt.f32 v8, $0.0e+00  }
0x221: {  	v8 =	vmpcnt.ones.xlane vm0;
	_ =	sdelay $0x1  }
0x222: {  	(v2sf) =	vpush v8, $0x0;
	_ =	sdelay $0xe  }
0x223: {  	s26 =	spop (v2sf)  }
0x224: {  	p0 =	slt.s32 s26, $0x1  }
0x225: {  	v8 =	vld @!p0 [tilespmem:s24+$0x0]  }
0x226: {  	v9 =	vld @!p0 [tilespmem:s24+$0x10];
	_ =	sdelay $0x1  }
0x227: {  	v10 =	vld @!p0 [tilespmem:s24+$0x20];
	_ =	sdelay $0x1  }
0x228: {  	v11 =	vld @!p0 [tilespmem:s24+$0x30]  }
0x229: {  	vm0 =	vlt.f32 @!p0 v9, v8  }
0x22a: {  	v12 =	vld @!p0 [tilespmem:s24+$0x40];
	v8 =	vsel @!p0 vm0, v9, v8  }
0x22b: {  	vm1 =	vlt.f32 @!p0 v10, v8  }
0x22c: {  	v13 =	vld @!p0 [tilespmem:s24+$0x50];
	v8 =	vsel @!p0 vm1, v10, v8  }
0x22d: {  	vm2 =	vlt.f32 @!p0 v11, v8  }
0x22e: {  	v16 =	vlaneseq.u32 @!p0;
	s26 =	sadd.s32 @!p0 $0xFFFFFFA0, s22;
	v15 =	vld @!p0 [tilespmem:s24+$0x60];
	v11 =	vsel @!p0 vm2, v11, v8  }
0x22f: {  	v9 =	vor.u32 @!p0 s26, v16;
	s26 =	sadd.s32 @!p0 $0xFFFFFFB0, s22;
	v8 =	vor.u32 @!p0 s25, v16;
	vm3 =	vlt.f32 @!p0 v12, v11  }
0x230: {  	v18 =	vld @!p0 [tilespmem:s24+$0x70];
	v10 =	vor.u32 @!p0 s26, v16;
	s26 =	sadd.s32 @!p0 $0xFFFFFFC0, s22;
	v14 =	vsel @!p0 vm0, v9, v8;
	v17 =	vsel @!p0 vm3, v12, v11  }
0x231: {  	v12 =	vsel @!p0 vm1, v10, v14;
	v11 =	vor.u32 @!p0 s26, v16;
	s26 =	sadd.s32 @!p0 $0xFFFFFFD0, s22;
	vm0 =	vlt.f32 @!p0 v13, v17  }
0x232: {  	v14 =	vsel @!p0 vm2, v11, v12;
	v12 =	vor.u32 @!p0 s26, v16;
	s26 =	sadd.s32 @!p0 $0xFFFFFFE0, s22;
	v17 =	vsel @!p0 vm0, v13, v17  }
0x233: {  	v14 =	vsel @!p0 vm3, v12, v14;
	v13 =	vor.u32 @!p0 s26, v16;
	s26 =	sadd.s32 @!p0 $0xFFFFFFF0, s22;
	vm1 =	vlt.f32 @!p0 v15, v17  }
0x234: {  	v19 =	vsel @!p0 vm0, v13, v14;
	v14 =	vor.u32 @!p0 s26, v16;
	v17 =	vsel @!p0 vm1, v15, v17  }
0x235: {  	v19 =	vsel @!p0 vm1, v14, v19;
	v15 =	vor.u32 @!p0 s22, v16;
	vm0 =	vlt.f32 @!p0 v18, v17  }
0x236: {  	v17 =	vsel @!p0 vm0, v18, v17;
	v18 =	vsel @!p0 vm0, v15, v19  }
0x237: {  	(xrf1) =	vsort.ascd.msk.f32 @!p0 $0xffff, v17, v18;
	_ =	sdelay $0xb  }
0x238: {  	v16 =	vmul.u32 @!p0 $0xFFFFFFFF, v16;
	v18 =	vld @!p0 [tilespmem:$0xDD20]  }
0x239: {  	v19 =	vld @!p0 [tilespmem:$0xDD60]  }
0x23a: {  	v16 =	vadd.s32 @!p0 $0xF, v16;
	v20, v21, _ =	vpop @!p0 (xrf1)  }
0x23b: {  	v20 =	vperm.xlane @!p0 v20, v16  }
0x23c: {  	v16 =	vperm.xlane @!p0 v21, v16  }
0x23d: {  	vm0 =	vle.f32 @!p0 v18, v20  }
0x23e: {  	v18 =	vsel @!p0 vm0, v18, v20;
	v16 =	vsel @!p0 vm0, v19, v16  }
0x23f: {  	(xrf1) =	vsort.ascd.msk.f32 @!p0 $0xffff, v18, v16;
	_ =	sdelay $0xd  }
0x240: {  	v18, v16, _ =	vpop @!p0 (xrf1)  }
0x241: {  	[tilespmem:$0xDD20] =	vst @!p0 v18  }
0x242: {  	[tilespmem:$0xDD60] =	vst @!p0 v16  }
0x243: {  	v18 =	vld @!p0 [tilespmem:s24+$0x0]  }
0x244: {  	v19 =	vld @!p0 [tilespmem:s24+$0x10];
	_ =	sdelay $0x1  }
0x245: {  	v20 =	vld @!p0 [tilespmem:s24+$0x20];
	_ =	sdelay $0x1  }
0x246: {  	v21 =	vld @!p0 [tilespmem:s24+$0x30]  }
0x247: {  	vm0 =	vle.f32 @!p0 v18, v17;
	vm1 =	vle.f32 @!p0 v19, v17  }
0x248: {  	v22 =	vld @!p0 [tilespmem:s24+$0x40];
	v18 =	vsel @!p0 vm0, $0x7F61B1E6, v18;
	v19 =	vsel @!p0 vm1, $0x7F61B1E6, v19  }
0x249: {  	vm1 =	vle.f32 @!p0 v20, v17;
	vm0 =	vlt.f32 @!p0 v19, v18  }
0x24a: {  	v24 =	vld @!p0 [tilespmem:s24+$0x50];
	v20 =	vsel @!p0 vm1, $0x7F61B1E6, v20;
	v23 =	vsel @!p0 vm0, v19, v18  }
0x24b: {  	vm1 =	vle.f32 @!p0 v21, v17;
	vm0 =	vlt.f32 @!p0 v20, v23  }
0x24c: {  	v26 =	vld @!p0 [tilespmem:s24+$0x60];
	v21 =	vsel @!p0 vm1, $0x7F61B1E6, v21;
	v25 =	vsel @!p0 vm0, v20, v23  }
0x24d: {  	vm1 =	vle.f32 @!p0 v22, v17;
	vm0 =	vlt.f32 @!p0 v21, v25  }
0x24e: {  	v28 =	vld @!p0 [tilespmem:s24+$0x70];
	v22 =	vsel @!p0 vm1, $0x7F61B1E6, v22;
	v27 =	vsel @!p0 vm0, v21, v25  }
0x24f: {  	vm1 =	vle.f32 @!p0 v24, v17;
	vm0 =	vlt.f32 @!p0 v22, v27  }
0x250: {  	v24 =	vsel @!p0 vm1, $0x7F61B1E6, v24;
	v29 =	vsel @!p0 vm0, v22, v27  }
0x251: {  	vm1 =	vle.f32 @!p0 v26, v17;
	vm0 =	vlt.f32 @!p0 v24, v29  }
0x252: {  	v26 =	vsel @!p0 vm1, $0x7F61B1E6, v26;
	v30 =	vsel @!p0 vm0, v24, v29  }
0x253: {  	vm1 =	vle.f32 @!p0 v28, v17;
	vm0 =	vlt.f32 @!p0 v26, v30  }
0x254: {  	v28 =	vsel @!p0 vm1, $0x7F61B1E6, v28;
	v17 =	vsel @!p0 vm0, v26, v30  }
0x255: {  	vm0 =	vlt.f32 @!p0 v28, v17  }
0x256: {  	v31 =	vsel @!p0 vm0, v28, v17  }
0x257: {  	vm0 =	vlt.f32 @!p0 v31, v5  }
0x258: {  	v32 =	vmpcnt.ones.xlane @!p0 vm0;
	_ =	sdelay $0x1  }
0x259: {  	(v2sf) =	vpush @!p0 v32, $0x0;
	_ =	sdelay $0xe  }
0x25a: {  	s26 =	spop @!p0 (v2sf)  }
0x25b: {  	p1 =	slt.s32 @!p0 s26, $0x1  }
0x25c: {  	p0 =	por p0, p1  }
0x25d: {  	vm0 =	vlt.f32 @!p0 v19, v18  }
0x25e: {  	vm1 =	vlt.f32 @!p0 v20, v23;
	v18 =	vsel @!p0 vm0, v9, v8  }
0x25f: {  	vm0 =	vlt.f32 @!p0 v21, v25;
	v18 =	vsel @!p0 vm1, v10, v18  }
0x260: {  	vm1 =	vlt.f32 @!p0 v22, v27;
	v18 =	vsel @!p0 vm0, v11, v18  }
0x261: {  	vm0 =	vlt.f32 @!p0 v24, v29;
	v18 =	vsel @!p0 vm1, v12, v18  }
0x262: {  	vm1 =	vlt.f32 @!p0 v26, v30;
	v18 =	vsel @!p0 vm0, v13, v18  }
0x263: {  	vm0 =	vlt.f32 @!p0 v28, v17;
	v17 =	vsel @!p0 vm1, v14, v18  }
0x264: {  	v17 =	vsel @!p0 vm0, v15, v17  }
0x265: {  	(xrf1) =	vsort.ascd.msk.f32 @!p0 $0xffff, v31, v17;
	_ =	sdelay $0xa  }
0x266: {  	v17 =	vlaneseq.u32 @!p0  }
0x267: {  	v18 =	vld @!p0 [tilespmem:$0xDD20];
	v17 =	vmul.u32 @!p0 $0xFFFFFFFF, v17;
	_ =	sdelay $0x1  }
0x268: {  	v17 =	vadd.s32 @!p0 $0xF, v17;
	v19, v20, _ =	vpop @!p0 (xrf1)  }
0x269: {  	v19 =	vperm.xlane @!p0 v19, v17  }
0x26a: {  	v17 =	vperm.xlane @!p0 v20, v17  }
0x26b: {  	vm0 =	vle.f32 @!p0 v18, v19  }
0x26c: {  	v18 =	vsel @!p0 vm0, v18, v19;
	v16 =	vsel @!p0 vm0, v16, v17  }
0x26d: {  	(xrf1) =	vsort.ascd.msk.f32 @!p0 $0xffff, v18, v16;
	_ =	sdelay $0xd  }
0x26e: {  	v17, v16, _ =	vpop @!p0 (xrf1)  }
0x26f: {  	[tilespmem:$0xDD20] =	vst @!p0 v17  }
0x270: {  	[tilespmem:$0xDD60] =	vst @!p0 v16  }
0x271: {  	v17 =	vld @!p0 [tilespmem:s24+$0x0]  }
0x272: {  	v19 =	vld @!p0 [tilespmem:s24+$0x10];
	_ =	sdelay $0x1  }
0x273: {  	v21 =	vld @!p0 [tilespmem:s24+$0x20];
	_ =	sdelay $0x1  }
0x274: {  	v23 =	vld @!p0 [tilespmem:s24+$0x30]  }
0x275: {  	vm0 =	vle.f32 @!p0 v17, v31;
	vm1 =	vle.f32 @!p0 v19, v31  }
0x276: {  	v18 =	vsel @!p0 vm0, $0x7F61B1E6, v17;
	v19 =	vsel @!p0 vm1, $0x7F61B1E6, v19;
	v17 =	vld @!p0 [tilespmem:s24+$0x40]  }
0x277: {  	vm1 =	vle.f32 @!p0 v21, v31;
	vm0 =	vlt.f32 @!p0 v19, v18  }
0x278: {  	v27 =	vld @!p0 [tilespmem:s24+$0x50];
	v21 =	vsel @!p0 vm1, $0x7F61B1E6, v21;
	v20 =	vsel @!p0 vm0, v19, v18  }
0x279: {  	vm1 =	vle.f32 @!p0 v23, v31;
	vm0 =	vlt.f32 @!p0 v21, v20  }
0x27a: {  	v29 =	vld @!p0 [tilespmem:s24+$0x60];
	v23 =	vsel @!p0 vm1, $0x7F61B1E6, v23;
	v22 =	vsel @!p0 vm0, v21, v20  }
0x27b: {  	vm0 =	vlt.f32 @!p0 v23, v22;
	vm1 =	vle.f32 @!p0 v17, v31  }
0x27c: {  	v24 =	vsel @!p0 vm0, v23, v22;
	v25 =	vsel @!p0 vm1, $0x7F61B1E6, v17;
	v17 =	vld @!p0 [tilespmem:s24+$0x70]  }
0x27d: {  	vm1 =	vle.f32 @!p0 v27, v31;
	vm0 =	vlt.f32 @!p0 v25, v24  }
0x27e: {  	v27 =	vsel @!p0 vm1, $0x7F61B1E6, v27;
	v26 =	vsel @!p0 vm0, v25, v24  }
0x27f: {  	vm1 =	vle.f32 @!p0 v29, v31;
	vm0 =	vlt.f32 @!p0 v27, v26  }
0x280: {  	v29 =	vsel @!p0 vm1, $0x7F61B1E6, v29;
	v28 =	vsel @!p0 vm0, v27, v26  }
0x281: {  	vm0 =	vlt.f32 @!p0 v29, v28;
	vm1 =	vle.f32 @!p0 v17, v31  }
0x282: {  	v30 =	vsel @!p0 vm0, v29, v28;
	v31 =	vsel @!p0 vm1, $0x7F61B1E6, v17  }
0x283: {  	vm0 =	vlt.f32 @!p0 v31, v30  }
0x284: {  	v17 =	vsel @!p0 vm0, v31, v30  }
0x285: {  	vm0 =	vlt.f32 @!p0 v17, v5  }
0x286: {  	v32 =	vmpcnt.ones.xlane @!p0 vm0;
	_ =	sdelay $0x1  }
0x287: {  	(v2sf) =	vpush @!p0 v32, $0x0;
	_ =	sdelay $0xe  }
0x288: {  	s26 =	spop @!p0 (v2sf)  }
0x289: {  	p1 =	slt.s32 @!p0 s26, $0x1  }
0x28a: {  	p0 =	por p0, p1  }
.Ltmp10:
0x28b: {  	_ = 	snop;
	(pc) =	sbr.rel @p0 .LBB2_12-.Ltmp10, $1  }
0x28c: {  	_ =	sdelay $0x3  }
0x28d: {  	vm0 =	vlt.f32 v19, v18  }
0x28e: {  	vm1 =	vlt.f32 v21, v20;
	v18 =	vsel vm0, v9, v8  }
0x28f: {  	vm14 =	vlt.f32 v23, v22;
	v18 =	vsel vm1, v10, v18  }
0x290: {  	vm15 =	vlt.f32 v25, v24;
	v18 =	vsel vm14, v11, v18  }
0x291: {  	vm4 =	vlt.f32 v27, v26;
	v18 =	vsel vm15, v12, v18  }
0x292: {  	vm5 =	vlt.f32 v29, v28;
	v18 =	vsel vm4, v13, v18  }
0x293: {  	vm6 =	vlt.f32 v31, v30;
	v18 =	vsel vm5, v14, v18  }
0x294: {  	v18 =	vsel vm6, v15, v18  }
0x295: {  	(xrf1) =	vsort.ascd.msk.f32 $0xffff, v17, v18;
	_ =	sdelay $0xb  }
0x296: {  	v55 =	vld [tilespmem:$0xDD20];
	v56 =	vmul.u32 $0xFFFFFFFF, v0;
	_ =	sdelay $0x1  }
0x297: {  	v19 =	vadd.s32 $0xF, v56;
	v20, v21, _ =	vpop (xrf1)  }
0x298: {  	v20 =	vperm.xlane v20, v19  }
0x299: {  	v19 =	vperm.xlane v21, v19  }
0x29a: {  	vm7 =	vle.f32 v55, v20  }
0x29b: {  	v18 =	vsel vm7, v55, v20;
	v16 =	vsel vm7, v16, v19  }
0x29c: {  	(xrf1) =	vsort.ascd.msk.f32 $0xffff, v18, v16;
	_ =	sdelay $0xd  }
0x29d: {  	v18, v16, _ =	vpop (xrf1)  }
0x29e: {  	[tilespmem:$0xDD20] =	vst v18  }
0x29f: {  	[tilespmem:$0xDD60] =	vst v16  }
0x2a0: {  	v18 =	vld [tilespmem:s24+$0x0]  }
0x2a1: {  	v57 =	vld [tilespmem:s24+$0x10];
	_ =	sdelay $0x1  }
0x2a2: {  	v58 =	vld [tilespmem:s24+$0x20];
	_ =	sdelay $0x1  }
0x2a3: {  	v59 =	vld [tilespmem:s24+$0x30]  }
0x2a4: {  	vm8 =	vle.f32 v18, v17;
	vm9 =	vle.f32 v57, v17  }
0x2a5: {  	v60 =	vld [tilespmem:s24+$0x40];
	v18 =	vsel vm8, $0x7F61B1E6, v18;
	v19 =	vsel vm9, $0x7F61B1E6, v57  }
0x2a6: {  	vm10 =	vle.f32 v58, v17;
	vm0 =	vlt.f32 v19, v18  }
0x2a7: {  	v61 =	vld [tilespmem:s24+$0x50];
	v20 =	vsel vm10, $0x7F61B1E6, v58;
	v23 =	vsel vm0, v19, v18  }
0x2a8: {  	vm11 =	vle.f32 v59, v17;
	vm0 =	vlt.f32 v20, v23  }
0x2a9: {  	v62 =	vld [tilespmem:s24+$0x60];
	v21 =	vsel vm11, $0x7F61B1E6, v59;
	v25 =	vsel vm0, v20, v23  }
0x2aa: {  	vm12 =	vle.f32 v60, v17;
	vm0 =	vlt.f32 v21, v25  }
0x2ab: {  	v63 =	vld [tilespmem:s24+$0x70];
	v22 =	vsel vm12, $0x7F61B1E6, v60;
	v27 =	vsel vm0, v21, v25  }
0x2ac: {  	vm13 =	vle.f32 v61, v17;
	vm0 =	vlt.f32 v22, v27  }
0x2ad: {  	v24 =	vsel vm13, $0x7F61B1E6, v61;
	v29 =	vsel vm0, v22, v27  }
0x2ae: {  	vm14 =	vle.f32 v62, v17;
	vm0 =	vlt.f32 v24, v29  }
0x2af: {  	v26 =	vsel vm14, $0x7F61B1E6, v62;
	v30 =	vsel vm0, v24, v29  }
0x2b0: {  	vm15 =	vle.f32 v63, v17;
	vm0 =	vlt.f32 v26, v30  }
0x2b1: {  	v28 =	vsel vm15, $0x7F61B1E6, v63;
	v17 =	vsel vm0, v26, v30  }
0x2b2: {  	vm0 =	vlt.f32 v28, v17  }
0x2b3: {  	v31 =	vsel vm0, v28, v17  }
0x2b4: {  	vm0 =	vlt.f32 v31, v5  }
0x2b5: {  	v32 =	vmpcnt.ones.xlane vm0;
	_ =	sdelay $0x1  }
0x2b6: {  	(v2sf) =	vpush v32, $0x0;
	_ =	sdelay $0xe  }
0x2b7: {  	s26 =	spop (v2sf)  }
0x2b8: {  	p0 =	slt.s32 s26, $0x1  }
0x2b9: {  	vm0 =	vlt.f32 @!p0 v19, v18  }
0x2ba: {  	vm1 =	vlt.f32 @!p0 v20, v23;
	v8 =	vsel @!p0 vm0, v9, v8  }
0x2bb: {  	vm0 =	vlt.f32 @!p0 v21, v25;
	v8 =	vsel @!p0 vm1, v10, v8  }
0x2bc: {  	vm1 =	vlt.f32 @!p0 v22, v27;
	v8 =	vsel @!p0 vm0, v11, v8  }
0x2bd: {  	vm0 =	vlt.f32 @!p0 v24, v29;
	v8 =	vsel @!p0 vm1, v12, v8  }
0x2be: {  	vm1 =	vlt.f32 @!p0 v26, v30;
	v8 =	vsel @!p0 vm0, v13, v8  }
0x2bf: {  	vm0 =	vlt.f32 @!p0 v28, v17;
	v8 =	vsel @!p0 vm1, v14, v8  }
0x2c0: {  	v8 =	vsel @!p0 vm0, v15, v8  }
0x2c1: {  	(xrf1) =	vsort.ascd.msk.f32 @!p0 $0xffff, v31, v8;
	_ =	sdelay $0xa  }
0x2c2: {  	v8 =	vlaneseq.u32 @!p0  }
0x2c3: {  	v9 =	vld @!p0 [tilespmem:$0xDD20];
	v8 =	vmul.u32 @!p0 $0xFFFFFFFF, v8;
	_ =	sdelay $0x1  }
0x2c4: {  	v8 =	vadd.s32 @!p0 $0xF, v8;
	v10, v11, _ =	vpop @!p0 (xrf1)  }
0x2c5: {  	v10 =	vperm.xlane @!p0 v10, v8  }
0x2c6: {  	v8 =	vperm.xlane @!p0 v11, v8  }
0x2c7: {  	vm0 =	vle.f32 @!p0 v9, v10  }
0x2c8: {  	v9 =	vsel @!p0 vm0, v9, v10;
	v8 =	vsel @!p0 vm0, v16, v8  }
0x2c9: {  	(xrf1) =	vsort.ascd.msk.f32 @!p0 $0xffff, v9, v8;
	_ =	sdelay $0xd  }
0x2ca: {  	v8, v9, _ =	vpop @!p0 (xrf1)  }
0x2cb: {  	[tilespmem:$0xDD20] =	vst @!p0 v8  }
0x2cc: {  	[tilespmem:$0xDD60] =	vst @!p0 v9  }
.LBB2_12:
0x2cd: {  	vm0 =	vlt.f32 v7, $0.0e+00  }
0x2ce: {  	v7 =	vmpcnt.ones.xlane vm0;
	_ =	sdelay $0x1  }
0x2cf: {  	(v2sf) =	vpush v7, $0x0;
	_ =	sdelay $0xe  }
0x2d0: {  	s26 =	spop (v2sf)  }
0x2d1: {  	p0 =	slt.s32 s26, $0x1  }
0x2d2: {  	v7 =	vld @!p0 [tilespmem:s24+$0x1400]  }
0x2d3: {  	v8 =	vld @!p0 [tilespmem:s24+$0x1410];
	_ =	sdelay $0x1  }
0x2d4: {  	v9 =	vld @!p0 [tilespmem:s24+$0x1420];
	_ =	sdelay $0x1  }
0x2d5: {  	v10 =	vld @!p0 [tilespmem:s24+$0x1430]  }
0x2d6: {  	vm0 =	vlt.f32 @!p0 v8, v7  }
0x2d7: {  	v11 =	vld @!p0 [tilespmem:s24+$0x1440];
	v7 =	vsel @!p0 vm0, v8, v7  }
0x2d8: {  	vm1 =	vlt.f32 @!p0 v9, v7  }
0x2d9: {  	v12 =	vld @!p0 [tilespmem:s24+$0x1450];
	v7 =	vsel @!p0 vm1, v9, v7  }
0x2da: {  	vm2 =	vlt.f32 @!p0 v10, v7  }
0x2db: {  	v15 =	vlaneseq.u32 @!p0;
	s26 =	sadd.s32 @!p0 $0xFFFFFFA0, s22;
	v14 =	vld @!p0 [tilespmem:s24+$0x1460];
	v10 =	vsel @!p0 vm2, v10, v7  }
0x2dc: {  	v8 =	vor.u32 @!p0 s26, v15;
	v7 =	vor.u32 @!p0 s25, v15;
	s25 =	sadd.s32 @!p0 $0xFFFFFFB0, s22;
	vm3 =	vlt.f32 @!p0 v11, v10  }
0x2dd: {  	v17 =	vld @!p0 [tilespmem:s24+$0x1470];
	v13 =	vsel @!p0 vm0, v8, v7;
	v9 =	vor.u32 @!p0 s25, v15;
	s25 =	sadd.s32 @!p0 $0xFFFFFFC0, s22;
	v16 =	vsel @!p0 vm3, v11, v10  }
0x2de: {  	v11 =	vsel @!p0 vm1, v9, v13;
	v10 =	vor.u32 @!p0 s25, v15;
	s25 =	sadd.s32 @!p0 $0xFFFFFFD0, s22;
	vm0 =	vlt.f32 @!p0 v12, v16  }
0x2df: {  	v13 =	vsel @!p0 vm2, v10, v11;
	v11 =	vor.u32 @!p0 s25, v15;
	s25 =	sadd.s32 @!p0 $0xFFFFFFE0, s22;
	v16 =	vsel @!p0 vm0, v12, v16  }
0x2e0: {  	v13 =	vsel @!p0 vm3, v11, v13;
	v12 =	vor.u32 @!p0 s25, v15;
	s25 =	sadd.s32 @!p0 $0xFFFFFFF0, s22;
	vm1 =	vlt.f32 @!p0 v14, v16  }
0x2e1: {  	v18 =	vsel @!p0 vm0, v12, v13;
	v13 =	vor.u32 @!p0 s25, v15;
	v16 =	vsel @!p0 vm1, v14, v16  }
0x2e2: {  	v18 =	vsel @!p0 vm1, v13, v18;
	v14 =	vor.u32 @!p0 s22, v15;
	vm0 =	vlt.f32 @!p0 v17, v16  }
0x2e3: {  	v16 =	vsel @!p0 vm0, v17, v16;
	v17 =	vsel @!p0 vm0, v14, v18  }
0x2e4: {  	(xrf1) =	vsort.ascd.msk.f32 @!p0 $0xffff, v16, v17;
	_ =	sdelay $0xb  }
0x2e5: {  	v15 =	vmul.u32 @!p0 $0xFFFFFFFF, v15;
	v17 =	vld @!p0 [tilespmem:$0xDD30]  }
0x2e6: {  	v18 =	vld @!p0 [tilespmem:$0xDD70]  }
0x2e7: {  	v15 =	vadd.s32 @!p0 $0xF, v15;
	v19, v20, _ =	vpop @!p0 (xrf1)  }
0x2e8: {  	v19 =	vperm.xlane @!p0 v19, v15  }
0x2e9: {  	v15 =	vperm.xlane @!p0 v20, v15  }
0x2ea: {  	vm0 =	vle.f32 @!p0 v17, v19  }
0x2eb: {  	v17 =	vsel @!p0 vm0, v17, v19;
	v15 =	vsel @!p0 vm0, v18, v15  }
0x2ec: {  	(xrf1) =	vsort.ascd.msk.f32 @!p0 $0xffff, v17, v15;
	_ =	sdelay $0xd  }
0x2ed: {  	v17, v15, _ =	vpop @!p0 (xrf1)  }
0x2ee: {  	[tilespmem:$0xDD30] =	vst @!p0 v17  }
0x2ef: {  	[tilespmem:$0xDD70] =	vst @!p0 v15  }
0x2f0: {  	v17 =	vld @!p0 [tilespmem:s24+$0x1400]  }
0x2f1: {  	v18 =	vld @!p0 [tilespmem:s24+$0x1410];
	_ =	sdelay $0x1  }
0x2f2: {  	v19 =	vld @!p0 [tilespmem:s24+$0x1420];
	_ =	sdelay $0x1  }
0x2f3: {  	v20 =	vld @!p0 [tilespmem:s24+$0x1430]  }
0x2f4: {  	vm0 =	vle.f32 @!p0 v17, v16;
	vm1 =	vle.f32 @!p0 v18, v16  }
0x2f5: {  	v21 =	vld @!p0 [tilespmem:s24+$0x1440];
	v17 =	vsel @!p0 vm0, $0x7F61B1E6, v17;
	v18 =	vsel @!p0 vm1, $0x7F61B1E6, v18  }
0x2f6: {  	vm1 =	vle.f32 @!p0 v19, v16;
	vm0 =	vlt.f32 @!p0 v18, v17  }
0x2f7: {  	v23 =	vld @!p0 [tilespmem:s24+$0x1450];
	v19 =	vsel @!p0 vm1, $0x7F61B1E6, v19;
	v22 =	vsel @!p0 vm0, v18, v17  }
0x2f8: {  	vm1 =	vle.f32 @!p0 v20, v16;
	vm0 =	vlt.f32 @!p0 v19, v22  }
0x2f9: {  	v25 =	vld @!p0 [tilespmem:s24+$0x1460];
	v20 =	vsel @!p0 vm1, $0x7F61B1E6, v20;
	v24 =	vsel @!p0 vm0, v19, v22  }
0x2fa: {  	vm1 =	vle.f32 @!p0 v21, v16;
	vm0 =	vlt.f32 @!p0 v20, v24  }
0x2fb: {  	v27 =	vld @!p0 [tilespmem:s24+$0x1470];
	v21 =	vsel @!p0 vm1, $0x7F61B1E6, v21;
	v26 =	vsel @!p0 vm0, v20, v24  }
0x2fc: {  	vm1 =	vle.f32 @!p0 v23, v16;
	vm0 =	vlt.f32 @!p0 v21, v26  }
0x2fd: {  	v23 =	vsel @!p0 vm1, $0x7F61B1E6, v23;
	v28 =	vsel @!p0 vm0, v21, v26  }
0x2fe: {  	vm1 =	vle.f32 @!p0 v25, v16;
	vm0 =	vlt.f32 @!p0 v23, v28  }
0x2ff: {  	v25 =	vsel @!p0 vm1, $0x7F61B1E6, v25;
	v29 =	vsel @!p0 vm0, v23, v28  }
0x300: {  	vm1 =	vle.f32 @!p0 v27, v16;
	vm0 =	vlt.f32 @!p0 v25, v29  }
0x301: {  	v27 =	vsel @!p0 vm1, $0x7F61B1E6, v27;
	v16 =	vsel @!p0 vm0, v25, v29  }
0x302: {  	vm0 =	vlt.f32 @!p0 v27, v16  }
0x303: {  	v30 =	vsel @!p0 vm0, v27, v16  }
0x304: {  	vm0 =	vlt.f32 @!p0 v30, v6  }
0x305: {  	v31 =	vmpcnt.ones.xlane @!p0 vm0;
	_ =	sdelay $0x1  }
0x306: {  	(v2sf) =	vpush @!p0 v31, $0x0;
	_ =	sdelay $0xe  }
0x307: {  	s25 =	spop @!p0 (v2sf)  }
0x308: {  	p1 =	slt.s32 @!p0 s25, $0x1  }
0x309: {  	p0 =	por p0, p1  }
0x30a: {  	vm0 =	vlt.f32 @!p0 v18, v17  }
0x30b: {  	vm1 =	vlt.f32 @!p0 v19, v22;
	v17 =	vsel @!p0 vm0, v8, v7  }
0x30c: {  	vm0 =	vlt.f32 @!p0 v20, v24;
	v17 =	vsel @!p0 vm1, v9, v17  }
0x30d: {  	vm1 =	vlt.f32 @!p0 v21, v26;
	v17 =	vsel @!p0 vm0, v10, v17  }
0x30e: {  	vm0 =	vlt.f32 @!p0 v23, v28;
	v17 =	vsel @!p0 vm1, v11, v17  }
0x30f: {  	vm1 =	vlt.f32 @!p0 v25, v29;
	v17 =	vsel @!p0 vm0, v12, v17  }
0x310: {  	vm0 =	vlt.f32 @!p0 v27, v16;
	v16 =	vsel @!p0 vm1, v13, v17  }
0x311: {  	v16 =	vsel @!p0 vm0, v14, v16  }
0x312: {  	(xrf1) =	vsort.ascd.msk.f32 @!p0 $0xffff, v30, v16;
	_ =	sdelay $0xa  }
0x313: {  	v16 =	vlaneseq.u32 @!p0  }
0x314: {  	v17 =	vld @!p0 [tilespmem:$0xDD30];
	v16 =	vmul.u32 @!p0 $0xFFFFFFFF, v16;
	_ =	sdelay $0x1  }
0x315: {  	v16 =	vadd.s32 @!p0 $0xF, v16;
	v18, v19, _ =	vpop @!p0 (xrf1)  }
0x316: {  	v18 =	vperm.xlane @!p0 v18, v16  }
0x317: {  	v16 =	vperm.xlane @!p0 v19, v16  }
0x318: {  	vm0 =	vle.f32 @!p0 v17, v18  }
0x319: {  	v17 =	vsel @!p0 vm0, v17, v18;
	v15 =	vsel @!p0 vm0, v15, v16  }
0x31a: {  	(xrf1) =	vsort.ascd.msk.f32 @!p0 $0xffff, v17, v15;
	_ =	sdelay $0xd  }
0x31b: {  	v16, v15, _ =	vpop @!p0 (xrf1)  }
0x31c: {  	[tilespmem:$0xDD30] =	vst @!p0 v16  }
0x31d: {  	[tilespmem:$0xDD70] =	vst @!p0 v15  }
0x31e: {  	v16 =	vld @!p0 [tilespmem:s24+$0x1400]  }
0x31f: {  	v18 =	vld @!p0 [tilespmem:s24+$0x1410];
	_ =	sdelay $0x1  }
0x320: {  	v20 =	vld @!p0 [tilespmem:s24+$0x1420];
	_ =	sdelay $0x1  }
0x321: {  	v22 =	vld @!p0 [tilespmem:s24+$0x1430]  }
0x322: {  	vm0 =	vle.f32 @!p0 v16, v30;
	vm1 =	vle.f32 @!p0 v18, v30  }
0x323: {  	v17 =	vsel @!p0 vm0, $0x7F61B1E6, v16;
	v18 =	vsel @!p0 vm1, $0x7F61B1E6, v18;
	v16 =	vld @!p0 [tilespmem:s24+$0x1440]  }
0x324: {  	vm1 =	vle.f32 @!p0 v20, v30;
	vm0 =	vlt.f32 @!p0 v18, v17  }
0x325: {  	v26 =	vld @!p0 [tilespmem:s24+$0x1450];
	v20 =	vsel @!p0 vm1, $0x7F61B1E6, v20;
	v19 =	vsel @!p0 vm0, v18, v17  }
0x326: {  	vm1 =	vle.f32 @!p0 v22, v30;
	vm0 =	vlt.f32 @!p0 v20, v19  }
0x327: {  	v28 =	vld @!p0 [tilespmem:s24+$0x1460];
	v22 =	vsel @!p0 vm1, $0x7F61B1E6, v22;
	v21 =	vsel @!p0 vm0, v20, v19  }
0x328: {  	vm0 =	vlt.f32 @!p0 v22, v21;
	vm1 =	vle.f32 @!p0 v16, v30  }
0x329: {  	v23 =	vsel @!p0 vm0, v22, v21;
	v24 =	vsel @!p0 vm1, $0x7F61B1E6, v16;
	v16 =	vld @!p0 [tilespmem:s24+$0x1470]  }
0x32a: {  	vm1 =	vle.f32 @!p0 v26, v30;
	vm0 =	vlt.f32 @!p0 v24, v23  }
0x32b: {  	v26 =	vsel @!p0 vm1, $0x7F61B1E6, v26;
	v25 =	vsel @!p0 vm0, v24, v23  }
0x32c: {  	vm1 =	vle.f32 @!p0 v28, v30;
	vm0 =	vlt.f32 @!p0 v26, v25  }
0x32d: {  	v28 =	vsel @!p0 vm1, $0x7F61B1E6, v28;
	v27 =	vsel @!p0 vm0, v26, v25  }
0x32e: {  	vm0 =	vlt.f32 @!p0 v28, v27;
	vm1 =	vle.f32 @!p0 v16, v30  }
0x32f: {  	v29 =	vsel @!p0 vm0, v28, v27;
	v30 =	vsel @!p0 vm1, $0x7F61B1E6, v16  }
0x330: {  	vm0 =	vlt.f32 @!p0 v30, v29  }
0x331: {  	v16 =	vsel @!p0 vm0, v30, v29  }
0x332: {  	vm0 =	vlt.f32 @!p0 v16, v6  }
0x333: {  	v31 =	vmpcnt.ones.xlane @!p0 vm0;
	_ =	sdelay $0x1  }
0x334: {  	(v2sf) =	vpush @!p0 v31, $0x0;
	_ =	sdelay $0xe  }
0x335: {  	s25 =	spop @!p0 (v2sf)  }
0x336: {  	p1 =	slt.s32 @!p0 s25, $0x1  }
0x337: {  	p0 =	por p0, p1  }
.Ltmp11:
0x338: {  	_ = 	snop;
	(pc) =	sbr.rel @p0 .LBB2_14-.Ltmp11, $1  }
0x339: {  	_ =	sdelay $0x3  }
0x33a: {  	vm0 =	vlt.f32 v18, v17  }
0x33b: {  	vm1 =	vlt.f32 v20, v19;
	v17 =	vsel vm0, v8, v7  }
0x33c: {  	vm14 =	vlt.f32 v22, v21;
	v17 =	vsel vm1, v9, v17  }
0x33d: {  	vm15 =	vlt.f32 v24, v23;
	v17 =	vsel vm14, v10, v17  }
0x33e: {  	vm4 =	vlt.f32 v26, v25;
	v17 =	vsel vm15, v11, v17  }
0x33f: {  	vm5 =	vlt.f32 v28, v27;
	v17 =	vsel vm4, v12, v17  }
0x340: {  	vm6 =	vlt.f32 v30, v29;
	v17 =	vsel vm5, v13, v17  }
0x341: {  	v17 =	vsel vm6, v14, v17  }
0x342: {  	(xrf1) =	vsort.ascd.msk.f32 $0xffff, v16, v17;
	_ =	sdelay $0xb  }
0x343: {  	v55 =	vld [tilespmem:$0xDD30];
	v56 =	vmul.u32 $0xFFFFFFFF, v0;
	_ =	sdelay $0x1  }
0x344: {  	v18 =	vadd.s32 $0xF, v56;
	v19, v20, _ =	vpop (xrf1)  }
0x345: {  	v19 =	vperm.xlane v19, v18  }
0x346: {  	v18 =	vperm.xlane v20, v18  }
0x347: {  	vm7 =	vle.f32 v55, v19  }
0x348: {  	v17 =	vsel vm7, v55, v19;
	v15 =	vsel vm7, v15, v18  }
0x349: {  	(xrf1) =	vsort.ascd.msk.f32 $0xffff, v17, v15;
	_ =	sdelay $0xd  }
0x34a: {  	v17, v15, _ =	vpop (xrf1)  }
0x34b: {  	[tilespmem:$0xDD30] =	vst v17  }
0x34c: {  	[tilespmem:$0xDD70] =	vst v15  }
0x34d: {  	v17 =	vld [tilespmem:s24+$0x1400]  }
0x34e: {  	v57 =	vld [tilespmem:s24+$0x1410];
	_ =	sdelay $0x1  }
0x34f: {  	v58 =	vld [tilespmem:s24+$0x1420];
	_ =	sdelay $0x1  }
0x350: {  	v59 =	vld [tilespmem:s24+$0x1430]  }
0x351: {  	vm8 =	vle.f32 v17, v16;
	vm9 =	vle.f32 v57, v16  }
0x352: {  	v60 =	vld [tilespmem:s24+$0x1440];
	v17 =	vsel vm8, $0x7F61B1E6, v17;
	v18 =	vsel vm9, $0x7F61B1E6, v57  }
0x353: {  	vm10 =	vle.f32 v58, v16;
	vm0 =	vlt.f32 v18, v17  }
0x354: {  	v61 =	vld [tilespmem:s24+$0x1450];
	v19 =	vsel vm10, $0x7F61B1E6, v58;
	v22 =	vsel vm0, v18, v17  }
0x355: {  	vm11 =	vle.f32 v59, v16;
	vm0 =	vlt.f32 v19, v22  }
0x356: {  	v62 =	vld [tilespmem:s24+$0x1460];
	v20 =	vsel vm11, $0x7F61B1E6, v59;
	v24 =	vsel vm0, v19, v22  }
0x357: {  	vm12 =	vle.f32 v60, v16;
	vm0 =	vlt.f32 v20, v24  }
0x358: {  	v63 =	vld [tilespmem:s24+$0x1470];
	v21 =	vsel vm12, $0x7F61B1E6, v60;
	v26 =	vsel vm0, v20, v24  }
0x359: {  	vm13 =	vle.f32 v61, v16;
	vm0 =	vlt.f32 v21, v26  }
0x35a: {  	v23 =	vsel vm13, $0x7F61B1E6, v61;
	v28 =	vsel vm0, v21, v26  }
0x35b: {  	vm14 =	vle.f32 v62, v16;
	vm0 =	vlt.f32 v23, v28  }
0x35c: {  	v25 =	vsel vm14, $0x7F61B1E6, v62;
	v29 =	vsel vm0, v23, v28  }
0x35d: {  	vm15 =	vle.f32 v63, v16;
	vm0 =	vlt.f32 v25, v29  }
0x35e: {  	v27 =	vsel vm15, $0x7F61B1E6, v63;
	v16 =	vsel vm0, v25, v29  }
0x35f: {  	vm0 =	vlt.f32 v27, v16  }
0x360: {  	v30 =	vsel vm0, v27, v16  }
0x361: {  	vm0 =	vlt.f32 v30, v6  }
0x362: {  	v31 =	vmpcnt.ones.xlane vm0;
	_ =	sdelay $0x1  }
0x363: {  	(v2sf) =	vpush v31, $0x0;
	_ =	sdelay $0xe  }
0x364: {  	s25 =	spop (v2sf)  }
0x365: {  	p0 =	slt.s32 s25, $0x1  }
0x366: {  	vm0 =	vlt.f32 @!p0 v18, v17  }
0x367: {  	vm1 =	vlt.f32 @!p0 v19, v22;
	v7 =	vsel @!p0 vm0, v8, v7  }
0x368: {  	vm0 =	vlt.f32 @!p0 v20, v24;
	v7 =	vsel @!p0 vm1, v9, v7  }
0x369: {  	vm1 =	vlt.f32 @!p0 v21, v26;
	v7 =	vsel @!p0 vm0, v10, v7  }
0x36a: {  	vm0 =	vlt.f32 @!p0 v23, v28;
	v7 =	vsel @!p0 vm1, v11, v7  }
0x36b: {  	vm1 =	vlt.f32 @!p0 v25, v29;
	v7 =	vsel @!p0 vm0, v12, v7  }
0x36c: {  	vm0 =	vlt.f32 @!p0 v27, v16;
	v7 =	vsel @!p0 vm1, v13, v7  }
0x36d: {  	v7 =	vsel @!p0 vm0, v14, v7  }
0x36e: {  	(xrf1) =	vsort.ascd.msk.f32 @!p0 $0xffff, v30, v7;
	_ =	sdelay $0xa  }
0x36f: {  	v7 =	vlaneseq.u32 @!p0  }
0x370: {  	v8 =	vld @!p0 [tilespmem:$0xDD30];
	v7 =	vmul.u32 @!p0 $0xFFFFFFFF, v7;
	_ =	sdelay $0x1  }
0x371: {  	v7 =	vadd.s32 @!p0 $0xF, v7;
	v9, v10, _ =	vpop @!p0 (xrf1)  }
0x372: {  	v9 =	vperm.xlane @!p0 v9, v7  }
0x373: {  	v7 =	vperm.xlane @!p0 v10, v7  }
0x374: {  	vm0 =	vle.f32 @!p0 v8, v9  }
0x375: {  	v8 =	vsel @!p0 vm0, v8, v9;
	v7 =	vsel @!p0 vm0, v15, v7  }
0x376: {  	(xrf1) =	vsort.ascd.msk.f32 @!p0 $0xffff, v8, v7;
	_ =	sdelay $0xb  }
.Ltmp12:
0x377: {  	_ = 	snop;
	(pc) =	sbr.rel .LBB2_14-.Ltmp12, $4  }
0x378: {  	_ = 	snop  }
0x379: {  	v7, v8, _ =	vpop @!p0 (xrf1)  }
0x37a: {  	[tilespmem:$0xDD30] =	vst @!p0 v7  }
0x37b: {  	[tilespmem:$0xDD70] =	vst @!p0 v8  }
.LBB2_17:
0x37c: {  	_ =	sfence.sel $0x180000  }
0x37d: {  	[bflag:$0x0] =	sbarrier.arrive $0xFFFF  }
0x37e: {  	p0 =	sne.s32 s0, $0x0;
	_ =	strace $0x90000047  }
0x37f: {  	s0 =	sadd.s32 @!p0 $0x100000, s1;
	[bflag:$0x2] =	sbarrier.arrive $0xFFFF  }
0x380: {  	[sflag:s0] =	ssyncadd.tile.s32 @!p0 $0x1;
	_ =	shalt  }
.Lfunc_end2:
_tile_overlayer_lowered:
.L_overlay_start_2:
0x381: {  	(tag) =	ssettag $0x2  }
0x382: {  	s0 =	rddreg [dreg:$0x0];
	s2 =	stileid.u32  }
0x383: {  	s1 =	rddreg [dreg:$0x1];
	p0 =	sne.s32 s2, $0x0  }
0x384: {  	s3 =	rddreg [dreg:$0x2];
	[bflag:$0x3] =	sbarrier.arrive $0xFFFF;
	s2 =	simm.s32 @!p0 $0x1C01  }
0x385: {  	[timem:s3], [sflag:s2] =	dma.local @!p0 [hbm:s0], s1  }
0x386: {  	s0 =	simm.s32 @!p0 $0x1  }
0x387: {  	_ =	swait.ge @!p0 [sflag:s0], s1  }
0x388: {  	s1 =	ssub.s32 @!p0 $0x0, s1;
	[sflag:s0] =	ssyncset.done @!p0 $0x0  }
0x389: {  	[sflag:s0] =	ssyncadd.s32 @!p0 s1  }
0x38a: {  	[bflag:$0x3] =	sbarrier.arrive $0xFFFF  }
0x38b: {  	_ =	shalt  }

</sc_bundles>
